<compile_context>
chip_gen: v7x
topology: tpu7x:2x2x1
jax: 0.10.2.dev20260603
libtpu: 0.0.44.dev20260713+nightly
codegen_flags: <defaults>
</compile_context>

<pallas_src>
import functools

import jax
import jax.numpy as jnp
from jax import lax
from jax.experimental import pallas as pl
from jax.experimental.pallas import tpu as pltpu
from jax.experimental.pallas import tpu_sc as plsc

N_NODES = 10000
N_EDGES = 160000
D_FEAT = 256
N_CLASSES = 40

NC = 2
NS = 16
CH = 128
CPP = 40
PH = 2
N_TRASH = 128
ACC_ROWS = N_NODES + N_TRASH
NBUF = 2
ROWS_PER_TILE = 624
ZR = 16

_mesh = plsc.VectorSubcoreMesh(core_axis_name="c", subcore_axis_name="s")


def _fill_zero(ref, rows, width):
  zcols = width // 16
  def row(i, _):
    for k in range(zcols):
      ref[i, pl.ds(k * 16, 16)] = jnp.zeros((16,), jnp.float32)
    return 0
  lax.fori_loop(0, rows, row, 0)


def _zero_my_rows(acc_sp, zrow_v, s, sem):
  base = s * ROWS_PER_TILE
  total = jnp.where(s == NS - 1,
                    (ACC_ROWS - (NS - 1) * ROWS_PER_TILE) // ZR,
                    ROWS_PER_TILE // ZR)
  def fire(k, _):
    pltpu.make_async_copy(
        zrow_v, acc_sp.at[pl.ds(base + k * ZR, ZR)], sem).start()
    return 0
  def drain(k, _):
    pltpu.make_async_copy(
        zrow_v, acc_sp.at[pl.ds(base + k * ZR, ZR)], sem).wait()
    return 0
  lax.fori_loop(0, total, fire, 0)
  lax.fori_loop(0, total, drain, 0)


def _copy_my_rows(acc_sp, out_hbm, s):
  base = s * ROWS_PER_TILE
  pltpu.sync_copy(acc_sp.at[pl.ds(base, ROWS_PER_TILE)],
                  out_hbm.at[pl.ds(base, ROWS_PER_TILE)])

  @pl.when(s == NS - 1)
  def _():
    tail = NS * ROWS_PER_TILE
    pltpu.sync_copy(acc_sp.at[pl.ds(tail, N_NODES - tail)],
                    out_hbm.at[pl.ds(tail, N_NODES - tail)])


@functools.partial(
    pl.kernel,
    out_type=jax.ShapeDtypeStruct((NC, N_NODES, 16), jnp.float32),
    mesh=_mesh,
    scratch_types=[
        pltpu.VMEM((CPP, CH), jnp.int32),
        pltpu.VMEM((CH, 16), jnp.float32),
        pltpu.VMEM((ZR, 16), jnp.float32),
        pltpu.VMEM_SHARED((ACC_ROWS, 16), jnp.float32),
        pltpu.SemaphoreType.DMA,
    ],
)
def _deg_kernel(dst_hbm, degp_hbm, dstv, ones_v, zrow_v, deg_sp, sem):
  c = lax.axis_index("c")
  s = lax.axis_index("s")
  pltpu.sync_copy(dst_hbm.at[c, s], dstv)

  def fill_ones(i, _):
    ones_v[i, :] = jnp.ones((16,), jnp.float32)
    return 0
  lax.fori_loop(0, CH, fill_ones, 0)
  _fill_zero(zrow_v, ZR, 16)
  _zero_my_rows(deg_sp, zrow_v, s, sem)
  plsc.subcore_barrier()

  def chunk(j, _):
    pltpu.make_async_copy(ones_v, deg_sp.at[dstv.at[j]], sem).start(add=True)
    return 0
  lax.fori_loop(0, CPP, chunk, 0)
  def drain(j, _):
    pltpu.make_async_copy(ones_v, deg_sp.at[dstv.at[j]], sem).wait()
    return 0
  lax.fori_loop(0, CPP, drain, 0)
  plsc.subcore_barrier()

  _copy_my_rows(deg_sp, degp_hbm.at[c], s)


def _prime_gathers(g_hbm, srcv, rows_v, sem_g):
  for b in range(NBUF - 1):
    pltpu.make_async_copy(g_hbm.at[srcv.at[b]], rows_v.at[b], sem_g).start()


def _pipelined_edges(g_hbm, srcv, dstv, rows_v, acc_sp, sem_g, sem_s, nchunk,
                     prime=True):
  if prime:
    _prime_gathers(g_hbm, srcv, rows_v, sem_g)

  def chunk(j, _):
    cur = lax.rem(j, NBUF)

    @pl.when(j >= 1)
    def _():
      prev = lax.rem(j - 1, NBUF)
      pltpu.make_async_copy(
          rows_v.at[prev], acc_sp.at[dstv.at[j - 1]], sem_s).wait()

    @pl.when(j + NBUF - 1 < nchunk)
    def _():
      nxt = lax.rem(j + NBUF - 1, NBUF)
      pltpu.make_async_copy(
          g_hbm.at[srcv.at[j + NBUF - 1]], rows_v.at[nxt], sem_g).start()

    pltpu.make_async_copy(g_hbm.at[srcv.at[j]], rows_v.at[cur], sem_g).wait()
    pltpu.make_async_copy(
        rows_v.at[cur], acc_sp.at[dstv.at[j]], sem_s).start(add=True)
    return 0

  lax.fori_loop(0, nchunk, chunk, 0)
  last = (nchunk - 1) % NBUF
  pltpu.make_async_copy(
      rows_v.at[last], acc_sp.at[dstv.at[nchunk - 1]], sem_s).wait()


def _make_edge_kernel(feat):
  out_nd = jax.ShapeDtypeStruct((N_NODES, feat), jnp.float32)

  @functools.partial(
      pl.kernel,
      out_type=(out_nd, out_nd),
      mesh=_mesh,
      scratch_types=[
          pltpu.VMEM((CPP, CH), jnp.int32),
          pltpu.VMEM((CPP, CH), jnp.int32),
          pltpu.VMEM((NBUF, CH, feat), jnp.float32),
          pltpu.VMEM((ZR, feat), jnp.float32),
          pltpu.VMEM_SHARED((ACC_ROWS, feat), jnp.float32),
          pltpu.SemaphoreType.DMA,
          pltpu.SemaphoreType.DMA,
      ],
  )
  def edge_kernel(glo_hbm, ghi_hbm, src_hbm, dst_hbm, slo_hbm, shi_hbm,
                  srcv, dstv, rows_v, zrow_v, acc_sp, sem_g, sem_s):
    c = lax.axis_index("c")
    s = lax.axis_index("s")

    _fill_zero(zrow_v, ZR, feat)

    def run(g_hbm):
      pltpu.sync_copy(src_hbm.at[s, 0], srcv)
      pltpu.sync_copy(dst_hbm.at[s, 0], dstv)
      _prime_gathers(g_hbm, srcv, rows_v, sem_g)
      _zero_my_rows(acc_sp, zrow_v, s, sem_s)
      plsc.subcore_barrier()
      _pipelined_edges(g_hbm, srcv, dstv, rows_v, acc_sp, sem_g, sem_s, CPP,
                       prime=False)
      pltpu.sync_copy(src_hbm.at[s, 1], srcv)
      pltpu.sync_copy(dst_hbm.at[s, 1], dstv)
      _pipelined_edges(g_hbm, srcv, dstv, rows_v, acc_sp, sem_g, sem_s, CPP)

    @pl.when(c == 0)
    def _():
      run(glo_hbm)

    @pl.when(c == 1)
    def _():
      run(ghi_hbm)

    plsc.subcore_barrier()

    @pl.when(c == 0)
    def _():
      _copy_my_rows(acc_sp, slo_hbm, s)

    @pl.when(c == 1)
    def _():
      _copy_my_rows(acc_sp, shi_hbm, s)

  return edge_kernel


_edge128 = _make_edge_kernel(128)


@functools.partial(
    pl.kernel,
    out_type=jax.ShapeDtypeStruct((NC, N_NODES, 128), jnp.float32),
    mesh=_mesh,
    scratch_types=[
        pltpu.VMEM((CPP, CH), jnp.int32),
        pltpu.VMEM((CPP, CH), jnp.int32),
        pltpu.VMEM((NBUF, CH, 128), jnp.float32),
        pltpu.VMEM((ZR, 128), jnp.float32),
        pltpu.VMEM_SHARED((ACC_ROWS, 128), jnp.float32),
        pltpu.SemaphoreType.DMA,
        pltpu.SemaphoreType.DMA,
    ],
)
def _edge_partial(g_hbm, src_hbm, dst_hbm, sp_hbm,
                  srcv, dstv, rows_v, zrow_v, acc_sp, sem_g, sem_s):
  c = lax.axis_index("c")
  s = lax.axis_index("s")
  pltpu.sync_copy(src_hbm.at[c, s], srcv)
  pltpu.sync_copy(dst_hbm.at[c, s], dstv)

  _fill_zero(zrow_v, ZR, 128)
  _prime_gathers(g_hbm, srcv, rows_v, sem_g)
  _zero_my_rows(acc_sp, zrow_v, s, sem_s)
  plsc.subcore_barrier()

  _pipelined_edges(g_hbm, srcv, dstv, rows_v, acc_sp, sem_g, sem_s, CPP,
                   prime=False)
  plsc.subcore_barrier()

  _copy_my_rows(acc_sp, sp_hbm.at[c], s)


_BN = 1000


def _tc0_body(x_ref, w_ref, h_ref):
  h_ref[...] = jnp.dot(x_ref[...], w_ref[...],
                       preferred_element_type=jnp.float32)


def _tc0(x, w0):
  grid = (N_NODES // _BN,)
  return pl.pallas_call(
      _tc0_body,
      grid=grid,
      in_specs=[
          pl.BlockSpec((_BN, D_FEAT), lambda i: (i, 0)),
          pl.BlockSpec((D_FEAT, D_FEAT), lambda i: (0, 0)),
      ],
      out_specs=pl.BlockSpec((_BN, D_FEAT), lambda i: (i, 0)),
      out_shape=jax.ShapeDtypeStruct((N_NODES, D_FEAT), jnp.float32),
  )(x, w0)


def _tc1_body(h_ref, degp_ref, glo_ref, ghi_ref, dinv_ref):
  deg = 1.0 + degp_ref[0, :, 0:1] + degp_ref[1, :, 0:1]
  dinv = lax.rsqrt(deg)
  g = h_ref[...] * dinv
  glo_ref[...] = g[:, :128]
  ghi_ref[...] = g[:, 128:]
  dinv_ref[...] = dinv


def _tc1(h, degp):
  grid = (N_NODES // _BN,)
  return pl.pallas_call(
      _tc1_body,
      grid=grid,
      in_specs=[
          pl.BlockSpec((_BN, D_FEAT), lambda i: (i, 0)),
          pl.BlockSpec((NC, _BN, 16), lambda i: (0, i, 0)),
      ],
      out_specs=[
          pl.BlockSpec((_BN, 128), lambda i: (i, 0)),
          pl.BlockSpec((_BN, 128), lambda i: (i, 0)),
          pl.BlockSpec((_BN, 1), lambda i: (i, 0)),
      ],
      out_shape=[
          jax.ShapeDtypeStruct((N_NODES, 128), jnp.float32),
          jax.ShapeDtypeStruct((N_NODES, 128), jnp.float32),
          jax.ShapeDtypeStruct((N_NODES, 1), jnp.float32),
      ],
  )(h, degp)


def _tc_mid_body(slo_ref, shi_ref, glo_ref, ghi_ref, dinv_ref, w_ref,
                 olo_ref, ohi_ref=None, *, dout):
  dinv = dinv_ref[...]
  alo = jnp.maximum((slo_ref[...] + glo_ref[...]) * dinv, 0.0)
  ahi = jnp.maximum((shi_ref[...] + ghi_ref[...]) * dinv, 0.0)
  h = (jnp.dot(alo, w_ref[0:128, :], preferred_element_type=jnp.float32)
       + jnp.dot(ahi, w_ref[128:256, :], preferred_element_type=jnp.float32))
  g = h * dinv
  if dout == 256:
    olo_ref[...] = g[:, :128]
    ohi_ref[...] = g[:, 128:]
  else:
    olo_ref[...] = jnp.concatenate(
        [g, jnp.zeros((g.shape[0], 128 - dout), jnp.float32)], axis=1)


def _tc_mid(slo, shi, glo, ghi, dinv, w):
  dout = w.shape[1]
  grid = (N_NODES // _BN,)
  if dout == 256:
    out_specs = [pl.BlockSpec((_BN, 128), lambda i: (i, 0)),
                 pl.BlockSpec((_BN, 128), lambda i: (i, 0))]
    out_shape = [jax.ShapeDtypeStruct((N_NODES, 128), jnp.float32),
                 jax.ShapeDtypeStruct((N_NODES, 128), jnp.float32)]
  else:
    out_specs = [pl.BlockSpec((_BN, 128), lambda i: (i, 0))]
    out_shape = [jax.ShapeDtypeStruct((N_NODES, 128), jnp.float32)]
  return pl.pallas_call(
      functools.partial(_tc_mid_body, dout=dout),
      grid=grid,
      in_specs=[
          pl.BlockSpec((_BN, 128), lambda i: (i, 0)),
          pl.BlockSpec((_BN, 128), lambda i: (i, 0)),
          pl.BlockSpec((_BN, 128), lambda i: (i, 0)),
          pl.BlockSpec((_BN, 128), lambda i: (i, 0)),
          pl.BlockSpec((_BN, 1), lambda i: (i, 0)),
          pl.BlockSpec((D_FEAT, dout), lambda i: (0, 0)),
      ],
      out_specs=out_specs,
      out_shape=out_shape,
  )(slo, shi, glo, ghi, dinv, w)


def _tc_final_body(sp_ref, g_ref, dinv_ref, out_ref):
  z = sp_ref[0] + sp_ref[1] + g_ref[...]
  out_ref[...] = jnp.maximum(z * dinv_ref[...], 0.0)[:, :N_CLASSES]


def _tc_final(sp, g, dinv):
  grid = (N_NODES // _BN,)
  return pl.pallas_call(
      _tc_final_body,
      grid=grid,
      in_specs=[
          pl.BlockSpec((NC, _BN, 128), lambda i: (0, i, 0)),
          pl.BlockSpec((_BN, 128), lambda i: (i, 0)),
          pl.BlockSpec((_BN, 1), lambda i: (i, 0)),
      ],
      out_specs=pl.BlockSpec((_BN, N_CLASSES), lambda i: (i, 0)),
      out_shape=jax.ShapeDtypeStruct((N_NODES, N_CLASSES), jnp.float32),
  )(sp, g, dinv)


def kernel(x, edge_index, W0, W1, W2):
  src = edge_index[0].astype(jnp.int32)
  dst = edge_index[1].astype(jnp.int32)
  def pad_split(v, trash, groups):
    per = N_EDGES // groups
    per_pad = PH * CPP * CH * NS // groups
    v2 = v.reshape(groups, per)
    lanes = jnp.arange(per_pad - per, dtype=jnp.int32)
    gid = jnp.arange(groups, dtype=jnp.int32)
    if trash:
      fill = N_NODES + (lanes[None, :] + 8 * gid[:, None]) % N_TRASH
    else:
      fill = jnp.broadcast_to(lanes % CH, (groups, per_pad - per))
    return jnp.concatenate([v2, fill.astype(jnp.int32)], axis=1)

  src_f = pad_split(src, False, NS).reshape(NS, PH, CPP, CH)
  dst_f = pad_split(dst, True, NS).reshape(NS, PH, CPP, CH)
  src_e = pad_split(src, False, NC * NS).reshape(NC, NS, CPP, CH)
  dst_e = pad_split(dst, True, NC * NS).reshape(NC, NS, CPP, CH)

  degp = _deg_kernel(dst_e)
  h0 = _tc0(x, W0)
  glo0, ghi0, dinv = _tc1(h0, degp)
  slo0, shi0 = _edge128(glo0, ghi0, src_f, dst_f)
  glo1, ghi1 = _tc_mid(slo0, shi0, glo0, ghi0, dinv, W1)
  slo1, shi1 = _edge128(glo1, ghi1, src_f, dst_f)
  (g2,) = _tc_mid(slo1, shi1, glo1, ghi1, dinv, W2)
  s2p = _edge_partial(g2, src_e, dst_e)
  return _tc_final(s2p, g2, dinv)

# --- scband reference (transcript-rebuilt; emitter-appended) ---
"""Pipeline reference for scband-gcn-19318762897565 (READ-ONLY COPY).

The authoritative reference and input builder live on the scoring server;
editing this copy changes nothing except your own understanding.
"""

import jax, jax.numpy as jnp
import numpy as np

NUM_NODES = 10000
NUM_EDGES = 160000
D_FEAT = 256
D_HIDDEN = 256
NUM_CLASSES = 40


def setup_inputs(seed: int = 0) -> dict:
    key = jax.random.key(seed)
    k1, k2, k3, k4, k5 = jax.random.split(key, 5)
    x = jax.random.normal(k1, (NUM_NODES, D_FEAT), dtype=jnp.float32)
    edge_index = jax.random.randint(k2, (2, NUM_EDGES), 0, NUM_NODES, dtype=jnp.int64)
    # Glorot-initialized weights for 3 GCN layers (bias=False)
    s0 = (6.0 / (D_FEAT + D_HIDDEN)) ** 0.5
    s1 = (6.0 / (D_HIDDEN + D_HIDDEN)) ** 0.5
    s2 = (6.0 / (D_HIDDEN + NUM_CLASSES)) ** 0.5
    W0 = jax.random.uniform(k3, (D_FEAT, D_HIDDEN), minval=-s0, maxval=s0, dtype=jnp.float32)
    W1 = jax.random.uniform(k4, (D_HIDDEN, D_HIDDEN), minval=-s1, maxval=s1, dtype=jnp.float32)
    W2 = jax.random.uniform(k5, (D_HIDDEN, NUM_CLASSES), minval=-s2, maxval=s2, dtype=jnp.float32)
    return {"x": x, "edge_index": edge_index, "W0": W0, "W1": W1, "W2": W2}


def _gcn_conv(x, W, src, dst, num_nodes):
    # GCNConv: x' = D^{-1/2} (A + I) D^{-1/2} X W, bias=False
    h = x @ W
    deg = jnp.zeros((num_nodes,), dtype=x.dtype).at[dst].add(1.0)
    dinv = jnp.where(deg > 0, deg ** -0.5, 0.0)
    norm = dinv[src] * dinv[dst]
    msg = h[src] * norm[:, None]
    out = jnp.zeros((num_nodes, W.shape[1]), dtype=x.dtype).at[dst].add(msg)
    return out


def reference(x, edge_index, W0, W1, W2):
    num_nodes = x.shape[0]
    loop = jnp.arange(num_nodes, dtype=edge_index.dtype)
    src = jnp.concatenate([edge_index[0], loop])
    dst = jnp.concatenate([edge_index[1], loop])
    # type_norm='None' -> batch_norm layers are identity; dropout is a no-op in eval
    h = _gcn_conv(x, W0, src, dst, num_nodes)
    h = jax.nn.relu(h)
    h = _gcn_conv(h, W1, src, dst, num_nodes)
    h = jax.nn.relu(h)
    h = _gcn_conv(h, W2, src, dst, num_nodes)
    h = jax.nn.relu(h)
    return h

if __name__ == "__main__":
    import jax
    _d = setup_inputs()
    print(jax.jit(kernel)(*tuple(_d.values())))

</pallas_src>

<mosaic_0001>
#map = affine_map<(d0, d1) -> (0, 0, 0, 0)>
#map1 = affine_map<(d0, d1) -> (0, 0, 0)>
module attributes {stable_mosaic.version = 14 : i64} {
  func.func @_deg_kernel(%arg0: i32, %arg1: i32, %arg2: memref<2x16x40x128xi32, #tpu.memory_space<hbm>>, %arg3: memref<2x10000x16xf32, #tpu.memory_space<hbm>>, %arg4: memref<40x128xi32, #tpu.memory_space<vmem>>, %arg5: memref<128x16xf32, #tpu.memory_space<vmem>>, %arg6: memref<16x16xf32, #tpu.memory_space<vmem>>, %arg7: memref<10128x16xf32, #tpu.memory_space<vmem_shared>>, %arg8: memref<!tpu.dma_semaphore, #tpu.memory_space<semaphore_mem>>) attributes {dimension_semantics = [#tpu.dimension_semantics<core_parallel>, #tpu.dimension_semantics<subcore_parallel>], iteration_bounds = array<i64: 2, 16>, scalar_prefetch = 0 : i64, scratch_operands = 5 : i64, tpu.core_type = #tpu.core_type<sc_vector_subcore>, window_params = [{transform_indices = #map}, {transform_indices = #map1}]} {
    "tpu.region"() ({
      %run_scoped3A = tpu.sem_alloc : memref<!tpu.dma_semaphore, #tpu.memory_space<semaphore_mem>>
      %dma_start3A = arith.constant 0 : i32
      %dma_start3A_59 = arith.constant 0 : i32
      %dma_start3A_60 = tpu.memref_slice %arg2[%arg0, %arg1, %dma_start3A, %dma_start3A_59] : memref<2x16x40x128xi32, #tpu.memory_space<hbm>> -> memref<1x1x40x128xi32, #tpu.memory_space<hbm>>
      %dma_start3A_61 = tpu.memref_squeeze %dma_start3A_60 : memref<1x1x40x128xi32, #tpu.memory_space<hbm>> -> memref<40x128xi32, #tpu.memory_space<hbm>>
      %dma_start3A_62 = arith.constant 0 : i32
      %dma_start3A_63 = arith.constant 0 : i32
      %dma_start3A_64 = tpu.memref_slice %arg2[%arg0, %arg1, %dma_start3A_62, %dma_start3A_63] : memref<2x16x40x128xi32, #tpu.memory_space<hbm>> -> memref<1x1x40x128xi32, #tpu.memory_space<hbm>>
      %dma_start3A_65 = tpu.memref_squeeze %dma_start3A_64 : memref<1x1x40x128xi32, #tpu.memory_space<hbm>> -> memref<40x128xi32, #tpu.memory_space<hbm>>
      tpu.enqueue_dma source(%dma_start3A_65 : memref<40x128xi32, #tpu.memory_space<hbm>>) target(%arg4 : memref<40x128xi32, #tpu.memory_space<vmem>>) target_semaphore(%run_scoped3A : memref<!tpu.dma_semaphore, #tpu.memory_space<semaphore_mem>>)
      %dma_wait3A = arith.constant 0 : i32
      %dma_wait3A_66 = arith.constant 0 : i32
      %dma_wait3A_67 = tpu.memref_slice %arg2[%arg0, %arg1, %dma_wait3A, %dma_wait3A_66] : memref<2x16x40x128xi32, #tpu.memory_space<hbm>> -> memref<1x1x40x128xi32, #tpu.memory_space<hbm>>
      %dma_wait3A_68 = tpu.memref_squeeze %dma_wait3A_67 : memref<1x1x40x128xi32, #tpu.memory_space<hbm>> -> memref<40x128xi32, #tpu.memory_space<hbm>>
      %dma_wait3A_69 = arith.constant 0 : i32
      %dma_wait3A_70 = arith.constant 0 : i32
      %dma_wait3A_71 = tpu.memref_slice %arg2[%arg0, %arg1, %dma_wait3A_69, %dma_wait3A_70] : memref<2x16x40x128xi32, #tpu.memory_space<hbm>> -> memref<1x1x40x128xi32, #tpu.memory_space<hbm>>
      %dma_wait3A_72 = tpu.memref_squeeze %dma_wait3A_71 : memref<1x1x40x128xi32, #tpu.memory_space<hbm>> -> memref<40x128xi32, #tpu.memory_space<hbm>>
      tpu.wait_dma2 semaphore(%run_scoped3A : memref<!tpu.dma_semaphore, #tpu.memory_space<semaphore_mem>>) src(%dma_wait3A_72 : memref<40x128xi32, #tpu.memory_space<hbm>>) dst(%arg4 : memref<40x128xi32, #tpu.memory_space<vmem>>)
      tpu.yield
    }) : () -> ()
    %scan3A = arith.constant 0 : i32
    %scan3A_0 = arith.constant 0 : i32
    %scan3A_1 = arith.constant 128 : i32
    %scan3A_2 = arith.addi %scan3A_0, %scan3A_1 : i32
    %scan3A_3 = arith.constant 1 : i32
    %scan3A_4 = scf.for %scan3A_59 = %scan3A_0 to %scan3A_2 step %scan3A_3 iter_args(%scan3A_60 = %scan3A) -> (i32)  : i32 {
      %broadcast_in_dim3A = arith.constant 1.000000e+00 : f32
      %broadcast_in_dim3A_61 = vector.broadcast %broadcast_in_dim3A : f32 to vector<16xf32>
      %swap3A = arith.index_cast %scan3A_59 : i32 to index
      %swap3A_62 = arith.constant 0 : index
      %swap3A_63 = tpu.vector_load %arg5[%swap3A, %swap3A_62] {strides = array<i32>} : memref<128x16xf32, #tpu.memory_space<vmem>>, vector<1x16xf32>,
      %swap3A_64 = vector.shape_cast %swap3A_63 : vector<1x16xf32> to vector<16xf32>
      %swap3A_65 = vector.shape_cast %broadcast_in_dim3A_61 : vector<16xf32> to vector<1x16xf32>
      tpu.vector_store %arg5[%swap3A, %swap3A_62], %swap3A_65 {strides = array<i32>} : memref<128x16xf32, #tpu.memory_space<vmem>>, vector<1x16xf32>,
      %scan3A_66 = arith.constant 0 : i32
      scf.yield %scan3A_66 : i32
    }
    %scan3A_5 = arith.constant 128 : i32
    %scan3A_6 = arith.constant 0 : i32
    %scan3A_7 = arith.constant 0 : i32
    %scan3A_8 = arith.constant 16 : i32
    %scan3A_9 = arith.addi %scan3A_7, %scan3A_8 : i32
    %scan3A_10 = arith.constant 1 : i32
    %scan3A_11 = scf.for %scan3A_59 = %scan3A_7 to %scan3A_9 step %scan3A_10 iter_args(%scan3A_60 = %scan3A_6) -> (i32)  : i32 {
      %broadcast_in_dim3A = arith.constant 0.000000e+00 : f32
      %broadcast_in_dim3A_61 = vector.broadcast %broadcast_in_dim3A : f32 to vector<16xf32>
      %swap3A = arith.index_cast %scan3A_59 : i32 to index
      %swap3A_62 = arith.constant 0 : index
      %swap3A_63 = tpu.vector_load %arg6[%swap3A, %swap3A_62] {strides = array<i32>} : memref<16x16xf32, #tpu.memory_space<vmem>>, vector<1x16xf32>,
      %swap3A_64 = vector.shape_cast %swap3A_63 : vector<1x16xf32> to vector<16xf32>
      %swap3A_65 = vector.shape_cast %broadcast_in_dim3A_61 : vector<16xf32> to vector<1x16xf32>
      tpu.vector_store %arg6[%swap3A, %swap3A_62], %swap3A_65 {strides = array<i32>} : memref<16x16xf32, #tpu.memory_space<vmem>>, vector<1x16xf32>,
      %scan3A_66 = arith.constant 0 : i32
      scf.yield %scan3A_66 : i32
    }
    %scan3A_12 = arith.constant 16 : i32
    %mul3A = arith.constant 624 : i32
    %mul3A_13 = arith.muli %arg1, %mul3A : i32
    %eq3A = arith.constant 15 : i32
    %eq3A_14 = arith.cmpi eq, %arg1, %eq3A : i32
    %jit3A = arith.constant 48 : i32
    %jit3A_15 = arith.constant 39 : i32
    %select_n3A = arith.select %eq3A_14, %jit3A, %jit3A_15 : i32
    %while3A = arith.constant 0 : i32
    %while3A_16 = arith.constant 0 : i32
    %while3A_17 = arith.subi %select_n3A, %while3A : i32
    %while3A_18 = arith.addi %while3A, %while3A_17 : i32
    %while3A_19 = arith.constant 1 : i32
    %while3A_20 = arith.divsi %while3A_17, %while3A_19 : i32
    %while3A_21 = arith.muli %while3A_20, %while3A_19 : i32
    %while3A_22 = arith.addi %while3A, %while3A_21 : i32
    %while3A_23 = arith.constant 1 : i32
    %while3A_24 = scf.for %while3A_59 = %while3A to %while3A_22 step %while3A_23 iter_args(%while3A_60 = %while3A_16) -> (i32)  : i32 {
      %mul3A_61 = arith.constant 16 : i32
      %mul3A_62 = arith.muli %while3A_59, %mul3A_61 : i32
      %add3A = arith.addi %mul3A_13, %mul3A_62 : i32
      %dma_start3A = arith.constant 0 : i32
      %dma_start3A_63 = tpu.memref_slice %arg7[%add3A, %dma_start3A] : memref<10128x16xf32, #tpu.memory_space<vmem_shared>> -> memref<16x16xf32, #tpu.memory_space<vmem_shared>>
      %dma_start3A_64 = arith.constant 0 : i32
      %dma_start3A_65 = tpu.memref_slice %arg7[%add3A, %dma_start3A_64] : memref<10128x16xf32, #tpu.memory_space<vmem_shared>> -> memref<16x16xf32, #tpu.memory_space<vmem_shared>>
      tpu.enqueue_dma source(%arg6 : memref<16x16xf32, #tpu.memory_space<vmem>>) target(%dma_start3A_65 : memref<16x16xf32, #tpu.memory_space<vmem_shared>>) target_semaphore(%arg8 : memref<!tpu.dma_semaphore, #tpu.memory_space<semaphore_mem>>)
      %while3A_66 = arith.constant 0 : i32
      scf.yield %while3A_66 : i32
    }
    %while3A_25 = arith.constant 1 : i32
    %while3A_26 = scf.for %while3A_59 = %while3A_22 to %while3A_18 step %while3A_25 iter_args(%while3A_60 = %while3A_24) -> (i32)  : i32 {
      %mul3A_61 = arith.constant 16 : i32
      %mul3A_62 = arith.muli %while3A_59, %mul3A_61 : i32
      %add3A = arith.addi %mul3A_13, %mul3A_62 : i32
      %dma_start3A = arith.constant 0 : i32
      %dma_start3A_63 = tpu.memref_slice %arg7[%add3A, %dma_start3A] : memref<10128x16xf32, #tpu.memory_space<vmem_shared>> -> memref<16x16xf32, #tpu.memory_space<vmem_shared>>
      %dma_start3A_64 = arith.constant 0 : i32
      %dma_start3A_65 = tpu.memref_slice %arg7[%add3A, %dma_start3A_64] : memref<10128x16xf32, #tpu.memory_space<vmem_shared>> -> memref<16x16xf32, #tpu.memory_space<vmem_shared>>
      tpu.enqueue_dma source(%arg6 : memref<16x16xf32, #tpu.memory_space<vmem>>) target(%dma_start3A_65 : memref<16x16xf32, #tpu.memory_space<vmem_shared>>) target_semaphore(%arg8 : memref<!tpu.dma_semaphore, #tpu.memory_space<semaphore_mem>>)
      %while3A_66 = arith.constant 0 : i32
      scf.yield %while3A_66 : i32
    }
    %while3A_27 = arith.constant 0 : i32
    %while3A_28 = arith.constant 0 : i32
    %while3A_29 = arith.subi %select_n3A, %while3A_27 : i32
    %while3A_30 = arith.addi %while3A_27, %while3A_29 : i32
    %while3A_31 = arith.constant 1 : i32
    %while3A_32 = arith.divsi %while3A_29, %while3A_31 : i32
    %while3A_33 = arith.muli %while3A_32, %while3A_31 : i32
    %while3A_34 = arith.addi %while3A_27, %while3A_33 : i32
    %while3A_35 = arith.constant 1 : i32
    %while3A_36 = scf.for %while3A_59 = %while3A_27 to %while3A_34 step %while3A_35 iter_args(%while3A_60 = %while3A_28) -> (i32)  : i32 {
      %mul3A_61 = arith.constant 16 : i32
      %mul3A_62 = arith.muli %while3A_59, %mul3A_61 : i32
      %add3A = arith.addi %mul3A_13, %mul3A_62 : i32
      %dma_wait3A = arith.constant 0 : i32
      %dma_wait3A_63 = tpu.memref_slice %arg7[%add3A, %dma_wait3A] : memref<10128x16xf32, #tpu.memory_space<vmem_shared>> -> memref<16x16xf32, #tpu.memory_space<vmem_shared>>
      %dma_wait3A_64 = arith.constant 0 : i32
      %dma_wait3A_65 = tpu.memref_slice %arg7[%add3A, %dma_wait3A_64] : memref<10128x16xf32, #tpu.memory_space<vmem_shared>> -> memref<16x16xf32, #tpu.memory_space<vmem_shared>>
      tpu.wait_dma2 semaphore(%arg8 : memref<!tpu.dma_semaphore, #tpu.memory_space<semaphore_mem>>) src(%arg6 : memref<16x16xf32, #tpu.memory_space<vmem>>) dst(%dma_wait3A_65 : memref<16x16xf32, #tpu.memory_space<vmem_shared>>)
      %while3A_66 = arith.constant 0 : i32
      scf.yield %while3A_66 : i32
    }
    %while3A_37 = arith.constant 1 : i32
    %while3A_38 = scf.for %while3A_59 = %while3A_34 to %while3A_30 step %while3A_37 iter_args(%while3A_60 = %while3A_36) -> (i32)  : i32 {
      %mul3A_61 = arith.constant 16 : i32
      %mul3A_62 = arith.muli %while3A_59, %mul3A_61 : i32
      %add3A = arith.addi %mul3A_13, %mul3A_62 : i32
      %dma_wait3A = arith.constant 0 : i32
      %dma_wait3A_63 = tpu.memref_slice %arg7[%add3A, %dma_wait3A] : memref<10128x16xf32, #tpu.memory_space<vmem_shared>> -> memref<16x16xf32, #tpu.memory_space<vmem_shared>>
      %dma_wait3A_64 = arith.constant 0 : i32
      %dma_wait3A_65 = tpu.memref_slice %arg7[%add3A, %dma_wait3A_64] : memref<10128x16xf32, #tpu.memory_space<vmem_shared>> -> memref<16x16xf32, #tpu.memory_space<vmem_shared>>
      tpu.wait_dma2 semaphore(%arg8 : memref<!tpu.dma_semaphore, #tpu.memory_space<semaphore_mem>>) src(%arg6 : memref<16x16xf32, #tpu.memory_space<vmem>>) dst(%dma_wait3A_65 : memref<16x16xf32, #tpu.memory_space<vmem_shared>>)
      %while3A_66 = arith.constant 0 : i32
      scf.yield %while3A_66 : i32
    }
    %barrier3A = arith.constant 0 : index
    tpu.barrier barrier_id(%barrier3A)
    %scan3A_39 = arith.constant 0 : i32
    %scan3A_40 = arith.constant 0 : i32
    %scan3A_41 = arith.constant 40 : i32
    %scan3A_42 = arith.addi %scan3A_40, %scan3A_41 : i32
    %scan3A_43 = arith.constant 1 : i32
    %scan3A_44 = scf.for %scan3A_59 = %scan3A_40 to %scan3A_42 step %scan3A_43 iter_args(%scan3A_60 = %scan3A_39) -> (i32)  : i32 {
      %dma_start3A = arith.constant 0 : i32
      %dma_start3A_61 = tpu.memref_slice %arg4[%scan3A_59, %dma_start3A] : memref<40x128xi32, #tpu.memory_space<vmem>> -> memref<1x128xi32, #tpu.memory_space<vmem>>
      %dma_start3A_62 = tpu.memref_squeeze %dma_start3A_61 : memref<1x128xi32, #tpu.memory_space<vmem>> -> memref<128xi32, #tpu.memory_space<vmem>>
      %dma_start3A_63 = arith.constant 0 : i32
      %dma_start3A_64 = arith.constant 0 : i32
      %dma_start3A_65 = tpu.memref_slice %arg7[%dma_start3A_63, %dma_start3A_64] : memref<10128x16xf32, #tpu.memory_space<vmem_shared>> -> memref<10128x16xf32, #tpu.memory_space<vmem_shared>>
      tpu.enqueue_indirect_dma source(%arg5 : memref<128x16xf32, #tpu.memory_space<vmem>>) target(%dma_start3A_65 : memref<10128x16xf32, #tpu.memory_space<vmem_shared>>) offsets(%dma_start3A_62 : memref<128xi32, #tpu.memory_space<vmem>>) semaphore(%arg8 : memref<!tpu.dma_semaphore, #tpu.memory_space<semaphore_mem>>) {add = true}
      %scan3A_66 = arith.constant 0 : i32
      scf.yield %scan3A_66 : i32
    }
    %scan3A_45 = arith.constant 40 : i32
    %scan3A_46 = arith.constant 0 : i32
    %scan3A_47 = arith.constant 0 : i32
    %scan3A_48 = arith.constant 40 : i32
    %scan3A_49 = arith.addi %scan3A_47, %scan3A_48 : i32
    %scan3A_50 = arith.constant 1 : i32
    %scan3A_51 = scf.for %scan3A_59 = %scan3A_47 to %scan3A_49 step %scan3A_50 iter_args(%scan3A_60 = %scan3A_46) -> (i32)  : i32 {
      %dma_wait3A = arith.constant 0 : i32
      %dma_wait3A_61 = tpu.memref_slice %arg4[%scan3A_59, %dma_wait3A] : memref<40x128xi32, #tpu.memory_space<vmem>> -> memref<1x128xi32, #tpu.memory_space<vmem>>
      %dma_wait3A_62 = tpu.memref_squeeze %dma_wait3A_61 : memref<1x128xi32, #tpu.memory_space<vmem>> -> memref<128xi32, #tpu.memory_space<vmem>>
      %dma_wait3A_63 = arith.constant 0 : i32
      %dma_wait3A_64 = arith.constant 0 : i32
      %dma_wait3A_65 = tpu.memref_slice %arg7[%dma_wait3A_63, %dma_wait3A_64] : memref<10128x16xf32, #tpu.memory_space<vmem_shared>> -> memref<10128x16xf32, #tpu.memory_space<vmem_shared>>
      tpu.wait_indirect_dma semaphore(%arg8 : memref<!tpu.dma_semaphore, #tpu.memory_space<semaphore_mem>>) src(%arg5 : memref<128x16xf32, #tpu.memory_space<vmem>>) dst(%dma_wait3A_65 : memref<10128x16xf32, #tpu.memory_space<vmem_shared>>)
      %scan3A_66 = arith.constant 0 : i32
      scf.yield %scan3A_66 : i32
    }
    %scan3A_52 = arith.constant 40 : i32
    %barrier3A_53 = arith.constant 0 : index
    tpu.barrier barrier_id(%barrier3A_53)
    %mul3A_54 = arith.constant 624 : i32
    %mul3A_55 = arith.muli %arg1, %mul3A_54 : i32
    "tpu.region"() ({
      %run_scoped3A = tpu.sem_alloc : memref<!tpu.dma_semaphore, #tpu.memory_space<semaphore_mem>>
      %dma_start3A = arith.constant 0 : i32
      %dma_start3A_59 = arith.constant 0 : i32
      %dma_start3A_60 = tpu.memref_slice %arg3[%arg0, %dma_start3A, %dma_start3A_59] : memref<2x10000x16xf32, #tpu.memory_space<hbm>> -> memref<1x10000x16xf32, #tpu.memory_space<hbm>>
      %dma_start3A_61 = tpu.memref_squeeze %dma_start3A_60 : memref<1x10000x16xf32, #tpu.memory_space<hbm>> -> memref<10000x16xf32, #tpu.memory_space<hbm>>
      %dma_start3A_62 = arith.constant 0 : i32
      %dma_start3A_63 = tpu.memref_slice %dma_start3A_61[%mul3A_55, %dma_start3A_62] : memref<10000x16xf32, #tpu.memory_space<hbm>> -> memref<624x16xf32, #tpu.memory_space<hbm>>
      %dma_start3A_64 = arith.constant 0 : i32
      %dma_start3A_65 = tpu.memref_slice %arg7[%mul3A_55, %dma_start3A_64] : memref<10128x16xf32, #tpu.memory_space<vmem_shared>> -> memref<624x16xf32, #tpu.memory_space<vmem_shared>>
      tpu.enqueue_dma source(%dma_start3A_65 : memref<624x16xf32, #tpu.memory_space<vmem_shared>>) target(%dma_start3A_63 : memref<624x16xf32, #tpu.memory_space<hbm>>) target_semaphore(%run_scoped3A : memref<!tpu.dma_semaphore, #tpu.memory_space<semaphore_mem>>)
      %dma_wait3A = arith.constant 0 : i32
      %dma_wait3A_66 = arith.constant 0 : i32
      %dma_wait3A_67 = tpu.memref_slice %arg3[%arg0, %dma_wait3A, %dma_wait3A_66] : memref<2x10000x16xf32, #tpu.memory_space<hbm>> -> memref<1x10000x16xf32, #tpu.memory_space<hbm>>
      %dma_wait3A_68 = tpu.memref_squeeze %dma_wait3A_67 : memref<1x10000x16xf32, #tpu.memory_space<hbm>> -> memref<10000x16xf32, #tpu.memory_space<hbm>>
      %dma_wait3A_69 = arith.constant 0 : i32
      %dma_wait3A_70 = tpu.memref_slice %dma_wait3A_68[%mul3A_55, %dma_wait3A_69] : memref<10000x16xf32, #tpu.memory_space<hbm>> -> memref<624x16xf32, #tpu.memory_space<hbm>>
      %dma_wait3A_71 = arith.constant 0 : i32
      %dma_wait3A_72 = tpu.memref_slice %arg7[%mul3A_55, %dma_wait3A_71] : memref<10128x16xf32, #tpu.memory_space<vmem_shared>> -> memref<624x16xf32, #tpu.memory_space<vmem_shared>>
      tpu.wait_dma2 semaphore(%run_scoped3A : memref<!tpu.dma_semaphore, #tpu.memory_space<semaphore_mem>>) src(%dma_wait3A_72 : memref<624x16xf32, #tpu.memory_space<vmem_shared>>) dst(%dma_wait3A_70 : memref<624x16xf32, #tpu.memory_space<hbm>>)
      tpu.yield
    }) : () -> ()
    %eq3A_56 = arith.constant 15 : i32
    %eq3A_57 = arith.cmpi eq, %arg1, %eq3A_56 : i32
    %convert_element_type3A = arith.extui %eq3A_57 : i1 to i32
    %cond3A = arith.constant 0 : i32
    %cond3A_58 = arith.cmpi ne, %convert_element_type3A, %cond3A : i32
    scf.if %cond3A_58 {
      "tpu.region"() ({
        %run_scoped3A = tpu.sem_alloc : memref<!tpu.dma_semaphore, #tpu.memory_space<semaphore_mem>>
        %dma_start3A = arith.constant 0 : i32
        %dma_start3A_59 = arith.constant 0 : i32
        %dma_start3A_60 = tpu.memref_slice %arg3[%arg0, %dma_start3A, %dma_start3A_59] : memref<2x10000x16xf32, #tpu.memory_space<hbm>> -> memref<1x10000x16xf32, #tpu.memory_space<hbm>>
        %dma_start3A_61 = tpu.memref_squeeze %dma_start3A_60 : memref<1x10000x16xf32, #tpu.memory_space<hbm>> -> memref<10000x16xf32, #tpu.memory_space<hbm>>
        %dma_start3A_62 = arith.constant 9984 : i32
        %dma_start3A_63 = arith.constant 0 : i32
        %dma_start3A_64 = tpu.memref_slice %dma_start3A_61[%dma_start3A_62, %dma_start3A_63] : memref<10000x16xf32, #tpu.memory_space<hbm>> -> memref<16x16xf32, #tpu.memory_space<hbm>>
        %dma_start3A_65 = arith.constant 9984 : i32
        %dma_start3A_66 = arith.constant 0 : i32
        %dma_start3A_67 = tpu.memref_slice %arg7[%dma_start3A_65, %dma_start3A_66] : memref<10128x16xf32, #tpu.memory_space<vmem_shared>> -> memref<16x16xf32, #tpu.memory_space<vmem_shared>>
        tpu.enqueue_dma source(%dma_start3A_67 : memref<16x16xf32, #tpu.memory_space<vmem_shared>>) target(%dma_start3A_64 : memref<16x16xf32, #tpu.memory_space<hbm>>) target_semaphore(%run_scoped3A : memref<!tpu.dma_semaphore, #tpu.memory_space<semaphore_mem>>)
        %dma_wait3A = arith.constant 0 : i32
        %dma_wait3A_68 = arith.constant 0 : i32
        %dma_wait3A_69 = tpu.memref_slice %arg3[%arg0, %dma_wait3A, %dma_wait3A_68] : memref<2x10000x16xf32, #tpu.memory_space<hbm>> -> memref<1x10000x16xf32, #tpu.memory_space<hbm>>
        %dma_wait3A_70 = tpu.memref_squeeze %dma_wait3A_69 : memref<1x10000x16xf32, #tpu.memory_space<hbm>> -> memref<10000x16xf32, #tpu.memory_space<hbm>>
        %dma_wait3A_71 = arith.constant 9984 : i32
        %dma_wait3A_72 = arith.constant 0 : i32
        %dma_wait3A_73 = tpu.memref_slice %dma_wait3A_70[%dma_wait3A_71, %dma_wait3A_72] : memref<10000x16xf32, #tpu.memory_space<hbm>> -> memref<16x16xf32, #tpu.memory_space<hbm>>
        %dma_wait3A_74 = arith.constant 9984 : i32
        %dma_wait3A_75 = arith.constant 0 : i32
        %dma_wait3A_76 = tpu.memref_slice %arg7[%dma_wait3A_74, %dma_wait3A_75] : memref<10128x16xf32, #tpu.memory_space<vmem_shared>> -> memref<16x16xf32, #tpu.memory_space<vmem_shared>>
        tpu.wait_dma2 semaphore(%run_scoped3A : memref<!tpu.dma_semaphore, #tpu.memory_space<semaphore_mem>>) src(%dma_wait3A_76 : memref<16x16xf32, #tpu.memory_space<vmem_shared>>) dst(%dma_wait3A_73 : memref<16x16xf32, #tpu.memory_space<hbm>>)
        tpu.yield
      }) : () -> ()
    } else {
    }
    return
  }
}

#map = affine_map<(d0, d1) -> (0, 0)>
#map1 = affine_map<(d0, d1) -> (0, 0, 0, 0)>
module attributes {stable_mosaic.version = 14 : i64} {
  func.func @edge_kernel(%arg0: i32, %arg1: i32, %arg2: memref<10000x128xf32, #tpu.memory_space<hbm>>, %arg3: memref<10000x128xf32, #tpu.memory_space<hbm>>, %arg4: memref<16x2x40x128xi32, #tpu.memory_space<hbm>>, %arg5: memref<16x2x40x128xi32, #tpu.memory_space<hbm>>, %arg6: memref<10000x128xf32, #tpu.memory_space<hbm>>, %arg7: memref<10000x128xf32, #tpu.memory_space<hbm>>, %arg8: memref<40x128xi32, #tpu.memory_space<vmem>>, %arg9: memref<40x128xi32, #tpu.memory_space<vmem>>, %arg10: memref<2x128x128xf32, #tpu.memory_space<vmem>>, %arg11: memref<16x128xf32, #tpu.memory_space<vmem>>, %arg12: memref<10128x128xf32, #tpu.memory_space<vmem_shared>>, %arg13: memref<!tpu.dma_semaphore, #tpu.memory_space<semaphore_mem>>, %arg14: memref<!tpu.dma_semaphore, #tpu.memory_space<semaphore_mem>>) attributes {dimension_semantics = [#tpu.dimension_semantics<core_parallel>, #tpu.dimension_semantics<subcore_parallel>], iteration_bounds = array<i64: 2, 16>, scalar_prefetch = 0 : i64, scratch_operands = 7 : i64, tpu.core_type = #tpu.core_type<sc_vector_subcore>, window_params = [{transform_indices = #map}, {transform_indices = #map}, {transform_indices = #map1}, {transform_indices = #map1}, {transform_indices = #map}, {transform_indices = #map}]} {
    %scan3A = arith.constant 0 : i32
    %scan3A_0 = arith.constant 0 : i32
    %scan3A_1 = arith.constant 16 : i32
    %scan3A_2 = arith.addi %scan3A_0, %scan3A_1 : i32
    %scan3A_3 = arith.constant 1 : i32
    %scan3A_4 = scf.for %scan3A_23 = %scan3A_0 to %scan3A_2 step %scan3A_3 iter_args(%scan3A_24 = %scan3A) -> (i32)  : i32 {
      %broadcast_in_dim3A = arith.constant 0.000000e+00 : f32
      %broadcast_in_dim3A_25 = vector.broadcast %broadcast_in_dim3A : f32 to vector<16xf32>
      %swap3A = arith.index_cast %scan3A_23 : i32 to index
      %swap3A_26 = arith.constant 0 : index
      %swap3A_27 = tpu.vector_load %arg11[%swap3A, %swap3A_26] {strides = array<i32>} : memref<16x128xf32, #tpu.memory_space<vmem>>, vector<1x16xf32>,
      %swap3A_28 = vector.shape_cast %swap3A_27 : vector<1x16xf32> to vector<16xf32>
      %swap3A_29 = vector.shape_cast %broadcast_in_dim3A_25 : vector<16xf32> to vector<1x16xf32>
      tpu.vector_store %arg11[%swap3A, %swap3A_26], %swap3A_29 {strides = array<i32>} : memref<16x128xf32, #tpu.memory_space<vmem>>, vector<1x16xf32>,
      %broadcast_in_dim3A_30 = arith.constant 0.000000e+00 : f32
      %broadcast_in_dim3A_31 = vector.broadcast %broadcast_in_dim3A_30 : f32 to vector<16xf32>
      %swap3A_32 = arith.index_cast %scan3A_23 : i32 to index
      %swap3A_33 = arith.constant 16 : index
      %swap3A_34 = tpu.vector_load %arg11[%swap3A_32, %swap3A_33] {strides = array<i32>} : memref<16x128xf32, #tpu.memory_space<vmem>>, vector<1x16xf32>,
      %swap3A_35 = vector.shape_cast %swap3A_34 : vector<1x16xf32> to vector<16xf32>
      %swap3A_36 = vector.shape_cast %broadcast_in_dim3A_31 : vector<16xf32> to vector<1x16xf32>
      tpu.vector_store %arg11[%swap3A_32, %swap3A_33], %swap3A_36 {strides = array<i32>} : memref<16x128xf32, #tpu.memory_space<vmem>>, vector<1x16xf32>,
      %broadcast_in_dim3A_37 = arith.constant 0.000000e+00 : f32
      %broadcast_in_dim3A_38 = vector.broadcast %broadcast_in_dim3A_37 : f32 to vector<16xf32>
      %swap3A_39 = arith.index_cast %scan3A_23 : i32 to index
      %swap3A_40 = arith.constant 32 : index
      %swap3A_41 = tpu.vector_load %arg11[%swap3A_39, %swap3A_40] {strides = array<i32>} : memref<16x128xf32, #tpu.memory_space<vmem>>, vector<1x16xf32>,
      %swap3A_42 = vector.shape_cast %swap3A_41 : vector<1x16xf32> to vector<16xf32>
      %swap3A_43 = vector.shape_cast %broadcast_in_dim3A_38 : vector<16xf32> to vector<1x16xf32>
      tpu.vector_store %arg11[%swap3A_39, %swap3A_40], %swap3A_43 {strides = array<i32>} : memref<16x128xf32, #tpu.memory_space<vmem>>, vector<1x16xf32>,
      %broadcast_in_dim3A_44 = arith.constant 0.000000e+00 : f32
      %broadcast_in_dim3A_45 = vector.broadcast %broadcast_in_dim3A_44 : f32 to vector<16xf32>
      %swap3A_46 = arith.index_cast %scan3A_23 : i32 to index
      %swap3A_47 = arith.constant 48 : index
      %swap3A_48 = tpu.vector_load %arg11[%swap3A_46, %swap3A_47] {strides = array<i32>} : memref<16x128xf32, #tpu.memory_space<vmem>>, vector<1x16xf32>,
      %swap3A_49 = vector.shape_cast %swap3A_48 : vector<1x16xf32> to vector<16xf32>
      %swap3A_50 = vector.shape_cast %broadcast_in_dim3A_45 : vector<16xf32> to vector<1x16xf32>
      tpu.vector_store %arg11[%swap3A_46, %swap3A_47], %swap3A_50 {strides = array<i32>} : memref<16x128xf32, #tpu.memory_space<vmem>>, vector<1x16xf32>,
      %broadcast_in_dim3A_51 = arith.constant 0.000000e+00 : f32
      %broadcast_in_dim3A_52 = vector.broadcast %broadcast_in_dim3A_51 : f32 to vector<16xf32>
      %swap3A_53 = arith.index_cast %scan3A_23 : i32 to index
      %swap3A_54 = arith.constant 64 : index
      %swap3A_55 = tpu.vector_load %arg11[%swap3A_53, %swap3A_54] {strides = array<i32>} : memref<16x128xf32, #tpu.memory_space<vmem>>, vector<1x16xf32>,
      %swap3A_56 = vector.shape_cast %swap3A_55 : vector<1x16xf32> to vector<16xf32>
      %swap3A_57 = vector.shape_cast %broadcast_in_dim3A_52 : vector<16xf32> to vector<1x16xf32>
      tpu.vector_store %arg11[%swap3A_53, %swap3A_54], %swap3A_57 {strides = array<i32>} : memref<16x128xf32, #tpu.memory_space<vmem>>, vector<1x16xf32>,
      %broadcast_in_dim3A_58 = arith.constant 0.000000e+00 : f32
      %broadcast_in_dim3A_59 = vector.broadcast %broadcast_in_dim3A_58 : f32 to vector<16xf32>
      %swap3A_60 = arith.index_cast %scan3A_23 : i32 to index
      %swap3A_61 = arith.constant 80 : index
      %swap3A_62 = tpu.vector_load %arg11[%swap3A_60, %swap3A_61] {strides = array<i32>} : memref<16x128xf32, #tpu.memory_space<vmem>>, vector<1x16xf32>,
      %swap3A_63 = vector.shape_cast %swap3A_62 : vector<1x16xf32> to vector<16xf32>
      %swap3A_64 = vector.shape_cast %broadcast_in_dim3A_59 : vector<16xf32> to vector<1x16xf32>
      tpu.vector_store %arg11[%swap3A_60, %swap3A_61], %swap3A_64 {strides = array<i32>} : memref<16x128xf32, #tpu.memory_space<vmem>>, vector<1x16xf32>,
      %broadcast_in_dim3A_65 = arith.constant 0.000000e+00 : f32
      %broadcast_in_dim3A_66 = vector.broadcast %broadcast_in_dim3A_65 : f32 to vector<16xf32>
      %swap3A_67 = arith.index_cast %scan3A_23 : i32 to index
      %swap3A_68 = arith.constant 96 : index
      %swap3A_69 = tpu.vector_load %arg11[%swap3A_67, %swap3A_68] {strides = array<i32>} : memref<16x128xf32, #tpu.memory_space<vmem>>, vector<1x16xf32>,
      %swap3A_70 = vector.shape_cast %swap3A_69 : vector<1x16xf32> to vector<16xf32>
      %swap3A_71 = vector.shape_cast %broadcast_in_dim3A_66 : vector<16xf32> to vector<1x16xf32>
      tpu.vector_store %arg11[%swap3A_67, %swap3A_68], %swap3A_71 {strides = array<i32>} : memref<16x128xf32, #tpu.memory_space<vmem>>, vector<1x16xf32>,
      %broadcast_in_dim3A_72 = arith.constant 0.000000e+00 : f32
      %broadcast_in_dim3A_73 = vector.broadcast %broadcast_in_dim3A_72 : f32 to vector<16xf32>
      %swap3A_74 = arith.index_cast %scan3A_23 : i32 to index
      %swap3A_75 = arith.constant 112 : index
      %swap3A_76 = tpu.vector_load %arg11[%swap3A_74, %swap3A_75] {strides = array<i32>} : memref<16x128xf32, #tpu.memory_space<vmem>>, vector<1x16xf32>,
      %swap3A_77 = vector.shape_cast %swap3A_76 : vector<1x16xf32> to vector<16xf32>
      %swap3A_78 = vector.shape_cast %broadcast_in_dim3A_73 : vector<16xf32> to vector<1x16xf32>
      tpu.vector_store %arg11[%swap3A_74, %swap3A_75], %swap3A_78 {strides = array<i32>} : memref<16x128xf32, #tpu.memory_space<vmem>>, vector<1x16xf32>,
      %scan3A_79 = arith.constant 0 : i32
      scf.yield %scan3A_79 : i32
    }
    %scan3A_5 = arith.constant 16 : i32
    %eq3A = arith.constant 0 : i32
    %eq3A_6 = arith.cmpi eq, %arg0, %eq3A : i32
    %convert_element_type3A = arith.extui %eq3A_6 : i1 to i32
    %cond3A = arith.constant 0 : i32
    %cond3A_7 = arith.cmpi ne, %convert_element_type3A, %cond3A : i32
    scf.if %cond3A_7 {
      %run_scoped3A = arith.constant 0 : i32
      "tpu.region"() ({
        %run_scoped3A_114 = tpu.sem_alloc : memref<!tpu.dma_semaphore, #tpu.memory_space<semaphore_mem>>
        %dma_start3A_115 = arith.constant 0 : i32
        %dma_start3A_116 = arith.constant 0 : i32
        %dma_start3A_117 = tpu.memref_slice %arg4[%arg1, %run_scoped3A, %dma_start3A_115, %dma_start3A_116] : memref<16x2x40x128xi32, #tpu.memory_space<hbm>> -> memref<1x1x40x128xi32, #tpu.memory_space<hbm>>
        %dma_start3A_118 = tpu.memref_squeeze %dma_start3A_117 : memref<1x1x40x128xi32, #tpu.memory_space<hbm>> -> memref<40x128xi32, #tpu.memory_space<hbm>>
        %dma_start3A_119 = arith.constant 0 : i32
        %dma_start3A_120 = arith.constant 0 : i32
        %dma_start3A_121 = tpu.memref_slice %arg4[%arg1, %run_scoped3A, %dma_start3A_119, %dma_start3A_120] : memref<16x2x40x128xi32, #tpu.memory_space<hbm>> -> memref<1x1x40x128xi32, #tpu.memory_space<hbm>>
        %dma_start3A_122 = tpu.memref_squeeze %dma_start3A_121 : memref<1x1x40x128xi32, #tpu.memory_space<hbm>> -> memref<40x128xi32, #tpu.memory_space<hbm>>
        tpu.enqueue_dma source(%dma_start3A_122 : memref<40x128xi32, #tpu.memory_space<hbm>>) target(%arg8 : memref<40x128xi32, #tpu.memory_space<vmem>>) target_semaphore(%run_scoped3A_114 : memref<!tpu.dma_semaphore, #tpu.memory_space<semaphore_mem>>)
        %dma_wait3A_123 = arith.constant 0 : i32
        %dma_wait3A_124 = arith.constant 0 : i32
        %dma_wait3A_125 = tpu.memref_slice %arg4[%arg1, %run_scoped3A, %dma_wait3A_123, %dma_wait3A_124] : memref<16x2x40x128xi32, #tpu.memory_space<hbm>> -> memref<1x1x40x128xi32, #tpu.memory_space<hbm>>
        %dma_wait3A_126 = tpu.memref_squeeze %dma_wait3A_125 : memref<1x1x40x128xi32, #tpu.memory_space<hbm>> -> memref<40x128xi32, #tpu.memory_space<hbm>>
        %dma_wait3A_127 = arith.constant 0 : i32
        %dma_wait3A_128 = arith.constant 0 : i32
        %dma_wait3A_129 = tpu.memref_slice %arg4[%arg1, %run_scoped3A, %dma_wait3A_127, %dma_wait3A_128] : memref<16x2x40x128xi32, #tpu.memory_space<hbm>> -> memref<1x1x40x128xi32, #tpu.memory_space<hbm>>
        %dma_wait3A_130 = tpu.memref_squeeze %dma_wait3A_129 : memref<1x1x40x128xi32, #tpu.memory_space<hbm>> -> memref<40x128xi32, #tpu.memory_space<hbm>>
        tpu.wait_dma2 semaphore(%run_scoped3A_114 : memref<!tpu.dma_semaphore, #tpu.memory_space<semaphore_mem>>) src(%dma_wait3A_130 : memref<40x128xi32, #tpu.memory_space<hbm>>) dst(%arg8 : memref<40x128xi32, #tpu.memory_space<vmem>>)
        tpu.yield
      }) : () -> ()
      %run_scoped3A_23 = arith.constant 0 : i32
      "tpu.region"() ({
        %run_scoped3A_114 = tpu.sem_alloc : memref<!tpu.dma_semaphore, #tpu.memory_space<semaphore_mem>>
        %dma_start3A_115 = arith.constant 0 : i32
        %dma_start3A_116 = arith.constant 0 : i32
        %dma_start3A_117 = tpu.memref_slice %arg5[%arg1, %run_scoped3A_23, %dma_start3A_115, %dma_start3A_116] : memref<16x2x40x128xi32, #tpu.memory_space<hbm>> -> memref<1x1x40x128xi32, #tpu.memory_space<hbm>>
        %dma_start3A_118 = tpu.memref_squeeze %dma_start3A_117 : memref<1x1x40x128xi32, #tpu.memory_space<hbm>> -> memref<40x128xi32, #tpu.memory_space<hbm>>
        %dma_start3A_119 = arith.constant 0 : i32
        %dma_start3A_120 = arith.constant 0 : i32
        %dma_start3A_121 = tpu.memref_slice %arg5[%arg1, %run_scoped3A_23, %dma_start3A_119, %dma_start3A_120] : memref<16x2x40x128xi32, #tpu.memory_space<hbm>> -> memref<1x1x40x128xi32, #tpu.memory_space<hbm>>
        %dma_start3A_122 = tpu.memref_squeeze %dma_start3A_121 : memref<1x1x40x128xi32, #tpu.memory_space<hbm>> -> memref<40x128xi32, #tpu.memory_space<hbm>>
        tpu.enqueue_dma source(%dma_start3A_122 : memref<40x128xi32, #tpu.memory_space<hbm>>) target(%arg9 : memref<40x128xi32, #tpu.memory_space<vmem>>) target_semaphore(%run_scoped3A_114 : memref<!tpu.dma_semaphore, #tpu.memory_space<semaphore_mem>>)
        %dma_wait3A_123 = arith.constant 0 : i32
        %dma_wait3A_124 = arith.constant 0 : i32
        %dma_wait3A_125 = tpu.memref_slice %arg5[%arg1, %run_scoped3A_23, %dma_wait3A_123, %dma_wait3A_124] : memref<16x2x40x128xi32, #tpu.memory_space<hbm>> -> memref<1x1x40x128xi32, #tpu.memory_space<hbm>>
        %dma_wait3A_126 = tpu.memref_squeeze %dma_wait3A_125 : memref<1x1x40x128xi32, #tpu.memory_space<hbm>> -> memref<40x128xi32, #tpu.memory_space<hbm>>
        %dma_wait3A_127 = arith.constant 0 : i32
        %dma_wait3A_128 = arith.constant 0 : i32
        %dma_wait3A_129 = tpu.memref_slice %arg5[%arg1, %run_scoped3A_23, %dma_wait3A_127, %dma_wait3A_128] : memref<16x2x40x128xi32, #tpu.memory_space<hbm>> -> memref<1x1x40x128xi32, #tpu.memory_space<hbm>>
        %dma_wait3A_130 = tpu.memref_squeeze %dma_wait3A_129 : memref<1x1x40x128xi32, #tpu.memory_space<hbm>> -> memref<40x128xi32, #tpu.memory_space<hbm>>
        tpu.wait_dma2 semaphore(%run_scoped3A_114 : memref<!tpu.dma_semaphore, #tpu.memory_space<semaphore_mem>>) src(%dma_wait3A_130 : memref<40x128xi32, #tpu.memory_space<hbm>>) dst(%arg9 : memref<40x128xi32, #tpu.memory_space<vmem>>)
        tpu.yield
      }) : () -> ()
      %dma_start3A = arith.constant 0 : i32
      %dma_start3A_24 = arith.constant 0 : i32
      %dma_start3A_25 = arith.constant 0 : i32
      %dma_start3A_26 = arith.constant 0 : i32
      %dma_start3A_27 = tpu.memref_slice %arg10[%dma_start3A_24, %dma_start3A_25, %dma_start3A_26] : memref<2x128x128xf32, #tpu.memory_space<vmem>> -> memref<1x128x128xf32, #tpu.memory_space<vmem>>
      %dma_start3A_28 = tpu.memref_squeeze %dma_start3A_27 : memref<1x128x128xf32, #tpu.memory_space<vmem>> -> memref<128x128xf32, #tpu.memory_space<vmem>>
      %dma_start3A_29 = arith.constant 0 : i32
      %dma_start3A_30 = tpu.memref_slice %arg8[%dma_start3A, %dma_start3A_29] : memref<40x128xi32, #tpu.memory_space<vmem>> -> memref<1x128xi32, #tpu.memory_space<vmem>>
      %dma_start3A_31 = tpu.memref_squeeze %dma_start3A_30 : memref<1x128xi32, #tpu.memory_space<vmem>> -> memref<128xi32, #tpu.memory_space<vmem>>
      %dma_start3A_32 = arith.constant 0 : i32
      %dma_start3A_33 = arith.constant 0 : i32
      %dma_start3A_34 = tpu.memref_slice %arg2[%dma_start3A_32, %dma_start3A_33] : memref<10000x128xf32, #tpu.memory_space<hbm>> -> memref<10000x128xf32, #tpu.memory_space<hbm>>
      tpu.enqueue_indirect_dma source(%dma_start3A_34 : memref<10000x128xf32, #tpu.memory_space<hbm>>) target(%dma_start3A_28 : memref<128x128xf32, #tpu.memory_space<vmem>>) offsets(%dma_start3A_31 : memref<128xi32, #tpu.memory_space<vmem>>) semaphore(%arg13 : memref<!tpu.dma_semaphore, #tpu.memory_space<semaphore_mem>>)
      %mul3A = arith.constant 624 : i32
      %mul3A_35 = arith.muli %arg1, %mul3A : i32
      %eq3A_36 = arith.constant 15 : i32
      %eq3A_37 = arith.cmpi eq, %arg1, %eq3A_36 : i32
      %jit3A = arith.constant 48 : i32
      %jit3A_38 = arith.constant 39 : i32
      %select_n3A = arith.select %eq3A_37, %jit3A, %jit3A_38 : i32
      %while3A = arith.constant 0 : i32
      %while3A_39 = arith.constant 0 : i32
      %while3A_40 = arith.subi %select_n3A, %while3A : i32
      %while3A_41 = arith.addi %while3A, %while3A_40 : i32
      %while3A_42 = arith.constant 1 : i32
      %while3A_43 = arith.divsi %while3A_40, %while3A_42 : i32
      %while3A_44 = arith.muli %while3A_43, %while3A_42 : i32
      %while3A_45 = arith.addi %while3A, %while3A_44 : i32
      %while3A_46 = arith.constant 1 : i32
      %while3A_47 = scf.for %while3A_114 = %while3A to %while3A_45 step %while3A_46 iter_args(%while3A_115 = %while3A_39) -> (i32)  : i32 {
        %mul3A_116 = arith.constant 16 : i32
        %mul3A_117 = arith.muli %while3A_114, %mul3A_116 : i32
        %add3A = arith.addi %mul3A_35, %mul3A_117 : i32
        %dma_start3A_118 = arith.constant 0 : i32
        %dma_start3A_119 = tpu.memref_slice %arg12[%add3A, %dma_start3A_118] : memref<10128x128xf32, #tpu.memory_space<vmem_shared>> -> memref<16x128xf32, #tpu.memory_space<vmem_shared>>
        %dma_start3A_120 = arith.constant 0 : i32
        %dma_start3A_121 = tpu.memref_slice %arg12[%add3A, %dma_start3A_120] : memref<10128x128xf32, #tpu.memory_space<vmem_shared>> -> memref<16x128xf32, #tpu.memory_space<vmem_shared>>
        tpu.enqueue_dma source(%arg11 : memref<16x128xf32, #tpu.memory_space<vmem>>) target(%dma_start3A_121 : memref<16x128xf32, #tpu.memory_space<vmem_shared>>) target_semaphore(%arg14 : memref<!tpu.dma_semaphore, #tpu.memory_space<semaphore_mem>>)
        %while3A_122 = arith.constant 0 : i32
        scf.yield %while3A_122 : i32
      }
      %while3A_48 = arith.constant 1 : i32
      %while3A_49 = scf.for %while3A_114 = %while3A_45 to %while3A_41 step %while3A_48 iter_args(%while3A_115 = %while3A_47) -> (i32)  : i32 {
        %mul3A_116 = arith.constant 16 : i32
        %mul3A_117 = arith.muli %while3A_114, %mul3A_116 : i32
        %add3A = arith.addi %mul3A_35, %mul3A_117 : i32
        %dma_start3A_118 = arith.constant 0 : i32
        %dma_start3A_119 = tpu.memref_slice %arg12[%add3A, %dma_start3A_118] : memref<10128x128xf32, #tpu.memory_space<vmem_shared>> -> memref<16x128xf32, #tpu.memory_space<vmem_shared>>
        %dma_start3A_120 = arith.constant 0 : i32
        %dma_start3A_121 = tpu.memref_slice %arg12[%add3A, %dma_start3A_120] : memref<10128x128xf32, #tpu.memory_space<vmem_shared>> -> memref<16x128xf32, #tpu.memory_space<vmem_shared>>
        tpu.enqueue_dma source(%arg11 : memref<16x128xf32, #tpu.memory_space<vmem>>) target(%dma_start3A_121 : memref<16x128xf32, #tpu.memory_space<vmem_shared>>) target_semaphore(%arg14 : memref<!tpu.dma_semaphore, #tpu.memory_space<semaphore_mem>>)
        %while3A_122 = arith.constant 0 : i32
        scf.yield %while3A_122 : i32
      }
      %while3A_50 = arith.constant 0 : i32
      %while3A_51 = arith.constant 0 : i32
      %while3A_52 = arith.subi %select_n3A, %while3A_50 : i32
      %while3A_53 = arith.addi %while3A_50, %while3A_52 : i32
      %while3A_54 = arith.constant 1 : i32
      %while3A_55 = arith.divsi %while3A_52, %while3A_54 : i32
      %while3A_56 = arith.muli %while3A_55, %while3A_54 : i32
      %while3A_57 = arith.addi %while3A_50, %while3A_56 : i32
      %while3A_58 = arith.constant 1 : i32
      %while3A_59 = scf.for %while3A_114 = %while3A_50 to %while3A_57 step %while3A_58 iter_args(%while3A_115 = %while3A_51) -> (i32)  : i32 {
        %mul3A_116 = arith.constant 16 : i32
        %mul3A_117 = arith.muli %while3A_114, %mul3A_116 : i32
        %add3A = arith.addi %mul3A_35, %mul3A_117 : i32
        %dma_wait3A_118 = arith.constant 0 : i32
        %dma_wait3A_119 = tpu.memref_slice %arg12[%add3A, %dma_wait3A_118] : memref<10128x128xf32, #tpu.memory_space<vmem_shared>> -> memref<16x128xf32, #tpu.memory_space<vmem_shared>>
        %dma_wait3A_120 = arith.constant 0 : i32
        %dma_wait3A_121 = tpu.memref_slice %arg12[%add3A, %dma_wait3A_120] : memref<10128x128xf32, #tpu.memory_space<vmem_shared>> -> memref<16x128xf32, #tpu.memory_space<vmem_shared>>
        tpu.wait_dma2 semaphore(%arg14 : memref<!tpu.dma_semaphore, #tpu.memory_space<semaphore_mem>>) src(%arg11 : memref<16x128xf32, #tpu.memory_space<vmem>>) dst(%dma_wait3A_121 : memref<16x128xf32, #tpu.memory_space<vmem_shared>>)
        %while3A_122 = arith.constant 0 : i32
        scf.yield %while3A_122 : i32
      }
      %while3A_60 = arith.constant 1 : i32
      %while3A_61 = scf.for %while3A_114 = %while3A_57 to %while3A_53 step %while3A_60 iter_args(%while3A_115 = %while3A_59) -> (i32)  : i32 {
        %mul3A_116 = arith.constant 16 : i32
        %mul3A_117 = arith.muli %while3A_114, %mul3A_116 : i32
        %add3A = arith.addi %mul3A_35, %mul3A_117 : i32
        %dma_wait3A_118 = arith.constant 0 : i32
        %dma_wait3A_119 = tpu.memref_slice %arg12[%add3A, %dma_wait3A_118] : memref<10128x128xf32, #tpu.memory_space<vmem_shared>> -> memref<16x128xf32, #tpu.memory_space<vmem_shared>>
        %dma_wait3A_120 = arith.constant 0 : i32
        %dma_wait3A_121 = tpu.memref_slice %arg12[%add3A, %dma_wait3A_120] : memref<10128x128xf32, #tpu.memory_space<vmem_shared>> -> memref<16x128xf32, #tpu.memory_space<vmem_shared>>
        tpu.wait_dma2 semaphore(%arg14 : memref<!tpu.dma_semaphore, #tpu.memory_space<semaphore_mem>>) src(%arg11 : memref<16x128xf32, #tpu.memory_space<vmem>>) dst(%dma_wait3A_121 : memref<16x128xf32, #tpu.memory_space<vmem_shared>>)
        %while3A_122 = arith.constant 0 : i32
        scf.yield %while3A_122 : i32
      }
      %barrier3A_62 = arith.constant 0 : index
      tpu.barrier barrier_id(%barrier3A_62)
      %scan3A_63 = arith.constant 0 : i32
      %scan3A_64 = arith.constant 0 : i32
      %scan3A_65 = arith.constant 40 : i32
      %scan3A_66 = arith.addi %scan3A_64, %scan3A_65 : i32
      %scan3A_67 = arith.constant 1 : i32
      %scan3A_68 = scf.for %scan3A_114 = %scan3A_64 to %scan3A_66 step %scan3A_67 iter_args(%scan3A_115 = %scan3A_63) -> (i32)  : i32 {
        %rem3A = arith.constant 2 : i32
        %rem3A_116 = arith.remsi %scan3A_114, %rem3A : i32
        %ge3A = arith.constant 1 : i32
        %ge3A_117 = arith.cmpi sge, %scan3A_114, %ge3A : i32
        %convert_element_type3A_118 = arith.extui %ge3A_117 : i1 to i32
        %cond3A_119 = arith.constant 0 : i32
        %cond3A_120 = arith.cmpi ne, %convert_element_type3A_118, %cond3A_119 : i32
        scf.if %cond3A_120 {
          %sub3A_148 = arith.constant 1 : i32
          %sub3A_149 = arith.subi %scan3A_114, %sub3A_148 : i32
          %rem3A_150 = arith.constant 2 : i32
          %rem3A_151 = arith.remsi %sub3A_149, %rem3A_150 : i32
          %sub3A_152 = arith.constant 1 : i32
          %sub3A_153 = arith.subi %scan3A_114, %sub3A_152 : i32
          %dma_wait3A_154 = arith.constant 0 : i32
          %dma_wait3A_155 = arith.constant 0 : i32
          %dma_wait3A_156 = tpu.memref_slice %arg10[%rem3A_151, %dma_wait3A_154, %dma_wait3A_155] : memref<2x128x128xf32, #tpu.memory_space<vmem>> -> memref<1x128x128xf32, #tpu.memory_space<vmem>>
          %dma_wait3A_157 = tpu.memref_squeeze %dma_wait3A_156 : memref<1x128x128xf32, #tpu.memory_space<vmem>> -> memref<128x128xf32, #tpu.memory_space<vmem>>
          %dma_wait3A_158 = arith.constant 0 : i32
          %dma_wait3A_159 = tpu.memref_slice %arg9[%sub3A_153, %dma_wait3A_158] : memref<40x128xi32, #tpu.memory_space<vmem>> -> memref<1x128xi32, #tpu.memory_space<vmem>>
          %dma_wait3A_160 = tpu.memref_squeeze %dma_wait3A_159 : memref<1x128xi32, #tpu.memory_space<vmem>> -> memref<128xi32, #tpu.memory_space<vmem>>
          %dma_wait3A_161 = arith.constant 0 : i32
          %dma_wait3A_162 = arith.constant 0 : i32
          %dma_wait3A_163 = tpu.memref_slice %arg12[%dma_wait3A_161, %dma_wait3A_162] : memref<10128x128xf32, #tpu.memory_space<vmem_shared>> -> memref<10128x128xf32, #tpu.memory_space<vmem_shared>>
          tpu.wait_indirect_dma semaphore(%arg14 : memref<!tpu.dma_semaphore, #tpu.memory_space<semaphore_mem>>) src(%dma_wait3A_157 : memref<128x128xf32, #tpu.memory_space<vmem>>) dst(%dma_wait3A_163 : memref<10128x128xf32, #tpu.memory_space<vmem_shared>>)
        } else {
        }
        %add3A = arith.constant 2 : i32
        %add3A_121 = arith.addi %scan3A_114, %add3A : i32
        %sub3A = arith.constant 1 : i32
        %sub3A_122 = arith.subi %add3A_121, %sub3A : i32
        %lt3A = arith.constant 40 : i32
        %lt3A_123 = arith.cmpi slt, %sub3A_122, %lt3A : i32
        %convert_element_type3A_124 = arith.extui %lt3A_123 : i1 to i32
        %cond3A_125 = arith.constant 0 : i32
        %cond3A_126 = arith.cmpi ne, %convert_element_type3A_124, %cond3A_125 : i32
        scf.if %cond3A_126 {
          %add3A_148 = arith.constant 2 : i32
          %add3A_149 = arith.addi %scan3A_114, %add3A_148 : i32
          %sub3A_150 = arith.constant 1 : i32
          %sub3A_151 = arith.subi %add3A_149, %sub3A_150 : i32
          %rem3A_152 = arith.constant 2 : i32
          %rem3A_153 = arith.remsi %sub3A_151, %rem3A_152 : i32
          %add3A_154 = arith.constant 2 : i32
          %add3A_155 = arith.addi %scan3A_114, %add3A_154 : i32
          %sub3A_156 = arith.constant 1 : i32
          %sub3A_157 = arith.subi %add3A_155, %sub3A_156 : i32
          %dma_start3A_158 = arith.constant 0 : i32
          %dma_start3A_159 = arith.constant 0 : i32
          %dma_start3A_160 = tpu.memref_slice %arg10[%rem3A_153, %dma_start3A_158, %dma_start3A_159] : memref<2x128x128xf32, #tpu.memory_space<vmem>> -> memref<1x128x128xf32, #tpu.memory_space<vmem>>
          %dma_start3A_161 = tpu.memref_squeeze %dma_start3A_160 : memref<1x128x128xf32, #tpu.memory_space<vmem>> -> memref<128x128xf32, #tpu.memory_space<vmem>>
          %dma_start3A_162 = arith.constant 0 : i32
          %dma_start3A_163 = tpu.memref_slice %arg8[%sub3A_157, %dma_start3A_162] : memref<40x128xi32, #tpu.memory_space<vmem>> -> memref<1x128xi32, #tpu.memory_space<vmem>>
          %dma_start3A_164 = tpu.memref_squeeze %dma_start3A_163 : memref<1x128xi32, #tpu.memory_space<vmem>> -> memref<128xi32, #tpu.memory_space<vmem>>
          %dma_start3A_165 = arith.constant 0 : i32
          %dma_start3A_166 = arith.constant 0 : i32
          %dma_start3A_167 = tpu.memref_slice %arg2[%dma_start3A_165, %dma_start3A_166] : memref<10000x128xf32, #tpu.memory_space<hbm>> -> memref<10000x128xf32, #tpu.memory_space<hbm>>
          tpu.enqueue_indirect_dma source(%dma_start3A_167 : memref<10000x128xf32, #tpu.memory_space<hbm>>) target(%dma_start3A_161 : memref<128x128xf32, #tpu.memory_space<vmem>>) offsets(%dma_start3A_164 : memref<128xi32, #tpu.memory_space<vmem>>) semaphore(%arg13 : memref<!tpu.dma_semaphore, #tpu.memory_space<semaphore_mem>>)
        } else {
        }
        %dma_wait3A_127 = arith.constant 0 : i32
        %dma_wait3A_128 = arith.constant 0 : i32
        %dma_wait3A_129 = tpu.memref_slice %arg10[%rem3A_116, %dma_wait3A_127, %dma_wait3A_128] : memref<2x128x128xf32, #tpu.memory_space<vmem>> -> memref<1x128x128xf32, #tpu.memory_space<vmem>>
        %dma_wait3A_130 = tpu.memref_squeeze %dma_wait3A_129 : memref<1x128x128xf32, #tpu.memory_space<vmem>> -> memref<128x128xf32, #tpu.memory_space<vmem>>
        %dma_wait3A_131 = arith.constant 0 : i32
        %dma_wait3A_132 = tpu.memref_slice %arg8[%scan3A_114, %dma_wait3A_131] : memref<40x128xi32, #tpu.memory_space<vmem>> -> memref<1x128xi32, #tpu.memory_space<vmem>>
        %dma_wait3A_133 = tpu.memref_squeeze %dma_wait3A_132 : memref<1x128xi32, #tpu.memory_space<vmem>> -> memref<128xi32, #tpu.memory_space<vmem>>
        %dma_wait3A_134 = arith.constant 0 : i32
        %dma_wait3A_135 = arith.constant 0 : i32
        %dma_wait3A_136 = tpu.memref_slice %arg2[%dma_wait3A_134, %dma_wait3A_135] : memref<10000x128xf32, #tpu.memory_space<hbm>> -> memref<10000x128xf32, #tpu.memory_space<hbm>>
        tpu.wait_indirect_dma semaphore(%arg13 : memref<!tpu.dma_semaphore, #tpu.memory_space<semaphore_mem>>) src(%dma_wait3A_136 : memref<10000x128xf32, #tpu.memory_space<hbm>>) dst(%dma_wait3A_130 : memref<128x128xf32, #tpu.memory_space<vmem>>)
        %dma_start3A_137 = arith.constant 0 : i32
        %dma_start3A_138 = arith.constant 0 : i32
        %dma_start3A_139 = tpu.memref_slice %arg10[%rem3A_116, %dma_start3A_137, %dma_start3A_138] : memref<2x128x128xf32, #tpu.memory_space<vmem>> -> memref<1x128x128xf32, #tpu.memory_space<vmem>>
        %dma_start3A_140 = tpu.memref_squeeze %dma_start3A_139 : memref<1x128x128xf32, #tpu.memory_space<vmem>> -> memref<128x128xf32, #tpu.memory_space<vmem>>
        %dma_start3A_141 = arith.constant 0 : i32
        %dma_start3A_142 = tpu.memref_slice %arg9[%scan3A_114, %dma_start3A_141] : memref<40x128xi32, #tpu.memory_space<vmem>> -> memref<1x128xi32, #tpu.memory_space<vmem>>
        %dma_start3A_143 = tpu.memref_squeeze %dma_start3A_142 : memref<1x128xi32, #tpu.memory_space<vmem>> -> memref<128xi32, #tpu.memory_space<vmem>>
        %dma_start3A_144 = arith.constant 0 : i32
        %dma_start3A_145 = arith.constant 0 : i32
        %dma_start3A_146 = tpu.memref_slice %arg12[%dma_start3A_144, %dma_start3A_145] : memref<10128x128xf32, #tpu.memory_space<vmem_shared>> -> memref<10128x128xf32, #tpu.memory_space<vmem_shared>>
        tpu.enqueue_indirect_dma source(%dma_start3A_140 : memref<128x128xf32, #tpu.memory_space<vmem>>) target(%dma_start3A_146 : memref<10128x128xf32, #tpu.memory_space<vmem_shared>>) offsets(%dma_start3A_143 : memref<128xi32, #tpu.memory_space<vmem>>) semaphore(%arg14 : memref<!tpu.dma_semaphore, #tpu.memory_space<semaphore_mem>>) {add = true}
        %scan3A_147 = arith.constant 0 : i32
        scf.yield %scan3A_147 : i32
      }
      %scan3A_69 = arith.constant 40 : i32
      %dma_wait3A = arith.constant 1 : i32
      %dma_wait3A_70 = arith.constant 39 : i32
      %dma_wait3A_71 = arith.constant 0 : i32
      %dma_wait3A_72 = arith.constant 0 : i32
      %dma_wait3A_73 = tpu.memref_slice %arg10[%dma_wait3A, %dma_wait3A_71, %dma_wait3A_72] : memref<2x128x128xf32, #tpu.memory_space<vmem>> -> memref<1x128x128xf32, #tpu.memory_space<vmem>>
      %dma_wait3A_74 = tpu.memref_squeeze %dma_wait3A_73 : memref<1x128x128xf32, #tpu.memory_space<vmem>> -> memref<128x128xf32, #tpu.memory_space<vmem>>
      %dma_wait3A_75 = arith.constant 0 : i32
      %dma_wait3A_76 = tpu.memref_slice %arg9[%dma_wait3A_70, %dma_wait3A_75] : memref<40x128xi32, #tpu.memory_space<vmem>> -> memref<1x128xi32, #tpu.memory_space<vmem>>
      %dma_wait3A_77 = tpu.memref_squeeze %dma_wait3A_76 : memref<1x128xi32, #tpu.memory_space<vmem>> -> memref<128xi32, #tpu.memory_space<vmem>>
      %dma_wait3A_78 = arith.constant 0 : i32
      %dma_wait3A_79 = arith.constant 0 : i32
      %dma_wait3A_80 = tpu.memref_slice %arg12[%dma_wait3A_78, %dma_wait3A_79] : memref<10128x128xf32, #tpu.memory_space<vmem_shared>> -> memref<10128x128xf32, #tpu.memory_space<vmem_shared>>
      tpu.wait_indirect_dma semaphore(%arg14 : memref<!tpu.dma_semaphore, #tpu.memory_space<semaphore_mem>>) src(%dma_wait3A_74 : memref<128x128xf32, #tpu.memory_space<vmem>>) dst(%dma_wait3A_80 : memref<10128x128xf32, #tpu.memory_space<vmem_shared>>)
      %run_scoped3A_81 = arith.constant 1 : i32
      "tpu.region"() ({
        %run_scoped3A_114 = tpu.sem_alloc : memref<!tpu.dma_semaphore, #tpu.memory_space<semaphore_mem>>
        %dma_start3A_115 = arith.constant 0 : i32
        %dma_start3A_116 = arith.constant 0 : i32
        %dma_start3A_117 = tpu.memref_slice %arg4[%arg1, %run_scoped3A_81, %dma_start3A_115, %dma_start3A_116] : memref<16x2x40x128xi32, #tpu.memory_space<hbm>> -> memref<1x1x40x128xi32, #tpu.memory_space<hbm>>
        %dma_start3A_118 = tpu.memref_squeeze %dma_start3A_117 : memref<1x1x40x128xi32, #tpu.memory_space<hbm>> -> memref<40x128xi32, #tpu.memory_space<hbm>>
        %dma_start3A_119 = arith.constant 0 : i32
        %dma_start3A_120 = arith.constant 0 : i32
        %dma_start3A_121 = tpu.memref_slice %arg4[%arg1, %run_scoped3A_81, %dma_start3A_119, %dma_start3A_120] : memref<16x2x40x128xi32, #tpu.memory_space<hbm>> -> memref<1x1x40x128xi32, #tpu.memory_space<hbm>>
        %dma_start3A_122 = tpu.memref_squeeze %dma_start3A_121 : memref<1x1x40x128xi32, #tpu.memory_space<hbm>> -> memref<40x128xi32, #tpu.memory_space<hbm>>
        tpu.enqueue_dma source(%dma_start3A_122 : memref<40x128xi32, #tpu.memory_space<hbm>>) target(%arg8 : memref<40x128xi32, #tpu.memory_space<vmem>>) target_semaphore(%run_scoped3A_114 : memref<!tpu.dma_semaphore, #tpu.memory_space<semaphore_mem>>)
        %dma_wait3A_123 = arith.constant 0 : i32
        %dma_wait3A_124 = arith.constant 0 : i32
        %dma_wait3A_125 = tpu.memref_slice %arg4[%arg1, %run_scoped3A_81, %dma_wait3A_123, %dma_wait3A_124] : memref<16x2x40x128xi32, #tpu.memory_space<hbm>> -> memref<1x1x40x128xi32, #tpu.memory_space<hbm>>
        %dma_wait3A_126 = tpu.memref_squeeze %dma_wait3A_125 : memref<1x1x40x128xi32, #tpu.memory_space<hbm>> -> memref<40x128xi32, #tpu.memory_space<hbm>>
        %dma_wait3A_127 = arith.constant 0 : i32
        %dma_wait3A_128 = arith.constant 0 : i32
        %dma_wait3A_129 = tpu.memref_slice %arg4[%arg1, %run_scoped3A_81, %dma_wait3A_127, %dma_wait3A_128] : memref<16x2x40x128xi32, #tpu.memory_space<hbm>> -> memref<1x1x40x128xi32, #tpu.memory_space<hbm>>
        %dma_wait3A_130 = tpu.memref_squeeze %dma_wait3A_129 : memref<1x1x40x128xi32, #tpu.memory_space<hbm>> -> memref<40x128xi32, #tpu.memory_space<hbm>>
        tpu.wait_dma2 semaphore(%run_scoped3A_114 : memref<!tpu.dma_semaphore, #tpu.memory_space<semaphore_mem>>) src(%dma_wait3A_130 : memref<40x128xi32, #tpu.memory_space<hbm>>) dst(%arg8 : memref<40x128xi32, #tpu.memory_space<vmem>>)
        tpu.yield
      }) : () -> ()
      %run_scoped3A_82 = arith.constant 1 : i32
      "tpu.region"() ({
        %run_scoped3A_114 = tpu.sem_alloc : memref<!tpu.dma_semaphore, #tpu.memory_space<semaphore_mem>>
        %dma_start3A_115 = arith.constant 0 : i32
        %dma_start3A_116 = arith.constant 0 : i32
        %dma_start3A_117 = tpu.memref_slice %arg5[%arg1, %run_scoped3A_82, %dma_start3A_115, %dma_start3A_116] : memref<16x2x40x128xi32, #tpu.memory_space<hbm>> -> memref<1x1x40x128xi32, #tpu.memory_space<hbm>>
        %dma_start3A_118 = tpu.memref_squeeze %dma_start3A_117 : memref<1x1x40x128xi32, #tpu.memory_space<hbm>> -> memref<40x128xi32, #tpu.memory_space<hbm>>
        %dma_start3A_119 = arith.constant 0 : i32
        %dma_start3A_120 = arith.constant 0 : i32
        %dma_start3A_121 = tpu.memref_slice %arg5[%arg1, %run_scoped3A_82, %dma_start3A_119, %dma_start3A_120] : memref<16x2x40x128xi32, #tpu.memory_space<hbm>> -> memref<1x1x40x128xi32, #tpu.memory_space<hbm>>
        %dma_start3A_122 = tpu.memref_squeeze %dma_start3A_121 : memref<1x1x40x128xi32, #tpu.memory_space<hbm>> -> memref<40x128xi32, #tpu.memory_space<hbm>>
        tpu.enqueue_dma source(%dma_start3A_122 : memref<40x128xi32, #tpu.memory_space<hbm>>) target(%arg9 : memref<40x128xi32, #tpu.memory_space<vmem>>) target_semaphore(%run_scoped3A_114 : memref<!tpu.dma_semaphore, #tpu.memory_space<semaphore_mem>>)
        %dma_wait3A_123 = arith.constant 0 : i32
        %dma_wait3A_124 = arith.constant 0 : i32
        %dma_wait3A_125 = tpu.memref_slice %arg5[%arg1, %run_scoped3A_82, %dma_wait3A_123, %dma_wait3A_124] : memref<16x2x40x128xi32, #tpu.memory_space<hbm>> -> memref<1x1x40x128xi32, #tpu.memory_space<hbm>>
        %dma_wait3A_126 = tpu.memref_squeeze %dma_wait3A_125 : memref<1x1x40x128xi32, #tpu.memory_space<hbm>> -> memref<40x128xi32, #tpu.memory_space<hbm>>
        %dma_wait3A_127 = arith.constant 0 : i32
        %dma_wait3A_128 = arith.constant 0 : i32
        %dma_wait3A_129 = tpu.memref_slice %arg5[%arg1, %run_scoped3A_82, %dma_wait3A_127, %dma_wait3A_128] : memref<16x2x40x128xi32, #tpu.memory_space<hbm>> -> memref<1x1x40x128xi32, #tpu.memory_space<hbm>>
        %dma_wait3A_130 = tpu.memref_squeeze %dma_wait3A_129 : memref<1x1x40x128xi32, #tpu.memory_space<hbm>> -> memref<40x128xi32, #tpu.memory_space<hbm>>
        tpu.wait_dma2 semaphore(%run_scoped3A_114 : memref<!tpu.dma_semaphore, #tpu.memory_space<semaphore_mem>>) src(%dma_wait3A_130 : memref<40x128xi32, #tpu.memory_space<hbm>>) dst(%arg9 : memref<40x128xi32, #tpu.memory_space<vmem>>)
        tpu.yield
      }) : () -> ()
      %dma_start3A_83 = arith.constant 0 : i32
      %dma_start3A_84 = arith.constant 0 : i32
      %dma_start3A_85 = arith.constant 0 : i32
      %dma_start3A_86 = arith.constant 0 : i32
      %dma_start3A_87 = tpu.memref_slice %arg10[%dma_start3A_84, %dma_start3A_85, %dma_start3A_86] : memref<2x128x128xf32, #tpu.memory_space<vmem>> -> memref<1x128x128xf32, #tpu.memory_space<vmem>>
      %dma_start3A_88 = tpu.memref_squeeze %dma_start3A_87 : memref<1x128x128xf32, #tpu.memory_space<vmem>> -> memref<128x128xf32, #tpu.memory_space<vmem>>
      %dma_start3A_89 = arith.constant 0 : i32
      %dma_start3A_90 = tpu.memref_slice %arg8[%dma_start3A_83, %dma_start3A_89] : memref<40x128xi32, #tpu.memory_space<vmem>> -> memref<1x128xi32, #tpu.memory_space<vmem>>
      %dma_start3A_91 = tpu.memref_squeeze %dma_start3A_90 : memref<1x128xi32, #tpu.memory_space<vmem>> -> memref<128xi32, #tpu.memory_space<vmem>>
      %dma_start3A_92 = arith.constant 0 : i32
      %dma_start3A_93 = arith.constant 0 : i32
      %dma_start3A_94 = tpu.memref_slice %arg2[%dma_start3A_92, %dma_start3A_93] : memref<10000x128xf32, #tpu.memory_space<hbm>> -> memref<10000x128xf32, #tpu.memory_space<hbm>>
      tpu.enqueue_indirect_dma source(%dma_start3A_94 : memref<10000x128xf32, #tpu.memory_space<hbm>>) target(%dma_start3A_88 : memref<128x128xf32, #tpu.memory_space<vmem>>) offsets(%dma_start3A_91 : memref<128xi32, #tpu.memory_space<vmem>>) semaphore(%arg13 : memref<!tpu.dma_semaphore, #tpu.memory_space<semaphore_mem>>)
      %scan3A_95 = arith.constant 0 : i32
      %scan3A_96 = arith.constant 0 : i32
      %scan3A_97 = arith.constant 40 : i32
      %scan3A_98 = arith.addi %scan3A_96, %scan3A_97 : i32
      %scan3A_99 = arith.constant 1 : i32
      %scan3A_100 = scf.for %scan3A_114 = %scan3A_96 to %scan3A_98 step %scan3A_99 iter_args(%scan3A_115 = %scan3A_95) -> (i32)  : i32 {
        %rem3A = arith.constant 2 : i32
        %rem3A_116 = arith.remsi %scan3A_114, %rem3A : i32
        %ge3A = arith.constant 1 : i32
        %ge3A_117 = arith.cmpi sge, %scan3A_114, %ge3A : i32
        %convert_element_type3A_118 = arith.extui %ge3A_117 : i1 to i32
        %cond3A_119 = arith.constant 0 : i32
        %cond3A_120 = arith.cmpi ne, %convert_element_type3A_118, %cond3A_119 : i32
        scf.if %cond3A_120 {
          %sub3A_148 = arith.constant 1 : i32
          %sub3A_149 = arith.subi %scan3A_114, %sub3A_148 : i32
          %rem3A_150 = arith.constant 2 : i32
          %rem3A_151 = arith.remsi %sub3A_149, %rem3A_150 : i32
          %sub3A_152 = arith.constant 1 : i32
          %sub3A_153 = arith.subi %scan3A_114, %sub3A_152 : i32
          %dma_wait3A_154 = arith.constant 0 : i32
          %dma_wait3A_155 = arith.constant 0 : i32
          %dma_wait3A_156 = tpu.memref_slice %arg10[%rem3A_151, %dma_wait3A_154, %dma_wait3A_155] : memref<2x128x128xf32, #tpu.memory_space<vmem>> -> memref<1x128x128xf32, #tpu.memory_space<vmem>>
          %dma_wait3A_157 = tpu.memref_squeeze %dma_wait3A_156 : memref<1x128x128xf32, #tpu.memory_space<vmem>> -> memref<128x128xf32, #tpu.memory_space<vmem>>
          %dma_wait3A_158 = arith.constant 0 : i32
          %dma_wait3A_159 = tpu.memref_slice %arg9[%sub3A_153, %dma_wait3A_158] : memref<40x128xi32, #tpu.memory_space<vmem>> -> memref<1x128xi32, #tpu.memory_space<vmem>>
          %dma_wait3A_160 = tpu.memref_squeeze %dma_wait3A_159 : memref<1x128xi32, #tpu.memory_space<vmem>> -> memref<128xi32, #tpu.memory_space<vmem>>
          %dma_wait3A_161 = arith.constant 0 : i32
          %dma_wait3A_162 = arith.constant 0 : i32
          %dma_wait3A_163 = tpu.memref_slice %arg12[%dma_wait3A_161, %dma_wait3A_162] : memref<10128x128xf32, #tpu.memory_space<vmem_shared>> -> memref<10128x128xf32, #tpu.memory_space<vmem_shared>>
          tpu.wait_indirect_dma semaphore(%arg14 : memref<!tpu.dma_semaphore, #tpu.memory_space<semaphore_mem>>) src(%dma_wait3A_157 : memref<128x128xf32, #tpu.memory_space<vmem>>) dst(%dma_wait3A_163 : memref<10128x128xf32, #tpu.memory_space<vmem_shared>>)
        } else {
        }
        %add3A = arith.constant 2 : i32
        %add3A_121 = arith.addi %scan3A_114, %add3A : i32
        %sub3A = arith.constant 1 : i32
        %sub3A_122 = arith.subi %add3A_121, %sub3A : i32
        %lt3A = arith.constant 40 : i32
        %lt3A_123 = arith.cmpi slt, %sub3A_122, %lt3A : i32
        %convert_element_type3A_124 = arith.extui %lt3A_123 : i1 to i32
        %cond3A_125 = arith.constant 0 : i32
        %cond3A_126 = arith.cmpi ne, %convert_element_type3A_124, %cond3A_125 : i32
        scf.if %cond3A_126 {
          %add3A_148 = arith.constant 2 : i32
          %add3A_149 = arith.addi %scan3A_114, %add3A_148 : i32
          %sub3A_150 = arith.constant 1 : i32
          %sub3A_151 = arith.subi %add3A_149, %sub3A_150 : i32
          %rem3A_152 = arith.constant 2 : i32
          %rem3A_153 = arith.remsi %sub3A_151, %rem3A_152 : i32
          %add3A_154 = arith.constant 2 : i32
          %add3A_155 = arith.addi %scan3A_114, %add3A_154 : i32
          %sub3A_156 = arith.constant 1 : i32
          %sub3A_157 = arith.subi %add3A_155, %sub3A_156 : i32
          %dma_start3A_158 = arith.constant 0 : i32
          %dma_start3A_159 = arith.constant 0 : i32
          %dma_start3A_160 = tpu.memref_slice %arg10[%rem3A_153, %dma_start3A_158, %dma_start3A_159] : memref<2x128x128xf32, #tpu.memory_space<vmem>> -> memref<1x128x128xf32, #tpu.memory_space<vmem>>
          %dma_start3A_161 = tpu.memref_squeeze %dma_start3A_160 : memref<1x128x128xf32, #tpu.memory_space<vmem>> -> memref<128x128xf32, #tpu.memory_space<vmem>>
          %dma_start3A_162 = arith.constant 0 : i32
          %dma_start3A_163 = tpu.memref_slice %arg8[%sub3A_157, %dma_start3A_162] : memref<40x128xi32, #tpu.memory_space<vmem>> -> memref<1x128xi32, #tpu.memory_space<vmem>>
          %dma_start3A_164 = tpu.memref_squeeze %dma_start3A_163 : memref<1x128xi32, #tpu.memory_space<vmem>> -> memref<128xi32, #tpu.memory_space<vmem>>
          %dma_start3A_165 = arith.constant 0 : i32
          %dma_start3A_166 = arith.constant 0 : i32
          %dma_start3A_167 = tpu.memref_slice %arg2[%dma_start3A_165, %dma_start3A_166] : memref<10000x128xf32, #tpu.memory_space<hbm>> -> memref<10000x128xf32, #tpu.memory_space<hbm>>
          tpu.enqueue_indirect_dma source(%dma_start3A_167 : memref<10000x128xf32, #tpu.memory_space<hbm>>) target(%dma_start3A_161 : memref<128x128xf32, #tpu.memory_space<vmem>>) offsets(%dma_start3A_164 : memref<128xi32, #tpu.memory_space<vmem>>) semaphore(%arg13 : memref<!tpu.dma_semaphore, #tpu.memory_space<semaphore_mem>>)
        } else {
        }
        %dma_wait3A_127 = arith.constant 0 : i32
        %dma_wait3A_128 = arith.constant 0 : i32
        %dma_wait3A_129 = tpu.memref_slice %arg10[%rem3A_116, %dma_wait3A_127, %dma_wait3A_128] : memref<2x128x128xf32, #tpu.memory_space<vmem>> -> memref<1x128x128xf32, #tpu.memory_space<vmem>>
        %dma_wait3A_130 = tpu.memref_squeeze %dma_wait3A_129 : memref<1x128x128xf32, #tpu.memory_space<vmem>> -> memref<128x128xf32, #tpu.memory_space<vmem>>
        %dma_wait3A_131 = arith.constant 0 : i32
        %dma_wait3A_132 = tpu.memref_slice %arg8[%scan3A_114, %dma_wait3A_131] : memref<40x128xi32, #tpu.memory_space<vmem>> -> memref<1x128xi32, #tpu.memory_space<vmem>>
        %dma_wait3A_133 = tpu.memref_squeeze %dma_wait3A_132 : memref<1x128xi32, #tpu.memory_space<vmem>> -> memref<128xi32, #tpu.memory_space<vmem>>
        %dma_wait3A_134 = arith.constant 0 : i32
        %dma_wait3A_135 = arith.constant 0 : i32
        %dma_wait3A_136 = tpu.memref_slice %arg2[%dma_wait3A_134, %dma_wait3A_135] : memref<10000x128xf32, #tpu.memory_space<hbm>> -> memref<10000x128xf32, #tpu.memory_space<hbm>>
        tpu.wait_indirect_dma semaphore(%arg13 : memref<!tpu.dma_semaphore, #tpu.memory_space<semaphore_mem>>) src(%dma_wait3A_136 : memref<10000x128xf32, #tpu.memory_space<hbm>>) dst(%dma_wait3A_130 : memref<128x128xf32, #tpu.memory_space<vmem>>)
        %dma_start3A_137 = arith.constant 0 : i32
        %dma_start3A_138 = arith.constant 0 : i32
        %dma_start3A_139 = tpu.memref_slice %arg10[%rem3A_116, %dma_start3A_137, %dma_start3A_138] : memref<2x128x128xf32, #tpu.memory_space<vmem>> -> memref<1x128x128xf32, #tpu.memory_space<vmem>>
        %dma_start3A_140 = tpu.memref_squeeze %dma_start3A_139 : memref<1x128x128xf32, #tpu.memory_space<vmem>> -> memref<128x128xf32, #tpu.memory_space<vmem>>
        %dma_start3A_141 = arith.constant 0 : i32
        %dma_start3A_142 = tpu.memref_slice %arg9[%scan3A_114, %dma_start3A_141] : memref<40x128xi32, #tpu.memory_space<vmem>> -> memref<1x128xi32, #tpu.memory_space<vmem>>
        %dma_start3A_143 = tpu.memref_squeeze %dma_start3A_142 : memref<1x128xi32, #tpu.memory_space<vmem>> -> memref<128xi32, #tpu.memory_space<vmem>>
        %dma_start3A_144 = arith.constant 0 : i32
        %dma_start3A_145 = arith.constant 0 : i32
        %dma_start3A_146 = tpu.memref_slice %arg12[%dma_start3A_144, %dma_start3A_145] : memref<10128x128xf32, #tpu.memory_space<vmem_shared>> -> memref<10128x128xf32, #tpu.memory_space<vmem_shared>>
        tpu.enqueue_indirect_dma source(%dma_start3A_140 : memref<128x128xf32, #tpu.memory_space<vmem>>) target(%dma_start3A_146 : memref<10128x128xf32, #tpu.memory_space<vmem_shared>>) offsets(%dma_start3A_143 : memref<128xi32, #tpu.memory_space<vmem>>) semaphore(%arg14 : memref<!tpu.dma_semaphore, #tpu.memory_space<semaphore_mem>>) {add = true}
        %scan3A_147 = arith.constant 0 : i32
        scf.yield %scan3A_147 : i32
      }
      %scan3A_101 = arith.constant 40 : i32
      %dma_wait3A_102 = arith.constant 1 : i32
      %dma_wait3A_103 = arith.constant 39 : i32
      %dma_wait3A_104 = arith.constant 0 : i32
      %dma_wait3A_105 = arith.constant 0 : i32
      %dma_wait3A_106 = tpu.memref_slice %arg10[%dma_wait3A_102, %dma_wait3A_104, %dma_wait3A_105] : memref<2x128x128xf32, #tpu.memory_space<vmem>> -> memref<1x128x128xf32, #tpu.memory_space<vmem>>
      %dma_wait3A_107 = tpu.memref_squeeze %dma_wait3A_106 : memref<1x128x128xf32, #tpu.memory_space<vmem>> -> memref<128x128xf32, #tpu.memory_space<vmem>>
      %dma_wait3A_108 = arith.constant 0 : i32
      %dma_wait3A_109 = tpu.memref_slice %arg9[%dma_wait3A_103, %dma_wait3A_108] : memref<40x128xi32, #tpu.memory_space<vmem>> -> memref<1x128xi32, #tpu.memory_space<vmem>>
      %dma_wait3A_110 = tpu.memref_squeeze %dma_wait3A_109 : memref<1x128xi32, #tpu.memory_space<vmem>> -> memref<128xi32, #tpu.memory_space<vmem>>
      %dma_wait3A_111 = arith.constant 0 : i32
      %dma_wait3A_112 = arith.constant 0 : i32
      %dma_wait3A_113 = tpu.memref_slice %arg12[%dma_wait3A_111, %dma_wait3A_112] : memref<10128x128xf32, #tpu.memory_space<vmem_shared>> -> memref<10128x128xf32, #tpu.memory_space<vmem_shared>>
      tpu.wait_indirect_dma semaphore(%arg14 : memref<!tpu.dma_semaphore, #tpu.memory_space<semaphore_mem>>) src(%dma_wait3A_107 : memref<128x128xf32, #tpu.memory_space<vmem>>) dst(%dma_wait3A_113 : memref<10128x128xf32, #tpu.memory_space<vmem_shared>>)
    } else {
    }
    %eq3A_8 = arith.constant 1 : i32
    %eq3A_9 = arith.cmpi eq, %arg0, %eq3A_8 : i32
    %convert_element_type3A_10 = arith.extui %eq3A_9 : i1 to i32
    %cond3A_11 = arith.constant 0 : i32
    %cond3A_12 = arith.cmpi ne, %convert_element_type3A_10, %cond3A_11 : i32
    scf.if %cond3A_12 {
      %run_scoped3A = arith.constant 0 : i32
      "tpu.region"() ({
        %run_scoped3A_114 = tpu.sem_alloc : memref<!tpu.dma_semaphore, #tpu.memory_space<semaphore_mem>>
        %dma_start3A_115 = arith.constant 0 : i32
        %dma_start3A_116 = arith.constant 0 : i32
        %dma_start3A_117 = tpu.memref_slice %arg4[%arg1, %run_scoped3A, %dma_start3A_115, %dma_start3A_116] : memref<16x2x40x128xi32, #tpu.memory_space<hbm>> -> memref<1x1x40x128xi32, #tpu.memory_space<hbm>>
        %dma_start3A_118 = tpu.memref_squeeze %dma_start3A_117 : memref<1x1x40x128xi32, #tpu.memory_space<hbm>> -> memref<40x128xi32, #tpu.memory_space<hbm>>
        %dma_start3A_119 = arith.constant 0 : i32
        %dma_start3A_120 = arith.constant 0 : i32
        %dma_start3A_121 = tpu.memref_slice %arg4[%arg1, %run_scoped3A, %dma_start3A_119, %dma_start3A_120] : memref<16x2x40x128xi32, #tpu.memory_space<hbm>> -> memref<1x1x40x128xi32, #tpu.memory_space<hbm>>
        %dma_start3A_122 = tpu.memref_squeeze %dma_start3A_121 : memref<1x1x40x128xi32, #tpu.memory_space<hbm>> -> memref<40x128xi32, #tpu.memory_space<hbm>>
        tpu.enqueue_dma source(%dma_start3A_122 : memref<40x128xi32, #tpu.memory_space<hbm>>) target(%arg8 : memref<40x128xi32, #tpu.memory_space<vmem>>) target_semaphore(%run_scoped3A_114 : memref<!tpu.dma_semaphore, #tpu.memory_space<semaphore_mem>>)
        %dma_wait3A_123 = arith.constant 0 : i32
        %dma_wait3A_124 = arith.constant 0 : i32
        %dma_wait3A_125 = tpu.memref_slice %arg4[%arg1, %run_scoped3A, %dma_wait3A_123, %dma_wait3A_124] : memref<16x2x40x128xi32, #tpu.memory_space<hbm>> -> memref<1x1x40x128xi32, #tpu.memory_space<hbm>>
        %dma_wait3A_126 = tpu.memref_squeeze %dma_wait3A_125 : memref<1x1x40x128xi32, #tpu.memory_space<hbm>> -> memref<40x128xi32, #tpu.memory_space<hbm>>
        %dma_wait3A_127 = arith.constant 0 : i32
        %dma_wait3A_128 = arith.constant 0 : i32
        %dma_wait3A_129 = tpu.memref_slice %arg4[%arg1, %run_scoped3A, %dma_wait3A_127, %dma_wait3A_128] : memref<16x2x40x128xi32, #tpu.memory_space<hbm>> -> memref<1x1x40x128xi32, #tpu.memory_space<hbm>>
        %dma_wait3A_130 = tpu.memref_squeeze %dma_wait3A_129 : memref<1x1x40x128xi32, #tpu.memory_space<hbm>> -> memref<40x128xi32, #tpu.memory_space<hbm>>
        tpu.wait_dma2 semaphore(%run_scoped3A_114 : memref<!tpu.dma_semaphore, #tpu.memory_space<semaphore_mem>>) src(%dma_wait3A_130 : memref<40x128xi32, #tpu.memory_space<hbm>>) dst(%arg8 : memref<40x128xi32, #tpu.memory_space<vmem>>)
        tpu.yield
      }) : () -> ()
      %run_scoped3A_23 = arith.constant 0 : i32
      "tpu.region"() ({
        %run_scoped3A_114 = tpu.sem_alloc : memref<!tpu.dma_semaphore, #tpu.memory_space<semaphore_mem>>
        %dma_start3A_115 = arith.constant 0 : i32
        %dma_start3A_116 = arith.constant 0 : i32
        %dma_start3A_117 = tpu.memref_slice %arg5[%arg1, %run_scoped3A_23, %dma_start3A_115, %dma_start3A_116] : memref<16x2x40x128xi32, #tpu.memory_space<hbm>> -> memref<1x1x40x128xi32, #tpu.memory_space<hbm>>
        %dma_start3A_118 = tpu.memref_squeeze %dma_start3A_117 : memref<1x1x40x128xi32, #tpu.memory_space<hbm>> -> memref<40x128xi32, #tpu.memory_space<hbm>>
        %dma_start3A_119 = arith.constant 0 : i32
        %dma_start3A_120 = arith.constant 0 : i32
        %dma_start3A_121 = tpu.memref_slice %arg5[%arg1, %run_scoped3A_23, %dma_start3A_119, %dma_start3A_120] : memref<16x2x40x128xi32, #tpu.memory_space<hbm>> -> memref<1x1x40x128xi32, #tpu.memory_space<hbm>>
        %dma_start3A_122 = tpu.memref_squeeze %dma_start3A_121 : memref<1x1x40x128xi32, #tpu.memory_space<hbm>> -> memref<40x128xi32, #tpu.memory_space<hbm>>
        tpu.enqueue_dma source(%dma_start3A_122 : memref<40x128xi32, #tpu.memory_space<hbm>>) target(%arg9 : memref<40x128xi32, #tpu.memory_space<vmem>>) target_semaphore(%run_scoped3A_114 : memref<!tpu.dma_semaphore, #tpu.memory_space<semaphore_mem>>)
        %dma_wait3A_123 = arith.constant 0 : i32
        %dma_wait3A_124 = arith.constant 0 : i32
        %dma_wait3A_125 = tpu.memref_slice %arg5[%arg1, %run_scoped3A_23, %dma_wait3A_123, %dma_wait3A_124] : memref<16x2x40x128xi32, #tpu.memory_space<hbm>> -> memref<1x1x40x128xi32, #tpu.memory_space<hbm>>
        %dma_wait3A_126 = tpu.memref_squeeze %dma_wait3A_125 : memref<1x1x40x128xi32, #tpu.memory_space<hbm>> -> memref<40x128xi32, #tpu.memory_space<hbm>>
        %dma_wait3A_127 = arith.constant 0 : i32
        %dma_wait3A_128 = arith.constant 0 : i32
        %dma_wait3A_129 = tpu.memref_slice %arg5[%arg1, %run_scoped3A_23, %dma_wait3A_127, %dma_wait3A_128] : memref<16x2x40x128xi32, #tpu.memory_space<hbm>> -> memref<1x1x40x128xi32, #tpu.memory_space<hbm>>
        %dma_wait3A_130 = tpu.memref_squeeze %dma_wait3A_129 : memref<1x1x40x128xi32, #tpu.memory_space<hbm>> -> memref<40x128xi32, #tpu.memory_space<hbm>>
        tpu.wait_dma2 semaphore(%run_scoped3A_114 : memref<!tpu.dma_semaphore, #tpu.memory_space<semaphore_mem>>) src(%dma_wait3A_130 : memref<40x128xi32, #tpu.memory_space<hbm>>) dst(%arg9 : memref<40x128xi32, #tpu.memory_space<vmem>>)
        tpu.yield
      }) : () -> ()
      %dma_start3A = arith.constant 0 : i32
      %dma_start3A_24 = arith.constant 0 : i32
      %dma_start3A_25 = arith.constant 0 : i32
      %dma_start3A_26 = arith.constant 0 : i32
      %dma_start3A_27 = tpu.memref_slice %arg10[%dma_start3A_24, %dma_start3A_25, %dma_start3A_26] : memref<2x128x128xf32, #tpu.memory_space<vmem>> -> memref<1x128x128xf32, #tpu.memory_space<vmem>>
      %dma_start3A_28 = tpu.memref_squeeze %dma_start3A_27 : memref<1x128x128xf32, #tpu.memory_space<vmem>> -> memref<128x128xf32, #tpu.memory_space<vmem>>
      %dma_start3A_29 = arith.constant 0 : i32
      %dma_start3A_30 = tpu.memref_slice %arg8[%dma_start3A, %dma_start3A_29] : memref<40x128xi32, #tpu.memory_space<vmem>> -> memref<1x128xi32, #tpu.memory_space<vmem>>
      %dma_start3A_31 = tpu.memref_squeeze %dma_start3A_30 : memref<1x128xi32, #tpu.memory_space<vmem>> -> memref<128xi32, #tpu.memory_space<vmem>>
      %dma_start3A_32 = arith.constant 0 : i32
      %dma_start3A_33 = arith.constant 0 : i32
      %dma_start3A_34 = tpu.memref_slice %arg3[%dma_start3A_32, %dma_start3A_33] : memref<10000x128xf32, #tpu.memory_space<hbm>> -> memref<10000x128xf32, #tpu.memory_space<hbm>>
      tpu.enqueue_indirect_dma source(%dma_start3A_34 : memref<10000x128xf32, #tpu.memory_space<hbm>>) target(%dma_start3A_28 : memref<128x128xf32, #tpu.memory_space<vmem>>) offsets(%dma_start3A_31 : memref<128xi32, #tpu.memory_space<vmem>>) semaphore(%arg13 : memref<!tpu.dma_semaphore, #tpu.memory_space<semaphore_mem>>)
      %mul3A = arith.constant 624 : i32
      %mul3A_35 = arith.muli %arg1, %mul3A : i32
      %eq3A_36 = arith.constant 15 : i32
      %eq3A_37 = arith.cmpi eq, %arg1, %eq3A_36 : i32
      %jit3A = arith.constant 48 : i32
      %jit3A_38 = arith.constant 39 : i32
      %select_n3A = arith.select %eq3A_37, %jit3A, %jit3A_38 : i32
      %while3A = arith.constant 0 : i32
      %while3A_39 = arith.constant 0 : i32
      %while3A_40 = arith.subi %select_n3A, %while3A : i32
      %while3A_41 = arith.addi %while3A, %while3A_40 : i32
      %while3A_42 = arith.constant 1 : i32
      %while3A_43 = arith.divsi %while3A_40, %while3A_42 : i32
      %while3A_44 = arith.muli %while3A_43, %while3A_42 : i32
      %while3A_45 = arith.addi %while3A, %while3A_44 : i32
      %while3A_46 = arith.constant 1 : i32
      %while3A_47 = scf.for %while3A_114 = %while3A to %while3A_45 step %while3A_46 iter_args(%while3A_115 = %while3A_39) -> (i32)  : i32 {
        %mul3A_116 = arith.constant 16 : i32
        %mul3A_117 = arith.muli %while3A_114, %mul3A_116 : i32
        %add3A = arith.addi %mul3A_35, %mul3A_117 : i32
        %dma_start3A_118 = arith.constant 0 : i32
        %dma_start3A_119 = tpu.memref_slice %arg12[%add3A, %dma_start3A_118] : memref<10128x128xf32, #tpu.memory_space<vmem_shared>> -> memref<16x128xf32, #tpu.memory_space<vmem_shared>>
        %dma_start3A_120 = arith.constant 0 : i32
        %dma_start3A_121 = tpu.memref_slice %arg12[%add3A, %dma_start3A_120] : memref<10128x128xf32, #tpu.memory_space<vmem_shared>> -> memref<16x128xf32, #tpu.memory_space<vmem_shared>>
        tpu.enqueue_dma source(%arg11 : memref<16x128xf32, #tpu.memory_space<vmem>>) target(%dma_start3A_121 : memref<16x128xf32, #tpu.memory_space<vmem_shared>>) target_semaphore(%arg14 : memref<!tpu.dma_semaphore, #tpu.memory_space<semaphore_mem>>)
        %while3A_122 = arith.constant 0 : i32
        scf.yield %while3A_122 : i32
      }
      %while3A_48 = arith.constant 1 : i32
      %while3A_49 = scf.for %while3A_114 = %while3A_45 to %while3A_41 step %while3A_48 iter_args(%while3A_115 = %while3A_47) -> (i32)  : i32 {
        %mul3A_116 = arith.constant 16 : i32
        %mul3A_117 = arith.muli %while3A_114, %mul3A_116 : i32
        %add3A = arith.addi %mul3A_35, %mul3A_117 : i32
        %dma_start3A_118 = arith.constant 0 : i32
        %dma_start3A_119 = tpu.memref_slice %arg12[%add3A, %dma_start3A_118] : memref<10128x128xf32, #tpu.memory_space<vmem_shared>> -> memref<16x128xf32, #tpu.memory_space<vmem_shared>>
        %dma_start3A_120 = arith.constant 0 : i32
        %dma_start3A_121 = tpu.memref_slice %arg12[%add3A, %dma_start3A_120] : memref<10128x128xf32, #tpu.memory_space<vmem_shared>> -> memref<16x128xf32, #tpu.memory_space<vmem_shared>>
        tpu.enqueue_dma source(%arg11 : memref<16x128xf32, #tpu.memory_space<vmem>>) target(%dma_start3A_121 : memref<16x128xf32, #tpu.memory_space<vmem_shared>>) target_semaphore(%arg14 : memref<!tpu.dma_semaphore, #tpu.memory_space<semaphore_mem>>)
        %while3A_122 = arith.constant 0 : i32
        scf.yield %while3A_122 : i32
      }
      %while3A_50 = arith.constant 0 : i32
      %while3A_51 = arith.constant 0 : i32
      %while3A_52 = arith.subi %select_n3A, %while3A_50 : i32
      %while3A_53 = arith.addi %while3A_50, %while3A_52 : i32
      %while3A_54 = arith.constant 1 : i32
      %while3A_55 = arith.divsi %while3A_52, %while3A_54 : i32
      %while3A_56 = arith.muli %while3A_55, %while3A_54 : i32
      %while3A_57 = arith.addi %while3A_50, %while3A_56 : i32
      %while3A_58 = arith.constant 1 : i32
      %while3A_59 = scf.for %while3A_114 = %while3A_50 to %while3A_57 step %while3A_58 iter_args(%while3A_115 = %while3A_51) -> (i32)  : i32 {
        %mul3A_116 = arith.constant 16 : i32
        %mul3A_117 = arith.muli %while3A_114, %mul3A_116 : i32
        %add3A = arith.addi %mul3A_35, %mul3A_117 : i32
        %dma_wait3A_118 = arith.constant 0 : i32
        %dma_wait3A_119 = tpu.memref_slice %arg12[%add3A, %dma_wait3A_118] : memref<10128x128xf32, #tpu.memory_space<vmem_shared>> -> memref<16x128xf32, #tpu.memory_space<vmem_shared>>
        %dma_wait3A_120 = arith.constant 0 : i32
        %dma_wait3A_121 = tpu.memref_slice %arg12[%add3A, %dma_wait3A_120] : memref<10128x128xf32, #tpu.memory_space<vmem_shared>> -> memref<16x128xf32, #tpu.memory_space<vmem_shared>>
        tpu.wait_dma2 semaphore(%arg14 : memref<!tpu.dma_semaphore, #tpu.memory_space<semaphore_mem>>) src(%arg11 : memref<16x128xf32, #tpu.memory_space<vmem>>) dst(%dma_wait3A_121 : memref<16x128xf32, #tpu.memory_space<vmem_shared>>)
        %while3A_122 = arith.constant 0 : i32
        scf.yield %while3A_122 : i32
      }
      %while3A_60 = arith.constant 1 : i32
      %while3A_61 = scf.for %while3A_114 = %while3A_57 to %while3A_53 step %while3A_60 iter_args(%while3A_115 = %while3A_59) -> (i32)  : i32 {
        %mul3A_116 = arith.constant 16 : i32
        %mul3A_117 = arith.muli %while3A_114, %mul3A_116 : i32
        %add3A = arith.addi %mul3A_35, %mul3A_117 : i32
        %dma_wait3A_118 = arith.constant 0 : i32
        %dma_wait3A_119 = tpu.memref_slice %arg12[%add3A, %dma_wait3A_118] : memref<10128x128xf32, #tpu.memory_space<vmem_shared>> -> memref<16x128xf32, #tpu.memory_space<vmem_shared>>
        %dma_wait3A_120 = arith.constant 0 : i32
        %dma_wait3A_121 = tpu.memref_slice %arg12[%add3A, %dma_wait3A_120] : memref<10128x128xf32, #tpu.memory_space<vmem_shared>> -> memref<16x128xf32, #tpu.memory_space<vmem_shared>>
        tpu.wait_dma2 semaphore(%arg14 : memref<!tpu.dma_semaphore, #tpu.memory_space<semaphore_mem>>) src(%arg11 : memref<16x128xf32, #tpu.memory_space<vmem>>) dst(%dma_wait3A_121 : memref<16x128xf32, #tpu.memory_space<vmem_shared>>)
        %while3A_122 = arith.constant 0 : i32
        scf.yield %while3A_122 : i32
      }
      %barrier3A_62 = arith.constant 0 : index
      tpu.barrier barrier_id(%barrier3A_62)
      %scan3A_63 = arith.constant 0 : i32
      %scan3A_64 = arith.constant 0 : i32
      %scan3A_65 = arith.constant 40 : i32
      %scan3A_66 = arith.addi %scan3A_64, %scan3A_65 : i32
      %scan3A_67 = arith.constant 1 : i32
      %scan3A_68 = scf.for %scan3A_114 = %scan3A_64 to %scan3A_66 step %scan3A_67 iter_args(%scan3A_115 = %scan3A_63) -> (i32)  : i32 {
        %rem3A = arith.constant 2 : i32
        %rem3A_116 = arith.remsi %scan3A_114, %rem3A : i32
        %ge3A = arith.constant 1 : i32
        %ge3A_117 = arith.cmpi sge, %scan3A_114, %ge3A : i32
        %convert_element_type3A_118 = arith.extui %ge3A_117 : i1 to i32
        %cond3A_119 = arith.constant 0 : i32
        %cond3A_120 = arith.cmpi ne, %convert_element_type3A_118, %cond3A_119 : i32
        scf.if %cond3A_120 {
          %sub3A_148 = arith.constant 1 : i32
          %sub3A_149 = arith.subi %scan3A_114, %sub3A_148 : i32
          %rem3A_150 = arith.constant 2 : i32
          %rem3A_151 = arith.remsi %sub3A_149, %rem3A_150 : i32
          %sub3A_152 = arith.constant 1 : i32
          %sub3A_153 = arith.subi %scan3A_114, %sub3A_152 : i32
          %dma_wait3A_154 = arith.constant 0 : i32
          %dma_wait3A_155 = arith.constant 0 : i32
          %dma_wait3A_156 = tpu.memref_slice %arg10[%rem3A_151, %dma_wait3A_154, %dma_wait3A_155] : memref<2x128x128xf32, #tpu.memory_space<vmem>> -> memref<1x128x128xf32, #tpu.memory_space<vmem>>
          %dma_wait3A_157 = tpu.memref_squeeze %dma_wait3A_156 : memref<1x128x128xf32, #tpu.memory_space<vmem>> -> memref<128x128xf32, #tpu.memory_space<vmem>>
          %dma_wait3A_158 = arith.constant 0 : i32
          %dma_wait3A_159 = tpu.memref_slice %arg9[%sub3A_153, %dma_wait3A_158] : memref<40x128xi32, #tpu.memory_space<vmem>> -> memref<1x128xi32, #tpu.memory_space<vmem>>
          %dma_wait3A_160 = tpu.memref_squeeze %dma_wait3A_159 : memref<1x128xi32, #tpu.memory_space<vmem>> -> memref<128xi32, #tpu.memory_space<vmem>>
          %dma_wait3A_161 = arith.constant 0 : i32
          %dma_wait3A_162 = arith.constant 0 : i32
          %dma_wait3A_163 = tpu.memref_slice %arg12[%dma_wait3A_161, %dma_wait3A_162] : memref<10128x128xf32, #tpu.memory_space<vmem_shared>> -> memref<10128x128xf32, #tpu.memory_space<vmem_shared>>
          tpu.wait_indirect_dma semaphore(%arg14 : memref<!tpu.dma_semaphore, #tpu.memory_space<semaphore_mem>>) src(%dma_wait3A_157 : memref<128x128xf32, #tpu.memory_space<vmem>>) dst(%dma_wait3A_163 : memref<10128x128xf32, #tpu.memory_space<vmem_shared>>)
        } else {
        }
        %add3A = arith.constant 2 : i32
        %add3A_121 = arith.addi %scan3A_114, %add3A : i32
        %sub3A = arith.constant 1 : i32
        %sub3A_122 = arith.subi %add3A_121, %sub3A : i32
        %lt3A = arith.constant 40 : i32
        %lt3A_123 = arith.cmpi slt, %sub3A_122, %lt3A : i32
        %convert_element_type3A_124 = arith.extui %lt3A_123 : i1 to i32
        %cond3A_125 = arith.constant 0 : i32
        %cond3A_126 = arith.cmpi ne, %convert_element_type3A_124, %cond3A_125 : i32
        scf.if %cond3A_126 {
          %add3A_148 = arith.constant 2 : i32
          %add3A_149 = arith.addi %scan3A_114, %add3A_148 : i32
          %sub3A_150 = arith.constant 1 : i32
          %sub3A_151 = arith.subi %add3A_149, %sub3A_150 : i32
          %rem3A_152 = arith.constant 2 : i32
          %rem3A_153 = arith.remsi %sub3A_151, %rem3A_152 : i32
          %add3A_154 = arith.constant 2 : i32
          %add3A_155 = arith.addi %scan3A_114, %add3A_154 : i32
          %sub3A_156 = arith.constant 1 : i32
          %sub3A_157 = arith.subi %add3A_155, %sub3A_156 : i32
          %dma_start3A_158 = arith.constant 0 : i32
          %dma_start3A_159 = arith.constant 0 : i32
          %dma_start3A_160 = tpu.memref_slice %arg10[%rem3A_153, %dma_start3A_158, %dma_start3A_159] : memref<2x128x128xf32, #tpu.memory_space<vmem>> -> memref<1x128x128xf32, #tpu.memory_space<vmem>>
          %dma_start3A_161 = tpu.memref_squeeze %dma_start3A_160 : memref<1x128x128xf32, #tpu.memory_space<vmem>> -> memref<128x128xf32, #tpu.memory_space<vmem>>
          %dma_start3A_162 = arith.constant 0 : i32
          %dma_start3A_163 = tpu.memref_slice %arg8[%sub3A_157, %dma_start3A_162] : memref<40x128xi32, #tpu.memory_space<vmem>> -> memref<1x128xi32, #tpu.memory_space<vmem>>
          %dma_start3A_164 = tpu.memref_squeeze %dma_start3A_163 : memref<1x128xi32, #tpu.memory_space<vmem>> -> memref<128xi32, #tpu.memory_space<vmem>>
          %dma_start3A_165 = arith.constant 0 : i32
          %dma_start3A_166 = arith.constant 0 : i32
          %dma_start3A_167 = tpu.memref_slice %arg3[%dma_start3A_165, %dma_start3A_166] : memref<10000x128xf32, #tpu.memory_space<hbm>> -> memref<10000x128xf32, #tpu.memory_space<hbm>>
          tpu.enqueue_indirect_dma source(%dma_start3A_167 : memref<10000x128xf32, #tpu.memory_space<hbm>>) target(%dma_start3A_161 : memref<128x128xf32, #tpu.memory_space<vmem>>) offsets(%dma_start3A_164 : memref<128xi32, #tpu.memory_space<vmem>>) semaphore(%arg13 : memref<!tpu.dma_semaphore, #tpu.memory_space<semaphore_mem>>)
        } else {
        }
        %dma_wait3A_127 = arith.constant 0 : i32
        %dma_wait3A_128 = arith.constant 0 : i32
        %dma_wait3A_129 = tpu.memref_slice %arg10[%rem3A_116, %dma_wait3A_127, %dma_wait3A_128] : memref<2x128x128xf32, #tpu.memory_space<vmem>> -> memref<1x128x128xf32, #tpu.memory_space<vmem>>
        %dma_wait3A_130 = tpu.memref_squeeze %dma_wait3A_129 : memref<1x128x128xf32, #tpu.memory_space<vmem>> -> memref<128x128xf32, #tpu.memory_space<vmem>>
        %dma_wait3A_131 = arith.constant 0 : i32
        %dma_wait3A_132 = tpu.memref_slice %arg8[%scan3A_114, %dma_wait3A_131] : memref<40x128xi32, #tpu.memory_space<vmem>> -> memref<1x128xi32, #tpu.memory_space<vmem>>
        %dma_wait3A_133 = tpu.memref_squeeze %dma_wait3A_132 : memref<1x128xi32, #tpu.memory_space<vmem>> -> memref<128xi32, #tpu.memory_space<vmem>>
        %dma_wait3A_134 = arith.constant 0 : i32
        %dma_wait3A_135 = arith.constant 0 : i32
        %dma_wait3A_136 = tpu.memref_slice %arg3[%dma_wait3A_134, %dma_wait3A_135] : memref<10000x128xf32, #tpu.memory_space<hbm>> -> memref<10000x128xf32, #tpu.memory_space<hbm>>
        tpu.wait_indirect_dma semaphore(%arg13 : memref<!tpu.dma_semaphore, #tpu.memory_space<semaphore_mem>>) src(%dma_wait3A_136 : memref<10000x128xf32, #tpu.memory_space<hbm>>) dst(%dma_wait3A_130 : memref<128x128xf32, #tpu.memory_space<vmem>>)
        %dma_start3A_137 = arith.constant 0 : i32
        %dma_start3A_138 = arith.constant 0 : i32
        %dma_start3A_139 = tpu.memref_slice %arg10[%rem3A_116, %dma_start3A_137, %dma_start3A_138] : memref<2x128x128xf32, #tpu.memory_space<vmem>> -> memref<1x128x128xf32, #tpu.memory_space<vmem>>
        %dma_start3A_140 = tpu.memref_squeeze %dma_start3A_139 : memref<1x128x128xf32, #tpu.memory_space<vmem>> -> memref<128x128xf32, #tpu.memory_space<vmem>>
        %dma_start3A_141 = arith.constant 0 : i32
        %dma_start3A_142 = tpu.memref_slice %arg9[%scan3A_114, %dma_start3A_141] : memref<40x128xi32, #tpu.memory_space<vmem>> -> memref<1x128xi32, #tpu.memory_space<vmem>>
        %dma_start3A_143 = tpu.memref_squeeze %dma_start3A_142 : memref<1x128xi32, #tpu.memory_space<vmem>> -> memref<128xi32, #tpu.memory_space<vmem>>
        %dma_start3A_144 = arith.constant 0 : i32
        %dma_start3A_145 = arith.constant 0 : i32
        %dma_start3A_146 = tpu.memref_slice %arg12[%dma_start3A_144, %dma_start3A_145] : memref<10128x128xf32, #tpu.memory_space<vmem_shared>> -> memref<10128x128xf32, #tpu.memory_space<vmem_shared>>
        tpu.enqueue_indirect_dma source(%dma_start3A_140 : memref<128x128xf32, #tpu.memory_space<vmem>>) target(%dma_start3A_146 : memref<10128x128xf32, #tpu.memory_space<vmem_shared>>) offsets(%dma_start3A_143 : memref<128xi32, #tpu.memory_space<vmem>>) semaphore(%arg14 : memref<!tpu.dma_semaphore, #tpu.memory_space<semaphore_mem>>) {add = true}
        %scan3A_147 = arith.constant 0 : i32
        scf.yield %scan3A_147 : i32
      }
      %scan3A_69 = arith.constant 40 : i32
      %dma_wait3A = arith.constant 1 : i32
      %dma_wait3A_70 = arith.constant 39 : i32
      %dma_wait3A_71 = arith.constant 0 : i32
      %dma_wait3A_72 = arith.constant 0 : i32
      %dma_wait3A_73 = tpu.memref_slice %arg10[%dma_wait3A, %dma_wait3A_71, %dma_wait3A_72] : memref<2x128x128xf32, #tpu.memory_space<vmem>> -> memref<1x128x128xf32, #tpu.memory_space<vmem>>
      %dma_wait3A_74 = tpu.memref_squeeze %dma_wait3A_73 : memref<1x128x128xf32, #tpu.memory_space<vmem>> -> memref<128x128xf32, #tpu.memory_space<vmem>>
      %dma_wait3A_75 = arith.constant 0 : i32
      %dma_wait3A_76 = tpu.memref_slice %arg9[%dma_wait3A_70, %dma_wait3A_75] : memref<40x128xi32, #tpu.memory_space<vmem>> -> memref<1x128xi32, #tpu.memory_space<vmem>>
      %dma_wait3A_77 = tpu.memref_squeeze %dma_wait3A_76 : memref<1x128xi32, #tpu.memory_space<vmem>> -> memref<128xi32, #tpu.memory_space<vmem>>
      %dma_wait3A_78 = arith.constant 0 : i32
      %dma_wait3A_79 = arith.constant 0 : i32
      %dma_wait3A_80 = tpu.memref_slice %arg12[%dma_wait3A_78, %dma_wait3A_79] : memref<10128x128xf32, #tpu.memory_space<vmem_shared>> -> memref<10128x128xf32, #tpu.memory_space<vmem_shared>>
      tpu.wait_indirect_dma semaphore(%arg14 : memref<!tpu.dma_semaphore, #tpu.memory_space<semaphore_mem>>) src(%dma_wait3A_74 : memref<128x128xf32, #tpu.memory_space<vmem>>) dst(%dma_wait3A_80 : memref<10128x128xf32, #tpu.memory_space<vmem_shared>>)
      %run_scoped3A_81 = arith.constant 1 : i32
      "tpu.region"() ({
        %run_scoped3A_114 = tpu.sem_alloc : memref<!tpu.dma_semaphore, #tpu.memory_space<semaphore_mem>>
        %dma_start3A_115 = arith.constant 0 : i32
        %dma_start3A_116 = arith.constant 0 : i32
        %dma_start3A_117 = tpu.memref_slice %arg4[%arg1, %run_scoped3A_81, %dma_start3A_115, %dma_start3A_116] : memref<16x2x40x128xi32, #tpu.memory_space<hbm>> -> memref<1x1x40x128xi32, #tpu.memory_space<hbm>>
        %dma_start3A_118 = tpu.memref_squeeze %dma_start3A_117 : memref<1x1x40x128xi32, #tpu.memory_space<hbm>> -> memref<40x128xi32, #tpu.memory_space<hbm>>
        %dma_start3A_119 = arith.constant 0 : i32
        %dma_start3A_120 = arith.constant 0 : i32
        %dma_start3A_121 = tpu.memref_slice %arg4[%arg1, %run_scoped3A_81, %dma_start3A_119, %dma_start3A_120] : memref<16x2x40x128xi32, #tpu.memory_space<hbm>> -> memref<1x1x40x128xi32, #tpu.memory_space<hbm>>
        %dma_start3A_122 = tpu.memref_squeeze %dma_start3A_121 : memref<1x1x40x128xi32, #tpu.memory_space<hbm>> -> memref<40x128xi32, #tpu.memory_space<hbm>>
        tpu.enqueue_dma source(%dma_start3A_122 : memref<40x128xi32, #tpu.memory_space<hbm>>) target(%arg8 : memref<40x128xi32, #tpu.memory_space<vmem>>) target_semaphore(%run_scoped3A_114 : memref<!tpu.dma_semaphore, #tpu.memory_space<semaphore_mem>>)
        %dma_wait3A_123 = arith.constant 0 : i32
        %dma_wait3A_124 = arith.constant 0 : i32
        %dma_wait3A_125 = tpu.memref_slice %arg4[%arg1, %run_scoped3A_81, %dma_wait3A_123, %dma_wait3A_124] : memref<16x2x40x128xi32, #tpu.memory_space<hbm>> -> memref<1x1x40x128xi32, #tpu.memory_space<hbm>>
        %dma_wait3A_126 = tpu.memref_squeeze %dma_wait3A_125 : memref<1x1x40x128xi32, #tpu.memory_space<hbm>> -> memref<40x128xi32, #tpu.memory_space<hbm>>
        %dma_wait3A_127 = arith.constant 0 : i32
        %dma_wait3A_128 = arith.constant 0 : i32
        %dma_wait3A_129 = tpu.memref_slice %arg4[%arg1, %run_scoped3A_81, %dma_wait3A_127, %dma_wait3A_128] : memref<16x2x40x128xi32, #tpu.memory_space<hbm>> -> memref<1x1x40x128xi32, #tpu.memory_space<hbm>>
        %dma_wait3A_130 = tpu.memref_squeeze %dma_wait3A_129 : memref<1x1x40x128xi32, #tpu.memory_space<hbm>> -> memref<40x128xi32, #tpu.memory_space<hbm>>
        tpu.wait_dma2 semaphore(%run_scoped3A_114 : memref<!tpu.dma_semaphore, #tpu.memory_space<semaphore_mem>>) src(%dma_wait3A_130 : memref<40x128xi32, #tpu.memory_space<hbm>>) dst(%arg8 : memref<40x128xi32, #tpu.memory_space<vmem>>)
        tpu.yield
      }) : () -> ()
      %run_scoped3A_82 = arith.constant 1 : i32
      "tpu.region"() ({
        %run_scoped3A_114 = tpu.sem_alloc : memref<!tpu.dma_semaphore, #tpu.memory_space<semaphore_mem>>
        %dma_start3A_115 = arith.constant 0 : i32
        %dma_start3A_116 = arith.constant 0 : i32
        %dma_start3A_117 = tpu.memref_slice %arg5[%arg1, %run_scoped3A_82, %dma_start3A_115, %dma_start3A_116] : memref<16x2x40x128xi32, #tpu.memory_space<hbm>> -> memref<1x1x40x128xi32, #tpu.memory_space<hbm>>
        %dma_start3A_118 = tpu.memref_squeeze %dma_start3A_117 : memref<1x1x40x128xi32, #tpu.memory_space<hbm>> -> memref<40x128xi32, #tpu.memory_space<hbm>>
        %dma_start3A_119 = arith.constant 0 : i32
        %dma_start3A_120 = arith.constant 0 : i32
        %dma_start3A_121 = tpu.memref_slice %arg5[%arg1, %run_scoped3A_82, %dma_start3A_119, %dma_start3A_120] : memref<16x2x40x128xi32, #tpu.memory_space<hbm>> -> memref<1x1x40x128xi32, #tpu.memory_space<hbm>>
        %dma_start3A_122 = tpu.memref_squeeze %dma_start3A_121 : memref<1x1x40x128xi32, #tpu.memory_space<hbm>> -> memref<40x128xi32, #tpu.memory_space<hbm>>
        tpu.enqueue_dma source(%dma_start3A_122 : memref<40x128xi32, #tpu.memory_space<hbm>>) target(%arg9 : memref<40x128xi32, #tpu.memory_space<vmem>>) target_semaphore(%run_scoped3A_114 : memref<!tpu.dma_semaphore, #tpu.memory_space<semaphore_mem>>)
        %dma_wait3A_123 = arith.constant 0 : i32
        %dma_wait3A_124 = arith.constant 0 : i32
        %dma_wait3A_125 = tpu.memref_slice %arg5[%arg1, %run_scoped3A_82, %dma_wait3A_123, %dma_wait3A_124] : memref<16x2x40x128xi32, #tpu.memory_space<hbm>> -> memref<1x1x40x128xi32, #tpu.memory_space<hbm>>
        %dma_wait3A_126 = tpu.memref_squeeze %dma_wait3A_125 : memref<1x1x40x128xi32, #tpu.memory_space<hbm>> -> memref<40x128xi32, #tpu.memory_space<hbm>>
        %dma_wait3A_127 = arith.constant 0 : i32
        %dma_wait3A_128 = arith.constant 0 : i32
        %dma_wait3A_129 = tpu.memref_slice %arg5[%arg1, %run_scoped3A_82, %dma_wait3A_127, %dma_wait3A_128] : memref<16x2x40x128xi32, #tpu.memory_space<hbm>> -> memref<1x1x40x128xi32, #tpu.memory_space<hbm>>
        %dma_wait3A_130 = tpu.memref_squeeze %dma_wait3A_129 : memref<1x1x40x128xi32, #tpu.memory_space<hbm>> -> memref<40x128xi32, #tpu.memory_space<hbm>>
        tpu.wait_dma2 semaphore(%run_scoped3A_114 : memref<!tpu.dma_semaphore, #tpu.memory_space<semaphore_mem>>) src(%dma_wait3A_130 : memref<40x128xi32, #tpu.memory_space<hbm>>) dst(%arg9 : memref<40x128xi32, #tpu.memory_space<vmem>>)
        tpu.yield
      }) : () -> ()
      %dma_start3A_83 = arith.constant 0 : i32
      %dma_start3A_84 = arith.constant 0 : i32
      %dma_start3A_85 = arith.constant 0 : i32
      %dma_start3A_86 = arith.constant 0 : i32
      %dma_start3A_87 = tpu.memref_slice %arg10[%dma_start3A_84, %dma_start3A_85, %dma_start3A_86] : memref<2x128x128xf32, #tpu.memory_space<vmem>> -> memref<1x128x128xf32, #tpu.memory_space<vmem>>
      %dma_start3A_88 = tpu.memref_squeeze %dma_start3A_87 : memref<1x128x128xf32, #tpu.memory_space<vmem>> -> memref<128x128xf32, #tpu.memory_space<vmem>>
      %dma_start3A_89 = arith.constant 0 : i32
      %dma_start3A_90 = tpu.memref_slice %arg8[%dma_start3A_83, %dma_start3A_89] : memref<40x128xi32, #tpu.memory_space<vmem>> -> memref<1x128xi32, #tpu.memory_space<vmem>>
      %dma_start3A_91 = tpu.memref_squeeze %dma_start3A_90 : memref<1x128xi32, #tpu.memory_space<vmem>> -> memref<128xi32, #tpu.memory_space<vmem>>
      %dma_start3A_92 = arith.constant 0 : i32
      %dma_start3A_93 = arith.constant 0 : i32
      %dma_start3A_94 = tpu.memref_slice %arg3[%dma_start3A_92, %dma_start3A_93] : memref<10000x128xf32, #tpu.memory_space<hbm>> -> memref<10000x128xf32, #tpu.memory_space<hbm>>
      tpu.enqueue_indirect_dma source(%dma_start3A_94 : memref<10000x128xf32, #tpu.memory_space<hbm>>) target(%dma_start3A_88 : memref<128x128xf32, #tpu.memory_space<vmem>>) offsets(%dma_start3A_91 : memref<128xi32, #tpu.memory_space<vmem>>) semaphore(%arg13 : memref<!tpu.dma_semaphore, #tpu.memory_space<semaphore_mem>>)
      %scan3A_95 = arith.constant 0 : i32
      %scan3A_96 = arith.constant 0 : i32
      %scan3A_97 = arith.constant 40 : i32
      %scan3A_98 = arith.addi %scan3A_96, %scan3A_97 : i32
      %scan3A_99 = arith.constant 1 : i32
      %scan3A_100 = scf.for %scan3A_114 = %scan3A_96 to %scan3A_98 step %scan3A_99 iter_args(%scan3A_115 = %scan3A_95) -> (i32)  : i32 {
        %rem3A = arith.constant 2 : i32
        %rem3A_116 = arith.remsi %scan3A_114, %rem3A : i32
        %ge3A = arith.constant 1 : i32
        %ge3A_117 = arith.cmpi sge, %scan3A_114, %ge3A : i32
        %convert_element_type3A_118 = arith.extui %ge3A_117 : i1 to i32
        %cond3A_119 = arith.constant 0 : i32
        %cond3A_120 = arith.cmpi ne, %convert_element_type3A_118, %cond3A_119 : i32
        scf.if %cond3A_120 {
          %sub3A_148 = arith.constant 1 : i32
          %sub3A_149 = arith.subi %scan3A_114, %sub3A_148 : i32
          %rem3A_150 = arith.constant 2 : i32
          %rem3A_151 = arith.remsi %sub3A_149, %rem3A_150 : i32
          %sub3A_152 = arith.constant 1 : i32
          %sub3A_153 = arith.subi %scan3A_114, %sub3A_152 : i32
          %dma_wait3A_154 = arith.constant 0 : i32
          %dma_wait3A_155 = arith.constant 0 : i32
          %dma_wait3A_156 = tpu.memref_slice %arg10[%rem3A_151, %dma_wait3A_154, %dma_wait3A_155] : memref<2x128x128xf32, #tpu.memory_space<vmem>> -> memref<1x128x128xf32, #tpu.memory_space<vmem>>
          %dma_wait3A_157 = tpu.memref_squeeze %dma_wait3A_156 : memref<1x128x128xf32, #tpu.memory_space<vmem>> -> memref<128x128xf32, #tpu.memory_space<vmem>>
          %dma_wait3A_158 = arith.constant 0 : i32
          %dma_wait3A_159 = tpu.memref_slice %arg9[%sub3A_153, %dma_wait3A_158] : memref<40x128xi32, #tpu.memory_space<vmem>> -> memref<1x128xi32, #tpu.memory_space<vmem>>
          %dma_wait3A_160 = tpu.memref_squeeze %dma_wait3A_159 : memref<1x128xi32, #tpu.memory_space<vmem>> -> memref<128xi32, #tpu.memory_space<vmem>>
          %dma_wait3A_161 = arith.constant 0 : i32
          %dma_wait3A_162 = arith.constant 0 : i32
          %dma_wait3A_163 = tpu.memref_slice %arg12[%dma_wait3A_161, %dma_wait3A_162] : memref<10128x128xf32, #tpu.memory_space<vmem_shared>> -> memref<10128x128xf32, #tpu.memory_space<vmem_shared>>
          tpu.wait_indirect_dma semaphore(%arg14 : memref<!tpu.dma_semaphore, #tpu.memory_space<semaphore_mem>>) src(%dma_wait3A_157 : memref<128x128xf32, #tpu.memory_space<vmem>>) dst(%dma_wait3A_163 : memref<10128x128xf32, #tpu.memory_space<vmem_shared>>)
        } else {
        }
        %add3A = arith.constant 2 : i32
        %add3A_121 = arith.addi %scan3A_114, %add3A : i32
        %sub3A = arith.constant 1 : i32
        %sub3A_122 = arith.subi %add3A_121, %sub3A : i32
        %lt3A = arith.constant 40 : i32
        %lt3A_123 = arith.cmpi slt, %sub3A_122, %lt3A : i32
        %convert_element_type3A_124 = arith.extui %lt3A_123 : i1 to i32
        %cond3A_125 = arith.constant 0 : i32
        %cond3A_126 = arith.cmpi ne, %convert_element_type3A_124, %cond3A_125 : i32
        scf.if %cond3A_126 {
          %add3A_148 = arith.constant 2 : i32
          %add3A_149 = arith.addi %scan3A_114, %add3A_148 : i32
          %sub3A_150 = arith.constant 1 : i32
          %sub3A_151 = arith.subi %add3A_149, %sub3A_150 : i32
          %rem3A_152 = arith.constant 2 : i32
          %rem3A_153 = arith.remsi %sub3A_151, %rem3A_152 : i32
          %add3A_154 = arith.constant 2 : i32
          %add3A_155 = arith.addi %scan3A_114, %add3A_154 : i32
          %sub3A_156 = arith.constant 1 : i32
          %sub3A_157 = arith.subi %add3A_155, %sub3A_156 : i32
          %dma_start3A_158 = arith.constant 0 : i32
          %dma_start3A_159 = arith.constant 0 : i32
          %dma_start3A_160 = tpu.memref_slice %arg10[%rem3A_153, %dma_start3A_158, %dma_start3A_159] : memref<2x128x128xf32, #tpu.memory_space<vmem>> -> memref<1x128x128xf32, #tpu.memory_space<vmem>>
          %dma_start3A_161 = tpu.memref_squeeze %dma_start3A_160 : memref<1x128x128xf32, #tpu.memory_space<vmem>> -> memref<128x128xf32, #tpu.memory_space<vmem>>
          %dma_start3A_162 = arith.constant 0 : i32
          %dma_start3A_163 = tpu.memref_slice %arg8[%sub3A_157, %dma_start3A_162] : memref<40x128xi32, #tpu.memory_space<vmem>> -> memref<1x128xi32, #tpu.memory_space<vmem>>
          %dma_start3A_164 = tpu.memref_squeeze %dma_start3A_163 : memref<1x128xi32, #tpu.memory_space<vmem>> -> memref<128xi32, #tpu.memory_space<vmem>>
          %dma_start3A_165 = arith.constant 0 : i32
          %dma_start3A_166 = arith.constant 0 : i32
          %dma_start3A_167 = tpu.memref_slice %arg3[%dma_start3A_165, %dma_start3A_166] : memref<10000x128xf32, #tpu.memory_space<hbm>> -> memref<10000x128xf32, #tpu.memory_space<hbm>>
          tpu.enqueue_indirect_dma source(%dma_start3A_167 : memref<10000x128xf32, #tpu.memory_space<hbm>>) target(%dma_start3A_161 : memref<128x128xf32, #tpu.memory_space<vmem>>) offsets(%dma_start3A_164 : memref<128xi32, #tpu.memory_space<vmem>>) semaphore(%arg13 : memref<!tpu.dma_semaphore, #tpu.memory_space<semaphore_mem>>)
        } else {
        }
        %dma_wait3A_127 = arith.constant 0 : i32
        %dma_wait3A_128 = arith.constant 0 : i32
        %dma_wait3A_129 = tpu.memref_slice %arg10[%rem3A_116, %dma_wait3A_127, %dma_wait3A_128] : memref<2x128x128xf32, #tpu.memory_space<vmem>> -> memref<1x128x128xf32, #tpu.memory_space<vmem>>
        %dma_wait3A_130 = tpu.memref_squeeze %dma_wait3A_129 : memref<1x128x128xf32, #tpu.memory_space<vmem>> -> memref<128x128xf32, #tpu.memory_space<vmem>>
        %dma_wait3A_131 = arith.constant 0 : i32
        %dma_wait3A_132 = tpu.memref_slice %arg8[%scan3A_114, %dma_wait3A_131] : memref<40x128xi32, #tpu.memory_space<vmem>> -> memref<1x128xi32, #tpu.memory_space<vmem>>
        %dma_wait3A_133 = tpu.memref_squeeze %dma_wait3A_132 : memref<1x128xi32, #tpu.memory_space<vmem>> -> memref<128xi32, #tpu.memory_space<vmem>>
        %dma_wait3A_134 = arith.constant 0 : i32
        %dma_wait3A_135 = arith.constant 0 : i32
        %dma_wait3A_136 = tpu.memref_slice %arg3[%dma_wait3A_134, %dma_wait3A_135] : memref<10000x128xf32, #tpu.memory_space<hbm>> -> memref<10000x128xf32, #tpu.memory_space<hbm>>
        tpu.wait_indirect_dma semaphore(%arg13 : memref<!tpu.dma_semaphore, #tpu.memory_space<semaphore_mem>>) src(%dma_wait3A_136 : memref<10000x128xf32, #tpu.memory_space<hbm>>) dst(%dma_wait3A_130 : memref<128x128xf32, #tpu.memory_space<vmem>>)
        %dma_start3A_137 = arith.constant 0 : i32
        %dma_start3A_138 = arith.constant 0 : i32
        %dma_start3A_139 = tpu.memref_slice %arg10[%rem3A_116, %dma_start3A_137, %dma_start3A_138] : memref<2x128x128xf32, #tpu.memory_space<vmem>> -> memref<1x128x128xf32, #tpu.memory_space<vmem>>
        %dma_start3A_140 = tpu.memref_squeeze %dma_start3A_139 : memref<1x128x128xf32, #tpu.memory_space<vmem>> -> memref<128x128xf32, #tpu.memory_space<vmem>>
        %dma_start3A_141 = arith.constant 0 : i32
        %dma_start3A_142 = tpu.memref_slice %arg9[%scan3A_114, %dma_start3A_141] : memref<40x128xi32, #tpu.memory_space<vmem>> -> memref<1x128xi32, #tpu.memory_space<vmem>>
        %dma_start3A_143 = tpu.memref_squeeze %dma_start3A_142 : memref<1x128xi32, #tpu.memory_space<vmem>> -> memref<128xi32, #tpu.memory_space<vmem>>
        %dma_start3A_144 = arith.constant 0 : i32
        %dma_start3A_145 = arith.constant 0 : i32
        %dma_start3A_146 = tpu.memref_slice %arg12[%dma_start3A_144, %dma_start3A_145] : memref<10128x128xf32, #tpu.memory_space<vmem_shared>> -> memref<10128x128xf32, #tpu.memory_space<vmem_shared>>
        tpu.enqueue_indirect_dma source(%dma_start3A_140 : memref<128x128xf32, #tpu.memory_space<vmem>>) target(%dma_start3A_146 : memref<10128x128xf32, #tpu.memory_space<vmem_shared>>) offsets(%dma_start3A_143 : memref<128xi32, #tpu.memory_space<vmem>>) semaphore(%arg14 : memref<!tpu.dma_semaphore, #tpu.memory_space<semaphore_mem>>) {add = true}
        %scan3A_147 = arith.constant 0 : i32
        scf.yield %scan3A_147 : i32
      }
      %scan3A_101 = arith.constant 40 : i32
      %dma_wait3A_102 = arith.constant 1 : i32
      %dma_wait3A_103 = arith.constant 39 : i32
      %dma_wait3A_104 = arith.constant 0 : i32
      %dma_wait3A_105 = arith.constant 0 : i32
      %dma_wait3A_106 = tpu.memref_slice %arg10[%dma_wait3A_102, %dma_wait3A_104, %dma_wait3A_105] : memref<2x128x128xf32, #tpu.memory_space<vmem>> -> memref<1x128x128xf32, #tpu.memory_space<vmem>>
      %dma_wait3A_107 = tpu.memref_squeeze %dma_wait3A_106 : memref<1x128x128xf32, #tpu.memory_space<vmem>> -> memref<128x128xf32, #tpu.memory_space<vmem>>
      %dma_wait3A_108 = arith.constant 0 : i32
      %dma_wait3A_109 = tpu.memref_slice %arg9[%dma_wait3A_103, %dma_wait3A_108] : memref<40x128xi32, #tpu.memory_space<vmem>> -> memref<1x128xi32, #tpu.memory_space<vmem>>
      %dma_wait3A_110 = tpu.memref_squeeze %dma_wait3A_109 : memref<1x128xi32, #tpu.memory_space<vmem>> -> memref<128xi32, #tpu.memory_space<vmem>>
      %dma_wait3A_111 = arith.constant 0 : i32
      %dma_wait3A_112 = arith.constant 0 : i32
      %dma_wait3A_113 = tpu.memref_slice %arg12[%dma_wait3A_111, %dma_wait3A_112] : memref<10128x128xf32, #tpu.memory_space<vmem_shared>> -> memref<10128x128xf32, #tpu.memory_space<vmem_shared>>
      tpu.wait_indirect_dma semaphore(%arg14 : memref<!tpu.dma_semaphore, #tpu.memory_space<semaphore_mem>>) src(%dma_wait3A_107 : memref<128x128xf32, #tpu.memory_space<vmem>>) dst(%dma_wait3A_113 : memref<10128x128xf32, #tpu.memory_space<vmem_shared>>)
    } else {
    }
    %barrier3A = arith.constant 0 : index
    tpu.barrier barrier_id(%barrier3A)
    %eq3A_13 = arith.constant 0 : i32
    %eq3A_14 = arith.cmpi eq, %arg0, %eq3A_13 : i32
    %convert_element_type3A_15 = arith.extui %eq3A_14 : i1 to i32
    %cond3A_16 = arith.constant 0 : i32
    %cond3A_17 = arith.cmpi ne, %convert_element_type3A_15, %cond3A_16 : i32
    scf.if %cond3A_17 {
      %mul3A = arith.constant 624 : i32
      %mul3A_23 = arith.muli %arg1, %mul3A : i32
      "tpu.region"() ({
        %run_scoped3A = tpu.sem_alloc : memref<!tpu.dma_semaphore, #tpu.memory_space<semaphore_mem>>
        %dma_start3A = arith.constant 0 : i32
        %dma_start3A_29 = tpu.memref_slice %arg6[%mul3A_23, %dma_start3A] : memref<10000x128xf32, #tpu.memory_space<hbm>> -> memref<624x128xf32, #tpu.memory_space<hbm>>
        %dma_start3A_30 = arith.constant 0 : i32
        %dma_start3A_31 = tpu.memref_slice %arg12[%mul3A_23, %dma_start3A_30] : memref<10128x128xf32, #tpu.memory_space<vmem_shared>> -> memref<624x128xf32, #tpu.memory_space<vmem_shared>>
        tpu.enqueue_dma source(%dma_start3A_31 : memref<624x128xf32, #tpu.memory_space<vmem_shared>>) target(%dma_start3A_29 : memref<624x128xf32, #tpu.memory_space<hbm>>) target_semaphore(%run_scoped3A : memref<!tpu.dma_semaphore, #tpu.memory_space<semaphore_mem>>)
        %dma_wait3A = arith.constant 0 : i32
        %dma_wait3A_32 = tpu.memref_slice %arg6[%mul3A_23, %dma_wait3A] : memref<10000x128xf32, #tpu.memory_space<hbm>> -> memref<624x128xf32, #tpu.memory_space<hbm>>
        %dma_wait3A_33 = arith.constant 0 : i32
        %dma_wait3A_34 = tpu.memref_slice %arg12[%mul3A_23, %dma_wait3A_33] : memref<10128x128xf32, #tpu.memory_space<vmem_shared>> -> memref<624x128xf32, #tpu.memory_space<vmem_shared>>
        tpu.wait_dma2 semaphore(%run_scoped3A : memref<!tpu.dma_semaphore, #tpu.memory_space<semaphore_mem>>) src(%dma_wait3A_34 : memref<624x128xf32, #tpu.memory_space<vmem_shared>>) dst(%dma_wait3A_32 : memref<624x128xf32, #tpu.memory_space<hbm>>)
        tpu.yield
      }) : () -> ()
      %eq3A_24 = arith.constant 15 : i32
      %eq3A_25 = arith.cmpi eq, %arg1, %eq3A_24 : i32
      %convert_element_type3A_26 = arith.extui %eq3A_25 : i1 to i32
      %cond3A_27 = arith.constant 0 : i32
      %cond3A_28 = arith.cmpi ne, %convert_element_type3A_26, %cond3A_27 : i32
      scf.if %cond3A_28 {
        "tpu.region"() ({
          %run_scoped3A = tpu.sem_alloc : memref<!tpu.dma_semaphore, #tpu.memory_space<semaphore_mem>>
          %dma_start3A = arith.constant 9984 : i32
          %dma_start3A_29 = arith.constant 0 : i32
          %dma_start3A_30 = tpu.memref_slice %arg6[%dma_start3A, %dma_start3A_29] : memref<10000x128xf32, #tpu.memory_space<hbm>> -> memref<16x128xf32, #tpu.memory_space<hbm>>
          %dma_start3A_31 = arith.constant 9984 : i32
          %dma_start3A_32 = arith.constant 0 : i32
          %dma_start3A_33 = tpu.memref_slice %arg12[%dma_start3A_31, %dma_start3A_32] : memref<10128x128xf32, #tpu.memory_space<vmem_shared>> -> memref<16x128xf32, #tpu.memory_space<vmem_shared>>
          tpu.enqueue_dma source(%dma_start3A_33 : memref<16x128xf32, #tpu.memory_space<vmem_shared>>) target(%dma_start3A_30 : memref<16x128xf32, #tpu.memory_space<hbm>>) target_semaphore(%run_scoped3A : memref<!tpu.dma_semaphore, #tpu.memory_space<semaphore_mem>>)
          %dma_wait3A = arith.constant 9984 : i32
          %dma_wait3A_34 = arith.constant 0 : i32
          %dma_wait3A_35 = tpu.memref_slice %arg6[%dma_wait3A, %dma_wait3A_34] : memref<10000x128xf32, #tpu.memory_space<hbm>> -> memref<16x128xf32, #tpu.memory_space<hbm>>
          %dma_wait3A_36 = arith.constant 9984 : i32
          %dma_wait3A_37 = arith.constant 0 : i32
          %dma_wait3A_38 = tpu.memref_slice %arg12[%dma_wait3A_36, %dma_wait3A_37] : memref<10128x128xf32, #tpu.memory_space<vmem_shared>> -> memref<16x128xf32, #tpu.memory_space<vmem_shared>>
          tpu.wait_dma2 semaphore(%run_scoped3A : memref<!tpu.dma_semaphore, #tpu.memory_space<semaphore_mem>>) src(%dma_wait3A_38 : memref<16x128xf32, #tpu.memory_space<vmem_shared>>) dst(%dma_wait3A_35 : memref<16x128xf32, #tpu.memory_space<hbm>>)
          tpu.yield
        }) : () -> ()
      } else {
      }
    } else {
    }
    %eq3A_18 = arith.constant 1 : i32
    %eq3A_19 = arith.cmpi eq, %arg0, %eq3A_18 : i32
    %convert_element_type3A_20 = arith.extui %eq3A_19 : i1 to i32
    %cond3A_21 = arith.constant 0 : i32
    %cond3A_22 = arith.cmpi ne, %convert_element_type3A_20, %cond3A_21 : i32
    scf.if %cond3A_22 {
      %mul3A = arith.constant 624 : i32
      %mul3A_23 = arith.muli %arg1, %mul3A : i32
      "tpu.region"() ({
        %run_scoped3A = tpu.sem_alloc : memref<!tpu.dma_semaphore, #tpu.memory_space<semaphore_mem>>
        %dma_start3A = arith.constant 0 : i32
        %dma_start3A_29 = tpu.memref_slice %arg7[%mul3A_23, %dma_start3A] : memref<10000x128xf32, #tpu.memory_space<hbm>> -> memref<624x128xf32, #tpu.memory_space<hbm>>
        %dma_start3A_30 = arith.constant 0 : i32
        %dma_start3A_31 = tpu.memref_slice %arg12[%mul3A_23, %dma_start3A_30] : memref<10128x128xf32, #tpu.memory_space<vmem_shared>> -> memref<624x128xf32, #tpu.memory_space<vmem_shared>>
        tpu.enqueue_dma source(%dma_start3A_31 : memref<624x128xf32, #tpu.memory_space<vmem_shared>>) target(%dma_start3A_29 : memref<624x128xf32, #tpu.memory_space<hbm>>) target_semaphore(%run_scoped3A : memref<!tpu.dma_semaphore, #tpu.memory_space<semaphore_mem>>)
        %dma_wait3A = arith.constant 0 : i32
        %dma_wait3A_32 = tpu.memref_slice %arg7[%mul3A_23, %dma_wait3A] : memref<10000x128xf32, #tpu.memory_space<hbm>> -> memref<624x128xf32, #tpu.memory_space<hbm>>
        %dma_wait3A_33 = arith.constant 0 : i32
        %dma_wait3A_34 = tpu.memref_slice %arg12[%mul3A_23, %dma_wait3A_33] : memref<10128x128xf32, #tpu.memory_space<vmem_shared>> -> memref<624x128xf32, #tpu.memory_space<vmem_shared>>
        tpu.wait_dma2 semaphore(%run_scoped3A : memref<!tpu.dma_semaphore, #tpu.memory_space<semaphore_mem>>) src(%dma_wait3A_34 : memref<624x128xf32, #tpu.memory_space<vmem_shared>>) dst(%dma_wait3A_32 : memref<624x128xf32, #tpu.memory_space<hbm>>)
        tpu.yield
      }) : () -> ()
      %eq3A_24 = arith.constant 15 : i32
      %eq3A_25 = arith.cmpi eq, %arg1, %eq3A_24 : i32
      %convert_element_type3A_26 = arith.extui %eq3A_25 : i1 to i32
      %cond3A_27 = arith.constant 0 : i32
      %cond3A_28 = arith.cmpi ne, %convert_element_type3A_26, %cond3A_27 : i32
      scf.if %cond3A_28 {
        "tpu.region"() ({
          %run_scoped3A = tpu.sem_alloc : memref<!tpu.dma_semaphore, #tpu.memory_space<semaphore_mem>>
          %dma_start3A = arith.constant 9984 : i32
          %dma_start3A_29 = arith.constant 0 : i32
          %dma_start3A_30 = tpu.memref_slice %arg7[%dma_start3A, %dma_start3A_29] : memref<10000x128xf32, #tpu.memory_space<hbm>> -> memref<16x128xf32, #tpu.memory_space<hbm>>
          %dma_start3A_31 = arith.constant 9984 : i32
          %dma_start3A_32 = arith.constant 0 : i32
          %dma_start3A_33 = tpu.memref_slice %arg12[%dma_start3A_31, %dma_start3A_32] : memref<10128x128xf32, #tpu.memory_space<vmem_shared>> -> memref<16x128xf32, #tpu.memory_space<vmem_shared>>
          tpu.enqueue_dma source(%dma_start3A_33 : memref<16x128xf32, #tpu.memory_space<vmem_shared>>) target(%dma_start3A_30 : memref<16x128xf32, #tpu.memory_space<hbm>>) target_semaphore(%run_scoped3A : memref<!tpu.dma_semaphore, #tpu.memory_space<semaphore_mem>>)
          %dma_wait3A = arith.constant 9984 : i32
          %dma_wait3A_34 = arith.constant 0 : i32
          %dma_wait3A_35 = tpu.memref_slice %arg7[%dma_wait3A, %dma_wait3A_34] : memref<10000x128xf32, #tpu.memory_space<hbm>> -> memref<16x128xf32, #tpu.memory_space<hbm>>
          %dma_wait3A_36 = arith.constant 9984 : i32
          %dma_wait3A_37 = arith.constant 0 : i32
          %dma_wait3A_38 = tpu.memref_slice %arg12[%dma_wait3A_36, %dma_wait3A_37] : memref<10128x128xf32, #tpu.memory_space<vmem_shared>> -> memref<16x128xf32, #tpu.memory_space<vmem_shared>>
          tpu.wait_dma2 semaphore(%run_scoped3A : memref<!tpu.dma_semaphore, #tpu.memory_space<semaphore_mem>>) src(%dma_wait3A_38 : memref<16x128xf32, #tpu.memory_space<vmem_shared>>) dst(%dma_wait3A_35 : memref<16x128xf32, #tpu.memory_space<hbm>>)
          tpu.yield
        }) : () -> ()
      } else {
      }
    } else {
    }
    return
  }
}

#map = affine_map<(d0, d1) -> (0, 0)>
#map1 = affine_map<(d0, d1) -> (0, 0, 0, 0)>
module attributes {stable_mosaic.version = 14 : i64} {
  func.func @edge_kernel(%arg0: i32, %arg1: i32, %arg2: memref<10000x128xf32, #tpu.memory_space<hbm>>, %arg3: memref<10000x128xf32, #tpu.memory_space<hbm>>, %arg4: memref<16x2x40x128xi32, #tpu.memory_space<hbm>>, %arg5: memref<16x2x40x128xi32, #tpu.memory_space<hbm>>, %arg6: memref<10000x128xf32, #tpu.memory_space<hbm>>, %arg7: memref<10000x128xf32, #tpu.memory_space<hbm>>, %arg8: memref<40x128xi32, #tpu.memory_space<vmem>>, %arg9: memref<40x128xi32, #tpu.memory_space<vmem>>, %arg10: memref<2x128x128xf32, #tpu.memory_space<vmem>>, %arg11: memref<16x128xf32, #tpu.memory_space<vmem>>, %arg12: memref<10128x128xf32, #tpu.memory_space<vmem_shared>>, %arg13: memref<!tpu.dma_semaphore, #tpu.memory_space<semaphore_mem>>, %arg14: memref<!tpu.dma_semaphore, #tpu.memory_space<semaphore_mem>>) attributes {dimension_semantics = [#tpu.dimension_semantics<core_parallel>, #tpu.dimension_semantics<subcore_parallel>], iteration_bounds = array<i64: 2, 16>, scalar_prefetch = 0 : i64, scratch_operands = 7 : i64, tpu.core_type = #tpu.core_type<sc_vector_subcore>, window_params = [{transform_indices = #map}, {transform_indices = #map}, {transform_indices = #map1}, {transform_indices = #map1}, {transform_indices = #map}, {transform_indices = #map}]} {
    %scan3A = arith.constant 0 : i32
    %scan3A_0 = arith.constant 0 : i32
    %scan3A_1 = arith.constant 16 : i32
    %scan3A_2 = arith.addi %scan3A_0, %scan3A_1 : i32
    %scan3A_3 = arith.constant 1 : i32
    %scan3A_4 = scf.for %scan3A_23 = %scan3A_0 to %scan3A_2 step %scan3A_3 iter_args(%scan3A_24 = %scan3A) -> (i32)  : i32 {
      %broadcast_in_dim3A = arith.constant 0.000000e+00 : f32
      %broadcast_in_dim3A_25 = vector.broadcast %broadcast_in_dim3A : f32 to vector<16xf32>
      %swap3A = arith.index_cast %scan3A_23 : i32 to index
      %swap3A_26 = arith.constant 0 : index
      %swap3A_27 = tpu.vector_load %arg11[%swap3A, %swap3A_26] {strides = array<i32>} : memref<16x128xf32, #tpu.memory_space<vmem>>, vector<1x16xf32>,
      %swap3A_28 = vector.shape_cast %swap3A_27 : vector<1x16xf32> to vector<16xf32>
      %swap3A_29 = vector.shape_cast %broadcast_in_dim3A_25 : vector<16xf32> to vector<1x16xf32>
      tpu.vector_store %arg11[%swap3A, %swap3A_26], %swap3A_29 {strides = array<i32>} : memref<16x128xf32, #tpu.memory_space<vmem>>, vector<1x16xf32>,
      %broadcast_in_dim3A_30 = arith.constant 0.000000e+00 : f32
      %broadcast_in_dim3A_31 = vector.broadcast %broadcast_in_dim3A_30 : f32 to vector<16xf32>
      %swap3A_32 = arith.index_cast %scan3A_23 : i32 to index
      %swap3A_33 = arith.constant 16 : index
      %swap3A_34 = tpu.vector_load %arg11[%swap3A_32, %swap3A_33] {strides = array<i32>} : memref<16x128xf32, #tpu.memory_space<vmem>>, vector<1x16xf32>,
      %swap3A_35 = vector.shape_cast %swap3A_34 : vector<1x16xf32> to vector<16xf32>
      %swap3A_36 = vector.shape_cast %broadcast_in_dim3A_31 : vector<16xf32> to vector<1x16xf32>
      tpu.vector_store %arg11[%swap3A_32, %swap3A_33], %swap3A_36 {strides = array<i32>} : memref<16x128xf32, #tpu.memory_space<vmem>>, vector<1x16xf32>,
      %broadcast_in_dim3A_37 = arith.constant 0.000000e+00 : f32
      %broadcast_in_dim3A_38 = vector.broadcast %broadcast_in_dim3A_37 : f32 to vector<16xf32>
      %swap3A_39 = arith.index_cast %scan3A_23 : i32 to index
      %swap3A_40 = arith.constant 32 : index
      %swap3A_41 = tpu.vector_load %arg11[%swap3A_39, %swap3A_40] {strides = array<i32>} : memref<16x128xf32, #tpu.memory_space<vmem>>, vector<1x16xf32>,
      %swap3A_42 = vector.shape_cast %swap3A_41 : vector<1x16xf32> to vector<16xf32>
      %swap3A_43 = vector.shape_cast %broadcast_in_dim3A_38 : vector<16xf32> to vector<1x16xf32>
      tpu.vector_store %arg11[%swap3A_39, %swap3A_40], %swap3A_43 {strides = array<i32>} : memref<16x128xf32, #tpu.memory_space<vmem>>, vector<1x16xf32>,
      %broadcast_in_dim3A_44 = arith.constant 0.000000e+00 : f32
      %broadcast_in_dim3A_45 = vector.broadcast %broadcast_in_dim3A_44 : f32 to vector<16xf32>
      %swap3A_46 = arith.index_cast %scan3A_23 : i32 to index
      %swap3A_47 = arith.constant 48 : index
      %swap3A_48 = tpu.vector_load %arg11[%swap3A_46, %swap3A_47] {strides = array<i32>} : memref<16x128xf32, #tpu.memory_space<vmem>>, vector<1x16xf32>,
      %swap3A_49 = vector.shape_cast %swap3A_48 : vector<1x16xf32> to vector<16xf32>
      %swap3A_50 = vector.shape_cast %broadcast_in_dim3A_45 : vector<16xf32> to vector<1x16xf32>
      tpu.vector_store %arg11[%swap3A_46, %swap3A_47], %swap3A_50 {strides = array<i32>} : memref<16x128xf32, #tpu.memory_space<vmem>>, vector<1x16xf32>,
      %broadcast_in_dim3A_51 = arith.constant 0.000000e+00 : f32
      %broadcast_in_dim3A_52 = vector.broadcast %broadcast_in_dim3A_51 : f32 to vector<16xf32>
      %swap3A_53 = arith.index_cast %scan3A_23 : i32 to index
      %swap3A_54 = arith.constant 64 : index
      %swap3A_55 = tpu.vector_load %arg11[%swap3A_53, %swap3A_54] {strides = array<i32>} : memref<16x128xf32, #tpu.memory_space<vmem>>, vector<1x16xf32>,
      %swap3A_56 = vector.shape_cast %swap3A_55 : vector<1x16xf32> to vector<16xf32>
      %swap3A_57 = vector.shape_cast %broadcast_in_dim3A_52 : vector<16xf32> to vector<1x16xf32>
      tpu.vector_store %arg11[%swap3A_53, %swap3A_54], %swap3A_57 {strides = array<i32>} : memref<16x128xf32, #tpu.memory_space<vmem>>, vector<1x16xf32>,
      %broadcast_in_dim3A_58 = arith.constant 0.000000e+00 : f32
      %broadcast_in_dim3A_59 = vector.broadcast %broadcast_in_dim3A_58 : f32 to vector<16xf32>
      %swap3A_60 = arith.index_cast %scan3A_23 : i32 to index
      %swap3A_61 = arith.constant 80 : index
      %swap3A_62 = tpu.vector_load %arg11[%swap3A_60, %swap3A_61] {strides = array<i32>} : memref<16x128xf32, #tpu.memory_space<vmem>>, vector<1x16xf32>,
      %swap3A_63 = vector.shape_cast %swap3A_62 : vector<1x16xf32> to vector<16xf32>
      %swap3A_64 = vector.shape_cast %broadcast_in_dim3A_59 : vector<16xf32> to vector<1x16xf32>
      tpu.vector_store %arg11[%swap3A_60, %swap3A_61], %swap3A_64 {strides = array<i32>} : memref<16x128xf32, #tpu.memory_space<vmem>>, vector<1x16xf32>,
      %broadcast_in_dim3A_65 = arith.constant 0.000000e+00 : f32
      %broadcast_in_dim3A_66 = vector.broadcast %broadcast_in_dim3A_65 : f32 to vector<16xf32>
      %swap3A_67 = arith.index_cast %scan3A_23 : i32 to index
      %swap3A_68 = arith.constant 96 : index
      %swap3A_69 = tpu.vector_load %arg11[%swap3A_67, %swap3A_68] {strides = array<i32>} : memref<16x128xf32, #tpu.memory_space<vmem>>, vector<1x16xf32>,
      %swap3A_70 = vector.shape_cast %swap3A_69 : vector<1x16xf32> to vector<16xf32>
      %swap3A_71 = vector.shape_cast %broadcast_in_dim3A_66 : vector<16xf32> to vector<1x16xf32>
      tpu.vector_store %arg11[%swap3A_67, %swap3A_68], %swap3A_71 {strides = array<i32>} : memref<16x128xf32, #tpu.memory_space<vmem>>, vector<1x16xf32>,
      %broadcast_in_dim3A_72 = arith.constant 0.000000e+00 : f32
      %broadcast_in_dim3A_73 = vector.broadcast %broadcast_in_dim3A_72 : f32 to vector<16xf32>
      %swap3A_74 = arith.index_cast %scan3A_23 : i32 to index
      %swap3A_75 = arith.constant 112 : index
      %swap3A_76 = tpu.vector_load %arg11[%swap3A_74, %swap3A_75] {strides = array<i32>} : memref<16x128xf32, #tpu.memory_space<vmem>>, vector<1x16xf32>,
      %swap3A_77 = vector.shape_cast %swap3A_76 : vector<1x16xf32> to vector<16xf32>
      %swap3A_78 = vector.shape_cast %broadcast_in_dim3A_73 : vector<16xf32> to vector<1x16xf32>
      tpu.vector_store %arg11[%swap3A_74, %swap3A_75], %swap3A_78 {strides = array<i32>} : memref<16x128xf32, #tpu.memory_space<vmem>>, vector<1x16xf32>,
      %scan3A_79 = arith.constant 0 : i32
      scf.yield %scan3A_79 : i32
    }
    %scan3A_5 = arith.constant 16 : i32
    %eq3A = arith.constant 0 : i32
    %eq3A_6 = arith.cmpi eq, %arg0, %eq3A : i32
    %convert_element_type3A = arith.extui %eq3A_6 : i1 to i32
    %cond3A = arith.constant 0 : i32
    %cond3A_7 = arith.cmpi ne, %convert_element_type3A, %cond3A : i32
    scf.if %cond3A_7 {
      %run_scoped3A = arith.constant 0 : i32
      "tpu.region"() ({
        %run_scoped3A_114 = tpu.sem_alloc : memref<!tpu.dma_semaphore, #tpu.memory_space<semaphore_mem>>
        %dma_start3A_115 = arith.constant 0 : i32
        %dma_start3A_116 = arith.constant 0 : i32
        %dma_start3A_117 = tpu.memref_slice %arg4[%arg1, %run_scoped3A, %dma_start3A_115, %dma_start3A_116] : memref<16x2x40x128xi32, #tpu.memory_space<hbm>> -> memref<1x1x40x128xi32, #tpu.memory_space<hbm>>
        %dma_start3A_118 = tpu.memref_squeeze %dma_start3A_117 : memref<1x1x40x128xi32, #tpu.memory_space<hbm>> -> memref<40x128xi32, #tpu.memory_space<hbm>>
        %dma_start3A_119 = arith.constant 0 : i32
        %dma_start3A_120 = arith.constant 0 : i32
        %dma_start3A_121 = tpu.memref_slice %arg4[%arg1, %run_scoped3A, %dma_start3A_119, %dma_start3A_120] : memref<16x2x40x128xi32, #tpu.memory_space<hbm>> -> memref<1x1x40x128xi32, #tpu.memory_space<hbm>>
        %dma_start3A_122 = tpu.memref_squeeze %dma_start3A_121 : memref<1x1x40x128xi32, #tpu.memory_space<hbm>> -> memref<40x128xi32, #tpu.memory_space<hbm>>
        tpu.enqueue_dma source(%dma_start3A_122 : memref<40x128xi32, #tpu.memory_space<hbm>>) target(%arg8 : memref<40x128xi32, #tpu.memory_space<vmem>>) target_semaphore(%run_scoped3A_114 : memref<!tpu.dma_semaphore, #tpu.memory_space<semaphore_mem>>)
        %dma_wait3A_123 = arith.constant 0 : i32
        %dma_wait3A_124 = arith.constant 0 : i32
        %dma_wait3A_125 = tpu.memref_slice %arg4[%arg1, %run_scoped3A, %dma_wait3A_123, %dma_wait3A_124] : memref<16x2x40x128xi32, #tpu.memory_space<hbm>> -> memref<1x1x40x128xi32, #tpu.memory_space<hbm>>
        %dma_wait3A_126 = tpu.memref_squeeze %dma_wait3A_125 : memref<1x1x40x128xi32, #tpu.memory_space<hbm>> -> memref<40x128xi32, #tpu.memory_space<hbm>>
        %dma_wait3A_127 = arith.constant 0 : i32
        %dma_wait3A_128 = arith.constant 0 : i32
        %dma_wait3A_129 = tpu.memref_slice %arg4[%arg1, %run_scoped3A, %dma_wait3A_127, %dma_wait3A_128] : memref<16x2x40x128xi32, #tpu.memory_space<hbm>> -> memref<1x1x40x128xi32, #tpu.memory_space<hbm>>
        %dma_wait3A_130 = tpu.memref_squeeze %dma_wait3A_129 : memref<1x1x40x128xi32, #tpu.memory_space<hbm>> -> memref<40x128xi32, #tpu.memory_space<hbm>>
        tpu.wait_dma2 semaphore(%run_scoped3A_114 : memref<!tpu.dma_semaphore, #tpu.memory_space<semaphore_mem>>) src(%dma_wait3A_130 : memref<40x128xi32, #tpu.memory_space<hbm>>) dst(%arg8 : memref<40x128xi32, #tpu.memory_space<vmem>>)
        tpu.yield
      }) : () -> ()
      %run_scoped3A_23 = arith.constant 0 : i32
      "tpu.region"() ({
        %run_scoped3A_114 = tpu.sem_alloc : memref<!tpu.dma_semaphore, #tpu.memory_space<semaphore_mem>>
        %dma_start3A_115 = arith.constant 0 : i32
        %dma_start3A_116 = arith.constant 0 : i32
        %dma_start3A_117 = tpu.memref_slice %arg5[%arg1, %run_scoped3A_23, %dma_start3A_115, %dma_start3A_116] : memref<16x2x40x128xi32, #tpu.memory_space<hbm>> -> memref<1x1x40x128xi32, #tpu.memory_space<hbm>>
        %dma_start3A_118 = tpu.memref_squeeze %dma_start3A_117 : memref<1x1x40x128xi32, #tpu.memory_space<hbm>> -> memref<40x128xi32, #tpu.memory_space<hbm>>
        %dma_start3A_119 = arith.constant 0 : i32
        %dma_start3A_120 = arith.constant 0 : i32
        %dma_start3A_121 = tpu.memref_slice %arg5[%arg1, %run_scoped3A_23, %dma_start3A_119, %dma_start3A_120] : memref<16x2x40x128xi32, #tpu.memory_space<hbm>> -> memref<1x1x40x128xi32, #tpu.memory_space<hbm>>
        %dma_start3A_122 = tpu.memref_squeeze %dma_start3A_121 : memref<1x1x40x128xi32, #tpu.memory_space<hbm>> -> memref<40x128xi32, #tpu.memory_space<hbm>>
        tpu.enqueue_dma source(%dma_start3A_122 : memref<40x128xi32, #tpu.memory_space<hbm>>) target(%arg9 : memref<40x128xi32, #tpu.memory_space<vmem>>) target_semaphore(%run_scoped3A_114 : memref<!tpu.dma_semaphore, #tpu.memory_space<semaphore_mem>>)
        %dma_wait3A_123 = arith.constant 0 : i32
        %dma_wait3A_124 = arith.constant 0 : i32
        %dma_wait3A_125 = tpu.memref_slice %arg5[%arg1, %run_scoped3A_23, %dma_wait3A_123, %dma_wait3A_124] : memref<16x2x40x128xi32, #tpu.memory_space<hbm>> -> memref<1x1x40x128xi32, #tpu.memory_space<hbm>>
        %dma_wait3A_126 = tpu.memref_squeeze %dma_wait3A_125 : memref<1x1x40x128xi32, #tpu.memory_space<hbm>> -> memref<40x128xi32, #tpu.memory_space<hbm>>
        %dma_wait3A_127 = arith.constant 0 : i32
        %dma_wait3A_128 = arith.constant 0 : i32
        %dma_wait3A_129 = tpu.memref_slice %arg5[%arg1, %run_scoped3A_23, %dma_wait3A_127, %dma_wait3A_128] : memref<16x2x40x128xi32, #tpu.memory_space<hbm>> -> memref<1x1x40x128xi32, #tpu.memory_space<hbm>>
        %dma_wait3A_130 = tpu.memref_squeeze %dma_wait3A_129 : memref<1x1x40x128xi32, #tpu.memory_space<hbm>> -> memref<40x128xi32, #tpu.memory_space<hbm>>
        tpu.wait_dma2 semaphore(%run_scoped3A_114 : memref<!tpu.dma_semaphore, #tpu.memory_space<semaphore_mem>>) src(%dma_wait3A_130 : memref<40x128xi32, #tpu.memory_space<hbm>>) dst(%arg9 : memref<40x128xi32, #tpu.memory_space<vmem>>)
        tpu.yield
      }) : () -> ()
      %dma_start3A = arith.constant 0 : i32
      %dma_start3A_24 = arith.constant 0 : i32
      %dma_start3A_25 = arith.constant 0 : i32
      %dma_start3A_26 = arith.constant 0 : i32
      %dma_start3A_27 = tpu.memref_slice %arg10[%dma_start3A_24, %dma_start3A_25, %dma_start3A_26] : memref<2x128x128xf32, #tpu.memory_space<vmem>> -> memref<1x128x128xf32, #tpu.memory_space<vmem>>
      %dma_start3A_28 = tpu.memref_squeeze %dma_start3A_27 : memref<1x128x128xf32, #tpu.memory_space<vmem>> -> memref<128x128xf32, #tpu.memory_space<vmem>>
      %dma_start3A_29 = arith.constant 0 : i32
      %dma_start3A_30 = tpu.memref_slice %arg8[%dma_start3A, %dma_start3A_29] : memref<40x128xi32, #tpu.memory_space<vmem>> -> memref<1x128xi32, #tpu.memory_space<vmem>>
      %dma_start3A_31 = tpu.memref_squeeze %dma_start3A_30 : memref<1x128xi32, #tpu.memory_space<vmem>> -> memref<128xi32, #tpu.memory_space<vmem>>
      %dma_start3A_32 = arith.constant 0 : i32
      %dma_start3A_33 = arith.constant 0 : i32
      %dma_start3A_34 = tpu.memref_slice %arg2[%dma_start3A_32, %dma_start3A_33] : memref<10000x128xf32, #tpu.memory_space<hbm>> -> memref<10000x128xf32, #tpu.memory_space<hbm>>
      tpu.enqueue_indirect_dma source(%dma_start3A_34 : memref<10000x128xf32, #tpu.memory_space<hbm>>) target(%dma_start3A_28 : memref<128x128xf32, #tpu.memory_space<vmem>>) offsets(%dma_start3A_31 : memref<128xi32, #tpu.memory_space<vmem>>) semaphore(%arg13 : memref<!tpu.dma_semaphore, #tpu.memory_space<semaphore_mem>>)
      %mul3A = arith.constant 624 : i32
      %mul3A_35 = arith.muli %arg1, %mul3A : i32
      %eq3A_36 = arith.constant 15 : i32
      %eq3A_37 = arith.cmpi eq, %arg1, %eq3A_36 : i32
      %jit3A = arith.constant 48 : i32
      %jit3A_38 = arith.constant 39 : i32
      %select_n3A = arith.select %eq3A_37, %jit3A, %jit3A_38 : i32
      %while3A = arith.constant 0 : i32
      %while3A_39 = arith.constant 0 : i32
      %while3A_40 = arith.subi %select_n3A, %while3A : i32
      %while3A_41 = arith.addi %while3A, %while3A_40 : i32
      %while3A_42 = arith.constant 1 : i32
      %while3A_43 = arith.divsi %while3A_40, %while3A_42 : i32
      %while3A_44 = arith.muli %while3A_43, %while3A_42 : i32
      %while3A_45 = arith.addi %while3A, %while3A_44 : i32
      %while3A_46 = arith.constant 1 : i32
      %while3A_47 = scf.for %while3A_114 = %while3A to %while3A_45 step %while3A_46 iter_args(%while3A_115 = %while3A_39) -> (i32)  : i32 {
        %mul3A_116 = arith.constant 16 : i32
        %mul3A_117 = arith.muli %while3A_114, %mul3A_116 : i32
        %add3A = arith.addi %mul3A_35, %mul3A_117 : i32
        %dma_start3A_118 = arith.constant 0 : i32
        %dma_start3A_119 = tpu.memref_slice %arg12[%add3A, %dma_start3A_118] : memref<10128x128xf32, #tpu.memory_space<vmem_shared>> -> memref<16x128xf32, #tpu.memory_space<vmem_shared>>
        %dma_start3A_120 = arith.constant 0 : i32
        %dma_start3A_121 = tpu.memref_slice %arg12[%add3A, %dma_start3A_120] : memref<10128x128xf32, #tpu.memory_space<vmem_shared>> -> memref<16x128xf32, #tpu.memory_space<vmem_shared>>
        tpu.enqueue_dma source(%arg11 : memref<16x128xf32, #tpu.memory_space<vmem>>) target(%dma_start3A_121 : memref<16x128xf32, #tpu.memory_space<vmem_shared>>) target_semaphore(%arg14 : memref<!tpu.dma_semaphore, #tpu.memory_space<semaphore_mem>>)
        %while3A_122 = arith.constant 0 : i32
        scf.yield %while3A_122 : i32
      }
      %while3A_48 = arith.constant 1 : i32
      %while3A_49 = scf.for %while3A_114 = %while3A_45 to %while3A_41 step %while3A_48 iter_args(%while3A_115 = %while3A_47) -> (i32)  : i32 {
        %mul3A_116 = arith.constant 16 : i32
        %mul3A_117 = arith.muli %while3A_114, %mul3A_116 : i32
        %add3A = arith.addi %mul3A_35, %mul3A_117 : i32
        %dma_start3A_118 = arith.constant 0 : i32
        %dma_start3A_119 = tpu.memref_slice %arg12[%add3A, %dma_start3A_118] : memref<10128x128xf32, #tpu.memory_space<vmem_shared>> -> memref<16x128xf32, #tpu.memory_space<vmem_shared>>
        %dma_start3A_120 = arith.constant 0 : i32
        %dma_start3A_121 = tpu.memref_slice %arg12[%add3A, %dma_start3A_120] : memref<10128x128xf32, #tpu.memory_space<vmem_shared>> -> memref<16x128xf32, #tpu.memory_space<vmem_shared>>
        tpu.enqueue_dma source(%arg11 : memref<16x128xf32, #tpu.memory_space<vmem>>) target(%dma_start3A_121 : memref<16x128xf32, #tpu.memory_space<vmem_shared>>) target_semaphore(%arg14 : memref<!tpu.dma_semaphore, #tpu.memory_space<semaphore_mem>>)
        %while3A_122 = arith.constant 0 : i32
        scf.yield %while3A_122 : i32
      }
      %while3A_50 = arith.constant 0 : i32
      %while3A_51 = arith.constant 0 : i32
      %while3A_52 = arith.subi %select_n3A, %while3A_50 : i32
      %while3A_53 = arith.addi %while3A_50, %while3A_52 : i32
      %while3A_54 = arith.constant 1 : i32
      %while3A_55 = arith.divsi %while3A_52, %while3A_54 : i32
      %while3A_56 = arith.muli %while3A_55, %while3A_54 : i32
      %while3A_57 = arith.addi %while3A_50, %while3A_56 : i32
      %while3A_58 = arith.constant 1 : i32
      %while3A_59 = scf.for %while3A_114 = %while3A_50 to %while3A_57 step %while3A_58 iter_args(%while3A_115 = %while3A_51) -> (i32)  : i32 {
        %mul3A_116 = arith.constant 16 : i32
        %mul3A_117 = arith.muli %while3A_114, %mul3A_116 : i32
        %add3A = arith.addi %mul3A_35, %mul3A_117 : i32
        %dma_wait3A_118 = arith.constant 0 : i32
        %dma_wait3A_119 = tpu.memref_slice %arg12[%add3A, %dma_wait3A_118] : memref<10128x128xf32, #tpu.memory_space<vmem_shared>> -> memref<16x128xf32, #tpu.memory_space<vmem_shared>>
        %dma_wait3A_120 = arith.constant 0 : i32
        %dma_wait3A_121 = tpu.memref_slice %arg12[%add3A, %dma_wait3A_120] : memref<10128x128xf32, #tpu.memory_space<vmem_shared>> -> memref<16x128xf32, #tpu.memory_space<vmem_shared>>
        tpu.wait_dma2 semaphore(%arg14 : memref<!tpu.dma_semaphore, #tpu.memory_space<semaphore_mem>>) src(%arg11 : memref<16x128xf32, #tpu.memory_space<vmem>>) dst(%dma_wait3A_121 : memref<16x128xf32, #tpu.memory_space<vmem_shared>>)
        %while3A_122 = arith.constant 0 : i32
        scf.yield %while3A_122 : i32
      }
      %while3A_60 = arith.constant 1 : i32
      %while3A_61 = scf.for %while3A_114 = %while3A_57 to %while3A_53 step %while3A_60 iter_args(%while3A_115 = %while3A_59) -> (i32)  : i32 {
        %mul3A_116 = arith.constant 16 : i32
        %mul3A_117 = arith.muli %while3A_114, %mul3A_116 : i32
        %add3A = arith.addi %mul3A_35, %mul3A_117 : i32
        %dma_wait3A_118 = arith.constant 0 : i32
        %dma_wait3A_119 = tpu.memref_slice %arg12[%add3A, %dma_wait3A_118] : memref<10128x128xf32, #tpu.memory_space<vmem_shared>> -> memref<16x128xf32, #tpu.memory_space<vmem_shared>>
        %dma_wait3A_120 = arith.constant 0 : i32
        %dma_wait3A_121 = tpu.memref_slice %arg12[%add3A, %dma_wait3A_120] : memref<10128x128xf32, #tpu.memory_space<vmem_shared>> -> memref<16x128xf32, #tpu.memory_space<vmem_shared>>
        tpu.wait_dma2 semaphore(%arg14 : memref<!tpu.dma_semaphore, #tpu.memory_space<semaphore_mem>>) src(%arg11 : memref<16x128xf32, #tpu.memory_space<vmem>>) dst(%dma_wait3A_121 : memref<16x128xf32, #tpu.memory_space<vmem_shared>>)
        %while3A_122 = arith.constant 0 : i32
        scf.yield %while3A_122 : i32
      }
      %barrier3A_62 = arith.constant 0 : index
      tpu.barrier barrier_id(%barrier3A_62)
      %scan3A_63 = arith.constant 0 : i32
      %scan3A_64 = arith.constant 0 : i32
      %scan3A_65 = arith.constant 40 : i32
      %scan3A_66 = arith.addi %scan3A_64, %scan3A_65 : i32
      %scan3A_67 = arith.constant 1 : i32
      %scan3A_68 = scf.for %scan3A_114 = %scan3A_64 to %scan3A_66 step %scan3A_67 iter_args(%scan3A_115 = %scan3A_63) -> (i32)  : i32 {
        %rem3A = arith.constant 2 : i32
        %rem3A_116 = arith.remsi %scan3A_114, %rem3A : i32
        %ge3A = arith.constant 1 : i32
        %ge3A_117 = arith.cmpi sge, %scan3A_114, %ge3A : i32
        %convert_element_type3A_118 = arith.extui %ge3A_117 : i1 to i32
        %cond3A_119 = arith.constant 0 : i32
        %cond3A_120 = arith.cmpi ne, %convert_element_type3A_118, %cond3A_119 : i32
        scf.if %cond3A_120 {
          %sub3A_148 = arith.constant 1 : i32
          %sub3A_149 = arith.subi %scan3A_114, %sub3A_148 : i32
          %rem3A_150 = arith.constant 2 : i32
          %rem3A_151 = arith.remsi %sub3A_149, %rem3A_150 : i32
          %sub3A_152 = arith.constant 1 : i32
          %sub3A_153 = arith.subi %scan3A_114, %sub3A_152 : i32
          %dma_wait3A_154 = arith.constant 0 : i32
          %dma_wait3A_155 = arith.constant 0 : i32
          %dma_wait3A_156 = tpu.memref_slice %arg10[%rem3A_151, %dma_wait3A_154, %dma_wait3A_155] : memref<2x128x128xf32, #tpu.memory_space<vmem>> -> memref<1x128x128xf32, #tpu.memory_space<vmem>>
          %dma_wait3A_157 = tpu.memref_squeeze %dma_wait3A_156 : memref<1x128x128xf32, #tpu.memory_space<vmem>> -> memref<128x128xf32, #tpu.memory_space<vmem>>
          %dma_wait3A_158 = arith.constant 0 : i32
          %dma_wait3A_159 = tpu.memref_slice %arg9[%sub3A_153, %dma_wait3A_158] : memref<40x128xi32, #tpu.memory_space<vmem>> -> memref<1x128xi32, #tpu.memory_space<vmem>>
          %dma_wait3A_160 = tpu.memref_squeeze %dma_wait3A_159 : memref<1x128xi32, #tpu.memory_space<vmem>> -> memref<128xi32, #tpu.memory_space<vmem>>
          %dma_wait3A_161 = arith.constant 0 : i32
          %dma_wait3A_162 = arith.constant 0 : i32
          %dma_wait3A_163 = tpu.memref_slice %arg12[%dma_wait3A_161, %dma_wait3A_162] : memref<10128x128xf32, #tpu.memory_space<vmem_shared>> -> memref<10128x128xf32, #tpu.memory_space<vmem_shared>>
          tpu.wait_indirect_dma semaphore(%arg14 : memref<!tpu.dma_semaphore, #tpu.memory_space<semaphore_mem>>) src(%dma_wait3A_157 : memref<128x128xf32, #tpu.memory_space<vmem>>) dst(%dma_wait3A_163 : memref<10128x128xf32, #tpu.memory_space<vmem_shared>>)
        } else {
        }
        %add3A = arith.constant 2 : i32
        %add3A_121 = arith.addi %scan3A_114, %add3A : i32
        %sub3A = arith.constant 1 : i32
        %sub3A_122 = arith.subi %add3A_121, %sub3A : i32
        %lt3A = arith.constant 40 : i32
        %lt3A_123 = arith.cmpi slt, %sub3A_122, %lt3A : i32
        %convert_element_type3A_124 = arith.extui %lt3A_123 : i1 to i32
        %cond3A_125 = arith.constant 0 : i32
        %cond3A_126 = arith.cmpi ne, %convert_element_type3A_124, %cond3A_125 : i32
        scf.if %cond3A_126 {
          %add3A_148 = arith.constant 2 : i32
          %add3A_149 = arith.addi %scan3A_114, %add3A_148 : i32
          %sub3A_150 = arith.constant 1 : i32
          %sub3A_151 = arith.subi %add3A_149, %sub3A_150 : i32
          %rem3A_152 = arith.constant 2 : i32
          %rem3A_153 = arith.remsi %sub3A_151, %rem3A_152 : i32
          %add3A_154 = arith.constant 2 : i32
          %add3A_155 = arith.addi %scan3A_114, %add3A_154 : i32
          %sub3A_156 = arith.constant 1 : i32
          %sub3A_157 = arith.subi %add3A_155, %sub3A_156 : i32
          %dma_start3A_158 = arith.constant 0 : i32
          %dma_start3A_159 = arith.constant 0 : i32
          %dma_start3A_160 = tpu.memref_slice %arg10[%rem3A_153, %dma_start3A_158, %dma_start3A_159] : memref<2x128x128xf32, #tpu.memory_space<vmem>> -> memref<1x128x128xf32, #tpu.memory_space<vmem>>
          %dma_start3A_161 = tpu.memref_squeeze %dma_start3A_160 : memref<1x128x128xf32, #tpu.memory_space<vmem>> -> memref<128x128xf32, #tpu.memory_space<vmem>>
          %dma_start3A_162 = arith.constant 0 : i32
          %dma_start3A_163 = tpu.memref_slice %arg8[%sub3A_157, %dma_start3A_162] : memref<40x128xi32, #tpu.memory_space<vmem>> -> memref<1x128xi32, #tpu.memory_space<vmem>>
          %dma_start3A_164 = tpu.memref_squeeze %dma_start3A_163 : memref<1x128xi32, #tpu.memory_space<vmem>> -> memref<128xi32, #tpu.memory_space<vmem>>
          %dma_start3A_165 = arith.constant 0 : i32
          %dma_start3A_166 = arith.constant 0 : i32
          %dma_start3A_167 = tpu.memref_slice %arg2[%dma_start3A_165, %dma_start3A_166] : memref<10000x128xf32, #tpu.memory_space<hbm>> -> memref<10000x128xf32, #tpu.memory_space<hbm>>
          tpu.enqueue_indirect_dma source(%dma_start3A_167 : memref<10000x128xf32, #tpu.memory_space<hbm>>) target(%dma_start3A_161 : memref<128x128xf32, #tpu.memory_space<vmem>>) offsets(%dma_start3A_164 : memref<128xi32, #tpu.memory_space<vmem>>) semaphore(%arg13 : memref<!tpu.dma_semaphore, #tpu.memory_space<semaphore_mem>>)
        } else {
        }
        %dma_wait3A_127 = arith.constant 0 : i32
        %dma_wait3A_128 = arith.constant 0 : i32
        %dma_wait3A_129 = tpu.memref_slice %arg10[%rem3A_116, %dma_wait3A_127, %dma_wait3A_128] : memref<2x128x128xf32, #tpu.memory_space<vmem>> -> memref<1x128x128xf32, #tpu.memory_space<vmem>>
        %dma_wait3A_130 = tpu.memref_squeeze %dma_wait3A_129 : memref<1x128x128xf32, #tpu.memory_space<vmem>> -> memref<128x128xf32, #tpu.memory_space<vmem>>
        %dma_wait3A_131 = arith.constant 0 : i32
        %dma_wait3A_132 = tpu.memref_slice %arg8[%scan3A_114, %dma_wait3A_131] : memref<40x128xi32, #tpu.memory_space<vmem>> -> memref<1x128xi32, #tpu.memory_space<vmem>>
        %dma_wait3A_133 = tpu.memref_squeeze %dma_wait3A_132 : memref<1x128xi32, #tpu.memory_space<vmem>> -> memref<128xi32, #tpu.memory_space<vmem>>
        %dma_wait3A_134 = arith.constant 0 : i32
        %dma_wait3A_135 = arith.constant 0 : i32
        %dma_wait3A_136 = tpu.memref_slice %arg2[%dma_wait3A_134, %dma_wait3A_135] : memref<10000x128xf32, #tpu.memory_space<hbm>> -> memref<10000x128xf32, #tpu.memory_space<hbm>>
        tpu.wait_indirect_dma semaphore(%arg13 : memref<!tpu.dma_semaphore, #tpu.memory_space<semaphore_mem>>) src(%dma_wait3A_136 : memref<10000x128xf32, #tpu.memory_space<hbm>>) dst(%dma_wait3A_130 : memref<128x128xf32, #tpu.memory_space<vmem>>)
        %dma_start3A_137 = arith.constant 0 : i32
        %dma_start3A_138 = arith.constant 0 : i32
        %dma_start3A_139 = tpu.memref_slice %arg10[%rem3A_116, %dma_start3A_137, %dma_start3A_138] : memref<2x128x128xf32, #tpu.memory_space<vmem>> -> memref<1x128x128xf32, #tpu.memory_space<vmem>>
        %dma_start3A_140 = tpu.memref_squeeze %dma_start3A_139 : memref<1x128x128xf32, #tpu.memory_space<vmem>> -> memref<128x128xf32, #tpu.memory_space<vmem>>
        %dma_start3A_141 = arith.constant 0 : i32
        %dma_start3A_142 = tpu.memref_slice %arg9[%scan3A_114, %dma_start3A_141] : memref<40x128xi32, #tpu.memory_space<vmem>> -> memref<1x128xi32, #tpu.memory_space<vmem>>
        %dma_start3A_143 = tpu.memref_squeeze %dma_start3A_142 : memref<1x128xi32, #tpu.memory_space<vmem>> -> memref<128xi32, #tpu.memory_space<vmem>>
        %dma_start3A_144 = arith.constant 0 : i32
        %dma_start3A_145 = arith.constant 0 : i32
        %dma_start3A_146 = tpu.memref_slice %arg12[%dma_start3A_144, %dma_start3A_145] : memref<10128x128xf32, #tpu.memory_space<vmem_shared>> -> memref<10128x128xf32, #tpu.memory_space<vmem_shared>>
        tpu.enqueue_indirect_dma source(%dma_start3A_140 : memref<128x128xf32, #tpu.memory_space<vmem>>) target(%dma_start3A_146 : memref<10128x128xf32, #tpu.memory_space<vmem_shared>>) offsets(%dma_start3A_143 : memref<128xi32, #tpu.memory_space<vmem>>) semaphore(%arg14 : memref<!tpu.dma_semaphore, #tpu.memory_space<semaphore_mem>>) {add = true}
        %scan3A_147 = arith.constant 0 : i32
        scf.yield %scan3A_147 : i32
      }
      %scan3A_69 = arith.constant 40 : i32
      %dma_wait3A = arith.constant 1 : i32
      %dma_wait3A_70 = arith.constant 39 : i32
      %dma_wait3A_71 = arith.constant 0 : i32
      %dma_wait3A_72 = arith.constant 0 : i32
      %dma_wait3A_73 = tpu.memref_slice %arg10[%dma_wait3A, %dma_wait3A_71, %dma_wait3A_72] : memref<2x128x128xf32, #tpu.memory_space<vmem>> -> memref<1x128x128xf32, #tpu.memory_space<vmem>>
      %dma_wait3A_74 = tpu.memref_squeeze %dma_wait3A_73 : memref<1x128x128xf32, #tpu.memory_space<vmem>> -> memref<128x128xf32, #tpu.memory_space<vmem>>
      %dma_wait3A_75 = arith.constant 0 : i32
      %dma_wait3A_76 = tpu.memref_slice %arg9[%dma_wait3A_70, %dma_wait3A_75] : memref<40x128xi32, #tpu.memory_space<vmem>> -> memref<1x128xi32, #tpu.memory_space<vmem>>
      %dma_wait3A_77 = tpu.memref_squeeze %dma_wait3A_76 : memref<1x128xi32, #tpu.memory_space<vmem>> -> memref<128xi32, #tpu.memory_space<vmem>>
      %dma_wait3A_78 = arith.constant 0 : i32
      %dma_wait3A_79 = arith.constant 0 : i32
      %dma_wait3A_80 = tpu.memref_slice %arg12[%dma_wait3A_78, %dma_wait3A_79] : memref<10128x128xf32, #tpu.memory_space<vmem_shared>> -> memref<10128x128xf32, #tpu.memory_space<vmem_shared>>
      tpu.wait_indirect_dma semaphore(%arg14 : memref<!tpu.dma_semaphore, #tpu.memory_space<semaphore_mem>>) src(%dma_wait3A_74 : memref<128x128xf32, #tpu.memory_space<vmem>>) dst(%dma_wait3A_80 : memref<10128x128xf32, #tpu.memory_space<vmem_shared>>)
      %run_scoped3A_81 = arith.constant 1 : i32
      "tpu.region"() ({
        %run_scoped3A_114 = tpu.sem_alloc : memref<!tpu.dma_semaphore, #tpu.memory_space<semaphore_mem>>
        %dma_start3A_115 = arith.constant 0 : i32
        %dma_start3A_116 = arith.constant 0 : i32
        %dma_start3A_117 = tpu.memref_slice %arg4[%arg1, %run_scoped3A_81, %dma_start3A_115, %dma_start3A_116] : memref<16x2x40x128xi32, #tpu.memory_space<hbm>> -> memref<1x1x40x128xi32, #tpu.memory_space<hbm>>
        %dma_start3A_118 = tpu.memref_squeeze %dma_start3A_117 : memref<1x1x40x128xi32, #tpu.memory_space<hbm>> -> memref<40x128xi32, #tpu.memory_space<hbm>>
        %dma_start3A_119 = arith.constant 0 : i32
        %dma_start3A_120 = arith.constant 0 : i32
        %dma_start3A_121 = tpu.memref_slice %arg4[%arg1, %run_scoped3A_81, %dma_start3A_119, %dma_start3A_120] : memref<16x2x40x128xi32, #tpu.memory_space<hbm>> -> memref<1x1x40x128xi32, #tpu.memory_space<hbm>>
        %dma_start3A_122 = tpu.memref_squeeze %dma_start3A_121 : memref<1x1x40x128xi32, #tpu.memory_space<hbm>> -> memref<40x128xi32, #tpu.memory_space<hbm>>
        tpu.enqueue_dma source(%dma_start3A_122 : memref<40x128xi32, #tpu.memory_space<hbm>>) target(%arg8 : memref<40x128xi32, #tpu.memory_space<vmem>>) target_semaphore(%run_scoped3A_114 : memref<!tpu.dma_semaphore, #tpu.memory_space<semaphore_mem>>)
        %dma_wait3A_123 = arith.constant 0 : i32
        %dma_wait3A_124 = arith.constant 0 : i32
        %dma_wait3A_125 = tpu.memref_slice %arg4[%arg1, %run_scoped3A_81, %dma_wait3A_123, %dma_wait3A_124] : memref<16x2x40x128xi32, #tpu.memory_space<hbm>> -> memref<1x1x40x128xi32, #tpu.memory_space<hbm>>
        %dma_wait3A_126 = tpu.memref_squeeze %dma_wait3A_125 : memref<1x1x40x128xi32, #tpu.memory_space<hbm>> -> memref<40x128xi32, #tpu.memory_space<hbm>>
        %dma_wait3A_127 = arith.constant 0 : i32
        %dma_wait3A_128 = arith.constant 0 : i32
        %dma_wait3A_129 = tpu.memref_slice %arg4[%arg1, %run_scoped3A_81, %dma_wait3A_127, %dma_wait3A_128] : memref<16x2x40x128xi32, #tpu.memory_space<hbm>> -> memref<1x1x40x128xi32, #tpu.memory_space<hbm>>
        %dma_wait3A_130 = tpu.memref_squeeze %dma_wait3A_129 : memref<1x1x40x128xi32, #tpu.memory_space<hbm>> -> memref<40x128xi32, #tpu.memory_space<hbm>>
        tpu.wait_dma2 semaphore(%run_scoped3A_114 : memref<!tpu.dma_semaphore, #tpu.memory_space<semaphore_mem>>) src(%dma_wait3A_130 : memref<40x128xi32, #tpu.memory_space<hbm>>) dst(%arg8 : memref<40x128xi32, #tpu.memory_space<vmem>>)
        tpu.yield
      }) : () -> ()
      %run_scoped3A_82 = arith.constant 1 : i32
      "tpu.region"() ({
        %run_scoped3A_114 = tpu.sem_alloc : memref<!tpu.dma_semaphore, #tpu.memory_space<semaphore_mem>>
        %dma_start3A_115 = arith.constant 0 : i32
        %dma_start3A_116 = arith.constant 0 : i32
        %dma_start3A_117 = tpu.memref_slice %arg5[%arg1, %run_scoped3A_82, %dma_start3A_115, %dma_start3A_116] : memref<16x2x40x128xi32, #tpu.memory_space<hbm>> -> memref<1x1x40x128xi32, #tpu.memory_space<hbm>>
        %dma_start3A_118 = tpu.memref_squeeze %dma_start3A_117 : memref<1x1x40x128xi32, #tpu.memory_space<hbm>> -> memref<40x128xi32, #tpu.memory_space<hbm>>
        %dma_start3A_119 = arith.constant 0 : i32
        %dma_start3A_120 = arith.constant 0 : i32
        %dma_start3A_121 = tpu.memref_slice %arg5[%arg1, %run_scoped3A_82, %dma_start3A_119, %dma_start3A_120] : memref<16x2x40x128xi32, #tpu.memory_space<hbm>> -> memref<1x1x40x128xi32, #tpu.memory_space<hbm>>
        %dma_start3A_122 = tpu.memref_squeeze %dma_start3A_121 : memref<1x1x40x128xi32, #tpu.memory_space<hbm>> -> memref<40x128xi32, #tpu.memory_space<hbm>>
        tpu.enqueue_dma source(%dma_start3A_122 : memref<40x128xi32, #tpu.memory_space<hbm>>) target(%arg9 : memref<40x128xi32, #tpu.memory_space<vmem>>) target_semaphore(%run_scoped3A_114 : memref<!tpu.dma_semaphore, #tpu.memory_space<semaphore_mem>>)
        %dma_wait3A_123 = arith.constant 0 : i32
        %dma_wait3A_124 = arith.constant 0 : i32
        %dma_wait3A_125 = tpu.memref_slice %arg5[%arg1, %run_scoped3A_82, %dma_wait3A_123, %dma_wait3A_124] : memref<16x2x40x128xi32, #tpu.memory_space<hbm>> -> memref<1x1x40x128xi32, #tpu.memory_space<hbm>>
        %dma_wait3A_126 = tpu.memref_squeeze %dma_wait3A_125 : memref<1x1x40x128xi32, #tpu.memory_space<hbm>> -> memref<40x128xi32, #tpu.memory_space<hbm>>
        %dma_wait3A_127 = arith.constant 0 : i32
        %dma_wait3A_128 = arith.constant 0 : i32
        %dma_wait3A_129 = tpu.memref_slice %arg5[%arg1, %run_scoped3A_82, %dma_wait3A_127, %dma_wait3A_128] : memref<16x2x40x128xi32, #tpu.memory_space<hbm>> -> memref<1x1x40x128xi32, #tpu.memory_space<hbm>>
        %dma_wait3A_130 = tpu.memref_squeeze %dma_wait3A_129 : memref<1x1x40x128xi32, #tpu.memory_space<hbm>> -> memref<40x128xi32, #tpu.memory_space<hbm>>
        tpu.wait_dma2 semaphore(%run_scoped3A_114 : memref<!tpu.dma_semaphore, #tpu.memory_space<semaphore_mem>>) src(%dma_wait3A_130 : memref<40x128xi32, #tpu.memory_space<hbm>>) dst(%arg9 : memref<40x128xi32, #tpu.memory_space<vmem>>)
        tpu.yield
      }) : () -> ()
      %dma_start3A_83 = arith.constant 0 : i32
      %dma_start3A_84 = arith.constant 0 : i32
      %dma_start3A_85 = arith.constant 0 : i32
      %dma_start3A_86 = arith.constant 0 : i32
      %dma_start3A_87 = tpu.memref_slice %arg10[%dma_start3A_84, %dma_start3A_85, %dma_start3A_86] : memref<2x128x128xf32, #tpu.memory_space<vmem>> -> memref<1x128x128xf32, #tpu.memory_space<vmem>>
      %dma_start3A_88 = tpu.memref_squeeze %dma_start3A_87 : memref<1x128x128xf32, #tpu.memory_space<vmem>> -> memref<128x128xf32, #tpu.memory_space<vmem>>
      %dma_start3A_89 = arith.constant 0 : i32
      %dma_start3A_90 = tpu.memref_slice %arg8[%dma_start3A_83, %dma_start3A_89] : memref<40x128xi32, #tpu.memory_space<vmem>> -> memref<1x128xi32, #tpu.memory_space<vmem>>
      %dma_start3A_91 = tpu.memref_squeeze %dma_start3A_90 : memref<1x128xi32, #tpu.memory_space<vmem>> -> memref<128xi32, #tpu.memory_space<vmem>>
      %dma_start3A_92 = arith.constant 0 : i32
      %dma_start3A_93 = arith.constant 0 : i32
      %dma_start3A_94 = tpu.memref_slice %arg2[%dma_start3A_92, %dma_start3A_93] : memref<10000x128xf32, #tpu.memory_space<hbm>> -> memref<10000x128xf32, #tpu.memory_space<hbm>>
      tpu.enqueue_indirect_dma source(%dma_start3A_94 : memref<10000x128xf32, #tpu.memory_space<hbm>>) target(%dma_start3A_88 : memref<128x128xf32, #tpu.memory_space<vmem>>) offsets(%dma_start3A_91 : memref<128xi32, #tpu.memory_space<vmem>>) semaphore(%arg13 : memref<!tpu.dma_semaphore, #tpu.memory_space<semaphore_mem>>)
      %scan3A_95 = arith.constant 0 : i32
      %scan3A_96 = arith.constant 0 : i32
      %scan3A_97 = arith.constant 40 : i32
      %scan3A_98 = arith.addi %scan3A_96, %scan3A_97 : i32
      %scan3A_99 = arith.constant 1 : i32
      %scan3A_100 = scf.for %scan3A_114 = %scan3A_96 to %scan3A_98 step %scan3A_99 iter_args(%scan3A_115 = %scan3A_95) -> (i32)  : i32 {
        %rem3A = arith.constant 2 : i32
        %rem3A_116 = arith.remsi %scan3A_114, %rem3A : i32
        %ge3A = arith.constant 1 : i32
        %ge3A_117 = arith.cmpi sge, %scan3A_114, %ge3A : i32
        %convert_element_type3A_118 = arith.extui %ge3A_117 : i1 to i32
        %cond3A_119 = arith.constant 0 : i32
        %cond3A_120 = arith.cmpi ne, %convert_element_type3A_118, %cond3A_119 : i32
        scf.if %cond3A_120 {
          %sub3A_148 = arith.constant 1 : i32
          %sub3A_149 = arith.subi %scan3A_114, %sub3A_148 : i32
          %rem3A_150 = arith.constant 2 : i32
          %rem3A_151 = arith.remsi %sub3A_149, %rem3A_150 : i32
          %sub3A_152 = arith.constant 1 : i32
          %sub3A_153 = arith.subi %scan3A_114, %sub3A_152 : i32
          %dma_wait3A_154 = arith.constant 0 : i32
          %dma_wait3A_155 = arith.constant 0 : i32
          %dma_wait3A_156 = tpu.memref_slice %arg10[%rem3A_151, %dma_wait3A_154, %dma_wait3A_155] : memref<2x128x128xf32, #tpu.memory_space<vmem>> -> memref<1x128x128xf32, #tpu.memory_space<vmem>>
          %dma_wait3A_157 = tpu.memref_squeeze %dma_wait3A_156 : memref<1x128x128xf32, #tpu.memory_space<vmem>> -> memref<128x128xf32, #tpu.memory_space<vmem>>
          %dma_wait3A_158 = arith.constant 0 : i32
          %dma_wait3A_159 = tpu.memref_slice %arg9[%sub3A_153, %dma_wait3A_158] : memref<40x128xi32, #tpu.memory_space<vmem>> -> memref<1x128xi32, #tpu.memory_space<vmem>>
          %dma_wait3A_160 = tpu.memref_squeeze %dma_wait3A_159 : memref<1x128xi32, #tpu.memory_space<vmem>> -> memref<128xi32, #tpu.memory_space<vmem>>
          %dma_wait3A_161 = arith.constant 0 : i32
          %dma_wait3A_162 = arith.constant 0 : i32
          %dma_wait3A_163 = tpu.memref_slice %arg12[%dma_wait3A_161, %dma_wait3A_162] : memref<10128x128xf32, #tpu.memory_space<vmem_shared>> -> memref<10128x128xf32, #tpu.memory_space<vmem_shared>>
          tpu.wait_indirect_dma semaphore(%arg14 : memref<!tpu.dma_semaphore, #tpu.memory_space<semaphore_mem>>) src(%dma_wait3A_157 : memref<128x128xf32, #tpu.memory_space<vmem>>) dst(%dma_wait3A_163 : memref<10128x128xf32, #tpu.memory_space<vmem_shared>>)
        } else {
        }
        %add3A = arith.constant 2 : i32
        %add3A_121 = arith.addi %scan3A_114, %add3A : i32
        %sub3A = arith.constant 1 : i32
        %sub3A_122 = arith.subi %add3A_121, %sub3A : i32
        %lt3A = arith.constant 40 : i32
        %lt3A_123 = arith.cmpi slt, %sub3A_122, %lt3A : i32
        %convert_element_type3A_124 = arith.extui %lt3A_123 : i1 to i32
        %cond3A_125 = arith.constant 0 : i32
        %cond3A_126 = arith.cmpi ne, %convert_element_type3A_124, %cond3A_125 : i32
        scf.if %cond3A_126 {
          %add3A_148 = arith.constant 2 : i32
          %add3A_149 = arith.addi %scan3A_114, %add3A_148 : i32
          %sub3A_150 = arith.constant 1 : i32
          %sub3A_151 = arith.subi %add3A_149, %sub3A_150 : i32
          %rem3A_152 = arith.constant 2 : i32
          %rem3A_153 = arith.remsi %sub3A_151, %rem3A_152 : i32
          %add3A_154 = arith.constant 2 : i32
          %add3A_155 = arith.addi %scan3A_114, %add3A_154 : i32
          %sub3A_156 = arith.constant 1 : i32
          %sub3A_157 = arith.subi %add3A_155, %sub3A_156 : i32
          %dma_start3A_158 = arith.constant 0 : i32
          %dma_start3A_159 = arith.constant 0 : i32
          %dma_start3A_160 = tpu.memref_slice %arg10[%rem3A_153, %dma_start3A_158, %dma_start3A_159] : memref<2x128x128xf32, #tpu.memory_space<vmem>> -> memref<1x128x128xf32, #tpu.memory_space<vmem>>
          %dma_start3A_161 = tpu.memref_squeeze %dma_start3A_160 : memref<1x128x128xf32, #tpu.memory_space<vmem>> -> memref<128x128xf32, #tpu.memory_space<vmem>>
          %dma_start3A_162 = arith.constant 0 : i32
          %dma_start3A_163 = tpu.memref_slice %arg8[%sub3A_157, %dma_start3A_162] : memref<40x128xi32, #tpu.memory_space<vmem>> -> memref<1x128xi32, #tpu.memory_space<vmem>>
          %dma_start3A_164 = tpu.memref_squeeze %dma_start3A_163 : memref<1x128xi32, #tpu.memory_space<vmem>> -> memref<128xi32, #tpu.memory_space<vmem>>
          %dma_start3A_165 = arith.constant 0 : i32
          %dma_start3A_166 = arith.constant 0 : i32
          %dma_start3A_167 = tpu.memref_slice %arg2[%dma_start3A_165, %dma_start3A_166] : memref<10000x128xf32, #tpu.memory_space<hbm>> -> memref<10000x128xf32, #tpu.memory_space<hbm>>
          tpu.enqueue_indirect_dma source(%dma_start3A_167 : memref<10000x128xf32, #tpu.memory_space<hbm>>) target(%dma_start3A_161 : memref<128x128xf32, #tpu.memory_space<vmem>>) offsets(%dma_start3A_164 : memref<128xi32, #tpu.memory_space<vmem>>) semaphore(%arg13 : memref<!tpu.dma_semaphore, #tpu.memory_space<semaphore_mem>>)
        } else {
        }
        %dma_wait3A_127 = arith.constant 0 : i32
        %dma_wait3A_128 = arith.constant 0 : i32
        %dma_wait3A_129 = tpu.memref_slice %arg10[%rem3A_116, %dma_wait3A_127, %dma_wait3A_128] : memref<2x128x128xf32, #tpu.memory_space<vmem>> -> memref<1x128x128xf32, #tpu.memory_space<vmem>>
        %dma_wait3A_130 = tpu.memref_squeeze %dma_wait3A_129 : memref<1x128x128xf32, #tpu.memory_space<vmem>> -> memref<128x128xf32, #tpu.memory_space<vmem>>
        %dma_wait3A_131 = arith.constant 0 : i32
        %dma_wait3A_132 = tpu.memref_slice %arg8[%scan3A_114, %dma_wait3A_131] : memref<40x128xi32, #tpu.memory_space<vmem>> -> memref<1x128xi32, #tpu.memory_space<vmem>>
        %dma_wait3A_133 = tpu.memref_squeeze %dma_wait3A_132 : memref<1x128xi32, #tpu.memory_space<vmem>> -> memref<128xi32, #tpu.memory_space<vmem>>
        %dma_wait3A_134 = arith.constant 0 : i32
        %dma_wait3A_135 = arith.constant 0 : i32
        %dma_wait3A_136 = tpu.memref_slice %arg2[%dma_wait3A_134, %dma_wait3A_135] : memref<10000x128xf32, #tpu.memory_space<hbm>> -> memref<10000x128xf32, #tpu.memory_space<hbm>>
        tpu.wait_indirect_dma semaphore(%arg13 : memref<!tpu.dma_semaphore, #tpu.memory_space<semaphore_mem>>) src(%dma_wait3A_136 : memref<10000x128xf32, #tpu.memory_space<hbm>>) dst(%dma_wait3A_130 : memref<128x128xf32, #tpu.memory_space<vmem>>)
        %dma_start3A_137 = arith.constant 0 : i32
        %dma_start3A_138 = arith.constant 0 : i32
        %dma_start3A_139 = tpu.memref_slice %arg10[%rem3A_116, %dma_start3A_137, %dma_start3A_138] : memref<2x128x128xf32, #tpu.memory_space<vmem>> -> memref<1x128x128xf32, #tpu.memory_space<vmem>>
        %dma_start3A_140 = tpu.memref_squeeze %dma_start3A_139 : memref<1x128x128xf32, #tpu.memory_space<vmem>> -> memref<128x128xf32, #tpu.memory_space<vmem>>
        %dma_start3A_141 = arith.constant 0 : i32
        %dma_start3A_142 = tpu.memref_slice %arg9[%scan3A_114, %dma_start3A_141] : memref<40x128xi32, #tpu.memory_space<vmem>> -> memref<1x128xi32, #tpu.memory_space<vmem>>
        %dma_start3A_143 = tpu.memref_squeeze %dma_start3A_142 : memref<1x128xi32, #tpu.memory_space<vmem>> -> memref<128xi32, #tpu.memory_space<vmem>>
        %dma_start3A_144 = arith.constant 0 : i32
        %dma_start3A_145 = arith.constant 0 : i32
        %dma_start3A_146 = tpu.memref_slice %arg12[%dma_start3A_144, %dma_start3A_145] : memref<10128x128xf32, #tpu.memory_space<vmem_shared>> -> memref<10128x128xf32, #tpu.memory_space<vmem_shared>>
        tpu.enqueue_indirect_dma source(%dma_start3A_140 : memref<128x128xf32, #tpu.memory_space<vmem>>) target(%dma_start3A_146 : memref<10128x128xf32, #tpu.memory_space<vmem_shared>>) offsets(%dma_start3A_143 : memref<128xi32, #tpu.memory_space<vmem>>) semaphore(%arg14 : memref<!tpu.dma_semaphore, #tpu.memory_space<semaphore_mem>>) {add = true}
        %scan3A_147 = arith.constant 0 : i32
        scf.yield %scan3A_147 : i32
      }
      %scan3A_101 = arith.constant 40 : i32
      %dma_wait3A_102 = arith.constant 1 : i32
      %dma_wait3A_103 = arith.constant 39 : i32
      %dma_wait3A_104 = arith.constant 0 : i32
      %dma_wait3A_105 = arith.constant 0 : i32
      %dma_wait3A_106 = tpu.memref_slice %arg10[%dma_wait3A_102, %dma_wait3A_104, %dma_wait3A_105] : memref<2x128x128xf32, #tpu.memory_space<vmem>> -> memref<1x128x128xf32, #tpu.memory_space<vmem>>
      %dma_wait3A_107 = tpu.memref_squeeze %dma_wait3A_106 : memref<1x128x128xf32, #tpu.memory_space<vmem>> -> memref<128x128xf32, #tpu.memory_space<vmem>>
      %dma_wait3A_108 = arith.constant 0 : i32
      %dma_wait3A_109 = tpu.memref_slice %arg9[%dma_wait3A_103, %dma_wait3A_108] : memref<40x128xi32, #tpu.memory_space<vmem>> -> memref<1x128xi32, #tpu.memory_space<vmem>>
      %dma_wait3A_110 = tpu.memref_squeeze %dma_wait3A_109 : memref<1x128xi32, #tpu.memory_space<vmem>> -> memref<128xi32, #tpu.memory_space<vmem>>
      %dma_wait3A_111 = arith.constant 0 : i32
      %dma_wait3A_112 = arith.constant 0 : i32
      %dma_wait3A_113 = tpu.memref_slice %arg12[%dma_wait3A_111, %dma_wait3A_112] : memref<10128x128xf32, #tpu.memory_space<vmem_shared>> -> memref<10128x128xf32, #tpu.memory_space<vmem_shared>>
      tpu.wait_indirect_dma semaphore(%arg14 : memref<!tpu.dma_semaphore, #tpu.memory_space<semaphore_mem>>) src(%dma_wait3A_107 : memref<128x128xf32, #tpu.memory_space<vmem>>) dst(%dma_wait3A_113 : memref<10128x128xf32, #tpu.memory_space<vmem_shared>>)
    } else {
    }
    %eq3A_8 = arith.constant 1 : i32
    %eq3A_9 = arith.cmpi eq, %arg0, %eq3A_8 : i32
    %convert_element_type3A_10 = arith.extui %eq3A_9 : i1 to i32
    %cond3A_11 = arith.constant 0 : i32
    %cond3A_12 = arith.cmpi ne, %convert_element_type3A_10, %cond3A_11 : i32
    scf.if %cond3A_12 {
      %run_scoped3A = arith.constant 0 : i32
      "tpu.region"() ({
        %run_scoped3A_114 = tpu.sem_alloc : memref<!tpu.dma_semaphore, #tpu.memory_space<semaphore_mem>>
        %dma_start3A_115 = arith.constant 0 : i32
        %dma_start3A_116 = arith.constant 0 : i32
        %dma_start3A_117 = tpu.memref_slice %arg4[%arg1, %run_scoped3A, %dma_start3A_115, %dma_start3A_116] : memref<16x2x40x128xi32, #tpu.memory_space<hbm>> -> memref<1x1x40x128xi32, #tpu.memory_space<hbm>>
        %dma_start3A_118 = tpu.memref_squeeze %dma_start3A_117 : memref<1x1x40x128xi32, #tpu.memory_space<hbm>> -> memref<40x128xi32, #tpu.memory_space<hbm>>
        %dma_start3A_119 = arith.constant 0 : i32
        %dma_start3A_120 = arith.constant 0 : i32
        %dma_start3A_121 = tpu.memref_slice %arg4[%arg1, %run_scoped3A, %dma_start3A_119, %dma_start3A_120] : memref<16x2x40x128xi32, #tpu.memory_space<hbm>> -> memref<1x1x40x128xi32, #tpu.memory_space<hbm>>
        %dma_start3A_122 = tpu.memref_squeeze %dma_start3A_121 : memref<1x1x40x128xi32, #tpu.memory_space<hbm>> -> memref<40x128xi32, #tpu.memory_space<hbm>>
        tpu.enqueue_dma source(%dma_start3A_122 : memref<40x128xi32, #tpu.memory_space<hbm>>) target(%arg8 : memref<40x128xi32, #tpu.memory_space<vmem>>) target_semaphore(%run_scoped3A_114 : memref<!tpu.dma_semaphore, #tpu.memory_space<semaphore_mem>>)
        %dma_wait3A_123 = arith.constant 0 : i32
        %dma_wait3A_124 = arith.constant 0 : i32
        %dma_wait3A_125 = tpu.memref_slice %arg4[%arg1, %run_scoped3A, %dma_wait3A_123, %dma_wait3A_124] : memref<16x2x40x128xi32, #tpu.memory_space<hbm>> -> memref<1x1x40x128xi32, #tpu.memory_space<hbm>>
        %dma_wait3A_126 = tpu.memref_squeeze %dma_wait3A_125 : memref<1x1x40x128xi32, #tpu.memory_space<hbm>> -> memref<40x128xi32, #tpu.memory_space<hbm>>
        %dma_wait3A_127 = arith.constant 0 : i32
        %dma_wait3A_128 = arith.constant 0 : i32
        %dma_wait3A_129 = tpu.memref_slice %arg4[%arg1, %run_scoped3A, %dma_wait3A_127, %dma_wait3A_128] : memref<16x2x40x128xi32, #tpu.memory_space<hbm>> -> memref<1x1x40x128xi32, #tpu.memory_space<hbm>>
        %dma_wait3A_130 = tpu.memref_squeeze %dma_wait3A_129 : memref<1x1x40x128xi32, #tpu.memory_space<hbm>> -> memref<40x128xi32, #tpu.memory_space<hbm>>
        tpu.wait_dma2 semaphore(%run_scoped3A_114 : memref<!tpu.dma_semaphore, #tpu.memory_space<semaphore_mem>>) src(%dma_wait3A_130 : memref<40x128xi32, #tpu.memory_space<hbm>>) dst(%arg8 : memref<40x128xi32, #tpu.memory_space<vmem>>)
        tpu.yield
      }) : () -> ()
      %run_scoped3A_23 = arith.constant 0 : i32
      "tpu.region"() ({
        %run_scoped3A_114 = tpu.sem_alloc : memref<!tpu.dma_semaphore, #tpu.memory_space<semaphore_mem>>
        %dma_start3A_115 = arith.constant 0 : i32
        %dma_start3A_116 = arith.constant 0 : i32
        %dma_start3A_117 = tpu.memref_slice %arg5[%arg1, %run_scoped3A_23, %dma_start3A_115, %dma_start3A_116] : memref<16x2x40x128xi32, #tpu.memory_space<hbm>> -> memref<1x1x40x128xi32, #tpu.memory_space<hbm>>
        %dma_start3A_118 = tpu.memref_squeeze %dma_start3A_117 : memref<1x1x40x128xi32, #tpu.memory_space<hbm>> -> memref<40x128xi32, #tpu.memory_space<hbm>>
        %dma_start3A_119 = arith.constant 0 : i32
        %dma_start3A_120 = arith.constant 0 : i32
        %dma_start3A_121 = tpu.memref_slice %arg5[%arg1, %run_scoped3A_23, %dma_start3A_119, %dma_start3A_120] : memref<16x2x40x128xi32, #tpu.memory_space<hbm>> -> memref<1x1x40x128xi32, #tpu.memory_space<hbm>>
        %dma_start3A_122 = tpu.memref_squeeze %dma_start3A_121 : memref<1x1x40x128xi32, #tpu.memory_space<hbm>> -> memref<40x128xi32, #tpu.memory_space<hbm>>
        tpu.enqueue_dma source(%dma_start3A_122 : memref<40x128xi32, #tpu.memory_space<hbm>>) target(%arg9 : memref<40x128xi32, #tpu.memory_space<vmem>>) target_semaphore(%run_scoped3A_114 : memref<!tpu.dma_semaphore, #tpu.memory_space<semaphore_mem>>)
        %dma_wait3A_123 = arith.constant 0 : i32
        %dma_wait3A_124 = arith.constant 0 : i32
        %dma_wait3A_125 = tpu.memref_slice %arg5[%arg1, %run_scoped3A_23, %dma_wait3A_123, %dma_wait3A_124] : memref<16x2x40x128xi32, #tpu.memory_space<hbm>> -> memref<1x1x40x128xi32, #tpu.memory_space<hbm>>
        %dma_wait3A_126 = tpu.memref_squeeze %dma_wait3A_125 : memref<1x1x40x128xi32, #tpu.memory_space<hbm>> -> memref<40x128xi32, #tpu.memory_space<hbm>>
        %dma_wait3A_127 = arith.constant 0 : i32
        %dma_wait3A_128 = arith.constant 0 : i32
        %dma_wait3A_129 = tpu.memref_slice %arg5[%arg1, %run_scoped3A_23, %dma_wait3A_127, %dma_wait3A_128] : memref<16x2x40x128xi32, #tpu.memory_space<hbm>> -> memref<1x1x40x128xi32, #tpu.memory_space<hbm>>
        %dma_wait3A_130 = tpu.memref_squeeze %dma_wait3A_129 : memref<1x1x40x128xi32, #tpu.memory_space<hbm>> -> memref<40x128xi32, #tpu.memory_space<hbm>>
        tpu.wait_dma2 semaphore(%run_scoped3A_114 : memref<!tpu.dma_semaphore, #tpu.memory_space<semaphore_mem>>) src(%dma_wait3A_130 : memref<40x128xi32, #tpu.memory_space<hbm>>) dst(%arg9 : memref<40x128xi32, #tpu.memory_space<vmem>>)
        tpu.yield
      }) : () -> ()
      %dma_start3A = arith.constant 0 : i32
      %dma_start3A_24 = arith.constant 0 : i32
      %dma_start3A_25 = arith.constant 0 : i32
      %dma_start3A_26 = arith.constant 0 : i32
      %dma_start3A_27 = tpu.memref_slice %arg10[%dma_start3A_24, %dma_start3A_25, %dma_start3A_26] : memref<2x128x128xf32, #tpu.memory_space<vmem>> -> memref<1x128x128xf32, #tpu.memory_space<vmem>>
      %dma_start3A_28 = tpu.memref_squeeze %dma_start3A_27 : memref<1x128x128xf32, #tpu.memory_space<vmem>> -> memref<128x128xf32, #tpu.memory_space<vmem>>
      %dma_start3A_29 = arith.constant 0 : i32
      %dma_start3A_30 = tpu.memref_slice %arg8[%dma_start3A, %dma_start3A_29] : memref<40x128xi32, #tpu.memory_space<vmem>> -> memref<1x128xi32, #tpu.memory_space<vmem>>
      %dma_start3A_31 = tpu.memref_squeeze %dma_start3A_30 : memref<1x128xi32, #tpu.memory_space<vmem>> -> memref<128xi32, #tpu.memory_space<vmem>>
      %dma_start3A_32 = arith.constant 0 : i32
      %dma_start3A_33 = arith.constant 0 : i32
      %dma_start3A_34 = tpu.memref_slice %arg3[%dma_start3A_32, %dma_start3A_33] : memref<10000x128xf32, #tpu.memory_space<hbm>> -> memref<10000x128xf32, #tpu.memory_space<hbm>>
      tpu.enqueue_indirect_dma source(%dma_start3A_34 : memref<10000x128xf32, #tpu.memory_space<hbm>>) target(%dma_start3A_28 : memref<128x128xf32, #tpu.memory_space<vmem>>) offsets(%dma_start3A_31 : memref<128xi32, #tpu.memory_space<vmem>>) semaphore(%arg13 : memref<!tpu.dma_semaphore, #tpu.memory_space<semaphore_mem>>)
      %mul3A = arith.constant 624 : i32
      %mul3A_35 = arith.muli %arg1, %mul3A : i32
      %eq3A_36 = arith.constant 15 : i32
      %eq3A_37 = arith.cmpi eq, %arg1, %eq3A_36 : i32
      %jit3A = arith.constant 48 : i32
      %jit3A_38 = arith.constant 39 : i32
      %select_n3A = arith.select %eq3A_37, %jit3A, %jit3A_38 : i32
      %while3A = arith.constant 0 : i32
      %while3A_39 = arith.constant 0 : i32
      %while3A_40 = arith.subi %select_n3A, %while3A : i32
      %while3A_41 = arith.addi %while3A, %while3A_40 : i32
      %while3A_42 = arith.constant 1 : i32
      %while3A_43 = arith.divsi %while3A_40, %while3A_42 : i32
      %while3A_44 = arith.muli %while3A_43, %while3A_42 : i32
      %while3A_45 = arith.addi %while3A, %while3A_44 : i32
      %while3A_46 = arith.constant 1 : i32
      %while3A_47 = scf.for %while3A_114 = %while3A to %while3A_45 step %while3A_46 iter_args(%while3A_115 = %while3A_39) -> (i32)  : i32 {
        %mul3A_116 = arith.constant 16 : i32
        %mul3A_117 = arith.muli %while3A_114, %mul3A_116 : i32
        %add3A = arith.addi %mul3A_35, %mul3A_117 : i32
        %dma_start3A_118 = arith.constant 0 : i32
        %dma_start3A_119 = tpu.memref_slice %arg12[%add3A, %dma_start3A_118] : memref<10128x128xf32, #tpu.memory_space<vmem_shared>> -> memref<16x128xf32, #tpu.memory_space<vmem_shared>>
        %dma_start3A_120 = arith.constant 0 : i32
        %dma_start3A_121 = tpu.memref_slice %arg12[%add3A, %dma_start3A_120] : memref<10128x128xf32, #tpu.memory_space<vmem_shared>> -> memref<16x128xf32, #tpu.memory_space<vmem_shared>>
        tpu.enqueue_dma source(%arg11 : memref<16x128xf32, #tpu.memory_space<vmem>>) target(%dma_start3A_121 : memref<16x128xf32, #tpu.memory_space<vmem_shared>>) target_semaphore(%arg14 : memref<!tpu.dma_semaphore, #tpu.memory_space<semaphore_mem>>)
        %while3A_122 = arith.constant 0 : i32
        scf.yield %while3A_122 : i32
      }
      %while3A_48 = arith.constant 1 : i32
      %while3A_49 = scf.for %while3A_114 = %while3A_45 to %while3A_41 step %while3A_48 iter_args(%while3A_115 = %while3A_47) -> (i32)  : i32 {
        %mul3A_116 = arith.constant 16 : i32
        %mul3A_117 = arith.muli %while3A_114, %mul3A_116 : i32
        %add3A = arith.addi %mul3A_35, %mul3A_117 : i32
        %dma_start3A_118 = arith.constant 0 : i32
        %dma_start3A_119 = tpu.memref_slice %arg12[%add3A, %dma_start3A_118] : memref<10128x128xf32, #tpu.memory_space<vmem_shared>> -> memref<16x128xf32, #tpu.memory_space<vmem_shared>>
        %dma_start3A_120 = arith.constant 0 : i32
        %dma_start3A_121 = tpu.memref_slice %arg12[%add3A, %dma_start3A_120] : memref<10128x128xf32, #tpu.memory_space<vmem_shared>> -> memref<16x128xf32, #tpu.memory_space<vmem_shared>>
        tpu.enqueue_dma source(%arg11 : memref<16x128xf32, #tpu.memory_space<vmem>>) target(%dma_start3A_121 : memref<16x128xf32, #tpu.memory_space<vmem_shared>>) target_semaphore(%arg14 : memref<!tpu.dma_semaphore, #tpu.memory_space<semaphore_mem>>)
        %while3A_122 = arith.constant 0 : i32
        scf.yield %while3A_122 : i32
      }
      %while3A_50 = arith.constant 0 : i32
      %while3A_51 = arith.constant 0 : i32
      %while3A_52 = arith.subi %select_n3A, %while3A_50 : i32
      %while3A_53 = arith.addi %while3A_50, %while3A_52 : i32
      %while3A_54 = arith.constant 1 : i32
      %while3A_55 = arith.divsi %while3A_52, %while3A_54 : i32
      %while3A_56 = arith.muli %while3A_55, %while3A_54 : i32
      %while3A_57 = arith.addi %while3A_50, %while3A_56 : i32
      %while3A_58 = arith.constant 1 : i32
      %while3A_59 = scf.for %while3A_114 = %while3A_50 to %while3A_57 step %while3A_58 iter_args(%while3A_115 = %while3A_51) -> (i32)  : i32 {
        %mul3A_116 = arith.constant 16 : i32
        %mul3A_117 = arith.muli %while3A_114, %mul3A_116 : i32
        %add3A = arith.addi %mul3A_35, %mul3A_117 : i32
        %dma_wait3A_118 = arith.constant 0 : i32
        %dma_wait3A_119 = tpu.memref_slice %arg12[%add3A, %dma_wait3A_118] : memref<10128x128xf32, #tpu.memory_space<vmem_shared>> -> memref<16x128xf32, #tpu.memory_space<vmem_shared>>
        %dma_wait3A_120 = arith.constant 0 : i32
        %dma_wait3A_121 = tpu.memref_slice %arg12[%add3A, %dma_wait3A_120] : memref<10128x128xf32, #tpu.memory_space<vmem_shared>> -> memref<16x128xf32, #tpu.memory_space<vmem_shared>>
        tpu.wait_dma2 semaphore(%arg14 : memref<!tpu.dma_semaphore, #tpu.memory_space<semaphore_mem>>) src(%arg11 : memref<16x128xf32, #tpu.memory_space<vmem>>) dst(%dma_wait3A_121 : memref<16x128xf32, #tpu.memory_space<vmem_shared>>)
        %while3A_122 = arith.constant 0 : i32
        scf.yield %while3A_122 : i32
      }
      %while3A_60 = arith.constant 1 : i32
      %while3A_61 = scf.for %while3A_114 = %while3A_57 to %while3A_53 step %while3A_60 iter_args(%while3A_115 = %while3A_59) -> (i32)  : i32 {
        %mul3A_116 = arith.constant 16 : i32
        %mul3A_117 = arith.muli %while3A_114, %mul3A_116 : i32
        %add3A = arith.addi %mul3A_35, %mul3A_117 : i32
        %dma_wait3A_118 = arith.constant 0 : i32
        %dma_wait3A_119 = tpu.memref_slice %arg12[%add3A, %dma_wait3A_118] : memref<10128x128xf32, #tpu.memory_space<vmem_shared>> -> memref<16x128xf32, #tpu.memory_space<vmem_shared>>
        %dma_wait3A_120 = arith.constant 0 : i32
        %dma_wait3A_121 = tpu.memref_slice %arg12[%add3A, %dma_wait3A_120] : memref<10128x128xf32, #tpu.memory_space<vmem_shared>> -> memref<16x128xf32, #tpu.memory_space<vmem_shared>>
        tpu.wait_dma2 semaphore(%arg14 : memref<!tpu.dma_semaphore, #tpu.memory_space<semaphore_mem>>) src(%arg11 : memref<16x128xf32, #tpu.memory_space<vmem>>) dst(%dma_wait3A_121 : memref<16x128xf32, #tpu.memory_space<vmem_shared>>)
        %while3A_122 = arith.constant 0 : i32
        scf.yield %while3A_122 : i32
      }
      %barrier3A_62 = arith.constant 0 : index
      tpu.barrier barrier_id(%barrier3A_62)
      %scan3A_63 = arith.constant 0 : i32
      %scan3A_64 = arith.constant 0 : i32
      %scan3A_65 = arith.constant 40 : i32
      %scan3A_66 = arith.addi %scan3A_64, %scan3A_65 : i32
      %scan3A_67 = arith.constant 1 : i32
      %scan3A_68 = scf.for %scan3A_114 = %scan3A_64 to %scan3A_66 step %scan3A_67 iter_args(%scan3A_115 = %scan3A_63) -> (i32)  : i32 {
        %rem3A = arith.constant 2 : i32
        %rem3A_116 = arith.remsi %scan3A_114, %rem3A : i32
        %ge3A = arith.constant 1 : i32
        %ge3A_117 = arith.cmpi sge, %scan3A_114, %ge3A : i32
        %convert_element_type3A_118 = arith.extui %ge3A_117 : i1 to i32
        %cond3A_119 = arith.constant 0 : i32
        %cond3A_120 = arith.cmpi ne, %convert_element_type3A_118, %cond3A_119 : i32
        scf.if %cond3A_120 {
          %sub3A_148 = arith.constant 1 : i32
          %sub3A_149 = arith.subi %scan3A_114, %sub3A_148 : i32
          %rem3A_150 = arith.constant 2 : i32
          %rem3A_151 = arith.remsi %sub3A_149, %rem3A_150 : i32
          %sub3A_152 = arith.constant 1 : i32
          %sub3A_153 = arith.subi %scan3A_114, %sub3A_152 : i32
          %dma_wait3A_154 = arith.constant 0 : i32
          %dma_wait3A_155 = arith.constant 0 : i32
          %dma_wait3A_156 = tpu.memref_slice %arg10[%rem3A_151, %dma_wait3A_154, %dma_wait3A_155] : memref<2x128x128xf32, #tpu.memory_space<vmem>> -> memref<1x128x128xf32, #tpu.memory_space<vmem>>
          %dma_wait3A_157 = tpu.memref_squeeze %dma_wait3A_156 : memref<1x128x128xf32, #tpu.memory_space<vmem>> -> memref<128x128xf32, #tpu.memory_space<vmem>>
          %dma_wait3A_158 = arith.constant 0 : i32
          %dma_wait3A_159 = tpu.memref_slice %arg9[%sub3A_153, %dma_wait3A_158] : memref<40x128xi32, #tpu.memory_space<vmem>> -> memref<1x128xi32, #tpu.memory_space<vmem>>
          %dma_wait3A_160 = tpu.memref_squeeze %dma_wait3A_159 : memref<1x128xi32, #tpu.memory_space<vmem>> -> memref<128xi32, #tpu.memory_space<vmem>>
          %dma_wait3A_161 = arith.constant 0 : i32
          %dma_wait3A_162 = arith.constant 0 : i32
          %dma_wait3A_163 = tpu.memref_slice %arg12[%dma_wait3A_161, %dma_wait3A_162] : memref<10128x128xf32, #tpu.memory_space<vmem_shared>> -> memref<10128x128xf32, #tpu.memory_space<vmem_shared>>
          tpu.wait_indirect_dma semaphore(%arg14 : memref<!tpu.dma_semaphore, #tpu.memory_space<semaphore_mem>>) src(%dma_wait3A_157 : memref<128x128xf32, #tpu.memory_space<vmem>>) dst(%dma_wait3A_163 : memref<10128x128xf32, #tpu.memory_space<vmem_shared>>)
        } else {
        }
        %add3A = arith.constant 2 : i32
        %add3A_121 = arith.addi %scan3A_114, %add3A : i32
        %sub3A = arith.constant 1 : i32
        %sub3A_122 = arith.subi %add3A_121, %sub3A : i32
        %lt3A = arith.constant 40 : i32
        %lt3A_123 = arith.cmpi slt, %sub3A_122, %lt3A : i32
        %convert_element_type3A_124 = arith.extui %lt3A_123 : i1 to i32
        %cond3A_125 = arith.constant 0 : i32
        %cond3A_126 = arith.cmpi ne, %convert_element_type3A_124, %cond3A_125 : i32
        scf.if %cond3A_126 {
          %add3A_148 = arith.constant 2 : i32
          %add3A_149 = arith.addi %scan3A_114, %add3A_148 : i32
          %sub3A_150 = arith.constant 1 : i32
          %sub3A_151 = arith.subi %add3A_149, %sub3A_150 : i32
          %rem3A_152 = arith.constant 2 : i32
          %rem3A_153 = arith.remsi %sub3A_151, %rem3A_152 : i32
          %add3A_154 = arith.constant 2 : i32
          %add3A_155 = arith.addi %scan3A_114, %add3A_154 : i32
          %sub3A_156 = arith.constant 1 : i32
          %sub3A_157 = arith.subi %add3A_155, %sub3A_156 : i32
          %dma_start3A_158 = arith.constant 0 : i32
          %dma_start3A_159 = arith.constant 0 : i32
          %dma_start3A_160 = tpu.memref_slice %arg10[%rem3A_153, %dma_start3A_158, %dma_start3A_159] : memref<2x128x128xf32, #tpu.memory_space<vmem>> -> memref<1x128x128xf32, #tpu.memory_space<vmem>>
          %dma_start3A_161 = tpu.memref_squeeze %dma_start3A_160 : memref<1x128x128xf32, #tpu.memory_space<vmem>> -> memref<128x128xf32, #tpu.memory_space<vmem>>
          %dma_start3A_162 = arith.constant 0 : i32
          %dma_start3A_163 = tpu.memref_slice %arg8[%sub3A_157, %dma_start3A_162] : memref<40x128xi32, #tpu.memory_space<vmem>> -> memref<1x128xi32, #tpu.memory_space<vmem>>
          %dma_start3A_164 = tpu.memref_squeeze %dma_start3A_163 : memref<1x128xi32, #tpu.memory_space<vmem>> -> memref<128xi32, #tpu.memory_space<vmem>>
          %dma_start3A_165 = arith.constant 0 : i32
          %dma_start3A_166 = arith.constant 0 : i32
          %dma_start3A_167 = tpu.memref_slice %arg3[%dma_start3A_165, %dma_start3A_166] : memref<10000x128xf32, #tpu.memory_space<hbm>> -> memref<10000x128xf32, #tpu.memory_space<hbm>>
          tpu.enqueue_indirect_dma source(%dma_start3A_167 : memref<10000x128xf32, #tpu.memory_space<hbm>>) target(%dma_start3A_161 : memref<128x128xf32, #tpu.memory_space<vmem>>) offsets(%dma_start3A_164 : memref<128xi32, #tpu.memory_space<vmem>>) semaphore(%arg13 : memref<!tpu.dma_semaphore, #tpu.memory_space<semaphore_mem>>)
        } else {
        }
        %dma_wait3A_127 = arith.constant 0 : i32
        %dma_wait3A_128 = arith.constant 0 : i32
        %dma_wait3A_129 = tpu.memref_slice %arg10[%rem3A_116, %dma_wait3A_127, %dma_wait3A_128] : memref<2x128x128xf32, #tpu.memory_space<vmem>> -> memref<1x128x128xf32, #tpu.memory_space<vmem>>
        %dma_wait3A_130 = tpu.memref_squeeze %dma_wait3A_129 : memref<1x128x128xf32, #tpu.memory_space<vmem>> -> memref<128x128xf32, #tpu.memory_space<vmem>>
        %dma_wait3A_131 = arith.constant 0 : i32
        %dma_wait3A_132 = tpu.memref_slice %arg8[%scan3A_114, %dma_wait3A_131] : memref<40x128xi32, #tpu.memory_space<vmem>> -> memref<1x128xi32, #tpu.memory_space<vmem>>
        %dma_wait3A_133 = tpu.memref_squeeze %dma_wait3A_132 : memref<1x128xi32, #tpu.memory_space<vmem>> -> memref<128xi32, #tpu.memory_space<vmem>>
        %dma_wait3A_134 = arith.constant 0 : i32
        %dma_wait3A_135 = arith.constant 0 : i32
        %dma_wait3A_136 = tpu.memref_slice %arg3[%dma_wait3A_134, %dma_wait3A_135] : memref<10000x128xf32, #tpu.memory_space<hbm>> -> memref<10000x128xf32, #tpu.memory_space<hbm>>
        tpu.wait_indirect_dma semaphore(%arg13 : memref<!tpu.dma_semaphore, #tpu.memory_space<semaphore_mem>>) src(%dma_wait3A_136 : memref<10000x128xf32, #tpu.memory_space<hbm>>) dst(%dma_wait3A_130 : memref<128x128xf32, #tpu.memory_space<vmem>>)
        %dma_start3A_137 = arith.constant 0 : i32
        %dma_start3A_138 = arith.constant 0 : i32
        %dma_start3A_139 = tpu.memref_slice %arg10[%rem3A_116, %dma_start3A_137, %dma_start3A_138] : memref<2x128x128xf32, #tpu.memory_space<vmem>> -> memref<1x128x128xf32, #tpu.memory_space<vmem>>
        %dma_start3A_140 = tpu.memref_squeeze %dma_start3A_139 : memref<1x128x128xf32, #tpu.memory_space<vmem>> -> memref<128x128xf32, #tpu.memory_space<vmem>>
        %dma_start3A_141 = arith.constant 0 : i32
        %dma_start3A_142 = tpu.memref_slice %arg9[%scan3A_114, %dma_start3A_141] : memref<40x128xi32, #tpu.memory_space<vmem>> -> memref<1x128xi32, #tpu.memory_space<vmem>>
        %dma_start3A_143 = tpu.memref_squeeze %dma_start3A_142 : memref<1x128xi32, #tpu.memory_space<vmem>> -> memref<128xi32, #tpu.memory_space<vmem>>
        %dma_start3A_144 = arith.constant 0 : i32
        %dma_start3A_145 = arith.constant 0 : i32
        %dma_start3A_146 = tpu.memref_slice %arg12[%dma_start3A_144, %dma_start3A_145] : memref<10128x128xf32, #tpu.memory_space<vmem_shared>> -> memref<10128x128xf32, #tpu.memory_space<vmem_shared>>
        tpu.enqueue_indirect_dma source(%dma_start3A_140 : memref<128x128xf32, #tpu.memory_space<vmem>>) target(%dma_start3A_146 : memref<10128x128xf32, #tpu.memory_space<vmem_shared>>) offsets(%dma_start3A_143 : memref<128xi32, #tpu.memory_space<vmem>>) semaphore(%arg14 : memref<!tpu.dma_semaphore, #tpu.memory_space<semaphore_mem>>) {add = true}
        %scan3A_147 = arith.constant 0 : i32
        scf.yield %scan3A_147 : i32
      }
      %scan3A_69 = arith.constant 40 : i32
      %dma_wait3A = arith.constant 1 : i32
      %dma_wait3A_70 = arith.constant 39 : i32
      %dma_wait3A_71 = arith.constant 0 : i32
      %dma_wait3A_72 = arith.constant 0 : i32
      %dma_wait3A_73 = tpu.memref_slice %arg10[%dma_wait3A, %dma_wait3A_71, %dma_wait3A_72] : memref<2x128x128xf32, #tpu.memory_space<vmem>> -> memref<1x128x128xf32, #tpu.memory_space<vmem>>
      %dma_wait3A_74 = tpu.memref_squeeze %dma_wait3A_73 : memref<1x128x128xf32, #tpu.memory_space<vmem>> -> memref<128x128xf32, #tpu.memory_space<vmem>>
      %dma_wait3A_75 = arith.constant 0 : i32
      %dma_wait3A_76 = tpu.memref_slice %arg9[%dma_wait3A_70, %dma_wait3A_75] : memref<40x128xi32, #tpu.memory_space<vmem>> -> memref<1x128xi32, #tpu.memory_space<vmem>>
      %dma_wait3A_77 = tpu.memref_squeeze %dma_wait3A_76 : memref<1x128xi32, #tpu.memory_space<vmem>> -> memref<128xi32, #tpu.memory_space<vmem>>
      %dma_wait3A_78 = arith.constant 0 : i32
      %dma_wait3A_79 = arith.constant 0 : i32
      %dma_wait3A_80 = tpu.memref_slice %arg12[%dma_wait3A_78, %dma_wait3A_79] : memref<10128x128xf32, #tpu.memory_space<vmem_shared>> -> memref<10128x128xf32, #tpu.memory_space<vmem_shared>>
      tpu.wait_indirect_dma semaphore(%arg14 : memref<!tpu.dma_semaphore, #tpu.memory_space<semaphore_mem>>) src(%dma_wait3A_74 : memref<128x128xf32, #tpu.memory_space<vmem>>) dst(%dma_wait3A_80 : memref<10128x128xf32, #tpu.memory_space<vmem_shared>>)
      %run_scoped3A_81 = arith.constant 1 : i32
      "tpu.region"() ({
        %run_scoped3A_114 = tpu.sem_alloc : memref<!tpu.dma_semaphore, #tpu.memory_space<semaphore_mem>>
        %dma_start3A_115 = arith.constant 0 : i32
        %dma_start3A_116 = arith.constant 0 : i32
        %dma_start3A_117 = tpu.memref_slice %arg4[%arg1, %run_scoped3A_81, %dma_start3A_115, %dma_start3A_116] : memref<16x2x40x128xi32, #tpu.memory_space<hbm>> -> memref<1x1x40x128xi32, #tpu.memory_space<hbm>>
        %dma_start3A_118 = tpu.memref_squeeze %dma_start3A_117 : memref<1x1x40x128xi32, #tpu.memory_space<hbm>> -> memref<40x128xi32, #tpu.memory_space<hbm>>
        %dma_start3A_119 = arith.constant 0 : i32
        %dma_start3A_120 = arith.constant 0 : i32
        %dma_start3A_121 = tpu.memref_slice %arg4[%arg1, %run_scoped3A_81, %dma_start3A_119, %dma_start3A_120] : memref<16x2x40x128xi32, #tpu.memory_space<hbm>> -> memref<1x1x40x128xi32, #tpu.memory_space<hbm>>
        %dma_start3A_122 = tpu.memref_squeeze %dma_start3A_121 : memref<1x1x40x128xi32, #tpu.memory_space<hbm>> -> memref<40x128xi32, #tpu.memory_space<hbm>>
        tpu.enqueue_dma source(%dma_start3A_122 : memref<40x128xi32, #tpu.memory_space<hbm>>) target(%arg8 : memref<40x128xi32, #tpu.memory_space<vmem>>) target_semaphore(%run_scoped3A_114 : memref<!tpu.dma_semaphore, #tpu.memory_space<semaphore_mem>>)
        %dma_wait3A_123 = arith.constant 0 : i32
        %dma_wait3A_124 = arith.constant 0 : i32
        %dma_wait3A_125 = tpu.memref_slice %arg4[%arg1, %run_scoped3A_81, %dma_wait3A_123, %dma_wait3A_124] : memref<16x2x40x128xi32, #tpu.memory_space<hbm>> -> memref<1x1x40x128xi32, #tpu.memory_space<hbm>>
        %dma_wait3A_126 = tpu.memref_squeeze %dma_wait3A_125 : memref<1x1x40x128xi32, #tpu.memory_space<hbm>> -> memref<40x128xi32, #tpu.memory_space<hbm>>
        %dma_wait3A_127 = arith.constant 0 : i32
        %dma_wait3A_128 = arith.constant 0 : i32
        %dma_wait3A_129 = tpu.memref_slice %arg4[%arg1, %run_scoped3A_81, %dma_wait3A_127, %dma_wait3A_128] : memref<16x2x40x128xi32, #tpu.memory_space<hbm>> -> memref<1x1x40x128xi32, #tpu.memory_space<hbm>>
        %dma_wait3A_130 = tpu.memref_squeeze %dma_wait3A_129 : memref<1x1x40x128xi32, #tpu.memory_space<hbm>> -> memref<40x128xi32, #tpu.memory_space<hbm>>
        tpu.wait_dma2 semaphore(%run_scoped3A_114 : memref<!tpu.dma_semaphore, #tpu.memory_space<semaphore_mem>>) src(%dma_wait3A_130 : memref<40x128xi32, #tpu.memory_space<hbm>>) dst(%arg8 : memref<40x128xi32, #tpu.memory_space<vmem>>)
        tpu.yield
      }) : () -> ()
      %run_scoped3A_82 = arith.constant 1 : i32
      "tpu.region"() ({
        %run_scoped3A_114 = tpu.sem_alloc : memref<!tpu.dma_semaphore, #tpu.memory_space<semaphore_mem>>
        %dma_start3A_115 = arith.constant 0 : i32
        %dma_start3A_116 = arith.constant 0 : i32
        %dma_start3A_117 = tpu.memref_slice %arg5[%arg1, %run_scoped3A_82, %dma_start3A_115, %dma_start3A_116] : memref<16x2x40x128xi32, #tpu.memory_space<hbm>> -> memref<1x1x40x128xi32, #tpu.memory_space<hbm>>
        %dma_start3A_118 = tpu.memref_squeeze %dma_start3A_117 : memref<1x1x40x128xi32, #tpu.memory_space<hbm>> -> memref<40x128xi32, #tpu.memory_space<hbm>>
        %dma_start3A_119 = arith.constant 0 : i32
        %dma_start3A_120 = arith.constant 0 : i32
        %dma_start3A_121 = tpu.memref_slice %arg5[%arg1, %run_scoped3A_82, %dma_start3A_119, %dma_start3A_120] : memref<16x2x40x128xi32, #tpu.memory_space<hbm>> -> memref<1x1x40x128xi32, #tpu.memory_space<hbm>>
        %dma_start3A_122 = tpu.memref_squeeze %dma_start3A_121 : memref<1x1x40x128xi32, #tpu.memory_space<hbm>> -> memref<40x128xi32, #tpu.memory_space<hbm>>
        tpu.enqueue_dma source(%dma_start3A_122 : memref<40x128xi32, #tpu.memory_space<hbm>>) target(%arg9 : memref<40x128xi32, #tpu.memory_space<vmem>>) target_semaphore(%run_scoped3A_114 : memref<!tpu.dma_semaphore, #tpu.memory_space<semaphore_mem>>)
        %dma_wait3A_123 = arith.constant 0 : i32
        %dma_wait3A_124 = arith.constant 0 : i32
        %dma_wait3A_125 = tpu.memref_slice %arg5[%arg1, %run_scoped3A_82, %dma_wait3A_123, %dma_wait3A_124] : memref<16x2x40x128xi32, #tpu.memory_space<hbm>> -> memref<1x1x40x128xi32, #tpu.memory_space<hbm>>
        %dma_wait3A_126 = tpu.memref_squeeze %dma_wait3A_125 : memref<1x1x40x128xi32, #tpu.memory_space<hbm>> -> memref<40x128xi32, #tpu.memory_space<hbm>>
        %dma_wait3A_127 = arith.constant 0 : i32
        %dma_wait3A_128 = arith.constant 0 : i32
        %dma_wait3A_129 = tpu.memref_slice %arg5[%arg1, %run_scoped3A_82, %dma_wait3A_127, %dma_wait3A_128] : memref<16x2x40x128xi32, #tpu.memory_space<hbm>> -> memref<1x1x40x128xi32, #tpu.memory_space<hbm>>
        %dma_wait3A_130 = tpu.memref_squeeze %dma_wait3A_129 : memref<1x1x40x128xi32, #tpu.memory_space<hbm>> -> memref<40x128xi32, #tpu.memory_space<hbm>>
        tpu.wait_dma2 semaphore(%run_scoped3A_114 : memref<!tpu.dma_semaphore, #tpu.memory_space<semaphore_mem>>) src(%dma_wait3A_130 : memref<40x128xi32, #tpu.memory_space<hbm>>) dst(%arg9 : memref<40x128xi32, #tpu.memory_space<vmem>>)
        tpu.yield
      }) : () -> ()
      %dma_start3A_83 = arith.constant 0 : i32
      %dma_start3A_84 = arith.constant 0 : i32
      %dma_start3A_85 = arith.constant 0 : i32
      %dma_start3A_86 = arith.constant 0 : i32
      %dma_start3A_87 = tpu.memref_slice %arg10[%dma_start3A_84, %dma_start3A_85, %dma_start3A_86] : memref<2x128x128xf32, #tpu.memory_space<vmem>> -> memref<1x128x128xf32, #tpu.memory_space<vmem>>
      %dma_start3A_88 = tpu.memref_squeeze %dma_start3A_87 : memref<1x128x128xf32, #tpu.memory_space<vmem>> -> memref<128x128xf32, #tpu.memory_space<vmem>>
      %dma_start3A_89 = arith.constant 0 : i32
      %dma_start3A_90 = tpu.memref_slice %arg8[%dma_start3A_83, %dma_start3A_89] : memref<40x128xi32, #tpu.memory_space<vmem>> -> memref<1x128xi32, #tpu.memory_space<vmem>>
      %dma_start3A_91 = tpu.memref_squeeze %dma_start3A_90 : memref<1x128xi32, #tpu.memory_space<vmem>> -> memref<128xi32, #tpu.memory_space<vmem>>
      %dma_start3A_92 = arith.constant 0 : i32
      %dma_start3A_93 = arith.constant 0 : i32
      %dma_start3A_94 = tpu.memref_slice %arg3[%dma_start3A_92, %dma_start3A_93] : memref<10000x128xf32, #tpu.memory_space<hbm>> -> memref<10000x128xf32, #tpu.memory_space<hbm>>
      tpu.enqueue_indirect_dma source(%dma_start3A_94 : memref<10000x128xf32, #tpu.memory_space<hbm>>) target(%dma_start3A_88 : memref<128x128xf32, #tpu.memory_space<vmem>>) offsets(%dma_start3A_91 : memref<128xi32, #tpu.memory_space<vmem>>) semaphore(%arg13 : memref<!tpu.dma_semaphore, #tpu.memory_space<semaphore_mem>>)
      %scan3A_95 = arith.constant 0 : i32
      %scan3A_96 = arith.constant 0 : i32
      %scan3A_97 = arith.constant 40 : i32
      %scan3A_98 = arith.addi %scan3A_96, %scan3A_97 : i32
      %scan3A_99 = arith.constant 1 : i32
      %scan3A_100 = scf.for %scan3A_114 = %scan3A_96 to %scan3A_98 step %scan3A_99 iter_args(%scan3A_115 = %scan3A_95) -> (i32)  : i32 {
        %rem3A = arith.constant 2 : i32
        %rem3A_116 = arith.remsi %scan3A_114, %rem3A : i32
        %ge3A = arith.constant 1 : i32
        %ge3A_117 = arith.cmpi sge, %scan3A_114, %ge3A : i32
        %convert_element_type3A_118 = arith.extui %ge3A_117 : i1 to i32
        %cond3A_119 = arith.constant 0 : i32
        %cond3A_120 = arith.cmpi ne, %convert_element_type3A_118, %cond3A_119 : i32
        scf.if %cond3A_120 {
          %sub3A_148 = arith.constant 1 : i32
          %sub3A_149 = arith.subi %scan3A_114, %sub3A_148 : i32
          %rem3A_150 = arith.constant 2 : i32
          %rem3A_151 = arith.remsi %sub3A_149, %rem3A_150 : i32
          %sub3A_152 = arith.constant 1 : i32
          %sub3A_153 = arith.subi %scan3A_114, %sub3A_152 : i32
          %dma_wait3A_154 = arith.constant 0 : i32
          %dma_wait3A_155 = arith.constant 0 : i32
          %dma_wait3A_156 = tpu.memref_slice %arg10[%rem3A_151, %dma_wait3A_154, %dma_wait3A_155] : memref<2x128x128xf32, #tpu.memory_space<vmem>> -> memref<1x128x128xf32, #tpu.memory_space<vmem>>
          %dma_wait3A_157 = tpu.memref_squeeze %dma_wait3A_156 : memref<1x128x128xf32, #tpu.memory_space<vmem>> -> memref<128x128xf32, #tpu.memory_space<vmem>>
          %dma_wait3A_158 = arith.constant 0 : i32
          %dma_wait3A_159 = tpu.memref_slice %arg9[%sub3A_153, %dma_wait3A_158] : memref<40x128xi32, #tpu.memory_space<vmem>> -> memref<1x128xi32, #tpu.memory_space<vmem>>
          %dma_wait3A_160 = tpu.memref_squeeze %dma_wait3A_159 : memref<1x128xi32, #tpu.memory_space<vmem>> -> memref<128xi32, #tpu.memory_space<vmem>>
          %dma_wait3A_161 = arith.constant 0 : i32
          %dma_wait3A_162 = arith.constant 0 : i32
          %dma_wait3A_163 = tpu.memref_slice %arg12[%dma_wait3A_161, %dma_wait3A_162] : memref<10128x128xf32, #tpu.memory_space<vmem_shared>> -> memref<10128x128xf32, #tpu.memory_space<vmem_shared>>
          tpu.wait_indirect_dma semaphore(%arg14 : memref<!tpu.dma_semaphore, #tpu.memory_space<semaphore_mem>>) src(%dma_wait3A_157 : memref<128x128xf32, #tpu.memory_space<vmem>>) dst(%dma_wait3A_163 : memref<10128x128xf32, #tpu.memory_space<vmem_shared>>)
        } else {
        }
        %add3A = arith.constant 2 : i32
        %add3A_121 = arith.addi %scan3A_114, %add3A : i32
        %sub3A = arith.constant 1 : i32
        %sub3A_122 = arith.subi %add3A_121, %sub3A : i32
        %lt3A = arith.constant 40 : i32
        %lt3A_123 = arith.cmpi slt, %sub3A_122, %lt3A : i32
        %convert_element_type3A_124 = arith.extui %lt3A_123 : i1 to i32
        %cond3A_125 = arith.constant 0 : i32
        %cond3A_126 = arith.cmpi ne, %convert_element_type3A_124, %cond3A_125 : i32
        scf.if %cond3A_126 {
          %add3A_148 = arith.constant 2 : i32
          %add3A_149 = arith.addi %scan3A_114, %add3A_148 : i32
          %sub3A_150 = arith.constant 1 : i32
          %sub3A_151 = arith.subi %add3A_149, %sub3A_150 : i32
          %rem3A_152 = arith.constant 2 : i32
          %rem3A_153 = arith.remsi %sub3A_151, %rem3A_152 : i32
          %add3A_154 = arith.constant 2 : i32
          %add3A_155 = arith.addi %scan3A_114, %add3A_154 : i32
          %sub3A_156 = arith.constant 1 : i32
          %sub3A_157 = arith.subi %add3A_155, %sub3A_156 : i32
          %dma_start3A_158 = arith.constant 0 : i32
          %dma_start3A_159 = arith.constant 0 : i32
          %dma_start3A_160 = tpu.memref_slice %arg10[%rem3A_153, %dma_start3A_158, %dma_start3A_159] : memref<2x128x128xf32, #tpu.memory_space<vmem>> -> memref<1x128x128xf32, #tpu.memory_space<vmem>>
          %dma_start3A_161 = tpu.memref_squeeze %dma_start3A_160 : memref<1x128x128xf32, #tpu.memory_space<vmem>> -> memref<128x128xf32, #tpu.memory_space<vmem>>
          %dma_start3A_162 = arith.constant 0 : i32
          %dma_start3A_163 = tpu.memref_slice %arg8[%sub3A_157, %dma_start3A_162] : memref<40x128xi32, #tpu.memory_space<vmem>> -> memref<1x128xi32, #tpu.memory_space<vmem>>
          %dma_start3A_164 = tpu.memref_squeeze %dma_start3A_163 : memref<1x128xi32, #tpu.memory_space<vmem>> -> memref<128xi32, #tpu.memory_space<vmem>>
          %dma_start3A_165 = arith.constant 0 : i32
          %dma_start3A_166 = arith.constant 0 : i32
          %dma_start3A_167 = tpu.memref_slice %arg3[%dma_start3A_165, %dma_start3A_166] : memref<10000x128xf32, #tpu.memory_space<hbm>> -> memref<10000x128xf32, #tpu.memory_space<hbm>>
          tpu.enqueue_indirect_dma source(%dma_start3A_167 : memref<10000x128xf32, #tpu.memory_space<hbm>>) target(%dma_start3A_161 : memref<128x128xf32, #tpu.memory_space<vmem>>) offsets(%dma_start3A_164 : memref<128xi32, #tpu.memory_space<vmem>>) semaphore(%arg13 : memref<!tpu.dma_semaphore, #tpu.memory_space<semaphore_mem>>)
        } else {
        }
        %dma_wait3A_127 = arith.constant 0 : i32
        %dma_wait3A_128 = arith.constant 0 : i32
        %dma_wait3A_129 = tpu.memref_slice %arg10[%rem3A_116, %dma_wait3A_127, %dma_wait3A_128] : memref<2x128x128xf32, #tpu.memory_space<vmem>> -> memref<1x128x128xf32, #tpu.memory_space<vmem>>
        %dma_wait3A_130 = tpu.memref_squeeze %dma_wait3A_129 : memref<1x128x128xf32, #tpu.memory_space<vmem>> -> memref<128x128xf32, #tpu.memory_space<vmem>>
        %dma_wait3A_131 = arith.constant 0 : i32
        %dma_wait3A_132 = tpu.memref_slice %arg8[%scan3A_114, %dma_wait3A_131] : memref<40x128xi32, #tpu.memory_space<vmem>> -> memref<1x128xi32, #tpu.memory_space<vmem>>
        %dma_wait3A_133 = tpu.memref_squeeze %dma_wait3A_132 : memref<1x128xi32, #tpu.memory_space<vmem>> -> memref<128xi32, #tpu.memory_space<vmem>>
        %dma_wait3A_134 = arith.constant 0 : i32
        %dma_wait3A_135 = arith.constant 0 : i32
        %dma_wait3A_136 = tpu.memref_slice %arg3[%dma_wait3A_134, %dma_wait3A_135] : memref<10000x128xf32, #tpu.memory_space<hbm>> -> memref<10000x128xf32, #tpu.memory_space<hbm>>
        tpu.wait_indirect_dma semaphore(%arg13 : memref<!tpu.dma_semaphore, #tpu.memory_space<semaphore_mem>>) src(%dma_wait3A_136 : memref<10000x128xf32, #tpu.memory_space<hbm>>) dst(%dma_wait3A_130 : memref<128x128xf32, #tpu.memory_space<vmem>>)
        %dma_start3A_137 = arith.constant 0 : i32
        %dma_start3A_138 = arith.constant 0 : i32
        %dma_start3A_139 = tpu.memref_slice %arg10[%rem3A_116, %dma_start3A_137, %dma_start3A_138] : memref<2x128x128xf32, #tpu.memory_space<vmem>> -> memref<1x128x128xf32, #tpu.memory_space<vmem>>
        %dma_start3A_140 = tpu.memref_squeeze %dma_start3A_139 : memref<1x128x128xf32, #tpu.memory_space<vmem>> -> memref<128x128xf32, #tpu.memory_space<vmem>>
        %dma_start3A_141 = arith.constant 0 : i32
        %dma_start3A_142 = tpu.memref_slice %arg9[%scan3A_114, %dma_start3A_141] : memref<40x128xi32, #tpu.memory_space<vmem>> -> memref<1x128xi32, #tpu.memory_space<vmem>>
        %dma_start3A_143 = tpu.memref_squeeze %dma_start3A_142 : memref<1x128xi32, #tpu.memory_space<vmem>> -> memref<128xi32, #tpu.memory_space<vmem>>
        %dma_start3A_144 = arith.constant 0 : i32
        %dma_start3A_145 = arith.constant 0 : i32
        %dma_start3A_146 = tpu.memref_slice %arg12[%dma_start3A_144, %dma_start3A_145] : memref<10128x128xf32, #tpu.memory_space<vmem_shared>> -> memref<10128x128xf32, #tpu.memory_space<vmem_shared>>
        tpu.enqueue_indirect_dma source(%dma_start3A_140 : memref<128x128xf32, #tpu.memory_space<vmem>>) target(%dma_start3A_146 : memref<10128x128xf32, #tpu.memory_space<vmem_shared>>) offsets(%dma_start3A_143 : memref<128xi32, #tpu.memory_space<vmem>>) semaphore(%arg14 : memref<!tpu.dma_semaphore, #tpu.memory_space<semaphore_mem>>) {add = true}
        %scan3A_147 = arith.constant 0 : i32
        scf.yield %scan3A_147 : i32
      }
      %scan3A_101 = arith.constant 40 : i32
      %dma_wait3A_102 = arith.constant 1 : i32
      %dma_wait3A_103 = arith.constant 39 : i32
      %dma_wait3A_104 = arith.constant 0 : i32
      %dma_wait3A_105 = arith.constant 0 : i32
      %dma_wait3A_106 = tpu.memref_slice %arg10[%dma_wait3A_102, %dma_wait3A_104, %dma_wait3A_105] : memref<2x128x128xf32, #tpu.memory_space<vmem>> -> memref<1x128x128xf32, #tpu.memory_space<vmem>>
      %dma_wait3A_107 = tpu.memref_squeeze %dma_wait3A_106 : memref<1x128x128xf32, #tpu.memory_space<vmem>> -> memref<128x128xf32, #tpu.memory_space<vmem>>
      %dma_wait3A_108 = arith.constant 0 : i32
      %dma_wait3A_109 = tpu.memref_slice %arg9[%dma_wait3A_103, %dma_wait3A_108] : memref<40x128xi32, #tpu.memory_space<vmem>> -> memref<1x128xi32, #tpu.memory_space<vmem>>
      %dma_wait3A_110 = tpu.memref_squeeze %dma_wait3A_109 : memref<1x128xi32, #tpu.memory_space<vmem>> -> memref<128xi32, #tpu.memory_space<vmem>>
      %dma_wait3A_111 = arith.constant 0 : i32
      %dma_wait3A_112 = arith.constant 0 : i32
      %dma_wait3A_113 = tpu.memref_slice %arg12[%dma_wait3A_111, %dma_wait3A_112] : memref<10128x128xf32, #tpu.memory_space<vmem_shared>> -> memref<10128x128xf32, #tpu.memory_space<vmem_shared>>
      tpu.wait_indirect_dma semaphore(%arg14 : memref<!tpu.dma_semaphore, #tpu.memory_space<semaphore_mem>>) src(%dma_wait3A_107 : memref<128x128xf32, #tpu.memory_space<vmem>>) dst(%dma_wait3A_113 : memref<10128x128xf32, #tpu.memory_space<vmem_shared>>)
    } else {
    }
    %barrier3A = arith.constant 0 : index
    tpu.barrier barrier_id(%barrier3A)
    %eq3A_13 = arith.constant 0 : i32
    %eq3A_14 = arith.cmpi eq, %arg0, %eq3A_13 : i32
    %convert_element_type3A_15 = arith.extui %eq3A_14 : i1 to i32
    %cond3A_16 = arith.constant 0 : i32
    %cond3A_17 = arith.cmpi ne, %convert_element_type3A_15, %cond3A_16 : i32
    scf.if %cond3A_17 {
      %mul3A = arith.constant 624 : i32
      %mul3A_23 = arith.muli %arg1, %mul3A : i32
      "tpu.region"() ({
        %run_scoped3A = tpu.sem_alloc : memref<!tpu.dma_semaphore, #tpu.memory_space<semaphore_mem>>
        %dma_start3A = arith.constant 0 : i32
        %dma_start3A_29 = tpu.memref_slice %arg6[%mul3A_23, %dma_start3A] : memref<10000x128xf32, #tpu.memory_space<hbm>> -> memref<624x128xf32, #tpu.memory_space<hbm>>
        %dma_start3A_30 = arith.constant 0 : i32
        %dma_start3A_31 = tpu.memref_slice %arg12[%mul3A_23, %dma_start3A_30] : memref<10128x128xf32, #tpu.memory_space<vmem_shared>> -> memref<624x128xf32, #tpu.memory_space<vmem_shared>>
        tpu.enqueue_dma source(%dma_start3A_31 : memref<624x128xf32, #tpu.memory_space<vmem_shared>>) target(%dma_start3A_29 : memref<624x128xf32, #tpu.memory_space<hbm>>) target_semaphore(%run_scoped3A : memref<!tpu.dma_semaphore, #tpu.memory_space<semaphore_mem>>)
        %dma_wait3A = arith.constant 0 : i32
        %dma_wait3A_32 = tpu.memref_slice %arg6[%mul3A_23, %dma_wait3A] : memref<10000x128xf32, #tpu.memory_space<hbm>> -> memref<624x128xf32, #tpu.memory_space<hbm>>
        %dma_wait3A_33 = arith.constant 0 : i32
        %dma_wait3A_34 = tpu.memref_slice %arg12[%mul3A_23, %dma_wait3A_33] : memref<10128x128xf32, #tpu.memory_space<vmem_shared>> -> memref<624x128xf32, #tpu.memory_space<vmem_shared>>
        tpu.wait_dma2 semaphore(%run_scoped3A : memref<!tpu.dma_semaphore, #tpu.memory_space<semaphore_mem>>) src(%dma_wait3A_34 : memref<624x128xf32, #tpu.memory_space<vmem_shared>>) dst(%dma_wait3A_32 : memref<624x128xf32, #tpu.memory_space<hbm>>)
        tpu.yield
      }) : () -> ()
      %eq3A_24 = arith.constant 15 : i32
      %eq3A_25 = arith.cmpi eq, %arg1, %eq3A_24 : i32
      %convert_element_type3A_26 = arith.extui %eq3A_25 : i1 to i32
      %cond3A_27 = arith.constant 0 : i32
      %cond3A_28 = arith.cmpi ne, %convert_element_type3A_26, %cond3A_27 : i32
      scf.if %cond3A_28 {
        "tpu.region"() ({
          %run_scoped3A = tpu.sem_alloc : memref<!tpu.dma_semaphore, #tpu.memory_space<semaphore_mem>>
          %dma_start3A = arith.constant 9984 : i32
          %dma_start3A_29 = arith.constant 0 : i32
          %dma_start3A_30 = tpu.memref_slice %arg6[%dma_start3A, %dma_start3A_29] : memref<10000x128xf32, #tpu.memory_space<hbm>> -> memref<16x128xf32, #tpu.memory_space<hbm>>
          %dma_start3A_31 = arith.constant 9984 : i32
          %dma_start3A_32 = arith.constant 0 : i32
          %dma_start3A_33 = tpu.memref_slice %arg12[%dma_start3A_31, %dma_start3A_32] : memref<10128x128xf32, #tpu.memory_space<vmem_shared>> -> memref<16x128xf32, #tpu.memory_space<vmem_shared>>
          tpu.enqueue_dma source(%dma_start3A_33 : memref<16x128xf32, #tpu.memory_space<vmem_shared>>) target(%dma_start3A_30 : memref<16x128xf32, #tpu.memory_space<hbm>>) target_semaphore(%run_scoped3A : memref<!tpu.dma_semaphore, #tpu.memory_space<semaphore_mem>>)
          %dma_wait3A = arith.constant 9984 : i32
          %dma_wait3A_34 = arith.constant 0 : i32
          %dma_wait3A_35 = tpu.memref_slice %arg6[%dma_wait3A, %dma_wait3A_34] : memref<10000x128xf32, #tpu.memory_space<hbm>> -> memref<16x128xf32, #tpu.memory_space<hbm>>
          %dma_wait3A_36 = arith.constant 9984 : i32
          %dma_wait3A_37 = arith.constant 0 : i32
          %dma_wait3A_38 = tpu.memref_slice %arg12[%dma_wait3A_36, %dma_wait3A_37] : memref<10128x128xf32, #tpu.memory_space<vmem_shared>> -> memref<16x128xf32, #tpu.memory_space<vmem_shared>>
          tpu.wait_dma2 semaphore(%run_scoped3A : memref<!tpu.dma_semaphore, #tpu.memory_space<semaphore_mem>>) src(%dma_wait3A_38 : memref<16x128xf32, #tpu.memory_space<vmem_shared>>) dst(%dma_wait3A_35 : memref<16x128xf32, #tpu.memory_space<hbm>>)
          tpu.yield
        }) : () -> ()
      } else {
      }
    } else {
    }
    %eq3A_18 = arith.constant 1 : i32
    %eq3A_19 = arith.cmpi eq, %arg0, %eq3A_18 : i32
    %convert_element_type3A_20 = arith.extui %eq3A_19 : i1 to i32
    %cond3A_21 = arith.constant 0 : i32
    %cond3A_22 = arith.cmpi ne, %convert_element_type3A_20, %cond3A_21 : i32
    scf.if %cond3A_22 {
      %mul3A = arith.constant 624 : i32
      %mul3A_23 = arith.muli %arg1, %mul3A : i32
      "tpu.region"() ({
        %run_scoped3A = tpu.sem_alloc : memref<!tpu.dma_semaphore, #tpu.memory_space<semaphore_mem>>
        %dma_start3A = arith.constant 0 : i32
        %dma_start3A_29 = tpu.memref_slice %arg7[%mul3A_23, %dma_start3A] : memref<10000x128xf32, #tpu.memory_space<hbm>> -> memref<624x128xf32, #tpu.memory_space<hbm>>
        %dma_start3A_30 = arith.constant 0 : i32
        %dma_start3A_31 = tpu.memref_slice %arg12[%mul3A_23, %dma_start3A_30] : memref<10128x128xf32, #tpu.memory_space<vmem_shared>> -> memref<624x128xf32, #tpu.memory_space<vmem_shared>>
        tpu.enqueue_dma source(%dma_start3A_31 : memref<624x128xf32, #tpu.memory_space<vmem_shared>>) target(%dma_start3A_29 : memref<624x128xf32, #tpu.memory_space<hbm>>) target_semaphore(%run_scoped3A : memref<!tpu.dma_semaphore, #tpu.memory_space<semaphore_mem>>)
        %dma_wait3A = arith.constant 0 : i32
        %dma_wait3A_32 = tpu.memref_slice %arg7[%mul3A_23, %dma_wait3A] : memref<10000x128xf32, #tpu.memory_space<hbm>> -> memref<624x128xf32, #tpu.memory_space<hbm>>
        %dma_wait3A_33 = arith.constant 0 : i32
        %dma_wait3A_34 = tpu.memref_slice %arg12[%mul3A_23, %dma_wait3A_33] : memref<10128x128xf32, #tpu.memory_space<vmem_shared>> -> memref<624x128xf32, #tpu.memory_space<vmem_shared>>
        tpu.wait_dma2 semaphore(%run_scoped3A : memref<!tpu.dma_semaphore, #tpu.memory_space<semaphore_mem>>) src(%dma_wait3A_34 : memref<624x128xf32, #tpu.memory_space<vmem_shared>>) dst(%dma_wait3A_32 : memref<624x128xf32, #tpu.memory_space<hbm>>)
        tpu.yield
      }) : () -> ()
      %eq3A_24 = arith.constant 15 : i32
      %eq3A_25 = arith.cmpi eq, %arg1, %eq3A_24 : i32
      %convert_element_type3A_26 = arith.extui %eq3A_25 : i1 to i32
      %cond3A_27 = arith.constant 0 : i32
      %cond3A_28 = arith.cmpi ne, %convert_element_type3A_26, %cond3A_27 : i32
      scf.if %cond3A_28 {
        "tpu.region"() ({
          %run_scoped3A = tpu.sem_alloc : memref<!tpu.dma_semaphore, #tpu.memory_space<semaphore_mem>>
          %dma_start3A = arith.constant 9984 : i32
          %dma_start3A_29 = arith.constant 0 : i32
          %dma_start3A_30 = tpu.memref_slice %arg7[%dma_start3A, %dma_start3A_29] : memref<10000x128xf32, #tpu.memory_space<hbm>> -> memref<16x128xf32, #tpu.memory_space<hbm>>
          %dma_start3A_31 = arith.constant 9984 : i32
          %dma_start3A_32 = arith.constant 0 : i32
          %dma_start3A_33 = tpu.memref_slice %arg12[%dma_start3A_31, %dma_start3A_32] : memref<10128x128xf32, #tpu.memory_space<vmem_shared>> -> memref<16x128xf32, #tpu.memory_space<vmem_shared>>
          tpu.enqueue_dma source(%dma_start3A_33 : memref<16x128xf32, #tpu.memory_space<vmem_shared>>) target(%dma_start3A_30 : memref<16x128xf32, #tpu.memory_space<hbm>>) target_semaphore(%run_scoped3A : memref<!tpu.dma_semaphore, #tpu.memory_space<semaphore_mem>>)
          %dma_wait3A = arith.constant 9984 : i32
          %dma_wait3A_34 = arith.constant 0 : i32
          %dma_wait3A_35 = tpu.memref_slice %arg7[%dma_wait3A, %dma_wait3A_34] : memref<10000x128xf32, #tpu.memory_space<hbm>> -> memref<16x128xf32, #tpu.memory_space<hbm>>
          %dma_wait3A_36 = arith.constant 9984 : i32
          %dma_wait3A_37 = arith.constant 0 : i32
          %dma_wait3A_38 = tpu.memref_slice %arg12[%dma_wait3A_36, %dma_wait3A_37] : memref<10128x128xf32, #tpu.memory_space<vmem_shared>> -> memref<16x128xf32, #tpu.memory_space<vmem_shared>>
          tpu.wait_dma2 semaphore(%run_scoped3A : memref<!tpu.dma_semaphore, #tpu.memory_space<semaphore_mem>>) src(%dma_wait3A_38 : memref<16x128xf32, #tpu.memory_space<vmem_shared>>) dst(%dma_wait3A_35 : memref<16x128xf32, #tpu.memory_space<hbm>>)
          tpu.yield
        }) : () -> ()
      } else {
      }
    } else {
    }
    return
  }
}

#map = affine_map<(d0, d1) -> (0, 0)>
#map1 = affine_map<(d0, d1) -> (0, 0, 0, 0)>
#map2 = affine_map<(d0, d1) -> (0, 0, 0)>
module attributes {stable_mosaic.version = 14 : i64} {
  func.func @_edge_partial(%arg0: i32, %arg1: i32, %arg2: memref<10000x128xf32, #tpu.memory_space<hbm>>, %arg3: memref<2x16x40x128xi32, #tpu.memory_space<hbm>>, %arg4: memref<2x16x40x128xi32, #tpu.memory_space<hbm>>, %arg5: memref<2x10000x128xf32, #tpu.memory_space<hbm>>, %arg6: memref<40x128xi32, #tpu.memory_space<vmem>>, %arg7: memref<40x128xi32, #tpu.memory_space<vmem>>, %arg8: memref<2x128x128xf32, #tpu.memory_space<vmem>>, %arg9: memref<16x128xf32, #tpu.memory_space<vmem>>, %arg10: memref<10128x128xf32, #tpu.memory_space<vmem_shared>>, %arg11: memref<!tpu.dma_semaphore, #tpu.memory_space<semaphore_mem>>, %arg12: memref<!tpu.dma_semaphore, #tpu.memory_space<semaphore_mem>>) attributes {dimension_semantics = [#tpu.dimension_semantics<core_parallel>, #tpu.dimension_semantics<subcore_parallel>], iteration_bounds = array<i64: 2, 16>, scalar_prefetch = 0 : i64, scratch_operands = 7 : i64, tpu.core_type = #tpu.core_type<sc_vector_subcore>, window_params = [{transform_indices = #map}, {transform_indices = #map1}, {transform_indices = #map1}, {transform_indices = #map2}]} {
    "tpu.region"() ({
      %run_scoped3A = tpu.sem_alloc : memref<!tpu.dma_semaphore, #tpu.memory_space<semaphore_mem>>
      %dma_start3A_67 = arith.constant 0 : i32
      %dma_start3A_68 = arith.constant 0 : i32
      %dma_start3A_69 = tpu.memref_slice %arg3[%arg0, %arg1, %dma_start3A_67, %dma_start3A_68] : memref<2x16x40x128xi32, #tpu.memory_space<hbm>> -> memref<1x1x40x128xi32, #tpu.memory_space<hbm>>
      %dma_start3A_70 = tpu.memref_squeeze %dma_start3A_69 : memref<1x1x40x128xi32, #tpu.memory_space<hbm>> -> memref<40x128xi32, #tpu.memory_space<hbm>>
      %dma_start3A_71 = arith.constant 0 : i32
      %dma_start3A_72 = arith.constant 0 : i32
      %dma_start3A_73 = tpu.memref_slice %arg3[%arg0, %arg1, %dma_start3A_71, %dma_start3A_72] : memref<2x16x40x128xi32, #tpu.memory_space<hbm>> -> memref<1x1x40x128xi32, #tpu.memory_space<hbm>>
      %dma_start3A_74 = tpu.memref_squeeze %dma_start3A_73 : memref<1x1x40x128xi32, #tpu.memory_space<hbm>> -> memref<40x128xi32, #tpu.memory_space<hbm>>
      tpu.enqueue_dma source(%dma_start3A_74 : memref<40x128xi32, #tpu.memory_space<hbm>>) target(%arg6 : memref<40x128xi32, #tpu.memory_space<vmem>>) target_semaphore(%run_scoped3A : memref<!tpu.dma_semaphore, #tpu.memory_space<semaphore_mem>>)
      %dma_wait3A_75 = arith.constant 0 : i32
      %dma_wait3A_76 = arith.constant 0 : i32
      %dma_wait3A_77 = tpu.memref_slice %arg3[%arg0, %arg1, %dma_wait3A_75, %dma_wait3A_76] : memref<2x16x40x128xi32, #tpu.memory_space<hbm>> -> memref<1x1x40x128xi32, #tpu.memory_space<hbm>>
      %dma_wait3A_78 = tpu.memref_squeeze %dma_wait3A_77 : memref<1x1x40x128xi32, #tpu.memory_space<hbm>> -> memref<40x128xi32, #tpu.memory_space<hbm>>
      %dma_wait3A_79 = arith.constant 0 : i32
      %dma_wait3A_80 = arith.constant 0 : i32
      %dma_wait3A_81 = tpu.memref_slice %arg3[%arg0, %arg1, %dma_wait3A_79, %dma_wait3A_80] : memref<2x16x40x128xi32, #tpu.memory_space<hbm>> -> memref<1x1x40x128xi32, #tpu.memory_space<hbm>>
      %dma_wait3A_82 = tpu.memref_squeeze %dma_wait3A_81 : memref<1x1x40x128xi32, #tpu.memory_space<hbm>> -> memref<40x128xi32, #tpu.memory_space<hbm>>
      tpu.wait_dma2 semaphore(%run_scoped3A : memref<!tpu.dma_semaphore, #tpu.memory_space<semaphore_mem>>) src(%dma_wait3A_82 : memref<40x128xi32, #tpu.memory_space<hbm>>) dst(%arg6 : memref<40x128xi32, #tpu.memory_space<vmem>>)
      tpu.yield
    }) : () -> ()
    "tpu.region"() ({
      %run_scoped3A = tpu.sem_alloc : memref<!tpu.dma_semaphore, #tpu.memory_space<semaphore_mem>>
      %dma_start3A_67 = arith.constant 0 : i32
      %dma_start3A_68 = arith.constant 0 : i32
      %dma_start3A_69 = tpu.memref_slice %arg4[%arg0, %arg1, %dma_start3A_67, %dma_start3A_68] : memref<2x16x40x128xi32, #tpu.memory_space<hbm>> -> memref<1x1x40x128xi32, #tpu.memory_space<hbm>>
      %dma_start3A_70 = tpu.memref_squeeze %dma_start3A_69 : memref<1x1x40x128xi32, #tpu.memory_space<hbm>> -> memref<40x128xi32, #tpu.memory_space<hbm>>
      %dma_start3A_71 = arith.constant 0 : i32
      %dma_start3A_72 = arith.constant 0 : i32
      %dma_start3A_73 = tpu.memref_slice %arg4[%arg0, %arg1, %dma_start3A_71, %dma_start3A_72] : memref<2x16x40x128xi32, #tpu.memory_space<hbm>> -> memref<1x1x40x128xi32, #tpu.memory_space<hbm>>
      %dma_start3A_74 = tpu.memref_squeeze %dma_start3A_73 : memref<1x1x40x128xi32, #tpu.memory_space<hbm>> -> memref<40x128xi32, #tpu.memory_space<hbm>>
      tpu.enqueue_dma source(%dma_start3A_74 : memref<40x128xi32, #tpu.memory_space<hbm>>) target(%arg7 : memref<40x128xi32, #tpu.memory_space<vmem>>) target_semaphore(%run_scoped3A : memref<!tpu.dma_semaphore, #tpu.memory_space<semaphore_mem>>)
      %dma_wait3A_75 = arith.constant 0 : i32
      %dma_wait3A_76 = arith.constant 0 : i32
      %dma_wait3A_77 = tpu.memref_slice %arg4[%arg0, %arg1, %dma_wait3A_75, %dma_wait3A_76] : memref<2x16x40x128xi32, #tpu.memory_space<hbm>> -> memref<1x1x40x128xi32, #tpu.memory_space<hbm>>
      %dma_wait3A_78 = tpu.memref_squeeze %dma_wait3A_77 : memref<1x1x40x128xi32, #tpu.memory_space<hbm>> -> memref<40x128xi32, #tpu.memory_space<hbm>>
      %dma_wait3A_79 = arith.constant 0 : i32
      %dma_wait3A_80 = arith.constant 0 : i32
      %dma_wait3A_81 = tpu.memref_slice %arg4[%arg0, %arg1, %dma_wait3A_79, %dma_wait3A_80] : memref<2x16x40x128xi32, #tpu.memory_space<hbm>> -> memref<1x1x40x128xi32, #tpu.memory_space<hbm>>
      %dma_wait3A_82 = tpu.memref_squeeze %dma_wait3A_81 : memref<1x1x40x128xi32, #tpu.memory_space<hbm>> -> memref<40x128xi32, #tpu.memory_space<hbm>>
      tpu.wait_dma2 semaphore(%run_scoped3A : memref<!tpu.dma_semaphore, #tpu.memory_space<semaphore_mem>>) src(%dma_wait3A_82 : memref<40x128xi32, #tpu.memory_space<hbm>>) dst(%arg7 : memref<40x128xi32, #tpu.memory_space<vmem>>)
      tpu.yield
    }) : () -> ()
    %scan3A = arith.constant 0 : i32
    %scan3A_0 = arith.constant 0 : i32
    %scan3A_1 = arith.constant 16 : i32
    %scan3A_2 = arith.addi %scan3A_0, %scan3A_1 : i32
    %scan3A_3 = arith.constant 1 : i32
    %scan3A_4 = scf.for %scan3A_67 = %scan3A_0 to %scan3A_2 step %scan3A_3 iter_args(%scan3A_68 = %scan3A) -> (i32)  : i32 {
      %broadcast_in_dim3A = arith.constant 0.000000e+00 : f32
      %broadcast_in_dim3A_69 = vector.broadcast %broadcast_in_dim3A : f32 to vector<16xf32>
      %swap3A = arith.index_cast %scan3A_67 : i32 to index
      %swap3A_70 = arith.constant 0 : index
      %swap3A_71 = tpu.vector_load %arg9[%swap3A, %swap3A_70] {strides = array<i32>} : memref<16x128xf32, #tpu.memory_space<vmem>>, vector<1x16xf32>,
      %swap3A_72 = vector.shape_cast %swap3A_71 : vector<1x16xf32> to vector<16xf32>
      %swap3A_73 = vector.shape_cast %broadcast_in_dim3A_69 : vector<16xf32> to vector<1x16xf32>
      tpu.vector_store %arg9[%swap3A, %swap3A_70], %swap3A_73 {strides = array<i32>} : memref<16x128xf32, #tpu.memory_space<vmem>>, vector<1x16xf32>,
      %broadcast_in_dim3A_74 = arith.constant 0.000000e+00 : f32
      %broadcast_in_dim3A_75 = vector.broadcast %broadcast_in_dim3A_74 : f32 to vector<16xf32>
      %swap3A_76 = arith.index_cast %scan3A_67 : i32 to index
      %swap3A_77 = arith.constant 16 : index
      %swap3A_78 = tpu.vector_load %arg9[%swap3A_76, %swap3A_77] {strides = array<i32>} : memref<16x128xf32, #tpu.memory_space<vmem>>, vector<1x16xf32>,
      %swap3A_79 = vector.shape_cast %swap3A_78 : vector<1x16xf32> to vector<16xf32>
      %swap3A_80 = vector.shape_cast %broadcast_in_dim3A_75 : vector<16xf32> to vector<1x16xf32>
      tpu.vector_store %arg9[%swap3A_76, %swap3A_77], %swap3A_80 {strides = array<i32>} : memref<16x128xf32, #tpu.memory_space<vmem>>, vector<1x16xf32>,
      %broadcast_in_dim3A_81 = arith.constant 0.000000e+00 : f32
      %broadcast_in_dim3A_82 = vector.broadcast %broadcast_in_dim3A_81 : f32 to vector<16xf32>
      %swap3A_83 = arith.index_cast %scan3A_67 : i32 to index
      %swap3A_84 = arith.constant 32 : index
      %swap3A_85 = tpu.vector_load %arg9[%swap3A_83, %swap3A_84] {strides = array<i32>} : memref<16x128xf32, #tpu.memory_space<vmem>>, vector<1x16xf32>,
      %swap3A_86 = vector.shape_cast %swap3A_85 : vector<1x16xf32> to vector<16xf32>
      %swap3A_87 = vector.shape_cast %broadcast_in_dim3A_82 : vector<16xf32> to vector<1x16xf32>
      tpu.vector_store %arg9[%swap3A_83, %swap3A_84], %swap3A_87 {strides = array<i32>} : memref<16x128xf32, #tpu.memory_space<vmem>>, vector<1x16xf32>,
      %broadcast_in_dim3A_88 = arith.constant 0.000000e+00 : f32
      %broadcast_in_dim3A_89 = vector.broadcast %broadcast_in_dim3A_88 : f32 to vector<16xf32>
      %swap3A_90 = arith.index_cast %scan3A_67 : i32 to index
      %swap3A_91 = arith.constant 48 : index
      %swap3A_92 = tpu.vector_load %arg9[%swap3A_90, %swap3A_91] {strides = array<i32>} : memref<16x128xf32, #tpu.memory_space<vmem>>, vector<1x16xf32>,
      %swap3A_93 = vector.shape_cast %swap3A_92 : vector<1x16xf32> to vector<16xf32>
      %swap3A_94 = vector.shape_cast %broadcast_in_dim3A_89 : vector<16xf32> to vector<1x16xf32>
      tpu.vector_store %arg9[%swap3A_90, %swap3A_91], %swap3A_94 {strides = array<i32>} : memref<16x128xf32, #tpu.memory_space<vmem>>, vector<1x16xf32>,
      %broadcast_in_dim3A_95 = arith.constant 0.000000e+00 : f32
      %broadcast_in_dim3A_96 = vector.broadcast %broadcast_in_dim3A_95 : f32 to vector<16xf32>
      %swap3A_97 = arith.index_cast %scan3A_67 : i32 to index
      %swap3A_98 = arith.constant 64 : index
      %swap3A_99 = tpu.vector_load %arg9[%swap3A_97, %swap3A_98] {strides = array<i32>} : memref<16x128xf32, #tpu.memory_space<vmem>>, vector<1x16xf32>,
      %swap3A_100 = vector.shape_cast %swap3A_99 : vector<1x16xf32> to vector<16xf32>
      %swap3A_101 = vector.shape_cast %broadcast_in_dim3A_96 : vector<16xf32> to vector<1x16xf32>
      tpu.vector_store %arg9[%swap3A_97, %swap3A_98], %swap3A_101 {strides = array<i32>} : memref<16x128xf32, #tpu.memory_space<vmem>>, vector<1x16xf32>,
      %broadcast_in_dim3A_102 = arith.constant 0.000000e+00 : f32
      %broadcast_in_dim3A_103 = vector.broadcast %broadcast_in_dim3A_102 : f32 to vector<16xf32>
      %swap3A_104 = arith.index_cast %scan3A_67 : i32 to index
      %swap3A_105 = arith.constant 80 : index
      %swap3A_106 = tpu.vector_load %arg9[%swap3A_104, %swap3A_105] {strides = array<i32>} : memref<16x128xf32, #tpu.memory_space<vmem>>, vector<1x16xf32>,
      %swap3A_107 = vector.shape_cast %swap3A_106 : vector<1x16xf32> to vector<16xf32>
      %swap3A_108 = vector.shape_cast %broadcast_in_dim3A_103 : vector<16xf32> to vector<1x16xf32>
      tpu.vector_store %arg9[%swap3A_104, %swap3A_105], %swap3A_108 {strides = array<i32>} : memref<16x128xf32, #tpu.memory_space<vmem>>, vector<1x16xf32>,
      %broadcast_in_dim3A_109 = arith.constant 0.000000e+00 : f32
      %broadcast_in_dim3A_110 = vector.broadcast %broadcast_in_dim3A_109 : f32 to vector<16xf32>
      %swap3A_111 = arith.index_cast %scan3A_67 : i32 to index
      %swap3A_112 = arith.constant 96 : index
      %swap3A_113 = tpu.vector_load %arg9[%swap3A_111, %swap3A_112] {strides = array<i32>} : memref<16x128xf32, #tpu.memory_space<vmem>>, vector<1x16xf32>,
      %swap3A_114 = vector.shape_cast %swap3A_113 : vector<1x16xf32> to vector<16xf32>
      %swap3A_115 = vector.shape_cast %broadcast_in_dim3A_110 : vector<16xf32> to vector<1x16xf32>
      tpu.vector_store %arg9[%swap3A_111, %swap3A_112], %swap3A_115 {strides = array<i32>} : memref<16x128xf32, #tpu.memory_space<vmem>>, vector<1x16xf32>,
      %broadcast_in_dim3A_116 = arith.constant 0.000000e+00 : f32
      %broadcast_in_dim3A_117 = vector.broadcast %broadcast_in_dim3A_116 : f32 to vector<16xf32>
      %swap3A_118 = arith.index_cast %scan3A_67 : i32 to index
      %swap3A_119 = arith.constant 112 : index
      %swap3A_120 = tpu.vector_load %arg9[%swap3A_118, %swap3A_119] {strides = array<i32>} : memref<16x128xf32, #tpu.memory_space<vmem>>, vector<1x16xf32>,
      %swap3A_121 = vector.shape_cast %swap3A_120 : vector<1x16xf32> to vector<16xf32>
      %swap3A_122 = vector.shape_cast %broadcast_in_dim3A_117 : vector<16xf32> to vector<1x16xf32>
      tpu.vector_store %arg9[%swap3A_118, %swap3A_119], %swap3A_122 {strides = array<i32>} : memref<16x128xf32, #tpu.memory_space<vmem>>, vector<1x16xf32>,
      %scan3A_123 = arith.constant 0 : i32
      scf.yield %scan3A_123 : i32
    }
    %scan3A_5 = arith.constant 16 : i32
    %dma_start3A = arith.constant 0 : i32
    %dma_start3A_6 = arith.constant 0 : i32
    %dma_start3A_7 = arith.constant 0 : i32
    %dma_start3A_8 = arith.constant 0 : i32
    %dma_start3A_9 = tpu.memref_slice %arg8[%dma_start3A_6, %dma_start3A_7, %dma_start3A_8] : memref<2x128x128xf32, #tpu.memory_space<vmem>> -> memref<1x128x128xf32, #tpu.memory_space<vmem>>
    %dma_start3A_10 = tpu.memref_squeeze %dma_start3A_9 : memref<1x128x128xf32, #tpu.memory_space<vmem>> -> memref<128x128xf32, #tpu.memory_space<vmem>>
    %dma_start3A_11 = arith.constant 0 : i32
    %dma_start3A_12 = tpu.memref_slice %arg6[%dma_start3A, %dma_start3A_11] : memref<40x128xi32, #tpu.memory_space<vmem>> -> memref<1x128xi32, #tpu.memory_space<vmem>>
    %dma_start3A_13 = tpu.memref_squeeze %dma_start3A_12 : memref<1x128xi32, #tpu.memory_space<vmem>> -> memref<128xi32, #tpu.memory_space<vmem>>
    %dma_start3A_14 = arith.constant 0 : i32
    %dma_start3A_15 = arith.constant 0 : i32
    %dma_start3A_16 = tpu.memref_slice %arg2[%dma_start3A_14, %dma_start3A_15] : memref<10000x128xf32, #tpu.memory_space<hbm>> -> memref<10000x128xf32, #tpu.memory_space<hbm>>
    tpu.enqueue_indirect_dma source(%dma_start3A_16 : memref<10000x128xf32, #tpu.memory_space<hbm>>) target(%dma_start3A_10 : memref<128x128xf32, #tpu.memory_space<vmem>>) offsets(%dma_start3A_13 : memref<128xi32, #tpu.memory_space<vmem>>) semaphore(%arg11 : memref<!tpu.dma_semaphore, #tpu.memory_space<semaphore_mem>>)
    %mul3A = arith.constant 624 : i32
    %mul3A_17 = arith.muli %arg1, %mul3A : i32
    %eq3A = arith.constant 15 : i32
    %eq3A_18 = arith.cmpi eq, %arg1, %eq3A : i32
    %jit3A = arith.constant 48 : i32
    %jit3A_19 = arith.constant 39 : i32
    %select_n3A = arith.select %eq3A_18, %jit3A, %jit3A_19 : i32
    %while3A = arith.constant 0 : i32
    %while3A_20 = arith.constant 0 : i32
    %while3A_21 = arith.subi %select_n3A, %while3A : i32
    %while3A_22 = arith.addi %while3A, %while3A_21 : i32
    %while3A_23 = arith.constant 1 : i32
    %while3A_24 = arith.divsi %while3A_21, %while3A_23 : i32
    %while3A_25 = arith.muli %while3A_24, %while3A_23 : i32
    %while3A_26 = arith.addi %while3A, %while3A_25 : i32
    %while3A_27 = arith.constant 1 : i32
    %while3A_28 = scf.for %while3A_67 = %while3A to %while3A_26 step %while3A_27 iter_args(%while3A_68 = %while3A_20) -> (i32)  : i32 {
      %mul3A_69 = arith.constant 16 : i32
      %mul3A_70 = arith.muli %while3A_67, %mul3A_69 : i32
      %add3A = arith.addi %mul3A_17, %mul3A_70 : i32
      %dma_start3A_71 = arith.constant 0 : i32
      %dma_start3A_72 = tpu.memref_slice %arg10[%add3A, %dma_start3A_71] : memref<10128x128xf32, #tpu.memory_space<vmem_shared>> -> memref<16x128xf32, #tpu.memory_space<vmem_shared>>
      %dma_start3A_73 = arith.constant 0 : i32
      %dma_start3A_74 = tpu.memref_slice %arg10[%add3A, %dma_start3A_73] : memref<10128x128xf32, #tpu.memory_space<vmem_shared>> -> memref<16x128xf32, #tpu.memory_space<vmem_shared>>
      tpu.enqueue_dma source(%arg9 : memref<16x128xf32, #tpu.memory_space<vmem>>) target(%dma_start3A_74 : memref<16x128xf32, #tpu.memory_space<vmem_shared>>) target_semaphore(%arg12 : memref<!tpu.dma_semaphore, #tpu.memory_space<semaphore_mem>>)
      %while3A_75 = arith.constant 0 : i32
      scf.yield %while3A_75 : i32
    }
    %while3A_29 = arith.constant 1 : i32
    %while3A_30 = scf.for %while3A_67 = %while3A_26 to %while3A_22 step %while3A_29 iter_args(%while3A_68 = %while3A_28) -> (i32)  : i32 {
      %mul3A_69 = arith.constant 16 : i32
      %mul3A_70 = arith.muli %while3A_67, %mul3A_69 : i32
      %add3A = arith.addi %mul3A_17, %mul3A_70 : i32
      %dma_start3A_71 = arith.constant 0 : i32
      %dma_start3A_72 = tpu.memref_slice %arg10[%add3A, %dma_start3A_71] : memref<10128x128xf32, #tpu.memory_space<vmem_shared>> -> memref<16x128xf32, #tpu.memory_space<vmem_shared>>
      %dma_start3A_73 = arith.constant 0 : i32
      %dma_start3A_74 = tpu.memref_slice %arg10[%add3A, %dma_start3A_73] : memref<10128x128xf32, #tpu.memory_space<vmem_shared>> -> memref<16x128xf32, #tpu.memory_space<vmem_shared>>
      tpu.enqueue_dma source(%arg9 : memref<16x128xf32, #tpu.memory_space<vmem>>) target(%dma_start3A_74 : memref<16x128xf32, #tpu.memory_space<vmem_shared>>) target_semaphore(%arg12 : memref<!tpu.dma_semaphore, #tpu.memory_space<semaphore_mem>>)
      %while3A_75 = arith.constant 0 : i32
      scf.yield %while3A_75 : i32
    }
    %while3A_31 = arith.constant 0 : i32
    %while3A_32 = arith.constant 0 : i32
    %while3A_33 = arith.subi %select_n3A, %while3A_31 : i32
    %while3A_34 = arith.addi %while3A_31, %while3A_33 : i32
    %while3A_35 = arith.constant 1 : i32
    %while3A_36 = arith.divsi %while3A_33, %while3A_35 : i32
    %while3A_37 = arith.muli %while3A_36, %while3A_35 : i32
    %while3A_38 = arith.addi %while3A_31, %while3A_37 : i32
    %while3A_39 = arith.constant 1 : i32
    %while3A_40 = scf.for %while3A_67 = %while3A_31 to %while3A_38 step %while3A_39 iter_args(%while3A_68 = %while3A_32) -> (i32)  : i32 {
      %mul3A_69 = arith.constant 16 : i32
      %mul3A_70 = arith.muli %while3A_67, %mul3A_69 : i32
      %add3A = arith.addi %mul3A_17, %mul3A_70 : i32
      %dma_wait3A_71 = arith.constant 0 : i32
      %dma_wait3A_72 = tpu.memref_slice %arg10[%add3A, %dma_wait3A_71] : memref<10128x128xf32, #tpu.memory_space<vmem_shared>> -> memref<16x128xf32, #tpu.memory_space<vmem_shared>>
      %dma_wait3A_73 = arith.constant 0 : i32
      %dma_wait3A_74 = tpu.memref_slice %arg10[%add3A, %dma_wait3A_73] : memref<10128x128xf32, #tpu.memory_space<vmem_shared>> -> memref<16x128xf32, #tpu.memory_space<vmem_shared>>
      tpu.wait_dma2 semaphore(%arg12 : memref<!tpu.dma_semaphore, #tpu.memory_space<semaphore_mem>>) src(%arg9 : memref<16x128xf32, #tpu.memory_space<vmem>>) dst(%dma_wait3A_74 : memref<16x128xf32, #tpu.memory_space<vmem_shared>>)
      %while3A_75 = arith.constant 0 : i32
      scf.yield %while3A_75 : i32
    }
    %while3A_41 = arith.constant 1 : i32
    %while3A_42 = scf.for %while3A_67 = %while3A_38 to %while3A_34 step %while3A_41 iter_args(%while3A_68 = %while3A_40) -> (i32)  : i32 {
      %mul3A_69 = arith.constant 16 : i32
      %mul3A_70 = arith.muli %while3A_67, %mul3A_69 : i32
      %add3A = arith.addi %mul3A_17, %mul3A_70 : i32
      %dma_wait3A_71 = arith.constant 0 : i32
      %dma_wait3A_72 = tpu.memref_slice %arg10[%add3A, %dma_wait3A_71] : memref<10128x128xf32, #tpu.memory_space<vmem_shared>> -> memref<16x128xf32, #tpu.memory_space<vmem_shared>>
      %dma_wait3A_73 = arith.constant 0 : i32
      %dma_wait3A_74 = tpu.memref_slice %arg10[%add3A, %dma_wait3A_73] : memref<10128x128xf32, #tpu.memory_space<vmem_shared>> -> memref<16x128xf32, #tpu.memory_space<vmem_shared>>
      tpu.wait_dma2 semaphore(%arg12 : memref<!tpu.dma_semaphore, #tpu.memory_space<semaphore_mem>>) src(%arg9 : memref<16x128xf32, #tpu.memory_space<vmem>>) dst(%dma_wait3A_74 : memref<16x128xf32, #tpu.memory_space<vmem_shared>>)
      %while3A_75 = arith.constant 0 : i32
      scf.yield %while3A_75 : i32
    }
    %barrier3A = arith.constant 0 : index
    tpu.barrier barrier_id(%barrier3A)
    %scan3A_43 = arith.constant 0 : i32
    %scan3A_44 = arith.constant 0 : i32
    %scan3A_45 = arith.constant 40 : i32
    %scan3A_46 = arith.addi %scan3A_44, %scan3A_45 : i32
    %scan3A_47 = arith.constant 1 : i32
    %scan3A_48 = scf.for %scan3A_67 = %scan3A_44 to %scan3A_46 step %scan3A_47 iter_args(%scan3A_68 = %scan3A_43) -> (i32)  : i32 {
      %rem3A = arith.constant 2 : i32
      %rem3A_69 = arith.remsi %scan3A_67, %rem3A : i32
      %ge3A = arith.constant 1 : i32
      %ge3A_70 = arith.cmpi sge, %scan3A_67, %ge3A : i32
      %convert_element_type3A_71 = arith.extui %ge3A_70 : i1 to i32
      %cond3A_72 = arith.constant 0 : i32
      %cond3A_73 = arith.cmpi ne, %convert_element_type3A_71, %cond3A_72 : i32
      scf.if %cond3A_73 {
        %sub3A_101 = arith.constant 1 : i32
        %sub3A_102 = arith.subi %scan3A_67, %sub3A_101 : i32
        %rem3A_103 = arith.constant 2 : i32
        %rem3A_104 = arith.remsi %sub3A_102, %rem3A_103 : i32
        %sub3A_105 = arith.constant 1 : i32
        %sub3A_106 = arith.subi %scan3A_67, %sub3A_105 : i32
        %dma_wait3A_107 = arith.constant 0 : i32
        %dma_wait3A_108 = arith.constant 0 : i32
        %dma_wait3A_109 = tpu.memref_slice %arg8[%rem3A_104, %dma_wait3A_107, %dma_wait3A_108] : memref<2x128x128xf32, #tpu.memory_space<vmem>> -> memref<1x128x128xf32, #tpu.memory_space<vmem>>
        %dma_wait3A_110 = tpu.memref_squeeze %dma_wait3A_109 : memref<1x128x128xf32, #tpu.memory_space<vmem>> -> memref<128x128xf32, #tpu.memory_space<vmem>>
        %dma_wait3A_111 = arith.constant 0 : i32
        %dma_wait3A_112 = tpu.memref_slice %arg7[%sub3A_106, %dma_wait3A_111] : memref<40x128xi32, #tpu.memory_space<vmem>> -> memref<1x128xi32, #tpu.memory_space<vmem>>
        %dma_wait3A_113 = tpu.memref_squeeze %dma_wait3A_112 : memref<1x128xi32, #tpu.memory_space<vmem>> -> memref<128xi32, #tpu.memory_space<vmem>>
        %dma_wait3A_114 = arith.constant 0 : i32
        %dma_wait3A_115 = arith.constant 0 : i32
        %dma_wait3A_116 = tpu.memref_slice %arg10[%dma_wait3A_114, %dma_wait3A_115] : memref<10128x128xf32, #tpu.memory_space<vmem_shared>> -> memref<10128x128xf32, #tpu.memory_space<vmem_shared>>
        tpu.wait_indirect_dma semaphore(%arg12 : memref<!tpu.dma_semaphore, #tpu.memory_space<semaphore_mem>>) src(%dma_wait3A_110 : memref<128x128xf32, #tpu.memory_space<vmem>>) dst(%dma_wait3A_116 : memref<10128x128xf32, #tpu.memory_space<vmem_shared>>)
      } else {
      }
      %add3A = arith.constant 2 : i32
      %add3A_74 = arith.addi %scan3A_67, %add3A : i32
      %sub3A = arith.constant 1 : i32
      %sub3A_75 = arith.subi %add3A_74, %sub3A : i32
      %lt3A = arith.constant 40 : i32
      %lt3A_76 = arith.cmpi slt, %sub3A_75, %lt3A : i32
      %convert_element_type3A_77 = arith.extui %lt3A_76 : i1 to i32
      %cond3A_78 = arith.constant 0 : i32
      %cond3A_79 = arith.cmpi ne, %convert_element_type3A_77, %cond3A_78 : i32
      scf.if %cond3A_79 {
        %add3A_101 = arith.constant 2 : i32
        %add3A_102 = arith.addi %scan3A_67, %add3A_101 : i32
        %sub3A_103 = arith.constant 1 : i32
        %sub3A_104 = arith.subi %add3A_102, %sub3A_103 : i32
        %rem3A_105 = arith.constant 2 : i32
        %rem3A_106 = arith.remsi %sub3A_104, %rem3A_105 : i32
        %add3A_107 = arith.constant 2 : i32
        %add3A_108 = arith.addi %scan3A_67, %add3A_107 : i32
        %sub3A_109 = arith.constant 1 : i32
        %sub3A_110 = arith.subi %add3A_108, %sub3A_109 : i32
        %dma_start3A_111 = arith.constant 0 : i32
        %dma_start3A_112 = arith.constant 0 : i32
        %dma_start3A_113 = tpu.memref_slice %arg8[%rem3A_106, %dma_start3A_111, %dma_start3A_112] : memref<2x128x128xf32, #tpu.memory_space<vmem>> -> memref<1x128x128xf32, #tpu.memory_space<vmem>>
        %dma_start3A_114 = tpu.memref_squeeze %dma_start3A_113 : memref<1x128x128xf32, #tpu.memory_space<vmem>> -> memref<128x128xf32, #tpu.memory_space<vmem>>
        %dma_start3A_115 = arith.constant 0 : i32
        %dma_start3A_116 = tpu.memref_slice %arg6[%sub3A_110, %dma_start3A_115] : memref<40x128xi32, #tpu.memory_space<vmem>> -> memref<1x128xi32, #tpu.memory_space<vmem>>
        %dma_start3A_117 = tpu.memref_squeeze %dma_start3A_116 : memref<1x128xi32, #tpu.memory_space<vmem>> -> memref<128xi32, #tpu.memory_space<vmem>>
        %dma_start3A_118 = arith.constant 0 : i32
        %dma_start3A_119 = arith.constant 0 : i32
        %dma_start3A_120 = tpu.memref_slice %arg2[%dma_start3A_118, %dma_start3A_119] : memref<10000x128xf32, #tpu.memory_space<hbm>> -> memref<10000x128xf32, #tpu.memory_space<hbm>>
        tpu.enqueue_indirect_dma source(%dma_start3A_120 : memref<10000x128xf32, #tpu.memory_space<hbm>>) target(%dma_start3A_114 : memref<128x128xf32, #tpu.memory_space<vmem>>) offsets(%dma_start3A_117 : memref<128xi32, #tpu.memory_space<vmem>>) semaphore(%arg11 : memref<!tpu.dma_semaphore, #tpu.memory_space<semaphore_mem>>)
      } else {
      }
      %dma_wait3A_80 = arith.constant 0 : i32
      %dma_wait3A_81 = arith.constant 0 : i32
      %dma_wait3A_82 = tpu.memref_slice %arg8[%rem3A_69, %dma_wait3A_80, %dma_wait3A_81] : memref<2x128x128xf32, #tpu.memory_space<vmem>> -> memref<1x128x128xf32, #tpu.memory_space<vmem>>
      %dma_wait3A_83 = tpu.memref_squeeze %dma_wait3A_82 : memref<1x128x128xf32, #tpu.memory_space<vmem>> -> memref<128x128xf32, #tpu.memory_space<vmem>>
      %dma_wait3A_84 = arith.constant 0 : i32
      %dma_wait3A_85 = tpu.memref_slice %arg6[%scan3A_67, %dma_wait3A_84] : memref<40x128xi32, #tpu.memory_space<vmem>> -> memref<1x128xi32, #tpu.memory_space<vmem>>
      %dma_wait3A_86 = tpu.memref_squeeze %dma_wait3A_85 : memref<1x128xi32, #tpu.memory_space<vmem>> -> memref<128xi32, #tpu.memory_space<vmem>>
      %dma_wait3A_87 = arith.constant 0 : i32
      %dma_wait3A_88 = arith.constant 0 : i32
      %dma_wait3A_89 = tpu.memref_slice %arg2[%dma_wait3A_87, %dma_wait3A_88] : memref<10000x128xf32, #tpu.memory_space<hbm>> -> memref<10000x128xf32, #tpu.memory_space<hbm>>
      tpu.wait_indirect_dma semaphore(%arg11 : memref<!tpu.dma_semaphore, #tpu.memory_space<semaphore_mem>>) src(%dma_wait3A_89 : memref<10000x128xf32, #tpu.memory_space<hbm>>) dst(%dma_wait3A_83 : memref<128x128xf32, #tpu.memory_space<vmem>>)
      %dma_start3A_90 = arith.constant 0 : i32
      %dma_start3A_91 = arith.constant 0 : i32
      %dma_start3A_92 = tpu.memref_slice %arg8[%rem3A_69, %dma_start3A_90, %dma_start3A_91] : memref<2x128x128xf32, #tpu.memory_space<vmem>> -> memref<1x128x128xf32, #tpu.memory_space<vmem>>
      %dma_start3A_93 = tpu.memref_squeeze %dma_start3A_92 : memref<1x128x128xf32, #tpu.memory_space<vmem>> -> memref<128x128xf32, #tpu.memory_space<vmem>>
      %dma_start3A_94 = arith.constant 0 : i32
      %dma_start3A_95 = tpu.memref_slice %arg7[%scan3A_67, %dma_start3A_94] : memref<40x128xi32, #tpu.memory_space<vmem>> -> memref<1x128xi32, #tpu.memory_space<vmem>>
      %dma_start3A_96 = tpu.memref_squeeze %dma_start3A_95 : memref<1x128xi32, #tpu.memory_space<vmem>> -> memref<128xi32, #tpu.memory_space<vmem>>
      %dma_start3A_97 = arith.constant 0 : i32
      %dma_start3A_98 = arith.constant 0 : i32
      %dma_start3A_99 = tpu.memref_slice %arg10[%dma_start3A_97, %dma_start3A_98] : memref<10128x128xf32, #tpu.memory_space<vmem_shared>> -> memref<10128x128xf32, #tpu.memory_space<vmem_shared>>
      tpu.enqueue_indirect_dma source(%dma_start3A_93 : memref<128x128xf32, #tpu.memory_space<vmem>>) target(%dma_start3A_99 : memref<10128x128xf32, #tpu.memory_space<vmem_shared>>) offsets(%dma_start3A_96 : memref<128xi32, #tpu.memory_space<vmem>>) semaphore(%arg12 : memref<!tpu.dma_semaphore, #tpu.memory_space<semaphore_mem>>) {add = true}
      %scan3A_100 = arith.constant 0 : i32
      scf.yield %scan3A_100 : i32
    }
    %scan3A_49 = arith.constant 40 : i32
    %dma_wait3A = arith.constant 1 : i32
    %dma_wait3A_50 = arith.constant 39 : i32
    %dma_wait3A_51 = arith.constant 0 : i32
    %dma_wait3A_52 = arith.constant 0 : i32
    %dma_wait3A_53 = tpu.memref_slice %arg8[%dma_wait3A, %dma_wait3A_51, %dma_wait3A_52] : memref<2x128x128xf32, #tpu.memory_space<vmem>> -> memref<1x128x128xf32, #tpu.memory_space<vmem>>
    %dma_wait3A_54 = tpu.memref_squeeze %dma_wait3A_53 : memref<1x128x128xf32, #tpu.memory_space<vmem>> -> memref<128x128xf32, #tpu.memory_space<vmem>>
    %dma_wait3A_55 = arith.constant 0 : i32
    %dma_wait3A_56 = tpu.memref_slice %arg7[%dma_wait3A_50, %dma_wait3A_55] : memref<40x128xi32, #tpu.memory_space<vmem>> -> memref<1x128xi32, #tpu.memory_space<vmem>>
    %dma_wait3A_57 = tpu.memref_squeeze %dma_wait3A_56 : memref<1x128xi32, #tpu.memory_space<vmem>> -> memref<128xi32, #tpu.memory_space<vmem>>
    %dma_wait3A_58 = arith.constant 0 : i32
    %dma_wait3A_59 = arith.constant 0 : i32
    %dma_wait3A_60 = tpu.memref_slice %arg10[%dma_wait3A_58, %dma_wait3A_59] : memref<10128x128xf32, #tpu.memory_space<vmem_shared>> -> memref<10128x128xf32, #tpu.memory_space<vmem_shared>>
    tpu.wait_indirect_dma semaphore(%arg12 : memref<!tpu.dma_semaphore, #tpu.memory_space<semaphore_mem>>) src(%dma_wait3A_54 : memref<128x128xf32, #tpu.memory_space<vmem>>) dst(%dma_wait3A_60 : memref<10128x128xf32, #tpu.memory_space<vmem_shared>>)
    %barrier3A_61 = arith.constant 0 : index
    tpu.barrier barrier_id(%barrier3A_61)
    %mul3A_62 = arith.constant 624 : i32
    %mul3A_63 = arith.muli %arg1, %mul3A_62 : i32
    "tpu.region"() ({
      %run_scoped3A = tpu.sem_alloc : memref<!tpu.dma_semaphore, #tpu.memory_space<semaphore_mem>>
      %dma_start3A_67 = arith.constant 0 : i32
      %dma_start3A_68 = arith.constant 0 : i32
      %dma_start3A_69 = tpu.memref_slice %arg5[%arg0, %dma_start3A_67, %dma_start3A_68] : memref<2x10000x128xf32, #tpu.memory_space<hbm>> -> memref<1x10000x128xf32, #tpu.memory_space<hbm>>
      %dma_start3A_70 = tpu.memref_squeeze %dma_start3A_69 : memref<1x10000x128xf32, #tpu.memory_space<hbm>> -> memref<10000x128xf32, #tpu.memory_space<hbm>>
      %dma_start3A_71 = arith.constant 0 : i32
      %dma_start3A_72 = tpu.memref_slice %dma_start3A_70[%mul3A_63, %dma_start3A_71] : memref<10000x128xf32, #tpu.memory_space<hbm>> -> memref<624x128xf32, #tpu.memory_space<hbm>>
      %dma_start3A_73 = arith.constant 0 : i32
      %dma_start3A_74 = tpu.memref_slice %arg10[%mul3A_63, %dma_start3A_73] : memref<10128x128xf32, #tpu.memory_space<vmem_shared>> -> memref<624x128xf32, #tpu.memory_space<vmem_shared>>
      tpu.enqueue_dma source(%dma_start3A_74 : memref<624x128xf32, #tpu.memory_space<vmem_shared>>) target(%dma_start3A_72 : memref<624x128xf32, #tpu.memory_space<hbm>>) target_semaphore(%run_scoped3A : memref<!tpu.dma_semaphore, #tpu.memory_space<semaphore_mem>>)
      %dma_wait3A_75 = arith.constant 0 : i32
      %dma_wait3A_76 = arith.constant 0 : i32
      %dma_wait3A_77 = tpu.memref_slice %arg5[%arg0, %dma_wait3A_75, %dma_wait3A_76] : memref<2x10000x128xf32, #tpu.memory_space<hbm>> -> memref<1x10000x128xf32, #tpu.memory_space<hbm>>
      %dma_wait3A_78 = tpu.memref_squeeze %dma_wait3A_77 : memref<1x10000x128xf32, #tpu.memory_space<hbm>> -> memref<10000x128xf32, #tpu.memory_space<hbm>>
      %dma_wait3A_79 = arith.constant 0 : i32
      %dma_wait3A_80 = tpu.memref_slice %dma_wait3A_78[%mul3A_63, %dma_wait3A_79] : memref<10000x128xf32, #tpu.memory_space<hbm>> -> memref<624x128xf32, #tpu.memory_space<hbm>>
      %dma_wait3A_81 = arith.constant 0 : i32
      %dma_wait3A_82 = tpu.memref_slice %arg10[%mul3A_63, %dma_wait3A_81] : memref<10128x128xf32, #tpu.memory_space<vmem_shared>> -> memref<624x128xf32, #tpu.memory_space<vmem_shared>>
      tpu.wait_dma2 semaphore(%run_scoped3A : memref<!tpu.dma_semaphore, #tpu.memory_space<semaphore_mem>>) src(%dma_wait3A_82 : memref<624x128xf32, #tpu.memory_space<vmem_shared>>) dst(%dma_wait3A_80 : memref<624x128xf32, #tpu.memory_space<hbm>>)
      tpu.yield
    }) : () -> ()
    %eq3A_64 = arith.constant 15 : i32
    %eq3A_65 = arith.cmpi eq, %arg1, %eq3A_64 : i32
    %convert_element_type3A = arith.extui %eq3A_65 : i1 to i32
    %cond3A = arith.constant 0 : i32
    %cond3A_66 = arith.cmpi ne, %convert_element_type3A, %cond3A : i32
    scf.if %cond3A_66 {
      "tpu.region"() ({
        %run_scoped3A = tpu.sem_alloc : memref<!tpu.dma_semaphore, #tpu.memory_space<semaphore_mem>>
        %dma_start3A_67 = arith.constant 0 : i32
        %dma_start3A_68 = arith.constant 0 : i32
        %dma_start3A_69 = tpu.memref_slice %arg5[%arg0, %dma_start3A_67, %dma_start3A_68] : memref<2x10000x128xf32, #tpu.memory_space<hbm>> -> memref<1x10000x128xf32, #tpu.memory_space<hbm>>
        %dma_start3A_70 = tpu.memref_squeeze %dma_start3A_69 : memref<1x10000x128xf32, #tpu.memory_space<hbm>> -> memref<10000x128xf32, #tpu.memory_space<hbm>>
        %dma_start3A_71 = arith.constant 9984 : i32
        %dma_start3A_72 = arith.constant 0 : i32
        %dma_start3A_73 = tpu.memref_slice %dma_start3A_70[%dma_start3A_71, %dma_start3A_72] : memref<10000x128xf32, #tpu.memory_space<hbm>> -> memref<16x128xf32, #tpu.memory_space<hbm>>
        %dma_start3A_74 = arith.constant 9984 : i32
        %dma_start3A_75 = arith.constant 0 : i32
        %dma_start3A_76 = tpu.memref_slice %arg10[%dma_start3A_74, %dma_start3A_75] : memref<10128x128xf32, #tpu.memory_space<vmem_shared>> -> memref<16x128xf32, #tpu.memory_space<vmem_shared>>
        tpu.enqueue_dma source(%dma_start3A_76 : memref<16x128xf32, #tpu.memory_space<vmem_shared>>) target(%dma_start3A_73 : memref<16x128xf32, #tpu.memory_space<hbm>>) target_semaphore(%run_scoped3A : memref<!tpu.dma_semaphore, #tpu.memory_space<semaphore_mem>>)
        %dma_wait3A_77 = arith.constant 0 : i32
        %dma_wait3A_78 = arith.constant 0 : i32
        %dma_wait3A_79 = tpu.memref_slice %arg5[%arg0, %dma_wait3A_77, %dma_wait3A_78] : memref<2x10000x128xf32, #tpu.memory_space<hbm>> -> memref<1x10000x128xf32, #tpu.memory_space<hbm>>
        %dma_wait3A_80 = tpu.memref_squeeze %dma_wait3A_79 : memref<1x10000x128xf32, #tpu.memory_space<hbm>> -> memref<10000x128xf32, #tpu.memory_space<hbm>>
        %dma_wait3A_81 = arith.constant 9984 : i32
        %dma_wait3A_82 = arith.constant 0 : i32
        %dma_wait3A_83 = tpu.memref_slice %dma_wait3A_80[%dma_wait3A_81, %dma_wait3A_82] : memref<10000x128xf32, #tpu.memory_space<hbm>> -> memref<16x128xf32, #tpu.memory_space<hbm>>
        %dma_wait3A_84 = arith.constant 9984 : i32
        %dma_wait3A_85 = arith.constant 0 : i32
        %dma_wait3A_86 = tpu.memref_slice %arg10[%dma_wait3A_84, %dma_wait3A_85] : memref<10128x128xf32, #tpu.memory_space<vmem_shared>> -> memref<16x128xf32, #tpu.memory_space<vmem_shared>>
        tpu.wait_dma2 semaphore(%run_scoped3A : memref<!tpu.dma_semaphore, #tpu.memory_space<semaphore_mem>>) src(%dma_wait3A_86 : memref<16x128xf32, #tpu.memory_space<vmem_shared>>) dst(%dma_wait3A_83 : memref<16x128xf32, #tpu.memory_space<hbm>>)
        tpu.yield
      }) : () -> ()
    } else {
    }
    return
  }
}

module attributes {stable_mosaic.version = 14 : i64} {
  func.func @_tc0_body(%arg0: i32, %arg1: memref<1000x256xf32, #tpu.memory_space<vmem>>, %arg2: memref<256x256xf32, #tpu.memory_space<vmem>>, %arg3: memref<1000x256xf32, #tpu.memory_space<vmem>>) attributes {dimension_semantics = [#tpu.dimension_semantics<arbitrary>], iteration_bounds = array<i64: 10>, scalar_prefetch = 0 : i64, scratch_operands = 0 : i64, tpu.core_type = #tpu.core_type<tc>, window_params = [{transform_indices = @transform_0, window_bounds = array<i64: 1000, 256>}, {pipeline_mode = #tpu.pipeline_mode<synchronous>, transform_indices = @transform_1, window_bounds = array<i64: 256, 256>}, {transform_indices = @transform_2, window_bounds = array<i64: 1000, 256>}]} {
    %get3A = arith.constant 0 : index
    %get3A_0 = arith.constant 0 : index
    %get3A_1 = vector.load %arg1[%get3A, %get3A_0] : memref<1000x256xf32, #tpu.memory_space<vmem>>, vector<1000x256xf32>
    %get3A_2 = arith.constant 0 : index
    %get3A_3 = arith.constant 0 : index
    %get3A_4 = vector.load %arg2[%get3A_2, %get3A_3] : memref<256x256xf32, #tpu.memory_space<vmem>>, vector<256x256xf32>
    %dot_general3A = arith.constant dense<0.000000e+00> : vector<1000x256xf32>
    %dot_general3A_5 = tpu.matmul %get3A_1, %get3A_4, %dot_general3A {dimension_numbers = #tpu.dot_dimension_numbers<[1], [0], [0], [1], [0, 0, 1, 1], [], []>, transpose_lhs_hint = false} : vector<1000x256xf32>, vector<256x256xf32>, vector<1000x256xf32> -> vector<1000x256xf32>
    %swap3A = arith.constant 0 : index
    %swap3A_6 = arith.constant 0 : index
    %swap3A_7 = vector.load %arg3[%swap3A, %swap3A_6] : memref<1000x256xf32, #tpu.memory_space<vmem>>, vector<1000x256xf32>
    tpu.vector_store %arg3[%swap3A, %swap3A_6], %dot_general3A_5 {strides = array<i32>} : memref<1000x256xf32, #tpu.memory_space<vmem>>, vector<1000x256xf32>,
    return
  }
  func.func @transform_0(%arg0: i32) -> (i32, i32) {
    %c0_i32 = arith.constant 0 : i32
    %c0_i32_0 = arith.constant 0 : i32
    return %arg0, %c0_i32 : i32, i32
  }
  func.func @transform_1(%arg0: i32) -> (i32, i32) {
    %c0_i32 = arith.constant 0 : i32
    %c0_i32_0 = arith.constant 0 : i32
    %c0_i32_1 = arith.constant 0 : i32
    return %c0_i32, %c0_i32_0 : i32, i32
  }
  func.func @transform_2(%arg0: i32) -> (i32, i32) {
    %c0_i32 = arith.constant 0 : i32
    %c0_i32_0 = arith.constant 0 : i32
    return %arg0, %c0_i32 : i32, i32
  }
}

module attributes {stable_mosaic.version = 14 : i64} {
  func.func @_tc1_body(%arg0: i32, %arg1: memref<1000x256xf32, #tpu.memory_space<vmem>>, %arg2: memref<2x1000x16xf32, #tpu.memory_space<vmem>>, %arg3: memref<1000x128xf32, #tpu.memory_space<vmem>>, %arg4: memref<1000x128xf32, #tpu.memory_space<vmem>>, %arg5: memref<1000x1xf32, #tpu.memory_space<vmem>>) attributes {dimension_semantics = [#tpu.dimension_semantics<arbitrary>], iteration_bounds = array<i64: 10>, scalar_prefetch = 0 : i64, scratch_operands = 0 : i64, tpu.core_type = #tpu.core_type<tc>, window_params = [{transform_indices = @transform_0, window_bounds = array<i64: 1000, 256>}, {transform_indices = @transform_1, window_bounds = array<i64: 2, 1000, 16>}, {transform_indices = @transform_2, window_bounds = array<i64: 1000, 128>}, {transform_indices = @transform_3, window_bounds = array<i64: 1000, 128>}, {transform_indices = @transform_4, window_bounds = array<i64: 1000, 1>}]} {
    %get3A = arith.constant 0 : index
    %get3A_0 = arith.constant 0 : index
    %get3A_1 = arith.constant 0 : index
    %get3A_2 = vector.load %arg2[%get3A, %get3A_0, %get3A_1] : memref<2x1000x16xf32, #tpu.memory_space<vmem>>, vector<1x1000x1xf32>
    %get3A_3 = vector.shape_cast %get3A_2 : vector<1x1000x1xf32> to vector<1000x1xf32>
    %add3A = arith.constant 1.000000e+00 : f32
    %add3A_4 = vector.broadcast %add3A : f32 to vector<1000x1xf32>
    %add3A_5 = arith.addf %add3A_4, %get3A_3 : vector<1000x1xf32>
    %get3A_6 = arith.constant 1 : index
    %get3A_7 = arith.constant 0 : index
    %get3A_8 = arith.constant 0 : index
    %get3A_9 = vector.load %arg2[%get3A_6, %get3A_7, %get3A_8] : memref<2x1000x16xf32, #tpu.memory_space<vmem>>, vector<1x1000x1xf32>
    %get3A_10 = vector.shape_cast %get3A_9 : vector<1x1000x1xf32> to vector<1000x1xf32>
    %add3A_11 = arith.addf %add3A_5, %get3A_10 : vector<1000x1xf32>
    %rsqrt3A = math.rsqrt %add3A_11 : vector<1000x1xf32>
    %get3A_12 = arith.constant 0 : index
    %get3A_13 = arith.constant 0 : index
    %get3A_14 = vector.load %arg1[%get3A_12, %get3A_13] : memref<1000x256xf32, #tpu.memory_space<vmem>>, vector<1000x256xf32>
    %mul3A = vector.broadcast %rsqrt3A : vector<1000x1xf32> to vector<1000x256xf32>
    %mul3A_15 = arith.mulf %get3A_14, %mul3A : vector<1000x256xf32>
    %slice3A = vector.extract_strided_slice %mul3A_15 {offsets = [0, 0], sizes = [1000, 128], strides = [1, 1]} : vector<1000x256xf32> to vector<1000x128xf32>
    %swap3A = arith.constant 0 : index
    %swap3A_16 = arith.constant 0 : index
    %swap3A_17 = vector.load %arg3[%swap3A, %swap3A_16] : memref<1000x128xf32, #tpu.memory_space<vmem>>, vector<1000x128xf32>
    tpu.vector_store %arg3[%swap3A, %swap3A_16], %slice3A {strides = array<i32>} : memref<1000x128xf32, #tpu.memory_space<vmem>>, vector<1000x128xf32>,
    %slice3A_18 = vector.extract_strided_slice %mul3A_15 {offsets = [0, 128], sizes = [1000, 128], strides = [1, 1]} : vector<1000x256xf32> to vector<1000x128xf32>
    %swap3A_19 = arith.constant 0 : index
    %swap3A_20 = arith.constant 0 : index
    %swap3A_21 = vector.load %arg4[%swap3A_19, %swap3A_20] : memref<1000x128xf32, #tpu.memory_space<vmem>>, vector<1000x128xf32>
    tpu.vector_store %arg4[%swap3A_19, %swap3A_20], %slice3A_18 {strides = array<i32>} : memref<1000x128xf32, #tpu.memory_space<vmem>>, vector<1000x128xf32>,
    %swap3A_22 = arith.constant 0 : index
    %swap3A_23 = arith.constant 0 : index
    %swap3A_24 = vector.load %arg5[%swap3A_22, %swap3A_23] : memref<1000x1xf32, #tpu.memory_space<vmem>>, vector<1000x1xf32>
    tpu.vector_store %arg5[%swap3A_22, %swap3A_23], %rsqrt3A {strides = array<i32>} : memref<1000x1xf32, #tpu.memory_space<vmem>>, vector<1000x1xf32>,
    return
  }
  func.func @transform_0(%arg0: i32) -> (i32, i32) {
    %c0_i32 = arith.constant 0 : i32
    %c0_i32_0 = arith.constant 0 : i32
    return %arg0, %c0_i32 : i32, i32
  }
  func.func @transform_1(%arg0: i32) -> (i32, i32, i32) {
    %c0_i32 = arith.constant 0 : i32
    %c0_i32_0 = arith.constant 0 : i32
    %c0_i32_1 = arith.constant 0 : i32
    return %c0_i32, %arg0, %c0_i32_0 : i32, i32, i32
  }
  func.func @transform_2(%arg0: i32) -> (i32, i32) {
    %c0_i32 = arith.constant 0 : i32
    %c0_i32_0 = arith.constant 0 : i32
    return %arg0, %c0_i32 : i32, i32
  }
  func.func @transform_3(%arg0: i32) -> (i32, i32) {
    %c0_i32 = arith.constant 0 : i32
    %c0_i32_0 = arith.constant 0 : i32
    return %arg0, %c0_i32 : i32, i32
  }
  func.func @transform_4(%arg0: i32) -> (i32, i32) {
    %c0_i32 = arith.constant 0 : i32
    %c0_i32_0 = arith.constant 0 : i32
    return %arg0, %c0_i32 : i32, i32
  }
}

module attributes {stable_mosaic.version = 14 : i64} {
  func.func @_tc_mid_body(%arg0: i32, %arg1: memref<1000x128xf32, #tpu.memory_space<vmem>>, %arg2: memref<1000x128xf32, #tpu.memory_space<vmem>>, %arg3: memref<1000x128xf32, #tpu.memory_space<vmem>>, %arg4: memref<1000x128xf32, #tpu.memory_space<vmem>>, %arg5: memref<1000x1xf32, #tpu.memory_space<vmem>>, %arg6: memref<256x256xf32, #tpu.memory_space<vmem>>, %arg7: memref<1000x128xf32, #tpu.memory_space<vmem>>, %arg8: memref<1000x128xf32, #tpu.memory_space<vmem>>) attributes {dimension_semantics = [#tpu.dimension_semantics<arbitrary>], iteration_bounds = array<i64: 10>, scalar_prefetch = 0 : i64, scratch_operands = 0 : i64, tpu.core_type = #tpu.core_type<tc>, window_params = [{transform_indices = @transform_0, window_bounds = array<i64: 1000, 128>}, {transform_indices = @transform_1, window_bounds = array<i64: 1000, 128>}, {transform_indices = @transform_2, window_bounds = array<i64: 1000, 128>}, {transform_indices = @transform_3, window_bounds = array<i64: 1000, 128>}, {transform_indices = @transform_4, window_bounds = array<i64: 1000, 1>}, {pipeline_mode = #tpu.pipeline_mode<synchronous>, transform_indices = @transform_5, window_bounds = array<i64: 256, 256>}, {transform_indices = @transform_6, window_bounds = array<i64: 1000, 128>}, {transform_indices = @transform_7, window_bounds = array<i64: 1000, 128>}]} {
    %get3A = arith.constant 0 : index
    %get3A_0 = arith.constant 0 : index
    %get3A_1 = vector.load %arg5[%get3A, %get3A_0] : memref<1000x1xf32, #tpu.memory_space<vmem>>, vector<1000x1xf32>
    %get3A_2 = arith.constant 0 : index
    %get3A_3 = arith.constant 0 : index
    %get3A_4 = vector.load %arg1[%get3A_2, %get3A_3] : memref<1000x128xf32, #tpu.memory_space<vmem>>, vector<1000x128xf32>
    %get3A_5 = arith.constant 0 : index
    %get3A_6 = arith.constant 0 : index
    %get3A_7 = vector.load %arg3[%get3A_5, %get3A_6] : memref<1000x128xf32, #tpu.memory_space<vmem>>, vector<1000x128xf32>
    %add3A = arith.addf %get3A_4, %get3A_7 : vector<1000x128xf32>
    %mul3A = vector.broadcast %get3A_1 : vector<1000x1xf32> to vector<1000x128xf32>
    %mul3A_8 = arith.mulf %add3A, %mul3A : vector<1000x128xf32>
    %max3A = arith.constant 0.000000e+00 : f32
    %max3A_9 = vector.broadcast %max3A : f32 to vector<1000x128xf32>
    %max3A_10 = arith.maximumf %mul3A_8, %max3A_9 : vector<1000x128xf32>
    %get3A_11 = arith.constant 0 : index
    %get3A_12 = arith.constant 0 : index
    %get3A_13 = vector.load %arg2[%get3A_11, %get3A_12] : memref<1000x128xf32, #tpu.memory_space<vmem>>, vector<1000x128xf32>
    %get3A_14 = arith.constant 0 : index
    %get3A_15 = arith.constant 0 : index
    %get3A_16 = vector.load %arg4[%get3A_14, %get3A_15] : memref<1000x128xf32, #tpu.memory_space<vmem>>, vector<1000x128xf32>
    %add3A_17 = arith.addf %get3A_13, %get3A_16 : vector<1000x128xf32>
    %mul3A_18 = vector.broadcast %get3A_1 : vector<1000x1xf32> to vector<1000x128xf32>
    %mul3A_19 = arith.mulf %add3A_17, %mul3A_18 : vector<1000x128xf32>
    %max3A_20 = arith.constant 0.000000e+00 : f32
    %max3A_21 = vector.broadcast %max3A_20 : f32 to vector<1000x128xf32>
    %max3A_22 = arith.maximumf %mul3A_19, %max3A_21 : vector<1000x128xf32>
    %get3A_23 = arith.constant 0 : index
    %get3A_24 = arith.constant 0 : index
    %get3A_25 = vector.load %arg6[%get3A_23, %get3A_24] : memref<256x256xf32, #tpu.memory_space<vmem>>, vector<128x256xf32>
    %dot_general3A = arith.constant dense<0.000000e+00> : vector<1000x256xf32>
    %dot_general3A_26 = tpu.matmul %max3A_10, %get3A_25, %dot_general3A {dimension_numbers = #tpu.dot_dimension_numbers<[1], [0], [0], [1], [0, 0, 1, 1], [], []>, transpose_lhs_hint = false} : vector<1000x128xf32>, vector<128x256xf32>, vector<1000x256xf32> -> vector<1000x256xf32>
    %get3A_27 = arith.constant 128 : index
    %get3A_28 = arith.constant 0 : index
    %get3A_29 = vector.load %arg6[%get3A_27, %get3A_28] : memref<256x256xf32, #tpu.memory_space<vmem>>, vector<128x256xf32>
    %dot_general3A_30 = arith.constant dense<0.000000e+00> : vector<1000x256xf32>
    %dot_general3A_31 = tpu.matmul %max3A_22, %get3A_29, %dot_general3A_30 {dimension_numbers = #tpu.dot_dimension_numbers<[1], [0], [0], [1], [0, 0, 1, 1], [], []>, transpose_lhs_hint = false} : vector<1000x128xf32>, vector<128x256xf32>, vector<1000x256xf32> -> vector<1000x256xf32>
    %add3A_32 = arith.addf %dot_general3A_26, %dot_general3A_31 : vector<1000x256xf32>
    %mul3A_33 = vector.broadcast %get3A_1 : vector<1000x1xf32> to vector<1000x256xf32>
    %mul3A_34 = arith.mulf %add3A_32, %mul3A_33 : vector<1000x256xf32>
    %slice3A = vector.extract_strided_slice %mul3A_34 {offsets = [0, 0], sizes = [1000, 128], strides = [1, 1]} : vector<1000x256xf32> to vector<1000x128xf32>
    %swap3A = arith.constant 0 : index
    %swap3A_35 = arith.constant 0 : index
    %swap3A_36 = vector.load %arg7[%swap3A, %swap3A_35] : memref<1000x128xf32, #tpu.memory_space<vmem>>, vector<1000x128xf32>
    tpu.vector_store %arg7[%swap3A, %swap3A_35], %slice3A {strides = array<i32>} : memref<1000x128xf32, #tpu.memory_space<vmem>>, vector<1000x128xf32>,
    %slice3A_37 = vector.extract_strided_slice %mul3A_34 {offsets = [0, 128], sizes = [1000, 128], strides = [1, 1]} : vector<1000x256xf32> to vector<1000x128xf32>
    %swap3A_38 = arith.constant 0 : index
    %swap3A_39 = arith.constant 0 : index
    %swap3A_40 = vector.load %arg8[%swap3A_38, %swap3A_39] : memref<1000x128xf32, #tpu.memory_space<vmem>>, vector<1000x128xf32>
    tpu.vector_store %arg8[%swap3A_38, %swap3A_39], %slice3A_37 {strides = array<i32>} : memref<1000x128xf32, #tpu.memory_space<vmem>>, vector<1000x128xf32>,
    return
  }
  func.func @transform_0(%arg0: i32) -> (i32, i32) {
    %c0_i32 = arith.constant 0 : i32
    %c0_i32_0 = arith.constant 0 : i32
    return %arg0, %c0_i32 : i32, i32
  }
  func.func @transform_1(%arg0: i32) -> (i32, i32) {
    %c0_i32 = arith.constant 0 : i32
    %c0_i32_0 = arith.constant 0 : i32
    return %arg0, %c0_i32 : i32, i32
  }
  func.func @transform_2(%arg0: i32) -> (i32, i32) {
    %c0_i32 = arith.constant 0 : i32
    %c0_i32_0 = arith.constant 0 : i32
    return %arg0, %c0_i32 : i32, i32
  }
  func.func @transform_3(%arg0: i32) -> (i32, i32) {
    %c0_i32 = arith.constant 0 : i32
    %c0_i32_0 = arith.constant 0 : i32
    return %arg0, %c0_i32 : i32, i32
  }
  func.func @transform_4(%arg0: i32) -> (i32, i32) {
    %c0_i32 = arith.constant 0 : i32
    %c0_i32_0 = arith.constant 0 : i32
    return %arg0, %c0_i32 : i32, i32
  }
  func.func @transform_5(%arg0: i32) -> (i32, i32) {
    %c0_i32 = arith.constant 0 : i32
    %c0_i32_0 = arith.constant 0 : i32
    %c0_i32_1 = arith.constant 0 : i32
    return %c0_i32, %c0_i32_0 : i32, i32
  }
  func.func @transform_6(%arg0: i32) -> (i32, i32) {
    %c0_i32 = arith.constant 0 : i32
    %c0_i32_0 = arith.constant 0 : i32
    return %arg0, %c0_i32 : i32, i32
  }
  func.func @transform_7(%arg0: i32) -> (i32, i32) {
    %c0_i32 = arith.constant 0 : i32
    %c0_i32_0 = arith.constant 0 : i32
    return %arg0, %c0_i32 : i32, i32
  }
}

module attributes {stable_mosaic.version = 14 : i64} {
  func.func @_tc_mid_body(%arg0: i32, %arg1: memref<1000x128xf32, #tpu.memory_space<vmem>>, %arg2: memref<1000x128xf32, #tpu.memory_space<vmem>>, %arg3: memref<1000x128xf32, #tpu.memory_space<vmem>>, %arg4: memref<1000x128xf32, #tpu.memory_space<vmem>>, %arg5: memref<1000x1xf32, #tpu.memory_space<vmem>>, %arg6: memref<256x40xf32, #tpu.memory_space<vmem>>, %arg7: memref<1000x128xf32, #tpu.memory_space<vmem>>) attributes {dimension_semantics = [#tpu.dimension_semantics<arbitrary>], iteration_bounds = array<i64: 10>, scalar_prefetch = 0 : i64, scratch_operands = 0 : i64, tpu.core_type = #tpu.core_type<tc>, window_params = [{transform_indices = @transform_0, window_bounds = array<i64: 1000, 128>}, {transform_indices = @transform_1, window_bounds = array<i64: 1000, 128>}, {transform_indices = @transform_2, window_bounds = array<i64: 1000, 128>}, {transform_indices = @transform_3, window_bounds = array<i64: 1000, 128>}, {transform_indices = @transform_4, window_bounds = array<i64: 1000, 1>}, {pipeline_mode = #tpu.pipeline_mode<synchronous>, transform_indices = @transform_5, window_bounds = array<i64: 256, 40>}, {transform_indices = @transform_6, window_bounds = array<i64: 1000, 128>}]} {
    %get3A = arith.constant 0 : index
    %get3A_0 = arith.constant 0 : index
    %get3A_1 = vector.load %arg5[%get3A, %get3A_0] : memref<1000x1xf32, #tpu.memory_space<vmem>>, vector<1000x1xf32>
    %get3A_2 = arith.constant 0 : index
    %get3A_3 = arith.constant 0 : index
    %get3A_4 = vector.load %arg1[%get3A_2, %get3A_3] : memref<1000x128xf32, #tpu.memory_space<vmem>>, vector<1000x128xf32>
    %get3A_5 = arith.constant 0 : index
    %get3A_6 = arith.constant 0 : index
    %get3A_7 = vector.load %arg3[%get3A_5, %get3A_6] : memref<1000x128xf32, #tpu.memory_space<vmem>>, vector<1000x128xf32>
    %add3A = arith.addf %get3A_4, %get3A_7 : vector<1000x128xf32>
    %mul3A = vector.broadcast %get3A_1 : vector<1000x1xf32> to vector<1000x128xf32>
    %mul3A_8 = arith.mulf %add3A, %mul3A : vector<1000x128xf32>
    %max3A = arith.constant 0.000000e+00 : f32
    %max3A_9 = vector.broadcast %max3A : f32 to vector<1000x128xf32>
    %max3A_10 = arith.maximumf %mul3A_8, %max3A_9 : vector<1000x128xf32>
    %get3A_11 = arith.constant 0 : index
    %get3A_12 = arith.constant 0 : index
    %get3A_13 = vector.load %arg2[%get3A_11, %get3A_12] : memref<1000x128xf32, #tpu.memory_space<vmem>>, vector<1000x128xf32>
    %get3A_14 = arith.constant 0 : index
    %get3A_15 = arith.constant 0 : index
    %get3A_16 = vector.load %arg4[%get3A_14, %get3A_15] : memref<1000x128xf32, #tpu.memory_space<vmem>>, vector<1000x128xf32>
    %add3A_17 = arith.addf %get3A_13, %get3A_16 : vector<1000x128xf32>
    %mul3A_18 = vector.broadcast %get3A_1 : vector<1000x1xf32> to vector<1000x128xf32>
    %mul3A_19 = arith.mulf %add3A_17, %mul3A_18 : vector<1000x128xf32>
    %max3A_20 = arith.constant 0.000000e+00 : f32
    %max3A_21 = vector.broadcast %max3A_20 : f32 to vector<1000x128xf32>
    %max3A_22 = arith.maximumf %mul3A_19, %max3A_21 : vector<1000x128xf32>
    %get3A_23 = arith.constant 0 : index
    %get3A_24 = arith.constant 0 : index
    %get3A_25 = vector.load %arg6[%get3A_23, %get3A_24] : memref<256x40xf32, #tpu.memory_space<vmem>>, vector<128x40xf32>
    %dot_general3A = arith.constant dense<0.000000e+00> : vector<1000x40xf32>
    %dot_general3A_26 = tpu.matmul %max3A_10, %get3A_25, %dot_general3A {dimension_numbers = #tpu.dot_dimension_numbers<[1], [0], [0], [1], [0, 0, 1, 1], [], []>, transpose_lhs_hint = false} : vector<1000x128xf32>, vector<128x40xf32>, vector<1000x40xf32> -> vector<1000x40xf32>
    %get3A_27 = arith.constant 128 : index
    %get3A_28 = arith.constant 0 : index
    %get3A_29 = vector.load %arg6[%get3A_27, %get3A_28] : memref<256x40xf32, #tpu.memory_space<vmem>>, vector<128x40xf32>
    %dot_general3A_30 = arith.constant dense<0.000000e+00> : vector<1000x40xf32>
    %dot_general3A_31 = tpu.matmul %max3A_22, %get3A_29, %dot_general3A_30 {dimension_numbers = #tpu.dot_dimension_numbers<[1], [0], [0], [1], [0, 0, 1, 1], [], []>, transpose_lhs_hint = false} : vector<1000x128xf32>, vector<128x40xf32>, vector<1000x40xf32> -> vector<1000x40xf32>
    %add3A_32 = arith.addf %dot_general3A_26, %dot_general3A_31 : vector<1000x40xf32>
    %mul3A_33 = vector.broadcast %get3A_1 : vector<1000x1xf32> to vector<1000x40xf32>
    %mul3A_34 = arith.mulf %add3A_32, %mul3A_33 : vector<1000x40xf32>
    %broadcast_in_dim3A = arith.constant 0.000000e+00 : f32
    %broadcast_in_dim3A_35 = vector.broadcast %broadcast_in_dim3A : f32 to vector<1000x88xf32>
    %concatenate3A = tpu.concatenate %mul3A_34, %broadcast_in_dim3A_35 in 1 : vector<1000x40xf32>, vector<1000x88xf32> -> vector<1000x128xf32>
    %swap3A = arith.constant 0 : index
    %swap3A_36 = arith.constant 0 : index
    %swap3A_37 = vector.load %arg7[%swap3A, %swap3A_36] : memref<1000x128xf32, #tpu.memory_space<vmem>>, vector<1000x128xf32>
    tpu.vector_store %arg7[%swap3A, %swap3A_36], %concatenate3A {strides = array<i32>} : memref<1000x128xf32, #tpu.memory_space<vmem>>, vector<1000x128xf32>,
    return
  }
  func.func @transform_0(%arg0: i32) -> (i32, i32) {
    %c0_i32 = arith.constant 0 : i32
    %c0_i32_0 = arith.constant 0 : i32
    return %arg0, %c0_i32 : i32, i32
  }
  func.func @transform_1(%arg0: i32) -> (i32, i32) {
    %c0_i32 = arith.constant 0 : i32
    %c0_i32_0 = arith.constant 0 : i32
    return %arg0, %c0_i32 : i32, i32
  }
  func.func @transform_2(%arg0: i32) -> (i32, i32) {
    %c0_i32 = arith.constant 0 : i32
    %c0_i32_0 = arith.constant 0 : i32
    return %arg0, %c0_i32 : i32, i32
  }
  func.func @transform_3(%arg0: i32) -> (i32, i32) {
    %c0_i32 = arith.constant 0 : i32
    %c0_i32_0 = arith.constant 0 : i32
    return %arg0, %c0_i32 : i32, i32
  }
  func.func @transform_4(%arg0: i32) -> (i32, i32) {
    %c0_i32 = arith.constant 0 : i32
    %c0_i32_0 = arith.constant 0 : i32
    return %arg0, %c0_i32 : i32, i32
  }
  func.func @transform_5(%arg0: i32) -> (i32, i32) {
    %c0_i32 = arith.constant 0 : i32
    %c0_i32_0 = arith.constant 0 : i32
    %c0_i32_1 = arith.constant 0 : i32
    return %c0_i32, %c0_i32_0 : i32, i32
  }
  func.func @transform_6(%arg0: i32) -> (i32, i32) {
    %c0_i32 = arith.constant 0 : i32
    %c0_i32_0 = arith.constant 0 : i32
    return %arg0, %c0_i32 : i32, i32
  }
}

module attributes {stable_mosaic.version = 14 : i64} {
  func.func @_tc_final_body(%arg0: i32, %arg1: memref<2x1000x128xf32, #tpu.memory_space<vmem>>, %arg2: memref<1000x128xf32, #tpu.memory_space<vmem>>, %arg3: memref<1000x1xf32, #tpu.memory_space<vmem>>, %arg4: memref<1000x40xf32, #tpu.memory_space<vmem>>) attributes {dimension_semantics = [#tpu.dimension_semantics<arbitrary>], iteration_bounds = array<i64: 10>, scalar_prefetch = 0 : i64, scratch_operands = 0 : i64, tpu.core_type = #tpu.core_type<tc>, window_params = [{transform_indices = @transform_0, window_bounds = array<i64: 2, 1000, 128>}, {transform_indices = @transform_1, window_bounds = array<i64: 1000, 128>}, {transform_indices = @transform_2, window_bounds = array<i64: 1000, 1>}, {transform_indices = @transform_3, window_bounds = array<i64: 1000, 40>}]} {
    %get3A = arith.constant 0 : index
    %get3A_0 = arith.constant 0 : index
    %get3A_1 = arith.constant 0 : index
    %get3A_2 = vector.load %arg1[%get3A, %get3A_0, %get3A_1] : memref<2x1000x128xf32, #tpu.memory_space<vmem>>, vector<1x1000x128xf32>
    %get3A_3 = vector.shape_cast %get3A_2 : vector<1x1000x128xf32> to vector<1000x128xf32>
    %get3A_4 = arith.constant 1 : index
    %get3A_5 = arith.constant 0 : index
    %get3A_6 = arith.constant 0 : index
    %get3A_7 = vector.load %arg1[%get3A_4, %get3A_5, %get3A_6] : memref<2x1000x128xf32, #tpu.memory_space<vmem>>, vector<1x1000x128xf32>
    %get3A_8 = vector.shape_cast %get3A_7 : vector<1x1000x128xf32> to vector<1000x128xf32>
    %add3A = arith.addf %get3A_3, %get3A_8 : vector<1000x128xf32>
    %get3A_9 = arith.constant 0 : index
    %get3A_10 = arith.constant 0 : index
    %get3A_11 = vector.load %arg2[%get3A_9, %get3A_10] : memref<1000x128xf32, #tpu.memory_space<vmem>>, vector<1000x128xf32>
    %add3A_12 = arith.addf %add3A, %get3A_11 : vector<1000x128xf32>
    %get3A_13 = arith.constant 0 : index
    %get3A_14 = arith.constant 0 : index
    %get3A_15 = vector.load %arg3[%get3A_13, %get3A_14] : memref<1000x1xf32, #tpu.memory_space<vmem>>, vector<1000x1xf32>
    %mul3A = vector.broadcast %get3A_15 : vector<1000x1xf32> to vector<1000x128xf32>
    %mul3A_16 = arith.mulf %add3A_12, %mul3A : vector<1000x128xf32>
    %max3A = arith.constant 0.000000e+00 : f32
    %max3A_17 = vector.broadcast %max3A : f32 to vector<1000x128xf32>
    %max3A_18 = arith.maximumf %mul3A_16, %max3A_17 : vector<1000x128xf32>
    %slice3A = vector.extract_strided_slice %max3A_18 {offsets = [0, 0], sizes = [1000, 40], strides = [1, 1]} : vector<1000x128xf32> to vector<1000x40xf32>
    %swap3A = arith.constant 0 : index
    %swap3A_19 = arith.constant 0 : index
    %swap3A_20 = vector.load %arg4[%swap3A, %swap3A_19] : memref<1000x40xf32, #tpu.memory_space<vmem>>, vector<1000x40xf32>
    tpu.vector_store %arg4[%swap3A, %swap3A_19], %slice3A {strides = array<i32>} : memref<1000x40xf32, #tpu.memory_space<vmem>>, vector<1000x40xf32>,
    return
  }
  func.func @transform_0(%arg0: i32) -> (i32, i32, i32) {
    %c0_i32 = arith.constant 0 : i32
    %c0_i32_0 = arith.constant 0 : i32
    %c0_i32_1 = arith.constant 0 : i32
    return %c0_i32, %arg0, %c0_i32_0 : i32, i32, i32
  }
  func.func @transform_1(%arg0: i32) -> (i32, i32) {
    %c0_i32 = arith.constant 0 : i32
    %c0_i32_0 = arith.constant 0 : i32
    return %arg0, %c0_i32 : i32, i32
  }
  func.func @transform_2(%arg0: i32) -> (i32, i32) {
    %c0_i32 = arith.constant 0 : i32
    %c0_i32_0 = arith.constant 0 : i32
    return %arg0, %c0_i32 : i32, i32
  }
  func.func @transform_3(%arg0: i32) -> (i32, i32) {
    %c0_i32 = arith.constant 0 : i32
    %c0_i32_0 = arith.constant 0 : i32
    return %arg0, %c0_i32 : i32, i32
  }
}

</mosaic_0001>

<sc_bundles>
// kernel: kernel.11.cloned.1.call-start
scs
__scs_entry_jumppad:
0x0: {  	(pc) =	sbr.rel $0x88, $3  }
0x1: {  	(tag) =	ssettag $0x0;
	lr =	simm.s32 $0x1  }
0x2: {  	[smem:$0x3F9C] =	sst lr;
	_ =	strace $0xD0000000  }
0x3: {  	_ = 	snop  }
0x4: {  	_ = 	snop  }
0x5: {  	_ = 	snop  }
0x6: {  	_ = 	snop  }
0x7: {  	_ = 	snop  }
__scs_overlays_trampoline_lowered:
0x8: {  	[smem:$0x3FAB] =	sst s0  }
0x9: {  	[smem:$0x3FAC] =	sst s1  }
0xa: {  	[smem:$0x3FAD] =	sst s2  }
0xb: {  	[smem:$0x3FAE] =	sst s3  }
0xc: {  	[smem:$0x3FAF] =	sst s4  }
0xd: {  	[smem:$0x3FB0] =	sst s5  }
0xe: {  	[smem:$0x3FB1] =	sst s6  }
0xf: {  	[smem:$0x3FB2] =	sst s7  }
0x10: {  	[smem:$0x3FB3] =	sst s8  }
0x11: {  	[smem:$0x3FB4] =	sst s9;
	s0 =	simm.s32 @!p0 $0x0  }
0x12: {  	s1 =	sld [smem:$0x3F9A];
	s0 =	simm.s32 @p0 $0x1  }
0x13: {  	[smem:$0x3FB5] =	sst s0;
	s0 =	simm.s32 @!p1 $0x0  }
0x14: {  	s2 =	sld [smem:$0x3F99];
	s0 =	simm.s32 @p1 $0x1  }
0x15: {  	[smem:$0x3FB6] =	sst s0;
	s0 =	simm.s32 @!p2 $0x0  }
0x16: {  	s3 =	sld [smem:$0x3FDB];
	s0 =	simm.s32 @p2 $0x1  }
0x17: {  	s4 =	simm.s32 $0x1BF5;
	[smem:$0x3FB8] =	sst s0  }
0x18: {  	s0 =	sld [smem:$0x3F9B];
	_ =	swait.ge [sflag:s4], $0x0  }
0x19: {  	s7 =	sld [smem:$0x3F9C]  }
0x1a: {  	s8 =	sadd.s32 $0xFFFFE003, lr  }
0x1b: {  	s9 =	sadd.s32 $0xFFFFFEF7, lr;
	s5 =	simm.s32 $0xFFFFFFFF;
	p2 =	slt.u32 s8, $0xFFFFF086  }
0x1c: {  	p1 =	slt.u32 s9, $0xF7A;
	s5 =	simm.s32 @!p2 $0x0  }
0x1d: {  	s5 =	simm.s32 @p1 $0x1;
	p0 =	seq.s32 s7, s2  }
0x1e: {  	s7 =	smul.u32 @!p0 $0xF7A, s2;
	p2 =	seq.s32 @!p0 s5, $0x0  }
0x1f: {  	s9 =	smul.u32 $0xF7A, s1;
	s8 =	simm.s32 @!p0 $0x1BF5;
	p2 =	por !p2, p0  }
0x20: {  	[sflag:s8] =	ssyncset.s32 @!p0 $0xFFFFF086;
	s6 =	sadd.s32 @!p0 s3, s7;
	s7 =	simm.s32 @!p0 $0x108  }
0x21: {  	s3 =	sadd.s32 s3, s9;
	s6 =	sadd.s32 @!p0 $0x88, s6;
	s7 =	simm.s32 @p2 $0x1082  }
0x22: {  	[simem:s7], [sflag:s8] =	dma.local @!p0 [hbm:s6], $0xF7A  }
0x23: {  	s9 =	sor.u32 $0xD0000000, s2;
	s6 =	simm.s32 $0x108;
	_ =	swait.ge @!p0 [sflag:s8], $0x0  }
0x24: {  	s3 =	sadd.s32 $0x88, s3;
	s6 =	simm.s32 @!p1 $0x1082;
	[sflag:s4] =	ssyncset.s32 $0xFFFFF086  }
0x25: {  	[simem:s6], [sflag:s4] =	dma.local [hbm:s3], $0xF7A  }
0x26: {  	[smem:$0x3F9C] =	sst s1;
	(tag) =	ssettag s2;
	_ =	strace s9  }
0x27: {  	s1 =	sld [smem:$0x3FAC]  }
0x28: {  	s2 =	sld [smem:$0x3FAD]  }
0x29: {  	s4 =	sld [smem:$0x3FAF]  }
0x2a: {  	p0 =	seq.s32 s5, $0x0;
	s5 =	sld [smem:$0x3FB0]  }
0x2b: {  	s6 =	sld [smem:$0x3FB1]  }
0x2c: {  	s7 =	sld [smem:$0x3FB2]  }
0x2d: {  	s3 =	simm.s32 $0x108;
	s8 =	sld [smem:$0x3FB3]  }
0x2e: {  	s3 =	simm.s32 @!p0 $0x1082;
	s9 =	sld [smem:$0x3FB4]  }
0x2f: {  	lr =	sadd.s32 s0, s3;
	s0 =	sld [smem:$0x3FAB]  }
0x30: {  	s3 =	sld [smem:$0x3FAE]  }
0x31: {  	[smem:$0x3FB7] =	sst s10  }
0x32: {  	s10 =	sld [smem:$0x3FB5];
	_ =	sdelay $0x3  }
0x33: {  	p0 =	seq.s32 s10, $0x1;
	s10 =	sld [smem:$0x3FB7];
	_ =	sdelay $0x3  }
0x34: {  	[smem:$0x3FB7] =	sst s10  }
0x35: {  	s10 =	sld [smem:$0x3FB6];
	_ =	sdelay $0x3  }
0x36: {  	p1 =	seq.s32 s10, $0x1;
	s10 =	sld [smem:$0x3FB7];
	_ =	sdelay $0x3  }
0x37: {  	[smem:$0x3FB7] =	sst s10  }
0x38: {  	s10 =	sld [smem:$0x3FB8]  }
0x39: {  	_ = 	snop;
	(pc) =	sbr.ind lr, $3  }
0x3a: {  	_ = 	snop  }
0x3b: {  	_ = 	snop  }
0x3c: {  	p2 =	seq.s32 s10, $0x1;
	s10 =	sld [smem:$0x3FB7]  }
0x3d: {  	_ =	shalt  }
0x3e: {  	_ =	shalt  }
0x3f: {  	_ =	shalt  }
0x40: {  	_ =	shalt  }
0x41: {  	_ =	shalt  }
0x42: {  	_ =	shalt  }
0x43: {  	_ =	shalt  }
0x44: {  	_ =	shalt  }
0x45: {  	_ =	shalt  }
0x46: {  	_ =	shalt  }
0x47: {  	_ =	shalt  }
0x48: {  	_ =	shalt  }
0x49: {  	_ =	shalt  }
0x4a: {  	_ =	shalt  }
0x4b: {  	_ =	shalt  }
0x4c: {  	_ =	shalt  }
0x4d: {  	_ =	shalt  }
0x4e: {  	_ =	shalt  }
0x4f: {  	_ =	shalt  }
0x50: {  	_ =	shalt  }
0x51: {  	_ =	shalt  }
0x52: {  	_ =	shalt  }
0x53: {  	_ =	shalt  }
0x54: {  	_ =	shalt  }
0x55: {  	_ =	shalt  }
0x56: {  	_ =	shalt  }
0x57: {  	_ =	shalt  }
0x58: {  	_ =	shalt  }
0x59: {  	_ =	shalt  }
0x5a: {  	_ =	shalt  }
0x5b: {  	_ =	shalt  }
0x5c: {  	_ =	shalt  }
0x5d: {  	_ =	shalt  }
0x5e: {  	_ =	shalt  }
0x5f: {  	_ =	shalt  }
0x60: {  	_ =	shalt  }
0x61: {  	_ =	shalt  }
0x62: {  	_ =	shalt  }
0x63: {  	_ =	shalt  }
0x64: {  	_ =	shalt  }
0x65: {  	_ =	shalt  }
0x66: {  	_ =	shalt  }
0x67: {  	_ =	shalt  }
0x68: {  	_ =	shalt  }
0x69: {  	_ =	shalt  }
0x6a: {  	_ =	shalt  }
0x6b: {  	_ =	shalt  }
0x6c: {  	_ =	shalt  }
0x6d: {  	_ =	shalt  }
0x6e: {  	_ =	shalt  }
0x6f: {  	_ =	shalt  }
0x70: {  	_ =	shalt  }
0x71: {  	_ =	shalt  }
0x72: {  	_ =	shalt  }
0x73: {  	_ =	shalt  }
0x74: {  	_ =	shalt  }
0x75: {  	_ =	shalt  }
0x76: {  	_ =	shalt  }
0x77: {  	_ =	shalt  }
0x78: {  	_ =	shalt  }
0x79: {  	_ =	shalt  }
0x7a: {  	_ =	shalt  }
0x7b: {  	_ =	shalt  }
0x7c: {  	_ =	shalt  }
0x7d: {  	_ =	shalt  }
0x7e: {  	_ =	shalt  }
0x7f: {  	_ =	shalt  }
0x80: {  	_ =	shalt  }
0x81: {  	_ =	shalt  }
0x82: {  	_ =	shalt  }
0x83: {  	_ =	shalt  }
0x84: {  	_ =	shalt  }
0x85: {  	_ =	shalt  }
0x86: {  	_ =	shalt  }
0x87: {  	_ =	shalt  }
.Lfunc_end0:
.L_simem_size_0:
called_computation_lowered:
.L_overlay_start_0:
0x88: {  	s2 =	sld [smem:$0x3FD9]  }
0x89: {  	s3 =	sld [smem:$0x3FFE];
	_ =	sdelay $0x1  }
0x8a: {  	s1 =	srdreg.scid  }
0x8b: {  	s0 =	sand.u32 $0x1, s1  }
0x8c: {  	s17 =	sshll.u32 s0, $0xA;
	s2 =	sadd.s32 s3, s2  }
0x8d: {  	s2 =	sadd.s32 s2, s17  }
0x8e: {  	[smem:$0x3FC3] =	sst s2  }
0x8f: {  	_ = 	snop  }
0x90: {  	s2 =	sld [smem:$0x3FD0];
	(tm) =	ssettm $0x1  }
0x91: {  	s18 =	sld [smem:$0x3FFB];
	_ =	sdelay $0x3  }
0x92: {  	_ =	strace s18  }
0x93: {  	s3 =	sld [smem:$0x3FFC];
	_ =	sdelay $0x3  }
0x94: {  	_ =	strace s3  }
0x95: {  	s3 =	sld [smem:$0x3FFD];
	_ =	sdelay $0x3  }
0x96: {  	_ =	strace s3  }
0x97: {  	_ =	strace $0x8FFFFFFF  }
0x98: {  	s19 =	sld [smem:$0x3FDB];
	_ =	sdelay $0x1  }
0x99: {  	s4 =	simm.s32 $_scs_section_size  }
0x9a: {  	s5 =	simm.s32 $_size__tile_overlayer_lowered;
	s6 =	simm.s32 $_tile_overlayer_lowered  }
0x9b: {  	s22 =	simm.s32 $0x1BFF;
	s21 =	sshll.u32 s6, $0x1;
	s3 =	sadd.s32 s4, s19  }
0x9c: {  	s7 =	simm.s32 $0x0;
	s20 =	sshll.u32 s5, $0x1;
	s5 =	sadd.s32 s21, s3  }
0x9d: {  	[timem:s7], [sflag:s22] =	dma.local [hbm:s5], s20  }
0x9e: {  	_ =	swait.ge [sflag:s22], s20  }
0x9f: {  	s4 =	ssub.s32 $0x0, s20;
	[sflag:s22] =	ssyncset.done $0x0  }
0xa0: {  	[sflag:s22] =	ssyncadd.s32 s4;
	_ =	sdelay $0x1  }
0xa1: {  	s23 =	simm.s32 $0x1B8B  }
0xa2: {  	_ =	swait.ge [sflag:s23], $0x1  }
0xa3: {  	[sflag:s23] =	ssyncset.done $0x0  }
0xa4: {  	s25 =	simm.s32 $0x1B8E;
	s24 =	sld [smem:$0x3FFE];
	[sflag:s23] =	ssyncadd.s32 $0xFFFFFFFF  }
0xa5: {  	s26 =	simm.s32 $execute0_lowered;
	[smem:$0x3FD2] =	sst s25  }
0xa6: {  	s5 =	sshll.u32 s26, $0x1;
	_ =	strace $0x80000046;
	[dreg:$0x1] =	wrdreg $0xFFFFFFFF  }
0xa7: {  	s28 =	simm.s32 $_size_execute0_lowered;
	s3 =	sadd.s32 s3, s5;
	[dreg:$0x0] =	wrdreg $0x0  }
0xa8: {  	s5 =	sshll.u32 s28, $0x1;
	[dreg:$0x2] =	wrdreg s3  }
0xa9: {  	[dreg:$0x3] =	wrdreg s5  }
0xaa: {  	[dreg:$0x4] =	wrdreg $0xC0  }
0xab: {  	_ =	task [dreg:s7], $0x5FFFF  }
0xac: {  	[dreg:$0x1] =	wrdreg $0xFFFFFFFF  }
0xad: {  	[dreg:$0x0] =	wrdreg $0x60  }
0xae: {  	[dreg:$0x2] =	wrdreg s2  }
0xaf: {  	[dreg:$0x3] =	wrdreg s24  }
0xb0: {  	[dreg:$0x4] =	wrdreg $0x5C000  }
0xb1: {  	[dreg:$0x5] =	wrdreg $0x9  }
0xb2: {  	_ =	task.clear_ibuf [dreg:s7], $0x6FFFF;
	_ =	strace $0x90000046  }
0xb3: {  	s29 =	simm.s32 $0x9;
	_ =	strace $0x80000048  }
0xb4: {  	_ =	swait.ge [sflag:s29], $0x1  }
0xb5: {  	[sflag:s29] =	ssyncadd.s32 $0xFFFFFFFF  }
0xb6: {  	_ =	strace $0x90000048  }
0xb7: {  	_ =	sfence  }
0xb8: {  	s30 =	sld [smem:$0x0];
	_ =	sdelay $0x2  }
0xb9: {  	s31 =	sshll.u32 s1, $0xD;
	s1 =	sshrl.u32 s1, $0x2  }
0xba: {  	s3 =	sand.u32 $0x4000, s31;
	s1 =	sadd.s32 s1, s30  }
0xbb: {  	s0 =	sor.u32 s3, s0;
	s1 =	sshll.u32 s1, $0x11  }
0xbc: {  	s0 =	sor.u32 s1, s0  }
0xbd: {  	s0 =	sadd.s32 $0x8F2B, s0  }
0xbe: {  	[sflag:s0] =	ssyncadd.remote.s32 $0x1  }
0xbf: {  	_ =	sfence.sel $0xFFFF  }
0xc0: {  	[dreg:$0x0] =	wrdreg $0xFFFFFFFF;
	(pc) =	sbr.abs _section_cstart, $3  }
0xc1: {  	[dreg:$0x1] =	wrdreg $0xFFFFFFFF  }
0xc2: {  	_ =	task.clear_ibuf [dreg:s7], $0x2FFFF;
	_ =	strace $0x9FFFFFFF  }
0xc3: {  	(tm) =	ssettm $0x7FFFFFFF  }
tec
execute0_lowered:
.L_overlay_start_1:
0x0: {  	(tag) =	ssettag $0x1  }
0x1: {  	s0 =	rddreg [dreg:$0x0]  }
0x2: {  	s2 =	rddreg [dreg:$0x1]  }
0x3: {  	s1 =	rddreg [dreg:$0x2];
	s3 =	srdreg.scid  }
0x4: {  	s14 =	stileid.u32;
	s9 =	simm.s32 $0x2;
	s10 =	simm.s32 $0x5400  }
0x5: {  	s11 =	simm.s32 $0x1;
	s12 =	simm.s32 $0x80;
	s13 =	simm.s32 $0x1400  }
0x6: {  	s22 =	simm.s32 $0xD80;
	s23 =	simm.s32 $0xE00;
	s28 =	simm.s32 $0xF00  }
0x7: {  	s29 =	simm.s32 $0xF80;
	s30 =	simm.s32 $0x1000;
	s31 =	simm.s32 $0x1080  }
0x8: {  	s15 =	simm.s32 $0x1200;
	s16 =	simm.s32 $0x1280;
	s6 =	smul.u32 $0x1400, s14  }
0x9: {  	s17 =	simm.s32 $0x1300;
	s18 =	simm.s32 $0x1380;
	s25 =	smul.u32 $0x4E000, s14  }
0xa: {  	s19 =	simm.s32 $0x0;
	s4 =	sand.u32 $0x1, s3;
	s26 =	smul.u32 $0x2700, s14  }
0xb: {  	s3 =	simm.s32 $0x0;
	p0 =	seq.s32 s14, $0xF;
	s5 =	smul.u32 $0x14000, s4  }
0xc: {  	[smem:$0x7FF] =	sst s3;
	s7 =	smul.u32 $0x27100, s4;
	s4 =	ssub.s32 $0x2, s4  }
0xd: {  	_ =	strace $0x80000047;
	s8 =	sshrl.u32 s4, $0x1;
	s5 =	sadd.s32 s6, s5  }
0xe: {  	s2 =	sadd.s32 s7, s2;
	s8 =	ssub.s32 s4, s8;
	s4 =	simm.s32 $0x30  }
0xf: {  	s6 =	sshrl.u32 s25, $0x2;
	s5 =	sshrl.u32 s5, $0x3;
	s4 =	simm.s32 @!p0 $0x27  }
0x10: {  	s21 =	sadd.s32 s6, s1;
	s7 =	sadd.s32 $0x4E00, s2;
	s2 =	sadd.s32 $0x138000, s1  }
0x11: {  	s8 =	smax.u32 s8, $0x1;
	p0 =	sne.s32 s14, $0xF;
	s14 =	simm.s32 $0x1180  }
0x12: {  	s5 =	sadd.s32 s0, s5;
	s24 =	sadd.s32 s26, s7;
	s25 =	sshrl.u32 @!p0 s2, $0x3  }
0x13: {  	v0 =	vimm.f32 $1.000000000e+00;
	v1 =	vimm.f32 $0.0e+00;
	s2 =	simm.s32 $0xD00;
	s26 =	simm.s32 $0xE80;
	s0 =	simm.s32 $0x1100  }
.LBB2_1:
0x14: {  	[tilespmem:s3], [sflag:$0x2] =	stream.linear.gather [hbm4b:s5+s3], $0x1400, $0x38;
	[tilespmem:$0x8390] =	vst v63  }
0x15: {  	_ =	swait.ge [sflag:s9], $0x1400  }
0x16: {  	[sflag:s9] =	ssyncset.done $0x0  }
0x17: {  	s20 =	simm.s32 $0x200;
	s6 =	simm.s32 $0x0;
	[sflag:s9] =	ssyncadd.s32 $0xFFFFEC00  }
.LBB2_2:
0x18: {  	p1 =	sne.s32 s20, $0xFE00;
	[tilespmem:s6+$0x1400] =	vst v0;
	s6 =	smov.u32 s20;
	s20 =	sadd.s32 $0x200, s20  }
.Ltmp0:
0x19: {  	(pc) =	sbr.rel @p1 .LBB2_2-.Ltmp0, $2  }
0x1a: {  	_ =	sdelay $0x2  }
0x1b: {  	s6 =	sshra.s32 s6, $0x2  }
0x1c: {  	[tilespmem:s6+$0x1400] =	vst v0  }
0x1d: {  	[tilespmem:$0x5400] =	vst v1  }
0x1e: {  	[tilespmem:$0x5480] =	vst v1  }
0x1f: {  	[tilespmem:$0x5500] =	vst v1  }
0x20: {  	[tilespmem:$0x5580] =	vst v1  }
0x21: {  	[tilespmem:$0x5600] =	vst v1  }
0x22: {  	[tilespmem:$0x5680] =	vst v1  }
0x23: {  	[tilespmem:$0x5700] =	vst v1  }
0x24: {  	[tilespmem:$0x5780] =	vst v1  }
0x25: {  	[tilespmem:$0x5800] =	vst v1  }
0x26: {  	[tilespmem:$0x5880] =	vst v1  }
0x27: {  	[tilespmem:$0x5900] =	vst v1  }
0x28: {  	p1 =	sne.s32 s4, $0x1;
	[tilespmem:$0x5980] =	vst v1  }
.Ltmp1:
0x29: {  	[tilespmem:$0x5A00] =	vst v1;
	(pc) =	sbr.rel @!p1 .LBB2_5-.Ltmp1, $4  }
0x2a: {  	[tilespmem:$0x5A80] =	vst v1  }
0x2b: {  	[tilespmem:$0x5B00] =	vst v1  }
0x2c: {  	s20 =	sadd.s32 $0xFFFFFFFF, s4;
	s6 =	smov.u32 s21;
	[tilespmem:$0x5B80] =	vst v1  }
0x2d: {  	[spmem:s21] =	stream.linear.scatter [tilespmem:s10], [sflag:$0x1], $0x800, $0x38;
	[tilespmem:$0x8390] =	vst v63  }
.LBB2_4:
0x2e: {  	p2 =	sne.s32 s20, $0x1  }
.Ltmp2:
0x2f: {  	_ = 	snop;
	(pc) =	sbr.rel @p2 .LBB2_4-.Ltmp2, $3  }
0x30: {  	_ = 	snop  }
0x31: {  	s20 =	sadd.s32 $0xFFFFFFFF, s20;
	s6 =	sadd.s32 $0x800, s6;
	_ =	sdelay $0x1  }
0x32: {  	[spmem:s6] =	stream.linear.scatter [tilespmem:s10], [sflag:$0x1], $0x800, $0x38;
	[tilespmem:$0x8390] =	vst v63  }
.LBB2_5:
.Ltmp3:
0x33: {  	(pc) =	sbr.rel @!p1 .LBB2_7-.Ltmp3, $3  }
0x34: {  	_ =	sdelay $0x1  }
0x35: {  	_ =	swait.ge [sflag:s11], $0x800  }
0x36: {  	s20 =	sadd.s32 $0xFFFFFFFF, s4;
	[sflag:s11] =	ssyncset.done $0x0  }
.LBB2_6:
0x37: {  	p1 =	sne.s32 s20, $0x1;
	s20 =	sadd.s32 $0xFFFFFFFF, s20;
	[sflag:s11] =	ssyncadd.s32 $0xFFFFF800  }
.Ltmp4:
0x38: {  	(pc) =	sbr.rel @p1 .LBB2_6-.Ltmp4, $3  }
0x39: {  	_ =	sdelay $0x1  }
0x3a: {  	_ =	swait.ge [sflag:s11], $0x800  }
0x3b: {  	[sflag:s11] =	ssyncset.done $0x0  }
.LBB2_7:
0x3c: {  	[sflag:s11] =	ssyncadd.s32 $0xFFFFF800  }
0x3d: {  	[bflag:$0x0] =	sbarrier.arrive $0xFFFF  }
0x3e: {  	[spmem:s1] =	stream.indirect.scatter.add.f32 [tilespmem:s13], [sflag:$0x1], $0x10, s3, s12, $0xb8;
	[tilespmem:$0x8390] =	vst v63  }
0x3f: {  	_ = 	snop  }
0x40: {  	[spmem:s1] =	stream.indirect.scatter.add.f32 [tilespmem:s13], [sflag:$0x1], $0x10, s12, s12, $0xb8;
	[tilespmem:$0x8390] =	vst v63  }
0x41: {  	s6 =	simm.s32 $0x100  }
0x42: {  	[spmem:s1] =	stream.indirect.scatter.add.f32 [tilespmem:s13], [sflag:$0x1], $0x10, s6, s12, $0xb8;
	[tilespmem:$0x8390] =	vst v63  }
0x43: {  	s20 =	simm.s32 $0x180  }
0x44: {  	[spmem:s1] =	stream.indirect.scatter.add.f32 [tilespmem:s13], [sflag:$0x1], $0x10, s20, s12, $0xb8;
	[tilespmem:$0x8390] =	vst v63  }
0x45: {  	s20 =	simm.s32 $0x200  }
0x46: {  	[spmem:s1] =	stream.indirect.scatter.add.f32 [tilespmem:s13], [sflag:$0x1], $0x10, s20, s12, $0xb8;
	[tilespmem:$0x8390] =	vst v63  }
0x47: {  	s20 =	simm.s32 $0x280  }
0x48: {  	[spmem:s1] =	stream.indirect.scatter.add.f32 [tilespmem:s13], [sflag:$0x1], $0x10, s20, s12, $0xb8;
	[tilespmem:$0x8390] =	vst v63  }
0x49: {  	s20 =	simm.s32 $0x300  }
0x4a: {  	[spmem:s1] =	stream.indirect.scatter.add.f32 [tilespmem:s13], [sflag:$0x1], $0x10, s20, s12, $0xb8;
	[tilespmem:$0x8390] =	vst v63  }
0x4b: {  	s20 =	simm.s32 $0x380  }
0x4c: {  	[spmem:s1] =	stream.indirect.scatter.add.f32 [tilespmem:s13], [sflag:$0x1], $0x10, s20, s12, $0xb8;
	[tilespmem:$0x8390] =	vst v63  }
0x4d: {  	s20 =	simm.s32 $0x400  }
0x4e: {  	[spmem:s1] =	stream.indirect.scatter.add.f32 [tilespmem:s13], [sflag:$0x1], $0x10, s20, s12, $0xb8;
	[tilespmem:$0x8390] =	vst v63  }
0x4f: {  	s20 =	simm.s32 $0x480  }
0x50: {  	[spmem:s1] =	stream.indirect.scatter.add.f32 [tilespmem:s13], [sflag:$0x1], $0x10, s20, s12, $0xb8;
	[tilespmem:$0x8390] =	vst v63  }
0x51: {  	s20 =	simm.s32 $0x500  }
0x52: {  	[spmem:s1] =	stream.indirect.scatter.add.f32 [tilespmem:s13], [sflag:$0x1], $0x10, s20, s12, $0xb8;
	[tilespmem:$0x8390] =	vst v63  }
0x53: {  	s20 =	simm.s32 $0x580  }
0x54: {  	[spmem:s1] =	stream.indirect.scatter.add.f32 [tilespmem:s13], [sflag:$0x1], $0x10, s20, s12, $0xb8;
	[tilespmem:$0x8390] =	vst v63  }
0x55: {  	s20 =	simm.s32 $0x600  }
0x56: {  	[spmem:s1] =	stream.indirect.scatter.add.f32 [tilespmem:s13], [sflag:$0x1], $0x10, s20, s12, $0xb8;
	[tilespmem:$0x8390] =	vst v63  }
0x57: {  	s20 =	simm.s32 $0x680  }
0x58: {  	[spmem:s1] =	stream.indirect.scatter.add.f32 [tilespmem:s13], [sflag:$0x1], $0x10, s20, s12, $0xb8;
	[tilespmem:$0x8390] =	vst v63  }
0x59: {  	s20 =	simm.s32 $0x700  }
0x5a: {  	[spmem:s1] =	stream.indirect.scatter.add.f32 [tilespmem:s13], [sflag:$0x1], $0x10, s20, s12, $0xb8;
	[tilespmem:$0x8390] =	vst v63  }
0x5b: {  	s20 =	simm.s32 $0x780  }
0x5c: {  	[spmem:s1] =	stream.indirect.scatter.add.f32 [tilespmem:s13], [sflag:$0x1], $0x10, s20, s12, $0xb8;
	[tilespmem:$0x8390] =	vst v63  }
0x5d: {  	s20 =	simm.s32 $0x800  }
0x5e: {  	[spmem:s1] =	stream.indirect.scatter.add.f32 [tilespmem:s13], [sflag:$0x1], $0x10, s20, s12, $0xb8;
	[tilespmem:$0x8390] =	vst v63  }
0x5f: {  	s20 =	simm.s32 $0x880  }
0x60: {  	[spmem:s1] =	stream.indirect.scatter.add.f32 [tilespmem:s13], [sflag:$0x1], $0x10, s20, s12, $0xb8;
	[tilespmem:$0x8390] =	vst v63  }
0x61: {  	s20 =	simm.s32 $0x900  }
0x62: {  	[spmem:s1] =	stream.indirect.scatter.add.f32 [tilespmem:s13], [sflag:$0x1], $0x10, s20, s12, $0xb8;
	[tilespmem:$0x8390] =	vst v63  }
0x63: {  	s20 =	simm.s32 $0x980  }
0x64: {  	[spmem:s1] =	stream.indirect.scatter.add.f32 [tilespmem:s13], [sflag:$0x1], $0x10, s20, s12, $0xb8;
	[tilespmem:$0x8390] =	vst v63  }
0x65: {  	s20 =	simm.s32 $0xA00  }
0x66: {  	[spmem:s1] =	stream.indirect.scatter.add.f32 [tilespmem:s13], [sflag:$0x1], $0x10, s20, s12, $0xb8;
	[tilespmem:$0x8390] =	vst v63  }
0x67: {  	s20 =	simm.s32 $0xA80  }
0x68: {  	[spmem:s1] =	stream.indirect.scatter.add.f32 [tilespmem:s13], [sflag:$0x1], $0x10, s20, s12, $0xb8;
	[tilespmem:$0x8390] =	vst v63  }
0x69: {  	s20 =	simm.s32 $0xB00  }
0x6a: {  	[spmem:s1] =	stream.indirect.scatter.add.f32 [tilespmem:s13], [sflag:$0x1], $0x10, s20, s12, $0xb8;
	[tilespmem:$0x8390] =	vst v63  }
0x6b: {  	s20 =	simm.s32 $0xB80  }
0x6c: {  	[spmem:s1] =	stream.indirect.scatter.add.f32 [tilespmem:s13], [sflag:$0x1], $0x10, s20, s12, $0xb8;
	[tilespmem:$0x8390] =	vst v63  }
0x6d: {  	s20 =	simm.s32 $0xC00  }
0x6e: {  	[spmem:s1] =	stream.indirect.scatter.add.f32 [tilespmem:s13], [sflag:$0x1], $0x10, s20, s12, $0xb8;
	[tilespmem:$0x8390] =	vst v63  }
0x6f: {  	s20 =	simm.s32 $0xC80  }
0x70: {  	[spmem:s1] =	stream.indirect.scatter.add.f32 [tilespmem:s13], [sflag:$0x1], $0x10, s20, s12, $0xb8;
	[tilespmem:$0x8390] =	vst v63  }
0x71: {  	_ = 	snop  }
0x72: {  	[spmem:s1] =	stream.indirect.scatter.add.f32 [tilespmem:s13], [sflag:$0x1], $0x10, s2, s12, $0xb8;
	[tilespmem:$0x8390] =	vst v63  }
0x73: {  	_ = 	snop  }
0x74: {  	[spmem:s1] =	stream.indirect.scatter.add.f32 [tilespmem:s13], [sflag:$0x1], $0x10, s22, s12, $0xb8;
	[tilespmem:$0x8390] =	vst v63  }
0x75: {  	_ = 	snop  }
0x76: {  	[spmem:s1] =	stream.indirect.scatter.add.f32 [tilespmem:s13], [sflag:$0x1], $0x10, s23, s12, $0xb8;
	[tilespmem:$0x8390] =	vst v63  }
0x77: {  	_ = 	snop  }
0x78: {  	[spmem:s1] =	stream.indirect.scatter.add.f32 [tilespmem:s13], [sflag:$0x1], $0x10, s26, s12, $0xb8;
	[tilespmem:$0x8390] =	vst v63  }
0x79: {  	_ = 	snop  }
0x7a: {  	[spmem:s1] =	stream.indirect.scatter.add.f32 [tilespmem:s13], [sflag:$0x1], $0x10, s28, s12, $0xb8;
	[tilespmem:$0x8390] =	vst v63  }
0x7b: {  	_ = 	snop  }
0x7c: {  	[spmem:s1] =	stream.indirect.scatter.add.f32 [tilespmem:s13], [sflag:$0x1], $0x10, s29, s12, $0xb8;
	[tilespmem:$0x8390] =	vst v63  }
0x7d: {  	_ = 	snop  }
0x7e: {  	[spmem:s1] =	stream.indirect.scatter.add.f32 [tilespmem:s13], [sflag:$0x1], $0x10, s30, s12, $0xb8;
	[tilespmem:$0x8390] =	vst v63  }
0x7f: {  	_ = 	snop  }
0x80: {  	[spmem:s1] =	stream.indirect.scatter.add.f32 [tilespmem:s13], [sflag:$0x1], $0x10, s31, s12, $0xb8;
	[tilespmem:$0x8390] =	vst v63  }
0x81: {  	_ = 	snop  }
0x82: {  	[spmem:s1] =	stream.indirect.scatter.add.f32 [tilespmem:s13], [sflag:$0x1], $0x10, s0, s12, $0xb8;
	[tilespmem:$0x8390] =	vst v63  }
0x83: {  	_ = 	snop  }
0x84: {  	[spmem:s1] =	stream.indirect.scatter.add.f32 [tilespmem:s13], [sflag:$0x1], $0x10, s14, s12, $0xb8;
	[tilespmem:$0x8390] =	vst v63  }
0x85: {  	_ = 	snop  }
0x86: {  	[spmem:s1] =	stream.indirect.scatter.add.f32 [tilespmem:s13], [sflag:$0x1], $0x10, s15, s12, $0xb8;
	[tilespmem:$0x8390] =	vst v63  }
0x87: {  	_ = 	snop  }
0x88: {  	[spmem:s1] =	stream.indirect.scatter.add.f32 [tilespmem:s13], [sflag:$0x1], $0x10, s16, s12, $0xb8;
	[tilespmem:$0x8390] =	vst v63  }
0x89: {  	_ = 	snop  }
0x8a: {  	[spmem:s1] =	stream.indirect.scatter.add.f32 [tilespmem:s13], [sflag:$0x1], $0x10, s17, s12, $0xb8;
	[tilespmem:$0x8390] =	vst v63  }
0x8b: {  	_ = 	snop  }
0x8c: {  	[spmem:s1] =	stream.indirect.scatter.add.f32 [tilespmem:s13], [sflag:$0x1], $0x10, s18, s12, $0xb8;
	[tilespmem:$0x8390] =	vst v63  }
0x8d: {  	_ =	swait.ge [sflag:s11], $0x800  }
0x8e: {  	s20 =	simm.s32 $0x27;
	[sflag:s11] =	ssyncset.done $0x0  }
.LBB2_8:
0x8f: {  	p1 =	sne.s32 s20, $0x1;
	s20 =	sadd.s32 $0xFFFFFFFF, s20;
	[sflag:s11] =	ssyncadd.s32 $0xFFFFF800  }
.Ltmp5:
0x90: {  	(pc) =	sbr.rel @p1 .LBB2_8-.Ltmp5, $3  }
0x91: {  	_ =	sdelay $0x1  }
0x92: {  	_ =	swait.ge [sflag:s11], $0x800  }
0x93: {  	[sflag:s11] =	ssyncset.done $0x0  }
0x94: {  	s6 =	stileid.u32  }
0x95: {  	[sflag:s11] =	ssyncadd.s32 $0xFFFFF800;
	s6 =	sshll.u32 s6, $0x6  }
0x96: {  	s20 =	sshrl.u32 s21, $0x3;
	[bflag:$0x0] =	sbarrier.arrive $0xFFFF;
	s6 =	sor.u32 $0x1C02, s6  }
0x97: {  	[hbm:s24], [sflag:s6] =	dma.local [spmem:s20], $0x2700  }
0x98: {  	_ =	swait.ge [sflag:s9], $0x2700  }
0x99: {  	s19 =	sadd.s32 $0x1, s19;
	[sflag:s9] =	ssyncset.done $0x0  }
0x9a: {  	p1 =	sne.s32 s19, s8;
	s20 =	sadd.s32 @!p0 $0x27000, s7;
	[sflag:s9] =	ssyncadd.s32 $0xFFFFD900  }
0x9b: {  	[hbm:s20], [sflag:s6] =	dma.local @!p0 [spmem:s25], $0x100  }
.Ltmp6:
0x9c: {  	_ = 	snop;
	(pc) =	sbr.rel @p1 .LBB2_1-.Ltmp6, $4  }
0x9d: {  	s6 =	simm.s32 @!p0 $0x2  }
0x9e: {  	_ =	swait.ge @!p0 [sflag:s6], $0x100  }
0x9f: {  	[sflag:s6] =	ssyncset.done @!p0 $0x0  }
0xa0: {  	[sflag:s6] =	ssyncadd.s32 @!p0 $0xFFFFFF00  }
0xa1: {  	_ =	sfence.sel $0x180000  }
0xa2: {  	[bflag:$0x0] =	sbarrier.arrive $0xFFFF  }
0xa3: {  	_ =	strace $0x90000047  }
0xa4: {  	s0 =	stileid.u32;
	[bflag:$0x2] =	sbarrier.arrive $0xFFFF  }
0xa5: {  	p0 =	sne.s32 s0, $0x0;
	s0 =	rddreg [dreg:$0x3]  }
0xa6: {  	s0 =	sadd.s32 @!p0 $0x100000, s0  }
0xa7: {  	[sflag:s0] =	ssyncadd.tile.s32 @!p0 $0x1;
	_ =	shalt  }
.Lfunc_end2:
_tile_overlayer_lowered:
.L_overlay_start_2:
0xa8: {  	(tag) =	ssettag $0x2  }
0xa9: {  	s0 =	rddreg [dreg:$0x0];
	s2 =	stileid.u32  }
0xaa: {  	s1 =	rddreg [dreg:$0x1];
	p0 =	sne.s32 s2, $0x0  }
0xab: {  	s3 =	rddreg [dreg:$0x2];
	[bflag:$0x3] =	sbarrier.arrive $0xFFFF;
	s2 =	simm.s32 @!p0 $0x1C02  }
0xac: {  	[timem:s3], [sflag:s2] =	dma.local @!p0 [hbm:s0], s1  }
0xad: {  	s0 =	simm.s32 @!p0 $0x2  }
0xae: {  	_ =	swait.ge @!p0 [sflag:s0], s1  }
0xaf: {  	s1 =	ssub.s32 @!p0 $0x0, s1;
	[sflag:s0] =	ssyncset.done @!p0 $0x0  }
0xb0: {  	[sflag:s0] =	ssyncadd.s32 @!p0 s1  }
0xb1: {  	[bflag:$0x3] =	sbarrier.arrive $0xFFFF  }
0xb2: {  	_ =	shalt  }

// kernel: kernel.14.cloned.1.call-start
scs
__scs_entry_jumppad:
0x0: {  	(pc) =	sbr.rel $0x88, $3  }
0x1: {  	(tag) =	ssettag $0x0;
	lr =	simm.s32 $0x1  }
0x2: {  	[smem:$0x3F9C] =	sst lr;
	_ =	strace $0xD0000000  }
0x3: {  	_ = 	snop  }
0x4: {  	_ = 	snop  }
0x5: {  	_ = 	snop  }
0x6: {  	_ = 	snop  }
0x7: {  	_ = 	snop  }
__scs_overlays_trampoline_lowered:
0x8: {  	[smem:$0x3FAB] =	sst s0  }
0x9: {  	[smem:$0x3FAC] =	sst s1  }
0xa: {  	[smem:$0x3FAD] =	sst s2  }
0xb: {  	[smem:$0x3FAE] =	sst s3  }
0xc: {  	[smem:$0x3FAF] =	sst s4  }
0xd: {  	[smem:$0x3FB0] =	sst s5  }
0xe: {  	[smem:$0x3FB1] =	sst s6  }
0xf: {  	[smem:$0x3FB2] =	sst s7  }
0x10: {  	[smem:$0x3FB3] =	sst s8  }
0x11: {  	[smem:$0x3FB4] =	sst s9;
	s0 =	simm.s32 @!p0 $0x0  }
0x12: {  	s1 =	sld [smem:$0x3F9A];
	s0 =	simm.s32 @p0 $0x1  }
0x13: {  	[smem:$0x3FB5] =	sst s0;
	s0 =	simm.s32 @!p1 $0x0  }
0x14: {  	s2 =	sld [smem:$0x3F99];
	s0 =	simm.s32 @p1 $0x1  }
0x15: {  	[smem:$0x3FB6] =	sst s0;
	s0 =	simm.s32 @!p2 $0x0  }
0x16: {  	s3 =	sld [smem:$0x3FDB];
	s0 =	simm.s32 @p2 $0x1  }
0x17: {  	s4 =	simm.s32 $0x1BF5;
	[smem:$0x3FB8] =	sst s0  }
0x18: {  	s0 =	sld [smem:$0x3F9B];
	_ =	swait.ge [sflag:s4], $0x0  }
0x19: {  	s7 =	sld [smem:$0x3F9C]  }
0x1a: {  	s8 =	sadd.s32 $0xFFFFE003, lr  }
0x1b: {  	s9 =	sadd.s32 $0xFFFFFEF7, lr;
	s5 =	simm.s32 $0xFFFFFFFF;
	p2 =	slt.u32 s8, $0xFFFFF086  }
0x1c: {  	p1 =	slt.u32 s9, $0xF7A;
	s5 =	simm.s32 @!p2 $0x0  }
0x1d: {  	s5 =	simm.s32 @p1 $0x1;
	p0 =	seq.s32 s7, s2  }
0x1e: {  	s7 =	smul.u32 @!p0 $0xF7A, s2;
	p2 =	seq.s32 @!p0 s5, $0x0  }
0x1f: {  	s9 =	smul.u32 $0xF7A, s1;
	s8 =	simm.s32 @!p0 $0x1BF5;
	p2 =	por !p2, p0  }
0x20: {  	[sflag:s8] =	ssyncset.s32 @!p0 $0xFFFFF086;
	s6 =	sadd.s32 @!p0 s3, s7;
	s7 =	simm.s32 @!p0 $0x108  }
0x21: {  	s3 =	sadd.s32 s3, s9;
	s6 =	sadd.s32 @!p0 $0x88, s6;
	s7 =	simm.s32 @p2 $0x1082  }
0x22: {  	[simem:s7], [sflag:s8] =	dma.local @!p0 [hbm:s6], $0xF7A  }
0x23: {  	s9 =	sor.u32 $0xD0000000, s2;
	s6 =	simm.s32 $0x108;
	_ =	swait.ge @!p0 [sflag:s8], $0x0  }
0x24: {  	s3 =	sadd.s32 $0x88, s3;
	s6 =	simm.s32 @!p1 $0x1082;
	[sflag:s4] =	ssyncset.s32 $0xFFFFF086  }
0x25: {  	[simem:s6], [sflag:s4] =	dma.local [hbm:s3], $0xF7A  }
0x26: {  	[smem:$0x3F9C] =	sst s1;
	(tag) =	ssettag s2;
	_ =	strace s9  }
0x27: {  	s1 =	sld [smem:$0x3FAC]  }
0x28: {  	s2 =	sld [smem:$0x3FAD]  }
0x29: {  	s4 =	sld [smem:$0x3FAF]  }
0x2a: {  	p0 =	seq.s32 s5, $0x0;
	s5 =	sld [smem:$0x3FB0]  }
0x2b: {  	s6 =	sld [smem:$0x3FB1]  }
0x2c: {  	s7 =	sld [smem:$0x3FB2]  }
0x2d: {  	s3 =	simm.s32 $0x108;
	s8 =	sld [smem:$0x3FB3]  }
0x2e: {  	s3 =	simm.s32 @!p0 $0x1082;
	s9 =	sld [smem:$0x3FB4]  }
0x2f: {  	lr =	sadd.s32 s0, s3;
	s0 =	sld [smem:$0x3FAB]  }
0x30: {  	s3 =	sld [smem:$0x3FAE]  }
0x31: {  	[smem:$0x3FB7] =	sst s10  }
0x32: {  	s10 =	sld [smem:$0x3FB5];
	_ =	sdelay $0x3  }
0x33: {  	p0 =	seq.s32 s10, $0x1;
	s10 =	sld [smem:$0x3FB7];
	_ =	sdelay $0x3  }
0x34: {  	[smem:$0x3FB7] =	sst s10  }
0x35: {  	s10 =	sld [smem:$0x3FB6];
	_ =	sdelay $0x3  }
0x36: {  	p1 =	seq.s32 s10, $0x1;
	s10 =	sld [smem:$0x3FB7];
	_ =	sdelay $0x3  }
0x37: {  	[smem:$0x3FB7] =	sst s10  }
0x38: {  	s10 =	sld [smem:$0x3FB8]  }
0x39: {  	_ = 	snop;
	(pc) =	sbr.ind lr, $3  }
0x3a: {  	_ = 	snop  }
0x3b: {  	_ = 	snop  }
0x3c: {  	p2 =	seq.s32 s10, $0x1;
	s10 =	sld [smem:$0x3FB7]  }
0x3d: {  	_ =	shalt  }
0x3e: {  	_ =	shalt  }
0x3f: {  	_ =	shalt  }
0x40: {  	_ =	shalt  }
0x41: {  	_ =	shalt  }
0x42: {  	_ =	shalt  }
0x43: {  	_ =	shalt  }
0x44: {  	_ =	shalt  }
0x45: {  	_ =	shalt  }
0x46: {  	_ =	shalt  }
0x47: {  	_ =	shalt  }
0x48: {  	_ =	shalt  }
0x49: {  	_ =	shalt  }
0x4a: {  	_ =	shalt  }
0x4b: {  	_ =	shalt  }
0x4c: {  	_ =	shalt  }
0x4d: {  	_ =	shalt  }
0x4e: {  	_ =	shalt  }
0x4f: {  	_ =	shalt  }
0x50: {  	_ =	shalt  }
0x51: {  	_ =	shalt  }
0x52: {  	_ =	shalt  }
0x53: {  	_ =	shalt  }
0x54: {  	_ =	shalt  }
0x55: {  	_ =	shalt  }
0x56: {  	_ =	shalt  }
0x57: {  	_ =	shalt  }
0x58: {  	_ =	shalt  }
0x59: {  	_ =	shalt  }
0x5a: {  	_ =	shalt  }
0x5b: {  	_ =	shalt  }
0x5c: {  	_ =	shalt  }
0x5d: {  	_ =	shalt  }
0x5e: {  	_ =	shalt  }
0x5f: {  	_ =	shalt  }
0x60: {  	_ =	shalt  }
0x61: {  	_ =	shalt  }
0x62: {  	_ =	shalt  }
0x63: {  	_ =	shalt  }
0x64: {  	_ =	shalt  }
0x65: {  	_ =	shalt  }
0x66: {  	_ =	shalt  }
0x67: {  	_ =	shalt  }
0x68: {  	_ =	shalt  }
0x69: {  	_ =	shalt  }
0x6a: {  	_ =	shalt  }
0x6b: {  	_ =	shalt  }
0x6c: {  	_ =	shalt  }
0x6d: {  	_ =	shalt  }
0x6e: {  	_ =	shalt  }
0x6f: {  	_ =	shalt  }
0x70: {  	_ =	shalt  }
0x71: {  	_ =	shalt  }
0x72: {  	_ =	shalt  }
0x73: {  	_ =	shalt  }
0x74: {  	_ =	shalt  }
0x75: {  	_ =	shalt  }
0x76: {  	_ =	shalt  }
0x77: {  	_ =	shalt  }
0x78: {  	_ =	shalt  }
0x79: {  	_ =	shalt  }
0x7a: {  	_ =	shalt  }
0x7b: {  	_ =	shalt  }
0x7c: {  	_ =	shalt  }
0x7d: {  	_ =	shalt  }
0x7e: {  	_ =	shalt  }
0x7f: {  	_ =	shalt  }
0x80: {  	_ =	shalt  }
0x81: {  	_ =	shalt  }
0x82: {  	_ =	shalt  }
0x83: {  	_ =	shalt  }
0x84: {  	_ =	shalt  }
0x85: {  	_ =	shalt  }
0x86: {  	_ =	shalt  }
0x87: {  	_ =	shalt  }
.Lfunc_end0:
.L_simem_size_0:
called_computation.1_lowered:
.L_overlay_start_0:
0x88: {  	s2 =	sld [smem:$0x3FD9]  }
0x89: {  	s3 =	sld [smem:$0x3FFE];
	_ =	sdelay $0x1  }
0x8a: {  	s1 =	srdreg.scid  }
0x8b: {  	s0 =	sand.u32 $0x1, s1  }
0x8c: {  	s16 =	sshll.u32 s0, $0xA;
	s2 =	sadd.s32 s3, s2  }
0x8d: {  	s2 =	sadd.s32 s2, s16  }
0x8e: {  	[smem:$0x3FC3] =	sst s2  }
0x8f: {  	_ = 	snop  }
0x90: {  	(tm) =	ssettm $0x1  }
0x91: {  	s17 =	sld [smem:$0x3FFB];
	_ =	sdelay $0x3  }
0x92: {  	_ =	strace s17  }
0x93: {  	s2 =	sld [smem:$0x3FFC];
	_ =	sdelay $0x3  }
0x94: {  	_ =	strace s2  }
0x95: {  	s2 =	sld [smem:$0x3FFD];
	_ =	sdelay $0x3  }
0x96: {  	_ =	strace s2  }
0x97: {  	_ =	strace $0x8FFFFFFF  }
0x98: {  	s18 =	sld [smem:$0x3FDB];
	_ =	sdelay $0x1  }
0x99: {  	s19 =	simm.s32 $_scs_section_size  }
0x9a: {  	s4 =	simm.s32 $_size__tile_overlayer_lowered;
	s5 =	simm.s32 $_tile_overlayer_lowered  }
0x9b: {  	s22 =	simm.s32 $0x1BFF;
	s21 =	sshll.u32 s5, $0x1;
	s2 =	sadd.s32 s19, s18  }
0x9c: {  	s6 =	simm.s32 $0x0;
	s20 =	sshll.u32 s4, $0x1;
	s4 =	sadd.s32 s21, s2  }
0x9d: {  	[timem:s6], [sflag:s22] =	dma.local [hbm:s4], s20  }
0x9e: {  	_ =	swait.ge [sflag:s22], s20  }
0x9f: {  	s3 =	ssub.s32 $0x0, s20;
	[sflag:s22] =	ssyncset.done $0x0  }
0xa0: {  	[sflag:s22] =	ssyncadd.s32 s3;
	_ =	sdelay $0x1  }
0xa1: {  	s23 =	simm.s32 $0x1B8B  }
0xa2: {  	_ =	swait.ge [sflag:s23], $0x1  }
0xa3: {  	[sflag:s23] =	ssyncset.done $0x0  }
0xa4: {  	s25 =	simm.s32 $0x1B8E;
	s24 =	sld [smem:$0x3FFE];
	[sflag:s23] =	ssyncadd.s32 $0xFFFFFFFF  }
0xa5: {  	s26 =	simm.s32 $execute0_lowered;
	[smem:$0x3FD2] =	sst s25  }
0xa6: {  	s4 =	sshll.u32 s26, $0x1;
	_ =	strace $0x80000049;
	[dreg:$0x1] =	wrdreg $0xFFFFFFFF  }
0xa7: {  	s28 =	simm.s32 $_size_execute0_lowered;
	s2 =	sadd.s32 s2, s4;
	[dreg:$0x0] =	wrdreg $0x0  }
0xa8: {  	s4 =	sshll.u32 s28, $0x1;
	[dreg:$0x2] =	wrdreg s2  }
0xa9: {  	[dreg:$0x3] =	wrdreg s4  }
0xaa: {  	[dreg:$0x4] =	wrdreg $0xC0  }
0xab: {  	_ =	task [dreg:s6], $0x5FFFF  }
0xac: {  	[dreg:$0x1] =	wrdreg $0xFFFFFFFF  }
0xad: {  	[dreg:$0x0] =	wrdreg $0x60  }
0xae: {  	[dreg:$0x2] =	wrdreg s24  }
0xaf: {  	[dreg:$0x3] =	wrdreg $0xB0000  }
0xb0: {  	[dreg:$0x4] =	wrdreg $0x9  }
0xb1: {  	_ =	task.clear_ibuf [dreg:s6], $0x5FFFF;
	_ =	strace $0x90000049  }
0xb2: {  	s29 =	simm.s32 $0x9;
	_ =	strace $0x8000004B  }
0xb3: {  	_ =	swait.ge [sflag:s29], $0x1  }
0xb4: {  	[sflag:s29] =	ssyncadd.s32 $0xFFFFFFFF  }
0xb5: {  	_ =	strace $0x9000004B  }
0xb6: {  	_ =	sfence  }
0xb7: {  	s30 =	sld [smem:$0x0];
	_ =	sdelay $0x2  }
0xb8: {  	s31 =	sshll.u32 s1, $0xD;
	s1 =	sshrl.u32 s1, $0x2  }
0xb9: {  	s3 =	sand.u32 $0x4000, s31;
	s1 =	sadd.s32 s1, s30  }
0xba: {  	s0 =	sor.u32 s3, s0;
	s1 =	sshll.u32 s1, $0x11  }
0xbb: {  	s0 =	sor.u32 s1, s0  }
0xbc: {  	s0 =	sadd.s32 $0x8F2B, s0  }
0xbd: {  	[sflag:s0] =	ssyncadd.remote.s32 $0x1  }
0xbe: {  	_ =	sfence.sel $0xFFFF  }
0xbf: {  	[dreg:$0x0] =	wrdreg $0xFFFFFFFF;
	(pc) =	sbr.abs _section_cstart, $3  }
0xc0: {  	[dreg:$0x1] =	wrdreg $0xFFFFFFFF  }
0xc1: {  	_ =	task.clear_ibuf [dreg:s6], $0x2FFFF;
	_ =	strace $0x9FFFFFFF  }
0xc2: {  	(tm) =	ssettm $0x7FFFFFFF  }
0xc3: {  	_ =	shalt  }
tec
execute0_lowered:
.L_overlay_start_1:
0x0: {  	(tag) =	ssettag $0x1  }
0x1: {  	s7 =	rddreg [dreg:$0x0]  }
0x2: {  	s1 =	rddreg [dreg:$0x1]  }
0x3: {  	s0 =	rddreg [dreg:$0x2]  }
0x4: {  	s2 =	simm.s32 $0x0;
	s6 =	srdreg.scid;
	s3 =	stileid.u32  }
0x5: {  	s19 =	simm.s32 $0x80;
	s20 =	simm.s32 $0x2800;
	s21 =	simm.s32 $0xA800  }
0x6: {  	s22 =	simm.s32 $0x2;
	s23 =	simm.s32 $0x1;
	s25 =	simm.s32 $0x0  }
0x7: {  	[smem:$0x7FF] =	sst s2;
	s4 =	sadd.s32 $0x4E00, s7;
	s5 =	sadd.s32 $0x5D000, s7  }
0x8: {  	s17 =	sand.u32 $0x1, s6;
	s12 =	sadd.s32 $0x53000, s7;
	s9 =	smul.u32 $0x2800, s3  }
0x9: {  	s13 =	sadd.s32 $0x58000, s7;
	s6 =	sadd.s32 $0xAB400, s7;
	s14 =	smul.u32 $0x4E000, s3  }
0xa: {  	s7 =	sadd.s32 $0xD2600, s7;
	p0 =	seq.s32 s3, $0xF;
	s18 =	smul.u32 $0x2700, s3  }
0xb: {  	s24 =	sadd.s32 $0x138000, s1;
	p2 =	sne.s32 s3, $0xF;
	_ =	strace $0x8000004A  }
0xc: {  	s8 =	ssub.s32 $0x2, s17;
	p1 =	sne.s32 s17, $0x0;
	s17 =	simm.s32 $0x3  }
0xd: {  	s24 =	sshrl.u32 s24, $0x3;
	s10 =	sshrl.u32 s8, $0x1;
	s11 =	sshrl.u32 s9, $0x3  }
.Ltmp0:
0xe: {  	s14 =	sshrl.u32 s14, $0x2;
	s16 =	ssub.s32 s8, s10;
	(pc) =	sbr.rel .LBB2_1-.Ltmp0, $4  }
0xf: {  	s8 =	simm.s32 $0x30;
	s9 =	sadd.s32 s12, s11;
	s10 =	sadd.s32 s13, s11  }
0x10: {  	s15 =	sadd.s32 $0x280, s11;
	s11 =	sadd.s32 s14, s1;
	s14 =	sadd.s32 s7, s18  }
0x11: {  	s8 =	simm.s32 @!p0 $0x27;
	s12 =	sadd.s32 s12, s15;
	s13 =	sadd.s32 s13, s15  }
0x12: {  	v0 =	vimm.f32 $0.0e+00;
	s15 =	sadd.s32 s6, s18;
	s16 =	smax.u32 s16, $0x1;
	s18 =	simm.s32 $0x1400  }
.LBB2_30:
0x13: {  	s28 =	sadd.s32 $0x27000, s28  }
0x14: {  	[hbm:s28], [sflag:s26] =	dma.local [spmem:s24], $0x100  }
0x15: {  	_ =	swait.ge [sflag:s17], $0x100  }
0x16: {  	[sflag:s17] =	ssyncset.done $0x0  }
0x17: {  	[sflag:s17] =	ssyncadd.s32 $0xFFFFFF00  }
.LBB2_31:
0x18: {  	s25 =	sadd.s32 $0x1, s25  }
0x19: {  	p3 =	sne.s32 s25, s16  }
.Ltmp1:
0x1a: {  	_ = 	snop;
	(pc) =	sbr.rel @!p3 .LBB2_32-.Ltmp1, $1  }
0x1b: {  	_ =	sdelay $0x3  }
.LBB2_1:
0x1c: {  	s26 =	simm.s32 $0x0;
	s28 =	simm.s32 $0x200  }
.LBB2_2:
0x1d: {  	p3 =	sne.s32 s28, $0x1E00;
	[tilespmem:s26+$0xA870] =	vst v0  }
0x1e: {  	[tilespmem:s26+$0xA800] =	vst v0  }
0x1f: {  	[tilespmem:s26+$0xA810] =	vst v0  }
.Ltmp2:
0x20: {  	[tilespmem:s26+$0xA820] =	vst v0;
	(pc) =	sbr.rel @p3 .LBB2_2-.Ltmp2, $4  }
0x21: {  	[tilespmem:s26+$0xA830] =	vst v0  }
0x22: {  	[tilespmem:s26+$0xA840] =	vst v0  }
0x23: {  	[tilespmem:s26+$0xA850] =	vst v0  }
0x24: {  	[tilespmem:s26+$0xA860] =	vst v0;
	s26 =	sshra.s32 s28, $0x2;
	s28 =	sadd.s32 $0x200, s28  }
0x25: {  	[tilespmem:s26+$0xA870] =	vst v0  }
0x26: {  	[tilespmem:s26+$0xA800] =	vst v0  }
0x27: {  	[tilespmem:s26+$0xA810] =	vst v0  }
0x28: {  	[tilespmem:s26+$0xA820] =	vst v0  }
0x29: {  	[tilespmem:s26+$0xA830] =	vst v0  }
0x2a: {  	[tilespmem:s26+$0xA840] =	vst v0  }
0x2b: {  	[tilespmem:s26+$0xA850] =	vst v0  }
0x2c: {  	[tilespmem:s26+$0xA860] =	vst v0  }
0x2d: {  	[tilespmem:s2], [sflag:$0x3] =	stream.linear.gather [hbm4b:s9+s2], $0x1400, $0x38;
	[tilespmem:$0x1EC80] =	vst v63  }
0x2e: {  	_ =	swait.ge [sflag:s17], $0x1400  }
0x2f: {  	[sflag:s17] =	ssyncset.done $0x0  }
.Ltmp3:
0x30: {  	[sflag:s17] =	ssyncadd.s32 $0xFFFFEC00;
	(pc) =	sbr.rel @p1 .LBB2_17-.Ltmp3, $4  }
0x31: {  	[tilespmem:s18], [sflag:$0x3] =	stream.linear.gather [hbm4b:s10+s2], $0x1400, $0x38;
	[tilespmem:$0x1EC80] =	vst v63  }
0x32: {  	_ =	swait.ge [sflag:s17], $0x1400  }
0x33: {  	[sflag:s17] =	ssyncset.done $0x0  }
0x34: {  	p3 =	sne.s32 s8, $0x1;
	s26 =	sadd.s32 $0xFFFFFFFF, s8;
	[sflag:s17] =	ssyncadd.s32 $0xFFFFEC00  }
.Ltmp4:
0x35: {  	(pc) =	sbr.rel @!p3 .LBB2_6-.Ltmp4, $4  }
0x36: {  	_ = 	snop  }
0x37: {  	[tilespmem:s20], [sflag:$0x1] =	stream.indirect.gather [hbm4b:s4+s19], $0x80, s2, s19, $0xb8;
	[tilespmem:$0x1EC80] =	vst v63  }
0x38: {  	s26 =	sadd.s32 $0xFFFFFFFF, s8;
	s28 =	smov.u32 s11  }
0x39: {  	[spmem:s11] =	stream.linear.scatter [tilespmem:s21], [sflag:$0x2], $0x800, $0x38;
	[tilespmem:$0x1EC80] =	vst v63  }
.LBB2_5:
0x3a: {  	p4 =	sne.s32 s26, $0x1  }
.Ltmp5:
0x3b: {  	_ = 	snop;
	(pc) =	sbr.rel @p4 .LBB2_5-.Ltmp5, $3  }
0x3c: {  	_ = 	snop  }
0x3d: {  	s26 =	sadd.s32 $0xFFFFFFFF, s26;
	s28 =	sadd.s32 $0x800, s28;
	_ =	sdelay $0x1  }
0x3e: {  	[spmem:s28] =	stream.linear.scatter [tilespmem:s21], [sflag:$0x2], $0x800, $0x38;
	[tilespmem:$0x1EC80] =	vst v63  }
.LBB2_6:
.Ltmp6:
0x3f: {  	(pc) =	sbr.rel @!p3 .LBB2_8-.Ltmp6, $3  }
0x40: {  	_ =	sdelay $0x1  }
0x41: {  	_ =	swait.ge [sflag:s22], $0x800  }
0x42: {  	s26 =	sadd.s32 $0xFFFFFFFF, s8;
	[sflag:s22] =	ssyncset.done $0x0  }
.LBB2_7:
0x43: {  	p3 =	sne.s32 s26, $0x1;
	s26 =	sadd.s32 $0xFFFFFFFF, s26;
	[sflag:s22] =	ssyncadd.s32 $0xFFFFF800  }
.Ltmp7:
0x44: {  	(pc) =	sbr.rel @p3 .LBB2_7-.Ltmp7, $3  }
0x45: {  	_ =	sdelay $0x1  }
0x46: {  	_ =	swait.ge [sflag:s22], $0x800  }
0x47: {  	[sflag:s22] =	ssyncset.done $0x0  }
.LBB2_8:
.Ltmp8:
0x48: {  	(pc) =	sbr.rel .LBB2_9-.Ltmp8, $4  }
0x49: {  	_ = 	snop  }
0x4a: {  	[sflag:s22] =	ssyncadd.s32 $0xFFFFF800  }
0x4b: {  	[bflag:$0x0] =	sbarrier.arrive $0xFFFF  }
0x4c: {  	s26 =	simm.s32 $0x0  }
.LBB2_11:
0x4d: {  	s29 =	sshll.u32 s26, $0xE;
	p3 =	slt.u32 s28, $0x28  }
.Ltmp9:
0x4e: {  	_ =	swait.ge [sflag:s23], $0x4000;
	s31 =	sshll.u32 s26, $0x7;
	(pc) =	sbr.rel @!p3 .LBB2_12-.Ltmp9, $4  }
0x4f: {  	s29 =	sand.u32 $0x4000, s29;
	[sflag:s23] =	ssyncset.done $0x0;
	s26 =	sand.u32 $0x3FFFFF80, s31  }
0x50: {  	s29 =	sor.u32 $0x2800, s29;
	[sflag:s23] =	ssyncadd.s32 $0xFFFFC000;
	s26 =	sadd.s32 $0x1400, s26  }
0x51: {  	[spmem:s1] =	stream.indirect.scatter.add.f32 [tilespmem:s29], [sflag:$0x2], $0x80, s26, s19, $0xb8;
	[tilespmem:$0x1EC80] =	vst v63  }
0x52: {  	s26 =	smov.u32 s28  }
.LBB2_9:
0x53: {  	p3 =	seq.s32 s26, $0x0  }
0x54: {  	p4 =	seq.s32 @!p3 s26, $0x27  }
0x55: {  	p4 =	por p3, !p4  }
.Ltmp10:
0x56: {  	_ = 	snop;
	(pc) =	sbr.rel @!p4 .LBB2_11-.Ltmp10, $4  }
0x57: {  	s28 =	simm.s32 @!p3 $0x2  }
0x58: {  	_ =	swait.ge @!p3 [sflag:s28], $0x4000  }
0x59: {  	[sflag:s28] =	ssyncset.done @!p3 $0x0  }
0x5a: {  	[sflag:s28] =	ssyncadd.s32 @!p3 $0xFFFFC000;
	s28 =	simm.s32 @!p3 $0x28  }
0x5b: {  	s28 =	sadd.s32 @!p3 $0x1, s26  }
.Ltmp11:
0x5c: {  	s28 =	simm.s32 @p3 $0x1;
	(pc) =	sbr.rel .LBB2_11-.Ltmp11, $4  }
0x5d: {  	s29 =	sshll.u32 s28, $0xE  }
0x5e: {  	s30 =	sshll.u32 s28, $0x7;
	s29 =	sand.u32 $0x4000, s29  }
0x5f: {  	s30 =	sand.u32 $0x3FFFFF80, s30;
	s29 =	sor.u32 $0x2800, s29  }
0x60: {  	[tilespmem:s29], [sflag:$0x1] =	stream.indirect.gather [hbm4b:s4+s19], $0x80, s30, s19, $0xb8;
	[tilespmem:$0x1EC80] =	vst v63  }
.LBB2_17:
.Ltmp12:
0x61: {  	(pc) =	sbr.rel @!p3 .LBB2_19-.Ltmp12, $4  }
0x62: {  	_ = 	snop  }
0x63: {  	[tilespmem:s20], [sflag:$0x1] =	stream.indirect.gather [hbm4b:s5+s19], $0x80, s2, s19, $0xb8;
	[tilespmem:$0x1EC80] =	vst v63  }
0x64: {  	s28 =	smov.u32 s11  }
0x65: {  	[spmem:s11] =	stream.linear.scatter [tilespmem:s21], [sflag:$0x2], $0x800, $0x38;
	[tilespmem:$0x1EC80] =	vst v63  }
.LBB2_18:
0x66: {  	p4 =	sne.s32 s26, $0x1  }
.Ltmp13:
0x67: {  	_ = 	snop;
	(pc) =	sbr.rel @p4 .LBB2_18-.Ltmp13, $3  }
0x68: {  	_ = 	snop  }
0x69: {  	s26 =	sadd.s32 $0xFFFFFFFF, s26;
	s28 =	sadd.s32 $0x800, s28;
	_ =	sdelay $0x1  }
0x6a: {  	[spmem:s28] =	stream.linear.scatter [tilespmem:s21], [sflag:$0x2], $0x800, $0x38;
	[tilespmem:$0x1EC80] =	vst v63  }
.LBB2_19:
.Ltmp14:
0x6b: {  	(pc) =	sbr.rel @!p3 .LBB2_21-.Ltmp14, $3  }
0x6c: {  	_ =	sdelay $0x1  }
0x6d: {  	_ =	swait.ge [sflag:s22], $0x800  }
0x6e: {  	s26 =	sadd.s32 $0xFFFFFFFF, s8;
	[sflag:s22] =	ssyncset.done $0x0  }
.LBB2_20:
0x6f: {  	p3 =	sne.s32 s26, $0x1;
	s26 =	sadd.s32 $0xFFFFFFFF, s26;
	[sflag:s22] =	ssyncadd.s32 $0xFFFFF800  }
.Ltmp15:
0x70: {  	(pc) =	sbr.rel @p3 .LBB2_20-.Ltmp15, $3  }
0x71: {  	_ =	sdelay $0x1  }
0x72: {  	_ =	swait.ge [sflag:s22], $0x800  }
0x73: {  	[sflag:s22] =	ssyncset.done $0x0  }
.LBB2_21:
.Ltmp16:
0x74: {  	(pc) =	sbr.rel .LBB2_22-.Ltmp16, $4  }
0x75: {  	_ = 	snop  }
0x76: {  	[sflag:s22] =	ssyncadd.s32 $0xFFFFF800  }
0x77: {  	[bflag:$0x0] =	sbarrier.arrive $0xFFFF  }
0x78: {  	s26 =	simm.s32 $0x0  }
.LBB2_24:
0x79: {  	s29 =	sshll.u32 s26, $0xE;
	p3 =	slt.u32 s28, $0x28  }
.Ltmp17:
0x7a: {  	_ =	swait.ge [sflag:s23], $0x4000;
	s31 =	sshll.u32 s26, $0x7;
	(pc) =	sbr.rel @!p3 .LBB2_25-.Ltmp17, $4  }
0x7b: {  	s29 =	sand.u32 $0x4000, s29;
	[sflag:s23] =	ssyncset.done $0x0;
	s26 =	sand.u32 $0x3FFFFF80, s31  }
0x7c: {  	s29 =	sor.u32 $0x2800, s29;
	[sflag:s23] =	ssyncadd.s32 $0xFFFFC000;
	s26 =	sadd.s32 $0x1400, s26  }
0x7d: {  	[spmem:s1] =	stream.indirect.scatter.add.f32 [tilespmem:s29], [sflag:$0x2], $0x80, s26, s19, $0xb8;
	[tilespmem:$0x1EC80] =	vst v63  }
0x7e: {  	s26 =	smov.u32 s28  }
.LBB2_22:
0x7f: {  	p3 =	seq.s32 s26, $0x0  }
0x80: {  	p4 =	seq.s32 @!p3 s26, $0x27  }
0x81: {  	p4 =	por p3, !p4  }
.Ltmp18:
0x82: {  	_ = 	snop;
	(pc) =	sbr.rel @!p4 .LBB2_24-.Ltmp18, $4  }
0x83: {  	s28 =	simm.s32 @!p3 $0x2  }
0x84: {  	_ =	swait.ge @!p3 [sflag:s28], $0x4000  }
0x85: {  	[sflag:s28] =	ssyncset.done @!p3 $0x0  }
0x86: {  	[sflag:s28] =	ssyncadd.s32 @!p3 $0xFFFFC000;
	s28 =	simm.s32 @!p3 $0x28  }
0x87: {  	s28 =	sadd.s32 @!p3 $0x1, s26  }
.Ltmp19:
0x88: {  	s28 =	simm.s32 @p3 $0x1;
	(pc) =	sbr.rel .LBB2_24-.Ltmp19, $4  }
0x89: {  	s29 =	sshll.u32 s28, $0xE  }
0x8a: {  	s30 =	sshll.u32 s28, $0x7;
	s29 =	sand.u32 $0x4000, s29  }
0x8b: {  	s30 =	sand.u32 $0x3FFFFF80, s30;
	s29 =	sor.u32 $0x2800, s29  }
0x8c: {  	[tilespmem:s29], [sflag:$0x1] =	stream.indirect.gather [hbm4b:s5+s19], $0x80, s30, s19, $0xb8;
	[tilespmem:$0x1EC80] =	vst v63  }
.LBB2_12:
0x8d: {  	_ =	swait.ge [sflag:s22], $0x4000  }
0x8e: {  	[sflag:s22] =	ssyncset.done $0x0  }
0x8f: {  	s26 =	simm.s32 $0x0;
	[sflag:s22] =	ssyncadd.s32 $0xFFFFC000  }
0x90: {  	[tilespmem:s26], [sflag:$0x3] =	stream.linear.gather [hbm4b:s12+s26], $0x1400, $0x38;
	[tilespmem:$0x1EC80] =	vst v63  }
0x91: {  	_ =	swait.ge [sflag:s17], $0x1400  }
0x92: {  	[sflag:s17] =	ssyncset.done $0x0  }
0x93: {  	[sflag:s17] =	ssyncadd.s32 $0xFFFFEC00  }
0x94: {  	[tilespmem:s18], [sflag:$0x3] =	stream.linear.gather [hbm4b:s13+s26], $0x1400, $0x38;
	[tilespmem:$0x1EC80] =	vst v63  }
.Ltmp20:
0x95: {  	_ = 	snop;
	(pc) =	sbr.rel .LBB2_13-.Ltmp20, $4  }
0x96: {  	_ =	swait.ge [sflag:s17], $0x1400  }
0x97: {  	[sflag:s17] =	ssyncset.done $0x0  }
0x98: {  	[sflag:s17] =	ssyncadd.s32 $0xFFFFEC00  }
0x99: {  	[tilespmem:s20], [sflag:$0x1] =	stream.indirect.gather [hbm4b:s4+s19], $0x80, s26, s19, $0xb8;
	[tilespmem:$0x1EC80] =	vst v63  }
.LBB2_15:
0x9a: {  	s29 =	sshll.u32 s26, $0xE;
	p3 =	slt.u32 s28, $0x28  }
.Ltmp21:
0x9b: {  	_ =	swait.ge [sflag:s23], $0x4000;
	s31 =	sshll.u32 s26, $0x7;
	(pc) =	sbr.rel @!p3 .LBB2_16-.Ltmp21, $4  }
0x9c: {  	s29 =	sand.u32 $0x4000, s29;
	[sflag:s23] =	ssyncset.done $0x0;
	s26 =	sand.u32 $0x3FFFFF80, s31  }
0x9d: {  	s29 =	sor.u32 $0x2800, s29;
	[sflag:s23] =	ssyncadd.s32 $0xFFFFC000;
	s26 =	sadd.s32 $0x1400, s26  }
0x9e: {  	[spmem:s1] =	stream.indirect.scatter.add.f32 [tilespmem:s29], [sflag:$0x2], $0x80, s26, s19, $0xb8;
	[tilespmem:$0x1EC80] =	vst v63  }
0x9f: {  	s26 =	smov.u32 s28  }
.LBB2_13:
0xa0: {  	p3 =	seq.s32 s26, $0x0  }
0xa1: {  	p4 =	seq.s32 @!p3 s26, $0x27  }
0xa2: {  	p4 =	por p3, !p4  }
.Ltmp22:
0xa3: {  	_ = 	snop;
	(pc) =	sbr.rel @!p4 .LBB2_15-.Ltmp22, $4  }
0xa4: {  	s28 =	simm.s32 @!p3 $0x2  }
0xa5: {  	_ =	swait.ge @!p3 [sflag:s28], $0x4000  }
0xa6: {  	[sflag:s28] =	ssyncset.done @!p3 $0x0  }
0xa7: {  	[sflag:s28] =	ssyncadd.s32 @!p3 $0xFFFFC000;
	s28 =	simm.s32 @!p3 $0x28  }
0xa8: {  	s28 =	sadd.s32 @!p3 $0x1, s26  }
.Ltmp23:
0xa9: {  	s28 =	simm.s32 @p3 $0x1;
	(pc) =	sbr.rel .LBB2_15-.Ltmp23, $4  }
0xaa: {  	s29 =	sshll.u32 s28, $0xE  }
0xab: {  	s30 =	sshll.u32 s28, $0x7;
	s29 =	sand.u32 $0x4000, s29  }
0xac: {  	s30 =	sand.u32 $0x3FFFFF80, s30;
	s29 =	sor.u32 $0x2800, s29  }
0xad: {  	[tilespmem:s29], [sflag:$0x1] =	stream.indirect.gather [hbm4b:s4+s19], $0x80, s30, s19, $0xb8;
	[tilespmem:$0x1EC80] =	vst v63  }
.LBB2_25:
0xae: {  	_ =	swait.ge [sflag:s22], $0x4000  }
0xaf: {  	[sflag:s22] =	ssyncset.done $0x0  }
0xb0: {  	s26 =	simm.s32 $0x0;
	[sflag:s22] =	ssyncadd.s32 $0xFFFFC000  }
0xb1: {  	[tilespmem:s26], [sflag:$0x3] =	stream.linear.gather [hbm4b:s12+s26], $0x1400, $0x38;
	[tilespmem:$0x1EC80] =	vst v63  }
0xb2: {  	_ =	swait.ge [sflag:s17], $0x1400  }
0xb3: {  	[sflag:s17] =	ssyncset.done $0x0  }
0xb4: {  	[sflag:s17] =	ssyncadd.s32 $0xFFFFEC00  }
0xb5: {  	[tilespmem:s18], [sflag:$0x3] =	stream.linear.gather [hbm4b:s13+s26], $0x1400, $0x38;
	[tilespmem:$0x1EC80] =	vst v63  }
.Ltmp24:
0xb6: {  	_ = 	snop;
	(pc) =	sbr.rel .LBB2_26-.Ltmp24, $4  }
0xb7: {  	_ =	swait.ge [sflag:s17], $0x1400  }
0xb8: {  	[sflag:s17] =	ssyncset.done $0x0  }
0xb9: {  	[sflag:s17] =	ssyncadd.s32 $0xFFFFEC00  }
0xba: {  	[tilespmem:s20], [sflag:$0x1] =	stream.indirect.gather [hbm4b:s5+s19], $0x80, s26, s19, $0xb8;
	[tilespmem:$0x1EC80] =	vst v63  }
.LBB2_28:
0xbb: {  	s29 =	sshll.u32 s26, $0xE;
	p3 =	slt.u32 s28, $0x28  }
.Ltmp25:
0xbc: {  	_ =	swait.ge [sflag:s23], $0x4000;
	s31 =	sshll.u32 s26, $0x7;
	(pc) =	sbr.rel @!p3 .LBB2_29-.Ltmp25, $4  }
0xbd: {  	s29 =	sand.u32 $0x4000, s29;
	[sflag:s23] =	ssyncset.done $0x0;
	s26 =	sand.u32 $0x3FFFFF80, s31  }
0xbe: {  	s29 =	sor.u32 $0x2800, s29;
	[sflag:s23] =	ssyncadd.s32 $0xFFFFC000;
	s26 =	sadd.s32 $0x1400, s26  }
0xbf: {  	[spmem:s1] =	stream.indirect.scatter.add.f32 [tilespmem:s29], [sflag:$0x2], $0x80, s26, s19, $0xb8;
	[tilespmem:$0x1EC80] =	vst v63  }
0xc0: {  	s26 =	smov.u32 s28  }
.LBB2_26:
0xc1: {  	p3 =	seq.s32 s26, $0x0  }
0xc2: {  	p4 =	seq.s32 @!p3 s26, $0x27  }
0xc3: {  	p4 =	por p3, !p4  }
.Ltmp26:
0xc4: {  	_ = 	snop;
	(pc) =	sbr.rel @!p4 .LBB2_28-.Ltmp26, $4  }
0xc5: {  	s28 =	simm.s32 @!p3 $0x2  }
0xc6: {  	_ =	swait.ge @!p3 [sflag:s28], $0x4000  }
0xc7: {  	[sflag:s28] =	ssyncset.done @!p3 $0x0  }
0xc8: {  	[sflag:s28] =	ssyncadd.s32 @!p3 $0xFFFFC000;
	s28 =	simm.s32 @!p3 $0x28  }
0xc9: {  	s28 =	sadd.s32 @!p3 $0x1, s26  }
.Ltmp27:
0xca: {  	s28 =	simm.s32 @p3 $0x1;
	(pc) =	sbr.rel .LBB2_28-.Ltmp27, $4  }
0xcb: {  	s29 =	sshll.u32 s28, $0xE  }
0xcc: {  	s30 =	sshll.u32 s28, $0x7;
	s29 =	sand.u32 $0x4000, s29  }
0xcd: {  	s30 =	sand.u32 $0x3FFFFF80, s30;
	s29 =	sor.u32 $0x2800, s29  }
0xce: {  	[tilespmem:s29], [sflag:$0x1] =	stream.indirect.gather [hbm4b:s5+s19], $0x80, s30, s19, $0xb8;
	[tilespmem:$0x1EC80] =	vst v63  }
.LBB2_16:
0xcf: {  	_ =	swait.ge [sflag:s22], $0x4000  }
0xd0: {  	[sflag:s22] =	ssyncset.done $0x0  }
0xd1: {  	s26 =	sshll.u32 s3, $0x6;
	[sflag:s22] =	ssyncadd.s32 $0xFFFFC000  }
0xd2: {  	s28 =	sshrl.u32 s11, $0x3;
	s26 =	sor.u32 $0x1C03, s26;
	[bflag:$0x0] =	sbarrier.arrive $0xFFFF  }
0xd3: {  	[hbm:s15], [sflag:s26] =	dma.local [spmem:s28], $0x2700  }
.Ltmp28:
0xd4: {  	_ = 	snop;
	(pc) =	sbr.rel @p0 .LBB2_30-.Ltmp28, $4  }
.Ltmp29:
0xd5: {  	_ = 	snop;
	(pc) =	sbr.rel @!p0 .LBB2_31-.Ltmp29, $4  }
0xd6: {  	_ =	swait.ge [sflag:s17], $0x2700  }
0xd7: {  	[sflag:s17] =	ssyncset.done $0x0  }
0xd8: {  	s28 =	smov.u32 s6;
	[sflag:s17] =	ssyncadd.s32 $0xFFFFD900  }
0xd9: {  	_ = 	snop  }
.LBB2_29:
0xda: {  	_ =	swait.ge [sflag:s22], $0x4000  }
0xdb: {  	[sflag:s22] =	ssyncset.done $0x0  }
0xdc: {  	s26 =	sshll.u32 s3, $0x6;
	[sflag:s22] =	ssyncadd.s32 $0xFFFFC000  }
0xdd: {  	s28 =	sshrl.u32 s11, $0x3;
	s26 =	sor.u32 $0x1C03, s26;
	[bflag:$0x0] =	sbarrier.arrive $0xFFFF  }
0xde: {  	[hbm:s14], [sflag:s26] =	dma.local [spmem:s28], $0x2700  }
.Ltmp30:
0xdf: {  	_ = 	snop;
	(pc) =	sbr.rel @p2 .LBB2_31-.Ltmp30, $4  }
.Ltmp31:
0xe0: {  	_ = 	snop;
	(pc) =	sbr.rel @!p2 .LBB2_30-.Ltmp31, $4  }
0xe1: {  	_ =	swait.ge [sflag:s17], $0x2700  }
0xe2: {  	[sflag:s17] =	ssyncset.done $0x0  }
0xe3: {  	s28 =	smov.u32 s7;
	[sflag:s17] =	ssyncadd.s32 $0xFFFFD900  }
0xe4: {  	_ = 	snop  }
.LBB2_32:
0xe5: {  	_ =	sfence.sel $0x180000  }
0xe6: {  	[bflag:$0x0] =	sbarrier.arrive $0xFFFF  }
0xe7: {  	p0 =	sne.s32 s3, $0x0;
	_ =	strace $0x9000004A  }
0xe8: {  	s0 =	sadd.s32 @!p0 $0x100000, s0;
	[bflag:$0x2] =	sbarrier.arrive $0xFFFF  }
0xe9: {  	[sflag:s0] =	ssyncadd.tile.s32 @!p0 $0x1;
	_ =	shalt  }
.Lfunc_end2:
_tile_overlayer_lowered:
.L_overlay_start_2:
0xea: {  	(tag) =	ssettag $0x2  }
0xeb: {  	s0 =	rddreg [dreg:$0x0];
	s2 =	stileid.u32  }
0xec: {  	s1 =	rddreg [dreg:$0x1];
	p0 =	sne.s32 s2, $0x0  }
0xed: {  	s3 =	rddreg [dreg:$0x2];
	[bflag:$0x3] =	sbarrier.arrive $0xFFFF;
	s2 =	simm.s32 @!p0 $0x1C03  }
0xee: {  	[timem:s3], [sflag:s2] =	dma.local @!p0 [hbm:s0], s1  }
0xef: {  	s0 =	simm.s32 @!p0 $0x3  }
0xf0: {  	_ =	swait.ge @!p0 [sflag:s0], s1  }
0xf1: {  	s1 =	ssub.s32 @!p0 $0x0, s1;
	[sflag:s0] =	ssyncset.done @!p0 $0x0  }
0xf2: {  	[sflag:s0] =	ssyncadd.s32 @!p0 s1  }
0xf3: {  	[bflag:$0x3] =	sbarrier.arrive $0xFFFF  }
0xf4: {  	_ =	shalt  }

// kernel: kernel.17.cloned.1.call-start
scs
__scs_entry_jumppad:
0x0: {  	(pc) =	sbr.rel $0x88, $3  }
0x1: {  	(tag) =	ssettag $0x0;
	lr =	simm.s32 $0x1  }
0x2: {  	[smem:$0x3F9C] =	sst lr;
	_ =	strace $0xD0000000  }
0x3: {  	_ = 	snop  }
0x4: {  	_ = 	snop  }
0x5: {  	_ = 	snop  }
0x6: {  	_ = 	snop  }
0x7: {  	_ = 	snop  }
__scs_overlays_trampoline_lowered:
0x8: {  	[smem:$0x3FAB] =	sst s0  }
0x9: {  	[smem:$0x3FAC] =	sst s1  }
0xa: {  	[smem:$0x3FAD] =	sst s2  }
0xb: {  	[smem:$0x3FAE] =	sst s3  }
0xc: {  	[smem:$0x3FAF] =	sst s4  }
0xd: {  	[smem:$0x3FB0] =	sst s5  }
0xe: {  	[smem:$0x3FB1] =	sst s6  }
0xf: {  	[smem:$0x3FB2] =	sst s7  }
0x10: {  	[smem:$0x3FB3] =	sst s8  }
0x11: {  	[smem:$0x3FB4] =	sst s9;
	s0 =	simm.s32 @!p0 $0x0  }
0x12: {  	s1 =	sld [smem:$0x3F9A];
	s0 =	simm.s32 @p0 $0x1  }
0x13: {  	[smem:$0x3FB5] =	sst s0;
	s0 =	simm.s32 @!p1 $0x0  }
0x14: {  	s2 =	sld [smem:$0x3F99];
	s0 =	simm.s32 @p1 $0x1  }
0x15: {  	[smem:$0x3FB6] =	sst s0;
	s0 =	simm.s32 @!p2 $0x0  }
0x16: {  	s3 =	sld [smem:$0x3FDB];
	s0 =	simm.s32 @p2 $0x1  }
0x17: {  	s4 =	simm.s32 $0x1BF5;
	[smem:$0x3FB8] =	sst s0  }
0x18: {  	s0 =	sld [smem:$0x3F9B];
	_ =	swait.ge [sflag:s4], $0x0  }
0x19: {  	s7 =	sld [smem:$0x3F9C]  }
0x1a: {  	s8 =	sadd.s32 $0xFFFFE003, lr  }
0x1b: {  	s9 =	sadd.s32 $0xFFFFFEF7, lr;
	s5 =	simm.s32 $0xFFFFFFFF;
	p2 =	slt.u32 s8, $0xFFFFF086  }
0x1c: {  	p1 =	slt.u32 s9, $0xF7A;
	s5 =	simm.s32 @!p2 $0x0  }
0x1d: {  	s5 =	simm.s32 @p1 $0x1;
	p0 =	seq.s32 s7, s2  }
0x1e: {  	s7 =	smul.u32 @!p0 $0xF7A, s2;
	p2 =	seq.s32 @!p0 s5, $0x0  }
0x1f: {  	s9 =	smul.u32 $0xF7A, s1;
	s8 =	simm.s32 @!p0 $0x1BF5;
	p2 =	por !p2, p0  }
0x20: {  	[sflag:s8] =	ssyncset.s32 @!p0 $0xFFFFF086;
	s6 =	sadd.s32 @!p0 s3, s7;
	s7 =	simm.s32 @!p0 $0x108  }
0x21: {  	s3 =	sadd.s32 s3, s9;
	s6 =	sadd.s32 @!p0 $0x88, s6;
	s7 =	simm.s32 @p2 $0x1082  }
0x22: {  	[simem:s7], [sflag:s8] =	dma.local @!p0 [hbm:s6], $0xF7A  }
0x23: {  	s9 =	sor.u32 $0xD0000000, s2;
	s6 =	simm.s32 $0x108;
	_ =	swait.ge @!p0 [sflag:s8], $0x0  }
0x24: {  	s3 =	sadd.s32 $0x88, s3;
	s6 =	simm.s32 @!p1 $0x1082;
	[sflag:s4] =	ssyncset.s32 $0xFFFFF086  }
0x25: {  	[simem:s6], [sflag:s4] =	dma.local [hbm:s3], $0xF7A  }
0x26: {  	[smem:$0x3F9C] =	sst s1;
	(tag) =	ssettag s2;
	_ =	strace s9  }
0x27: {  	s1 =	sld [smem:$0x3FAC]  }
0x28: {  	s2 =	sld [smem:$0x3FAD]  }
0x29: {  	s4 =	sld [smem:$0x3FAF]  }
0x2a: {  	p0 =	seq.s32 s5, $0x0;
	s5 =	sld [smem:$0x3FB0]  }
0x2b: {  	s6 =	sld [smem:$0x3FB1]  }
0x2c: {  	s7 =	sld [smem:$0x3FB2]  }
0x2d: {  	s3 =	simm.s32 $0x108;
	s8 =	sld [smem:$0x3FB3]  }
0x2e: {  	s3 =	simm.s32 @!p0 $0x1082;
	s9 =	sld [smem:$0x3FB4]  }
0x2f: {  	lr =	sadd.s32 s0, s3;
	s0 =	sld [smem:$0x3FAB]  }
0x30: {  	s3 =	sld [smem:$0x3FAE]  }
0x31: {  	[smem:$0x3FB7] =	sst s10  }
0x32: {  	s10 =	sld [smem:$0x3FB5];
	_ =	sdelay $0x3  }
0x33: {  	p0 =	seq.s32 s10, $0x1;
	s10 =	sld [smem:$0x3FB7];
	_ =	sdelay $0x3  }
0x34: {  	[smem:$0x3FB7] =	sst s10  }
0x35: {  	s10 =	sld [smem:$0x3FB6];
	_ =	sdelay $0x3  }
0x36: {  	p1 =	seq.s32 s10, $0x1;
	s10 =	sld [smem:$0x3FB7];
	_ =	sdelay $0x3  }
0x37: {  	[smem:$0x3FB7] =	sst s10  }
0x38: {  	s10 =	sld [smem:$0x3FB8]  }
0x39: {  	_ = 	snop;
	(pc) =	sbr.ind lr, $3  }
0x3a: {  	_ = 	snop  }
0x3b: {  	_ = 	snop  }
0x3c: {  	p2 =	seq.s32 s10, $0x1;
	s10 =	sld [smem:$0x3FB7]  }
0x3d: {  	_ =	shalt  }
0x3e: {  	_ =	shalt  }
0x3f: {  	_ =	shalt  }
0x40: {  	_ =	shalt  }
0x41: {  	_ =	shalt  }
0x42: {  	_ =	shalt  }
0x43: {  	_ =	shalt  }
0x44: {  	_ =	shalt  }
0x45: {  	_ =	shalt  }
0x46: {  	_ =	shalt  }
0x47: {  	_ =	shalt  }
0x48: {  	_ =	shalt  }
0x49: {  	_ =	shalt  }
0x4a: {  	_ =	shalt  }
0x4b: {  	_ =	shalt  }
0x4c: {  	_ =	shalt  }
0x4d: {  	_ =	shalt  }
0x4e: {  	_ =	shalt  }
0x4f: {  	_ =	shalt  }
0x50: {  	_ =	shalt  }
0x51: {  	_ =	shalt  }
0x52: {  	_ =	shalt  }
0x53: {  	_ =	shalt  }
0x54: {  	_ =	shalt  }
0x55: {  	_ =	shalt  }
0x56: {  	_ =	shalt  }
0x57: {  	_ =	shalt  }
0x58: {  	_ =	shalt  }
0x59: {  	_ =	shalt  }
0x5a: {  	_ =	shalt  }
0x5b: {  	_ =	shalt  }
0x5c: {  	_ =	shalt  }
0x5d: {  	_ =	shalt  }
0x5e: {  	_ =	shalt  }
0x5f: {  	_ =	shalt  }
0x60: {  	_ =	shalt  }
0x61: {  	_ =	shalt  }
0x62: {  	_ =	shalt  }
0x63: {  	_ =	shalt  }
0x64: {  	_ =	shalt  }
0x65: {  	_ =	shalt  }
0x66: {  	_ =	shalt  }
0x67: {  	_ =	shalt  }
0x68: {  	_ =	shalt  }
0x69: {  	_ =	shalt  }
0x6a: {  	_ =	shalt  }
0x6b: {  	_ =	shalt  }
0x6c: {  	_ =	shalt  }
0x6d: {  	_ =	shalt  }
0x6e: {  	_ =	shalt  }
0x6f: {  	_ =	shalt  }
0x70: {  	_ =	shalt  }
0x71: {  	_ =	shalt  }
0x72: {  	_ =	shalt  }
0x73: {  	_ =	shalt  }
0x74: {  	_ =	shalt  }
0x75: {  	_ =	shalt  }
0x76: {  	_ =	shalt  }
0x77: {  	_ =	shalt  }
0x78: {  	_ =	shalt  }
0x79: {  	_ =	shalt  }
0x7a: {  	_ =	shalt  }
0x7b: {  	_ =	shalt  }
0x7c: {  	_ =	shalt  }
0x7d: {  	_ =	shalt  }
0x7e: {  	_ =	shalt  }
0x7f: {  	_ =	shalt  }
0x80: {  	_ =	shalt  }
0x81: {  	_ =	shalt  }
0x82: {  	_ =	shalt  }
0x83: {  	_ =	shalt  }
0x84: {  	_ =	shalt  }
0x85: {  	_ =	shalt  }
0x86: {  	_ =	shalt  }
0x87: {  	_ =	shalt  }
.Lfunc_end0:
.L_simem_size_0:
called_computation.2_lowered:
.L_overlay_start_0:
0x88: {  	s2 =	sld [smem:$0x3FD9]  }
0x89: {  	s3 =	sld [smem:$0x3FFE];
	_ =	sdelay $0x1  }
0x8a: {  	s1 =	srdreg.scid  }
0x8b: {  	s0 =	sand.u32 $0x1, s1  }
0x8c: {  	s16 =	sshll.u32 s0, $0xA;
	s2 =	sadd.s32 s3, s2  }
0x8d: {  	s2 =	sadd.s32 s2, s16  }
0x8e: {  	[smem:$0x3FC3] =	sst s2  }
0x8f: {  	_ = 	snop  }
0x90: {  	(tm) =	ssettm $0x1  }
0x91: {  	s17 =	sld [smem:$0x3FFB];
	_ =	sdelay $0x3  }
0x92: {  	_ =	strace s17  }
0x93: {  	s2 =	sld [smem:$0x3FFC];
	_ =	sdelay $0x3  }
0x94: {  	_ =	strace s2  }
0x95: {  	s2 =	sld [smem:$0x3FFD];
	_ =	sdelay $0x3  }
0x96: {  	_ =	strace s2  }
0x97: {  	_ =	strace $0x8FFFFFFF  }
0x98: {  	s18 =	sld [smem:$0x3FDB];
	_ =	sdelay $0x1  }
0x99: {  	s19 =	simm.s32 $_scs_section_size  }
0x9a: {  	s4 =	simm.s32 $_size__tile_overlayer_lowered;
	s5 =	simm.s32 $_tile_overlayer_lowered  }
0x9b: {  	s22 =	simm.s32 $0x1BFF;
	s21 =	sshll.u32 s5, $0x1;
	s2 =	sadd.s32 s19, s18  }
0x9c: {  	s6 =	simm.s32 $0x0;
	s20 =	sshll.u32 s4, $0x1;
	s4 =	sadd.s32 s21, s2  }
0x9d: {  	[timem:s6], [sflag:s22] =	dma.local [hbm:s4], s20  }
0x9e: {  	_ =	swait.ge [sflag:s22], s20  }
0x9f: {  	s3 =	ssub.s32 $0x0, s20;
	[sflag:s22] =	ssyncset.done $0x0  }
0xa0: {  	[sflag:s22] =	ssyncadd.s32 s3;
	_ =	sdelay $0x1  }
0xa1: {  	s23 =	simm.s32 $0x1B8B  }
0xa2: {  	_ =	swait.ge [sflag:s23], $0x1  }
0xa3: {  	[sflag:s23] =	ssyncset.done $0x0  }
0xa4: {  	s25 =	simm.s32 $0x1B8E;
	s24 =	sld [smem:$0x3FFE];
	[sflag:s23] =	ssyncadd.s32 $0xFFFFFFFF  }
0xa5: {  	s26 =	simm.s32 $execute0_lowered;
	[smem:$0x3FD2] =	sst s25  }
0xa6: {  	s4 =	sshll.u32 s26, $0x1;
	_ =	strace $0x8000004C;
	[dreg:$0x1] =	wrdreg $0xFFFFFFFF  }
0xa7: {  	s28 =	simm.s32 $_size_execute0_lowered;
	s2 =	sadd.s32 s2, s4;
	[dreg:$0x0] =	wrdreg $0x0  }
0xa8: {  	s4 =	sshll.u32 s28, $0x1;
	[dreg:$0x2] =	wrdreg s2  }
0xa9: {  	[dreg:$0x3] =	wrdreg s4  }
0xaa: {  	[dreg:$0x4] =	wrdreg $0xC0  }
0xab: {  	_ =	task [dreg:s6], $0x5FFFF  }
0xac: {  	[dreg:$0x1] =	wrdreg $0xFFFFFFFF  }
0xad: {  	[dreg:$0x0] =	wrdreg $0x60  }
0xae: {  	[dreg:$0x2] =	wrdreg s24  }
0xaf: {  	[dreg:$0x3] =	wrdreg $0xB0000  }
0xb0: {  	[dreg:$0x4] =	wrdreg $0x9  }
0xb1: {  	_ =	task.clear_ibuf [dreg:s6], $0x5FFFF;
	_ =	strace $0x9000004C  }
0xb2: {  	s29 =	simm.s32 $0x9;
	_ =	strace $0x8000004E  }
0xb3: {  	_ =	swait.ge [sflag:s29], $0x1  }
0xb4: {  	[sflag:s29] =	ssyncadd.s32 $0xFFFFFFFF  }
0xb5: {  	_ =	strace $0x9000004E  }
0xb6: {  	_ =	sfence  }
0xb7: {  	s30 =	sld [smem:$0x0];
	_ =	sdelay $0x2  }
0xb8: {  	s31 =	sshll.u32 s1, $0xD;
	s1 =	sshrl.u32 s1, $0x2  }
0xb9: {  	s3 =	sand.u32 $0x4000, s31;
	s1 =	sadd.s32 s1, s30  }
0xba: {  	s0 =	sor.u32 s3, s0;
	s1 =	sshll.u32 s1, $0x11  }
0xbb: {  	s0 =	sor.u32 s1, s0  }
0xbc: {  	s0 =	sadd.s32 $0x8F2B, s0  }
0xbd: {  	[sflag:s0] =	ssyncadd.remote.s32 $0x1  }
0xbe: {  	_ =	sfence.sel $0xFFFF  }
0xbf: {  	[dreg:$0x0] =	wrdreg $0xFFFFFFFF;
	(pc) =	sbr.abs _section_cstart, $3  }
0xc0: {  	[dreg:$0x1] =	wrdreg $0xFFFFFFFF  }
0xc1: {  	_ =	task.clear_ibuf [dreg:s6], $0x2FFFF;
	_ =	strace $0x9FFFFFFF  }
0xc2: {  	(tm) =	ssettm $0x7FFFFFFF  }
0xc3: {  	_ =	shalt  }
tec
execute0_lowered:
.L_overlay_start_1:
0x0: {  	(tag) =	ssettag $0x1  }
0x1: {  	s7 =	rddreg [dreg:$0x0]  }
0x2: {  	s1 =	rddreg [dreg:$0x1]  }
0x3: {  	s0 =	rddreg [dreg:$0x2]  }
0x4: {  	s2 =	simm.s32 $0x0;
	s6 =	srdreg.scid;
	s3 =	stileid.u32  }
0x5: {  	s19 =	simm.s32 $0x80;
	s20 =	simm.s32 $0x2800;
	s21 =	simm.s32 $0xA800  }
0x6: {  	s22 =	simm.s32 $0x2;
	s23 =	simm.s32 $0x1;
	s25 =	simm.s32 $0x0  }
0x7: {  	[smem:$0x7FF] =	sst s2;
	s4 =	sadd.s32 $0x5D000, s7;
	s5 =	sadd.s32 $0x4E00, s7  }
0x8: {  	s17 =	sand.u32 $0x1, s6;
	s12 =	sadd.s32 $0x53000, s7;
	s9 =	smul.u32 $0x2800, s3  }
0x9: {  	s13 =	sadd.s32 $0x58000, s7;
	s6 =	sadd.s32 $0xAB400, s7;
	s14 =	smul.u32 $0x4E000, s3  }
0xa: {  	s7 =	sadd.s32 $0xD2600, s7;
	p0 =	seq.s32 s3, $0xF;
	s18 =	smul.u32 $0x2700, s3  }
0xb: {  	s24 =	sadd.s32 $0x138000, s1;
	p2 =	sne.s32 s3, $0xF;
	_ =	strace $0x8000004D  }
0xc: {  	s8 =	ssub.s32 $0x2, s17;
	p1 =	sne.s32 s17, $0x0;
	s17 =	simm.s32 $0x3  }
0xd: {  	s24 =	sshrl.u32 s24, $0x3;
	s10 =	sshrl.u32 s8, $0x1;
	s11 =	sshrl.u32 s9, $0x3  }
.Ltmp0:
0xe: {  	s14 =	sshrl.u32 s14, $0x2;
	s16 =	ssub.s32 s8, s10;
	(pc) =	sbr.rel .LBB2_1-.Ltmp0, $4  }
0xf: {  	s8 =	simm.s32 $0x30;
	s9 =	sadd.s32 s12, s11;
	s10 =	sadd.s32 s13, s11  }
0x10: {  	s15 =	sadd.s32 $0x280, s11;
	s11 =	sadd.s32 s14, s1;
	s14 =	sadd.s32 s7, s18  }
0x11: {  	s8 =	simm.s32 @!p0 $0x27;
	s12 =	sadd.s32 s12, s15;
	s13 =	sadd.s32 s13, s15  }
0x12: {  	v0 =	vimm.f32 $0.0e+00;
	s15 =	sadd.s32 s6, s18;
	s16 =	smax.u32 s16, $0x1;
	s18 =	simm.s32 $0x1400  }
.LBB2_30:
0x13: {  	s28 =	sadd.s32 $0x27000, s28  }
0x14: {  	[hbm:s28], [sflag:s26] =	dma.local [spmem:s24], $0x100  }
0x15: {  	_ =	swait.ge [sflag:s17], $0x100  }
0x16: {  	[sflag:s17] =	ssyncset.done $0x0  }
0x17: {  	[sflag:s17] =	ssyncadd.s32 $0xFFFFFF00  }
.LBB2_31:
0x18: {  	s25 =	sadd.s32 $0x1, s25  }
0x19: {  	p3 =	sne.s32 s25, s16  }
.Ltmp1:
0x1a: {  	_ = 	snop;
	(pc) =	sbr.rel @!p3 .LBB2_32-.Ltmp1, $1  }
0x1b: {  	_ =	sdelay $0x3  }
.LBB2_1:
0x1c: {  	s26 =	simm.s32 $0x0;
	s28 =	simm.s32 $0x200  }
.LBB2_2:
0x1d: {  	p3 =	sne.s32 s28, $0x1E00;
	[tilespmem:s26+$0xA870] =	vst v0  }
0x1e: {  	[tilespmem:s26+$0xA800] =	vst v0  }
0x1f: {  	[tilespmem:s26+$0xA810] =	vst v0  }
.Ltmp2:
0x20: {  	[tilespmem:s26+$0xA820] =	vst v0;
	(pc) =	sbr.rel @p3 .LBB2_2-.Ltmp2, $4  }
0x21: {  	[tilespmem:s26+$0xA830] =	vst v0  }
0x22: {  	[tilespmem:s26+$0xA840] =	vst v0  }
0x23: {  	[tilespmem:s26+$0xA850] =	vst v0  }
0x24: {  	[tilespmem:s26+$0xA860] =	vst v0;
	s26 =	sshra.s32 s28, $0x2;
	s28 =	sadd.s32 $0x200, s28  }
0x25: {  	[tilespmem:s26+$0xA870] =	vst v0  }
0x26: {  	[tilespmem:s26+$0xA800] =	vst v0  }
0x27: {  	[tilespmem:s26+$0xA810] =	vst v0  }
0x28: {  	[tilespmem:s26+$0xA820] =	vst v0  }
0x29: {  	[tilespmem:s26+$0xA830] =	vst v0  }
0x2a: {  	[tilespmem:s26+$0xA840] =	vst v0  }
0x2b: {  	[tilespmem:s26+$0xA850] =	vst v0  }
0x2c: {  	[tilespmem:s26+$0xA860] =	vst v0  }
0x2d: {  	[tilespmem:s2], [sflag:$0x3] =	stream.linear.gather [hbm4b:s9+s2], $0x1400, $0x38;
	[tilespmem:$0x1EC80] =	vst v63  }
0x2e: {  	_ =	swait.ge [sflag:s17], $0x1400  }
0x2f: {  	[sflag:s17] =	ssyncset.done $0x0  }
.Ltmp3:
0x30: {  	[sflag:s17] =	ssyncadd.s32 $0xFFFFEC00;
	(pc) =	sbr.rel @p1 .LBB2_17-.Ltmp3, $4  }
0x31: {  	[tilespmem:s18], [sflag:$0x3] =	stream.linear.gather [hbm4b:s10+s2], $0x1400, $0x38;
	[tilespmem:$0x1EC80] =	vst v63  }
0x32: {  	_ =	swait.ge [sflag:s17], $0x1400  }
0x33: {  	[sflag:s17] =	ssyncset.done $0x0  }
0x34: {  	p3 =	sne.s32 s8, $0x1;
	s26 =	sadd.s32 $0xFFFFFFFF, s8;
	[sflag:s17] =	ssyncadd.s32 $0xFFFFEC00  }
.Ltmp4:
0x35: {  	(pc) =	sbr.rel @!p3 .LBB2_6-.Ltmp4, $4  }
0x36: {  	_ = 	snop  }
0x37: {  	[tilespmem:s20], [sflag:$0x1] =	stream.indirect.gather [hbm4b:s4+s19], $0x80, s2, s19, $0xb8;
	[tilespmem:$0x1EC80] =	vst v63  }
0x38: {  	s26 =	sadd.s32 $0xFFFFFFFF, s8;
	s28 =	smov.u32 s11  }
0x39: {  	[spmem:s11] =	stream.linear.scatter [tilespmem:s21], [sflag:$0x2], $0x800, $0x38;
	[tilespmem:$0x1EC80] =	vst v63  }
.LBB2_5:
0x3a: {  	p4 =	sne.s32 s26, $0x1  }
.Ltmp5:
0x3b: {  	_ = 	snop;
	(pc) =	sbr.rel @p4 .LBB2_5-.Ltmp5, $3  }
0x3c: {  	_ = 	snop  }
0x3d: {  	s26 =	sadd.s32 $0xFFFFFFFF, s26;
	s28 =	sadd.s32 $0x800, s28;
	_ =	sdelay $0x1  }
0x3e: {  	[spmem:s28] =	stream.linear.scatter [tilespmem:s21], [sflag:$0x2], $0x800, $0x38;
	[tilespmem:$0x1EC80] =	vst v63  }
.LBB2_6:
.Ltmp6:
0x3f: {  	(pc) =	sbr.rel @!p3 .LBB2_8-.Ltmp6, $3  }
0x40: {  	_ =	sdelay $0x1  }
0x41: {  	_ =	swait.ge [sflag:s22], $0x800  }
0x42: {  	s26 =	sadd.s32 $0xFFFFFFFF, s8;
	[sflag:s22] =	ssyncset.done $0x0  }
.LBB2_7:
0x43: {  	p3 =	sne.s32 s26, $0x1;
	s26 =	sadd.s32 $0xFFFFFFFF, s26;
	[sflag:s22] =	ssyncadd.s32 $0xFFFFF800  }
.Ltmp7:
0x44: {  	(pc) =	sbr.rel @p3 .LBB2_7-.Ltmp7, $3  }
0x45: {  	_ =	sdelay $0x1  }
0x46: {  	_ =	swait.ge [sflag:s22], $0x800  }
0x47: {  	[sflag:s22] =	ssyncset.done $0x0  }
.LBB2_8:
.Ltmp8:
0x48: {  	(pc) =	sbr.rel .LBB2_9-.Ltmp8, $4  }
0x49: {  	_ = 	snop  }
0x4a: {  	[sflag:s22] =	ssyncadd.s32 $0xFFFFF800  }
0x4b: {  	[bflag:$0x0] =	sbarrier.arrive $0xFFFF  }
0x4c: {  	s26 =	simm.s32 $0x0  }
.LBB2_11:
0x4d: {  	s29 =	sshll.u32 s26, $0xE;
	p3 =	slt.u32 s28, $0x28  }
.Ltmp9:
0x4e: {  	_ =	swait.ge [sflag:s23], $0x4000;
	s31 =	sshll.u32 s26, $0x7;
	(pc) =	sbr.rel @!p3 .LBB2_12-.Ltmp9, $4  }
0x4f: {  	s29 =	sand.u32 $0x4000, s29;
	[sflag:s23] =	ssyncset.done $0x0;
	s26 =	sand.u32 $0x3FFFFF80, s31  }
0x50: {  	s29 =	sor.u32 $0x2800, s29;
	[sflag:s23] =	ssyncadd.s32 $0xFFFFC000;
	s26 =	sadd.s32 $0x1400, s26  }
0x51: {  	[spmem:s1] =	stream.indirect.scatter.add.f32 [tilespmem:s29], [sflag:$0x2], $0x80, s26, s19, $0xb8;
	[tilespmem:$0x1EC80] =	vst v63  }
0x52: {  	s26 =	smov.u32 s28  }
.LBB2_9:
0x53: {  	p3 =	seq.s32 s26, $0x0  }
0x54: {  	p4 =	seq.s32 @!p3 s26, $0x27  }
0x55: {  	p4 =	por p3, !p4  }
.Ltmp10:
0x56: {  	_ = 	snop;
	(pc) =	sbr.rel @!p4 .LBB2_11-.Ltmp10, $4  }
0x57: {  	s28 =	simm.s32 @!p3 $0x2  }
0x58: {  	_ =	swait.ge @!p3 [sflag:s28], $0x4000  }
0x59: {  	[sflag:s28] =	ssyncset.done @!p3 $0x0  }
0x5a: {  	[sflag:s28] =	ssyncadd.s32 @!p3 $0xFFFFC000;
	s28 =	simm.s32 @!p3 $0x28  }
0x5b: {  	s28 =	sadd.s32 @!p3 $0x1, s26  }
.Ltmp11:
0x5c: {  	s28 =	simm.s32 @p3 $0x1;
	(pc) =	sbr.rel .LBB2_11-.Ltmp11, $4  }
0x5d: {  	s29 =	sshll.u32 s28, $0xE  }
0x5e: {  	s30 =	sshll.u32 s28, $0x7;
	s29 =	sand.u32 $0x4000, s29  }
0x5f: {  	s30 =	sand.u32 $0x3FFFFF80, s30;
	s29 =	sor.u32 $0x2800, s29  }
0x60: {  	[tilespmem:s29], [sflag:$0x1] =	stream.indirect.gather [hbm4b:s4+s19], $0x80, s30, s19, $0xb8;
	[tilespmem:$0x1EC80] =	vst v63  }
.LBB2_17:
.Ltmp12:
0x61: {  	(pc) =	sbr.rel @!p3 .LBB2_19-.Ltmp12, $4  }
0x62: {  	_ = 	snop  }
0x63: {  	[tilespmem:s20], [sflag:$0x1] =	stream.indirect.gather [hbm4b:s5+s19], $0x80, s2, s19, $0xb8;
	[tilespmem:$0x1EC80] =	vst v63  }
0x64: {  	s28 =	smov.u32 s11  }
0x65: {  	[spmem:s11] =	stream.linear.scatter [tilespmem:s21], [sflag:$0x2], $0x800, $0x38;
	[tilespmem:$0x1EC80] =	vst v63  }
.LBB2_18:
0x66: {  	p4 =	sne.s32 s26, $0x1  }
.Ltmp13:
0x67: {  	_ = 	snop;
	(pc) =	sbr.rel @p4 .LBB2_18-.Ltmp13, $3  }
0x68: {  	_ = 	snop  }
0x69: {  	s26 =	sadd.s32 $0xFFFFFFFF, s26;
	s28 =	sadd.s32 $0x800, s28;
	_ =	sdelay $0x1  }
0x6a: {  	[spmem:s28] =	stream.linear.scatter [tilespmem:s21], [sflag:$0x2], $0x800, $0x38;
	[tilespmem:$0x1EC80] =	vst v63  }
.LBB2_19:
.Ltmp14:
0x6b: {  	(pc) =	sbr.rel @!p3 .LBB2_21-.Ltmp14, $3  }
0x6c: {  	_ =	sdelay $0x1  }
0x6d: {  	_ =	swait.ge [sflag:s22], $0x800  }
0x6e: {  	s26 =	sadd.s32 $0xFFFFFFFF, s8;
	[sflag:s22] =	ssyncset.done $0x0  }
.LBB2_20:
0x6f: {  	p3 =	sne.s32 s26, $0x1;
	s26 =	sadd.s32 $0xFFFFFFFF, s26;
	[sflag:s22] =	ssyncadd.s32 $0xFFFFF800  }
.Ltmp15:
0x70: {  	(pc) =	sbr.rel @p3 .LBB2_20-.Ltmp15, $3  }
0x71: {  	_ =	sdelay $0x1  }
0x72: {  	_ =	swait.ge [sflag:s22], $0x800  }
0x73: {  	[sflag:s22] =	ssyncset.done $0x0  }
.LBB2_21:
.Ltmp16:
0x74: {  	(pc) =	sbr.rel .LBB2_22-.Ltmp16, $4  }
0x75: {  	_ = 	snop  }
0x76: {  	[sflag:s22] =	ssyncadd.s32 $0xFFFFF800  }
0x77: {  	[bflag:$0x0] =	sbarrier.arrive $0xFFFF  }
0x78: {  	s26 =	simm.s32 $0x0  }
.LBB2_24:
0x79: {  	s29 =	sshll.u32 s26, $0xE;
	p3 =	slt.u32 s28, $0x28  }
.Ltmp17:
0x7a: {  	_ =	swait.ge [sflag:s23], $0x4000;
	s31 =	sshll.u32 s26, $0x7;
	(pc) =	sbr.rel @!p3 .LBB2_25-.Ltmp17, $4  }
0x7b: {  	s29 =	sand.u32 $0x4000, s29;
	[sflag:s23] =	ssyncset.done $0x0;
	s26 =	sand.u32 $0x3FFFFF80, s31  }
0x7c: {  	s29 =	sor.u32 $0x2800, s29;
	[sflag:s23] =	ssyncadd.s32 $0xFFFFC000;
	s26 =	sadd.s32 $0x1400, s26  }
0x7d: {  	[spmem:s1] =	stream.indirect.scatter.add.f32 [tilespmem:s29], [sflag:$0x2], $0x80, s26, s19, $0xb8;
	[tilespmem:$0x1EC80] =	vst v63  }
0x7e: {  	s26 =	smov.u32 s28  }
.LBB2_22:
0x7f: {  	p3 =	seq.s32 s26, $0x0  }
0x80: {  	p4 =	seq.s32 @!p3 s26, $0x27  }
0x81: {  	p4 =	por p3, !p4  }
.Ltmp18:
0x82: {  	_ = 	snop;
	(pc) =	sbr.rel @!p4 .LBB2_24-.Ltmp18, $4  }
0x83: {  	s28 =	simm.s32 @!p3 $0x2  }
0x84: {  	_ =	swait.ge @!p3 [sflag:s28], $0x4000  }
0x85: {  	[sflag:s28] =	ssyncset.done @!p3 $0x0  }
0x86: {  	[sflag:s28] =	ssyncadd.s32 @!p3 $0xFFFFC000;
	s28 =	simm.s32 @!p3 $0x28  }
0x87: {  	s28 =	sadd.s32 @!p3 $0x1, s26  }
.Ltmp19:
0x88: {  	s28 =	simm.s32 @p3 $0x1;
	(pc) =	sbr.rel .LBB2_24-.Ltmp19, $4  }
0x89: {  	s29 =	sshll.u32 s28, $0xE  }
0x8a: {  	s30 =	sshll.u32 s28, $0x7;
	s29 =	sand.u32 $0x4000, s29  }
0x8b: {  	s30 =	sand.u32 $0x3FFFFF80, s30;
	s29 =	sor.u32 $0x2800, s29  }
0x8c: {  	[tilespmem:s29], [sflag:$0x1] =	stream.indirect.gather [hbm4b:s5+s19], $0x80, s30, s19, $0xb8;
	[tilespmem:$0x1EC80] =	vst v63  }
.LBB2_12:
0x8d: {  	_ =	swait.ge [sflag:s22], $0x4000  }
0x8e: {  	[sflag:s22] =	ssyncset.done $0x0  }
0x8f: {  	s26 =	simm.s32 $0x0;
	[sflag:s22] =	ssyncadd.s32 $0xFFFFC000  }
0x90: {  	[tilespmem:s26], [sflag:$0x3] =	stream.linear.gather [hbm4b:s12+s26], $0x1400, $0x38;
	[tilespmem:$0x1EC80] =	vst v63  }
0x91: {  	_ =	swait.ge [sflag:s17], $0x1400  }
0x92: {  	[sflag:s17] =	ssyncset.done $0x0  }
0x93: {  	[sflag:s17] =	ssyncadd.s32 $0xFFFFEC00  }
0x94: {  	[tilespmem:s18], [sflag:$0x3] =	stream.linear.gather [hbm4b:s13+s26], $0x1400, $0x38;
	[tilespmem:$0x1EC80] =	vst v63  }
.Ltmp20:
0x95: {  	_ = 	snop;
	(pc) =	sbr.rel .LBB2_13-.Ltmp20, $4  }
0x96: {  	_ =	swait.ge [sflag:s17], $0x1400  }
0x97: {  	[sflag:s17] =	ssyncset.done $0x0  }
0x98: {  	[sflag:s17] =	ssyncadd.s32 $0xFFFFEC00  }
0x99: {  	[tilespmem:s20], [sflag:$0x1] =	stream.indirect.gather [hbm4b:s4+s19], $0x80, s26, s19, $0xb8;
	[tilespmem:$0x1EC80] =	vst v63  }
.LBB2_15:
0x9a: {  	s29 =	sshll.u32 s26, $0xE;
	p3 =	slt.u32 s28, $0x28  }
.Ltmp21:
0x9b: {  	_ =	swait.ge [sflag:s23], $0x4000;
	s31 =	sshll.u32 s26, $0x7;
	(pc) =	sbr.rel @!p3 .LBB2_16-.Ltmp21, $4  }
0x9c: {  	s29 =	sand.u32 $0x4000, s29;
	[sflag:s23] =	ssyncset.done $0x0;
	s26 =	sand.u32 $0x3FFFFF80, s31  }
0x9d: {  	s29 =	sor.u32 $0x2800, s29;
	[sflag:s23] =	ssyncadd.s32 $0xFFFFC000;
	s26 =	sadd.s32 $0x1400, s26  }
0x9e: {  	[spmem:s1] =	stream.indirect.scatter.add.f32 [tilespmem:s29], [sflag:$0x2], $0x80, s26, s19, $0xb8;
	[tilespmem:$0x1EC80] =	vst v63  }
0x9f: {  	s26 =	smov.u32 s28  }
.LBB2_13:
0xa0: {  	p3 =	seq.s32 s26, $0x0  }
0xa1: {  	p4 =	seq.s32 @!p3 s26, $0x27  }
0xa2: {  	p4 =	por p3, !p4  }
.Ltmp22:
0xa3: {  	_ = 	snop;
	(pc) =	sbr.rel @!p4 .LBB2_15-.Ltmp22, $4  }
0xa4: {  	s28 =	simm.s32 @!p3 $0x2  }
0xa5: {  	_ =	swait.ge @!p3 [sflag:s28], $0x4000  }
0xa6: {  	[sflag:s28] =	ssyncset.done @!p3 $0x0  }
0xa7: {  	[sflag:s28] =	ssyncadd.s32 @!p3 $0xFFFFC000;
	s28 =	simm.s32 @!p3 $0x28  }
0xa8: {  	s28 =	sadd.s32 @!p3 $0x1, s26  }
.Ltmp23:
0xa9: {  	s28 =	simm.s32 @p3 $0x1;
	(pc) =	sbr.rel .LBB2_15-.Ltmp23, $4  }
0xaa: {  	s29 =	sshll.u32 s28, $0xE  }
0xab: {  	s30 =	sshll.u32 s28, $0x7;
	s29 =	sand.u32 $0x4000, s29  }
0xac: {  	s30 =	sand.u32 $0x3FFFFF80, s30;
	s29 =	sor.u32 $0x2800, s29  }
0xad: {  	[tilespmem:s29], [sflag:$0x1] =	stream.indirect.gather [hbm4b:s4+s19], $0x80, s30, s19, $0xb8;
	[tilespmem:$0x1EC80] =	vst v63  }
.LBB2_25:
0xae: {  	_ =	swait.ge [sflag:s22], $0x4000  }
0xaf: {  	[sflag:s22] =	ssyncset.done $0x0  }
0xb0: {  	s26 =	simm.s32 $0x0;
	[sflag:s22] =	ssyncadd.s32 $0xFFFFC000  }
0xb1: {  	[tilespmem:s26], [sflag:$0x3] =	stream.linear.gather [hbm4b:s12+s26], $0x1400, $0x38;
	[tilespmem:$0x1EC80] =	vst v63  }
0xb2: {  	_ =	swait.ge [sflag:s17], $0x1400  }
0xb3: {  	[sflag:s17] =	ssyncset.done $0x0  }
0xb4: {  	[sflag:s17] =	ssyncadd.s32 $0xFFFFEC00  }
0xb5: {  	[tilespmem:s18], [sflag:$0x3] =	stream.linear.gather [hbm4b:s13+s26], $0x1400, $0x38;
	[tilespmem:$0x1EC80] =	vst v63  }
.Ltmp24:
0xb6: {  	_ = 	snop;
	(pc) =	sbr.rel .LBB2_26-.Ltmp24, $4  }
0xb7: {  	_ =	swait.ge [sflag:s17], $0x1400  }
0xb8: {  	[sflag:s17] =	ssyncset.done $0x0  }
0xb9: {  	[sflag:s17] =	ssyncadd.s32 $0xFFFFEC00  }
0xba: {  	[tilespmem:s20], [sflag:$0x1] =	stream.indirect.gather [hbm4b:s5+s19], $0x80, s26, s19, $0xb8;
	[tilespmem:$0x1EC80] =	vst v63  }
.LBB2_28:
0xbb: {  	s29 =	sshll.u32 s26, $0xE;
	p3 =	slt.u32 s28, $0x28  }
.Ltmp25:
0xbc: {  	_ =	swait.ge [sflag:s23], $0x4000;
	s31 =	sshll.u32 s26, $0x7;
	(pc) =	sbr.rel @!p3 .LBB2_29-.Ltmp25, $4  }
0xbd: {  	s29 =	sand.u32 $0x4000, s29;
	[sflag:s23] =	ssyncset.done $0x0;
	s26 =	sand.u32 $0x3FFFFF80, s31  }
0xbe: {  	s29 =	sor.u32 $0x2800, s29;
	[sflag:s23] =	ssyncadd.s32 $0xFFFFC000;
	s26 =	sadd.s32 $0x1400, s26  }
0xbf: {  	[spmem:s1] =	stream.indirect.scatter.add.f32 [tilespmem:s29], [sflag:$0x2], $0x80, s26, s19, $0xb8;
	[tilespmem:$0x1EC80] =	vst v63  }
0xc0: {  	s26 =	smov.u32 s28  }
.LBB2_26:
0xc1: {  	p3 =	seq.s32 s26, $0x0  }
0xc2: {  	p4 =	seq.s32 @!p3 s26, $0x27  }
0xc3: {  	p4 =	por p3, !p4  }
.Ltmp26:
0xc4: {  	_ = 	snop;
	(pc) =	sbr.rel @!p4 .LBB2_28-.Ltmp26, $4  }
0xc5: {  	s28 =	simm.s32 @!p3 $0x2  }
0xc6: {  	_ =	swait.ge @!p3 [sflag:s28], $0x4000  }
0xc7: {  	[sflag:s28] =	ssyncset.done @!p3 $0x0  }
0xc8: {  	[sflag:s28] =	ssyncadd.s32 @!p3 $0xFFFFC000;
	s28 =	simm.s32 @!p3 $0x28  }
0xc9: {  	s28 =	sadd.s32 @!p3 $0x1, s26  }
.Ltmp27:
0xca: {  	s28 =	simm.s32 @p3 $0x1;
	(pc) =	sbr.rel .LBB2_28-.Ltmp27, $4  }
0xcb: {  	s29 =	sshll.u32 s28, $0xE  }
0xcc: {  	s30 =	sshll.u32 s28, $0x7;
	s29 =	sand.u32 $0x4000, s29  }
0xcd: {  	s30 =	sand.u32 $0x3FFFFF80, s30;
	s29 =	sor.u32 $0x2800, s29  }
0xce: {  	[tilespmem:s29], [sflag:$0x1] =	stream.indirect.gather [hbm4b:s5+s19], $0x80, s30, s19, $0xb8;
	[tilespmem:$0x1EC80] =	vst v63  }
.LBB2_16:
0xcf: {  	_ =	swait.ge [sflag:s22], $0x4000  }
0xd0: {  	[sflag:s22] =	ssyncset.done $0x0  }
0xd1: {  	s26 =	sshll.u32 s3, $0x6;
	[sflag:s22] =	ssyncadd.s32 $0xFFFFC000  }
0xd2: {  	s28 =	sshrl.u32 s11, $0x3;
	s26 =	sor.u32 $0x1C03, s26;
	[bflag:$0x0] =	sbarrier.arrive $0xFFFF  }
0xd3: {  	[hbm:s15], [sflag:s26] =	dma.local [spmem:s28], $0x2700  }
.Ltmp28:
0xd4: {  	_ = 	snop;
	(pc) =	sbr.rel @p0 .LBB2_30-.Ltmp28, $4  }
.Ltmp29:
0xd5: {  	_ = 	snop;
	(pc) =	sbr.rel @!p0 .LBB2_31-.Ltmp29, $4  }
0xd6: {  	_ =	swait.ge [sflag:s17], $0x2700  }
0xd7: {  	[sflag:s17] =	ssyncset.done $0x0  }
0xd8: {  	s28 =	smov.u32 s6;
	[sflag:s17] =	ssyncadd.s32 $0xFFFFD900  }
0xd9: {  	_ = 	snop  }
.LBB2_29:
0xda: {  	_ =	swait.ge [sflag:s22], $0x4000  }
0xdb: {  	[sflag:s22] =	ssyncset.done $0x0  }
0xdc: {  	s26 =	sshll.u32 s3, $0x6;
	[sflag:s22] =	ssyncadd.s32 $0xFFFFC000  }
0xdd: {  	s28 =	sshrl.u32 s11, $0x3;
	s26 =	sor.u32 $0x1C03, s26;
	[bflag:$0x0] =	sbarrier.arrive $0xFFFF  }
0xde: {  	[hbm:s14], [sflag:s26] =	dma.local [spmem:s28], $0x2700  }
.Ltmp30:
0xdf: {  	_ = 	snop;
	(pc) =	sbr.rel @p2 .LBB2_31-.Ltmp30, $4  }
.Ltmp31:
0xe0: {  	_ = 	snop;
	(pc) =	sbr.rel @!p2 .LBB2_30-.Ltmp31, $4  }
0xe1: {  	_ =	swait.ge [sflag:s17], $0x2700  }
0xe2: {  	[sflag:s17] =	ssyncset.done $0x0  }
0xe3: {  	s28 =	smov.u32 s7;
	[sflag:s17] =	ssyncadd.s32 $0xFFFFD900  }
0xe4: {  	_ = 	snop  }
.LBB2_32:
0xe5: {  	_ =	sfence.sel $0x180000  }
0xe6: {  	[bflag:$0x0] =	sbarrier.arrive $0xFFFF  }
0xe7: {  	p0 =	sne.s32 s3, $0x0;
	_ =	strace $0x9000004D  }
0xe8: {  	s0 =	sadd.s32 @!p0 $0x100000, s0;
	[bflag:$0x2] =	sbarrier.arrive $0xFFFF  }
0xe9: {  	[sflag:s0] =	ssyncadd.tile.s32 @!p0 $0x1;
	_ =	shalt  }
.Lfunc_end2:
_tile_overlayer_lowered:
.L_overlay_start_2:
0xea: {  	(tag) =	ssettag $0x2  }
0xeb: {  	s0 =	rddreg [dreg:$0x0];
	s2 =	stileid.u32  }
0xec: {  	s1 =	rddreg [dreg:$0x1];
	p0 =	sne.s32 s2, $0x0  }
0xed: {  	s3 =	rddreg [dreg:$0x2];
	[bflag:$0x3] =	sbarrier.arrive $0xFFFF;
	s2 =	simm.s32 @!p0 $0x1C03  }
0xee: {  	[timem:s3], [sflag:s2] =	dma.local @!p0 [hbm:s0], s1  }
0xef: {  	s0 =	simm.s32 @!p0 $0x3  }
0xf0: {  	_ =	swait.ge @!p0 [sflag:s0], s1  }
0xf1: {  	s1 =	ssub.s32 @!p0 $0x0, s1;
	[sflag:s0] =	ssyncset.done @!p0 $0x0  }
0xf2: {  	[sflag:s0] =	ssyncadd.s32 @!p0 s1  }
0xf3: {  	[bflag:$0x3] =	sbarrier.arrive $0xFFFF  }
0xf4: {  	_ =	shalt  }

// kernel: kernel.20.cloned.1.call-start
scs
__scs_entry_jumppad:
0x0: {  	(pc) =	sbr.rel $0x88, $3  }
0x1: {  	(tag) =	ssettag $0x0;
	lr =	simm.s32 $0x1  }
0x2: {  	[smem:$0x3F9C] =	sst lr;
	_ =	strace $0xD0000000  }
0x3: {  	_ = 	snop  }
0x4: {  	_ = 	snop  }
0x5: {  	_ = 	snop  }
0x6: {  	_ = 	snop  }
0x7: {  	_ = 	snop  }
__scs_overlays_trampoline_lowered:
0x8: {  	[smem:$0x3FAB] =	sst s0  }
0x9: {  	[smem:$0x3FAC] =	sst s1  }
0xa: {  	[smem:$0x3FAD] =	sst s2  }
0xb: {  	[smem:$0x3FAE] =	sst s3  }
0xc: {  	[smem:$0x3FAF] =	sst s4  }
0xd: {  	[smem:$0x3FB0] =	sst s5  }
0xe: {  	[smem:$0x3FB1] =	sst s6  }
0xf: {  	[smem:$0x3FB2] =	sst s7  }
0x10: {  	[smem:$0x3FB3] =	sst s8  }
0x11: {  	[smem:$0x3FB4] =	sst s9;
	s0 =	simm.s32 @!p0 $0x0  }
0x12: {  	s1 =	sld [smem:$0x3F9A];
	s0 =	simm.s32 @p0 $0x1  }
0x13: {  	[smem:$0x3FB5] =	sst s0;
	s0 =	simm.s32 @!p1 $0x0  }
0x14: {  	s2 =	sld [smem:$0x3F99];
	s0 =	simm.s32 @p1 $0x1  }
0x15: {  	[smem:$0x3FB6] =	sst s0;
	s0 =	simm.s32 @!p2 $0x0  }
0x16: {  	s3 =	sld [smem:$0x3FDB];
	s0 =	simm.s32 @p2 $0x1  }
0x17: {  	s4 =	simm.s32 $0x1BF5;
	[smem:$0x3FB8] =	sst s0  }
0x18: {  	s0 =	sld [smem:$0x3F9B];
	_ =	swait.ge [sflag:s4], $0x0  }
0x19: {  	s7 =	sld [smem:$0x3F9C]  }
0x1a: {  	s8 =	sadd.s32 $0xFFFFE003, lr  }
0x1b: {  	s9 =	sadd.s32 $0xFFFFFEF7, lr;
	s5 =	simm.s32 $0xFFFFFFFF;
	p2 =	slt.u32 s8, $0xFFFFF086  }
0x1c: {  	p1 =	slt.u32 s9, $0xF7A;
	s5 =	simm.s32 @!p2 $0x0  }
0x1d: {  	s5 =	simm.s32 @p1 $0x1;
	p0 =	seq.s32 s7, s2  }
0x1e: {  	s7 =	smul.u32 @!p0 $0xF7A, s2;
	p2 =	seq.s32 @!p0 s5, $0x0  }
0x1f: {  	s9 =	smul.u32 $0xF7A, s1;
	s8 =	simm.s32 @!p0 $0x1BF5;
	p2 =	por !p2, p0  }
0x20: {  	[sflag:s8] =	ssyncset.s32 @!p0 $0xFFFFF086;
	s6 =	sadd.s32 @!p0 s3, s7;
	s7 =	simm.s32 @!p0 $0x108  }
0x21: {  	s3 =	sadd.s32 s3, s9;
	s6 =	sadd.s32 @!p0 $0x88, s6;
	s7 =	simm.s32 @p2 $0x1082  }
0x22: {  	[simem:s7], [sflag:s8] =	dma.local @!p0 [hbm:s6], $0xF7A  }
0x23: {  	s9 =	sor.u32 $0xD0000000, s2;
	s6 =	simm.s32 $0x108;
	_ =	swait.ge @!p0 [sflag:s8], $0x0  }
0x24: {  	s3 =	sadd.s32 $0x88, s3;
	s6 =	simm.s32 @!p1 $0x1082;
	[sflag:s4] =	ssyncset.s32 $0xFFFFF086  }
0x25: {  	[simem:s6], [sflag:s4] =	dma.local [hbm:s3], $0xF7A  }
0x26: {  	[smem:$0x3F9C] =	sst s1;
	(tag) =	ssettag s2;
	_ =	strace s9  }
0x27: {  	s1 =	sld [smem:$0x3FAC]  }
0x28: {  	s2 =	sld [smem:$0x3FAD]  }
0x29: {  	s4 =	sld [smem:$0x3FAF]  }
0x2a: {  	p0 =	seq.s32 s5, $0x0;
	s5 =	sld [smem:$0x3FB0]  }
0x2b: {  	s6 =	sld [smem:$0x3FB1]  }
0x2c: {  	s7 =	sld [smem:$0x3FB2]  }
0x2d: {  	s3 =	simm.s32 $0x108;
	s8 =	sld [smem:$0x3FB3]  }
0x2e: {  	s3 =	simm.s32 @!p0 $0x1082;
	s9 =	sld [smem:$0x3FB4]  }
0x2f: {  	lr =	sadd.s32 s0, s3;
	s0 =	sld [smem:$0x3FAB]  }
0x30: {  	s3 =	sld [smem:$0x3FAE]  }
0x31: {  	[smem:$0x3FB7] =	sst s10  }
0x32: {  	s10 =	sld [smem:$0x3FB5];
	_ =	sdelay $0x3  }
0x33: {  	p0 =	seq.s32 s10, $0x1;
	s10 =	sld [smem:$0x3FB7];
	_ =	sdelay $0x3  }
0x34: {  	[smem:$0x3FB7] =	sst s10  }
0x35: {  	s10 =	sld [smem:$0x3FB6];
	_ =	sdelay $0x3  }
0x36: {  	p1 =	seq.s32 s10, $0x1;
	s10 =	sld [smem:$0x3FB7];
	_ =	sdelay $0x3  }
0x37: {  	[smem:$0x3FB7] =	sst s10  }
0x38: {  	s10 =	sld [smem:$0x3FB8]  }
0x39: {  	_ = 	snop;
	(pc) =	sbr.ind lr, $3  }
0x3a: {  	_ = 	snop  }
0x3b: {  	_ = 	snop  }
0x3c: {  	p2 =	seq.s32 s10, $0x1;
	s10 =	sld [smem:$0x3FB7]  }
0x3d: {  	_ =	shalt  }
0x3e: {  	_ =	shalt  }
0x3f: {  	_ =	shalt  }
0x40: {  	_ =	shalt  }
0x41: {  	_ =	shalt  }
0x42: {  	_ =	shalt  }
0x43: {  	_ =	shalt  }
0x44: {  	_ =	shalt  }
0x45: {  	_ =	shalt  }
0x46: {  	_ =	shalt  }
0x47: {  	_ =	shalt  }
0x48: {  	_ =	shalt  }
0x49: {  	_ =	shalt  }
0x4a: {  	_ =	shalt  }
0x4b: {  	_ =	shalt  }
0x4c: {  	_ =	shalt  }
0x4d: {  	_ =	shalt  }
0x4e: {  	_ =	shalt  }
0x4f: {  	_ =	shalt  }
0x50: {  	_ =	shalt  }
0x51: {  	_ =	shalt  }
0x52: {  	_ =	shalt  }
0x53: {  	_ =	shalt  }
0x54: {  	_ =	shalt  }
0x55: {  	_ =	shalt  }
0x56: {  	_ =	shalt  }
0x57: {  	_ =	shalt  }
0x58: {  	_ =	shalt  }
0x59: {  	_ =	shalt  }
0x5a: {  	_ =	shalt  }
0x5b: {  	_ =	shalt  }
0x5c: {  	_ =	shalt  }
0x5d: {  	_ =	shalt  }
0x5e: {  	_ =	shalt  }
0x5f: {  	_ =	shalt  }
0x60: {  	_ =	shalt  }
0x61: {  	_ =	shalt  }
0x62: {  	_ =	shalt  }
0x63: {  	_ =	shalt  }
0x64: {  	_ =	shalt  }
0x65: {  	_ =	shalt  }
0x66: {  	_ =	shalt  }
0x67: {  	_ =	shalt  }
0x68: {  	_ =	shalt  }
0x69: {  	_ =	shalt  }
0x6a: {  	_ =	shalt  }
0x6b: {  	_ =	shalt  }
0x6c: {  	_ =	shalt  }
0x6d: {  	_ =	shalt  }
0x6e: {  	_ =	shalt  }
0x6f: {  	_ =	shalt  }
0x70: {  	_ =	shalt  }
0x71: {  	_ =	shalt  }
0x72: {  	_ =	shalt  }
0x73: {  	_ =	shalt  }
0x74: {  	_ =	shalt  }
0x75: {  	_ =	shalt  }
0x76: {  	_ =	shalt  }
0x77: {  	_ =	shalt  }
0x78: {  	_ =	shalt  }
0x79: {  	_ =	shalt  }
0x7a: {  	_ =	shalt  }
0x7b: {  	_ =	shalt  }
0x7c: {  	_ =	shalt  }
0x7d: {  	_ =	shalt  }
0x7e: {  	_ =	shalt  }
0x7f: {  	_ =	shalt  }
0x80: {  	_ =	shalt  }
0x81: {  	_ =	shalt  }
0x82: {  	_ =	shalt  }
0x83: {  	_ =	shalt  }
0x84: {  	_ =	shalt  }
0x85: {  	_ =	shalt  }
0x86: {  	_ =	shalt  }
0x87: {  	_ =	shalt  }
.Lfunc_end0:
.L_simem_size_0:
called_computation.3_lowered:
.L_overlay_start_0:
0x88: {  	s2 =	sld [smem:$0x3FD9]  }
0x89: {  	s3 =	sld [smem:$0x3FFE];
	_ =	sdelay $0x1  }
0x8a: {  	s1 =	srdreg.scid  }
0x8b: {  	s0 =	sand.u32 $0x1, s1  }
0x8c: {  	s17 =	sshll.u32 s0, $0xA;
	s2 =	sadd.s32 s3, s2  }
0x8d: {  	s2 =	sadd.s32 s2, s17  }
0x8e: {  	[smem:$0x3FC3] =	sst s2  }
0x8f: {  	_ = 	snop  }
0x90: {  	s2 =	sld [smem:$0x3FD0];
	(tm) =	ssettm $0x1  }
0x91: {  	s18 =	sld [smem:$0x3FFB];
	_ =	sdelay $0x3  }
0x92: {  	_ =	strace s18  }
0x93: {  	s3 =	sld [smem:$0x3FFC];
	_ =	sdelay $0x3  }
0x94: {  	_ =	strace s3  }
0x95: {  	s3 =	sld [smem:$0x3FFD];
	_ =	sdelay $0x3  }
0x96: {  	_ =	strace s3  }
0x97: {  	_ =	strace $0x8FFFFFFF  }
0x98: {  	s19 =	sld [smem:$0x3FDB];
	_ =	sdelay $0x1  }
0x99: {  	s4 =	simm.s32 $_scs_section_size  }
0x9a: {  	s5 =	simm.s32 $_size__tile_overlayer_lowered;
	s6 =	simm.s32 $_tile_overlayer_lowered  }
0x9b: {  	s22 =	simm.s32 $0x1BFF;
	s21 =	sshll.u32 s6, $0x1;
	s3 =	sadd.s32 s4, s19  }
0x9c: {  	s7 =	simm.s32 $0x0;
	s20 =	sshll.u32 s5, $0x1;
	s5 =	sadd.s32 s21, s3  }
0x9d: {  	[timem:s7], [sflag:s22] =	dma.local [hbm:s5], s20  }
0x9e: {  	_ =	swait.ge [sflag:s22], s20  }
0x9f: {  	s4 =	ssub.s32 $0x0, s20;
	[sflag:s22] =	ssyncset.done $0x0  }
0xa0: {  	[sflag:s22] =	ssyncadd.s32 s4;
	_ =	sdelay $0x1  }
0xa1: {  	s23 =	simm.s32 $0x1B8B  }
0xa2: {  	_ =	swait.ge [sflag:s23], $0x1  }
0xa3: {  	[sflag:s23] =	ssyncset.done $0x0  }
0xa4: {  	s25 =	simm.s32 $0x1B8E;
	s24 =	sld [smem:$0x3FFE];
	[sflag:s23] =	ssyncadd.s32 $0xFFFFFFFF  }
0xa5: {  	s26 =	simm.s32 $execute0_lowered;
	[smem:$0x3FD2] =	sst s25  }
0xa6: {  	s5 =	sshll.u32 s26, $0x1;
	_ =	strace $0x8000004F;
	[dreg:$0x1] =	wrdreg $0xFFFFFFFF  }
0xa7: {  	s28 =	simm.s32 $_size_execute0_lowered;
	s3 =	sadd.s32 s3, s5;
	[dreg:$0x0] =	wrdreg $0x0  }
0xa8: {  	s5 =	sshll.u32 s28, $0x1;
	[dreg:$0x2] =	wrdreg s3  }
0xa9: {  	[dreg:$0x3] =	wrdreg s5  }
0xaa: {  	[dreg:$0x4] =	wrdreg $0xC0  }
0xab: {  	_ =	task [dreg:s7], $0x5FFFF  }
0xac: {  	[dreg:$0x1] =	wrdreg $0xFFFFFFFF  }
0xad: {  	[dreg:$0x0] =	wrdreg $0x60  }
0xae: {  	[dreg:$0x2] =	wrdreg s24  }
0xaf: {  	[dreg:$0x3] =	wrdreg s2  }
0xb0: {  	[dreg:$0x4] =	wrdreg $0xB0000  }
0xb1: {  	[dreg:$0x5] =	wrdreg $0x9  }
0xb2: {  	_ =	task.clear_ibuf [dreg:s7], $0x6FFFF;
	_ =	strace $0x9000004F  }
0xb3: {  	s29 =	simm.s32 $0x9;
	_ =	strace $0x80000051  }
0xb4: {  	_ =	swait.ge [sflag:s29], $0x1  }
0xb5: {  	[sflag:s29] =	ssyncadd.s32 $0xFFFFFFFF  }
0xb6: {  	_ =	strace $0x90000051  }
0xb7: {  	_ =	sfence  }
0xb8: {  	s30 =	sld [smem:$0x0];
	_ =	sdelay $0x2  }
0xb9: {  	s31 =	sshll.u32 s1, $0xD;
	s1 =	sshrl.u32 s1, $0x2  }
0xba: {  	s3 =	sand.u32 $0x4000, s31;
	s1 =	sadd.s32 s1, s30  }
0xbb: {  	s0 =	sor.u32 s3, s0;
	s1 =	sshll.u32 s1, $0x11  }
0xbc: {  	s0 =	sor.u32 s1, s0  }
0xbd: {  	s0 =	sadd.s32 $0x8F2B, s0  }
0xbe: {  	[sflag:s0] =	ssyncadd.remote.s32 $0x1  }
0xbf: {  	_ =	sfence.sel $0xFFFF  }
0xc0: {  	[dreg:$0x0] =	wrdreg $0xFFFFFFFF;
	(pc) =	sbr.abs _section_cstart, $3  }
0xc1: {  	[dreg:$0x1] =	wrdreg $0xFFFFFFFF  }
0xc2: {  	_ =	task.clear_ibuf [dreg:s7], $0x2FFFF;
	_ =	strace $0x9FFFFFFF  }
0xc3: {  	(tm) =	ssettm $0x7FFFFFFF  }
tec
execute0_lowered:
.L_overlay_start_1:
0x0: {  	(tag) =	ssettag $0x1  }
0x1: {  	s5 =	rddreg [dreg:$0x0]  }
0x2: {  	s7 =	rddreg [dreg:$0x1];
	s0 =	srdreg.scid  }
0x3: {  	s2 =	rddreg [dreg:$0x2];
	s1 =	stileid.u32;
	s3 =	simm.s32 $0x0  }
0x4: {  	s13 =	simm.s32 $0x80;
	s14 =	simm.s32 $0x2800;
	s15 =	simm.s32 $0xA800  }
0x5: {  	s16 =	simm.s32 $0x2;
	s17 =	simm.s32 $0x1;
	s9 =	smul.u32 $0x1400, s1  }
0x6: {  	s6 =	sand.u32 $0x1, s0;
	s0 =	rddreg [dreg:$0x3];
	s12 =	smul.u32 $0x4E000, s1  }
0x7: {  	s20 =	simm.s32 $0x0;
	[smem:$0x7FF] =	sst s3;
	s18 =	smul.u32 $0x2700, s1  }
0x8: {  	s4 =	sadd.s32 $0x4E00, s5;
	p0 =	seq.s32 s1, $0xF;
	s8 =	smul.u32 $0x14000, s6  }
0x9: {  	s19 =	sadd.s32 $0x138000, s2;
	s30 =	smul.u32 $0x27100, s6;
	s6 =	ssub.s32 $0x2, s6  }
0xa: {  	_ =	strace $0x80000050;
	s11 =	sshrl.u32 s6, $0x1;
	s31 =	sshrl.u32 s12, $0x2  }
0xb: {  	s12 =	simm.s32 $0x1400;
	s8 =	sadd.s32 s9, s8;
	s9 =	sadd.s32 s30, s5  }
.Ltmp0:
0xc: {  	s11 =	ssub.s32 s6, s11;
	s6 =	simm.s32 $0x30;
	(pc) =	sbr.rel .LBB2_1-.Ltmp0, $4  }
0xd: {  	s8 =	sshrl.u32 s8, $0x3;
	s6 =	simm.s32 @!p0 $0x27;
	s9 =	sadd.s32 $0x31000, s9  }
0xe: {  	p0 =	sne.s32 s1, $0xF;
	s10 =	sadd.s32 s8, s5;
	s7 =	sadd.s32 s7, s8  }
0xf: {  	s8 =	sadd.s32 s31, s2;
	s18 =	sadd.s32 s18, s9;
	s19 =	sshrl.u32 @!p0 s19, $0x3  }
0x10: {  	v0 =	vimm.f32 $0.0e+00;
	s5 =	sadd.s32 $0x2C000, s10;
	s10 =	smax.u32 s11, $0x1;
	s11 =	simm.s32 $0x3  }
.LBB2_11:
0x11: {  	_ =	swait.ge [sflag:s16], $0x4000  }
0x12: {  	[sflag:s16] =	ssyncset.done $0x0  }
0x13: {  	s21 =	sshll.u32 s1, $0x6;
	[sflag:s16] =	ssyncadd.s32 $0xFFFFC000  }
0x14: {  	s22 =	sshrl.u32 s8, $0x3;
	s21 =	sor.u32 $0x1C03, s21;
	[bflag:$0x0] =	sbarrier.arrive $0xFFFF  }
0x15: {  	[hbm:s18], [sflag:s21] =	dma.local [spmem:s22], $0x2700  }
0x16: {  	_ =	swait.ge [sflag:s11], $0x2700  }
0x17: {  	s20 =	sadd.s32 $0x1, s20;
	[sflag:s11] =	ssyncset.done $0x0  }
0x18: {  	p1 =	sne.s32 s20, s10;
	s22 =	sadd.s32 @!p0 $0x27000, s9;
	[sflag:s11] =	ssyncadd.s32 $0xFFFFD900  }
0x19: {  	[hbm:s22], [sflag:s21] =	dma.local @!p0 [spmem:s19], $0x100  }
.Ltmp1:
0x1a: {  	_ = 	snop;
	(pc) =	sbr.rel @!p1 .LBB2_12-.Ltmp1, $4  }
0x1b: {  	s21 =	simm.s32 @!p0 $0x3  }
0x1c: {  	_ =	swait.ge @!p0 [sflag:s21], $0x100  }
0x1d: {  	[sflag:s21] =	ssyncset.done @!p0 $0x0  }
0x1e: {  	[sflag:s21] =	ssyncadd.s32 @!p0 $0xFFFFFF00  }
.LBB2_1:
0x1f: {  	[tilespmem:s3], [sflag:$0x3] =	stream.linear.gather [hbm4b:s5+s3], $0x1400, $0x38;
	[tilespmem:$0x1EC80] =	vst v63  }
0x20: {  	_ =	swait.ge [sflag:s11], $0x1400  }
0x21: {  	[sflag:s11] =	ssyncset.done $0x0  }
0x22: {  	[sflag:s11] =	ssyncadd.s32 $0xFFFFEC00  }
0x23: {  	[tilespmem:s12], [sflag:$0x3] =	stream.linear.gather [hbm4b:s7+s3], $0x1400, $0x38;
	[tilespmem:$0x1EC80] =	vst v63  }
0x24: {  	_ =	swait.ge [sflag:s11], $0x1400  }
0x25: {  	[sflag:s11] =	ssyncset.done $0x0  }
0x26: {  	s21 =	simm.s32 $0x0;
	s22 =	simm.s32 $0x200;
	[sflag:s11] =	ssyncadd.s32 $0xFFFFEC00  }
.LBB2_2:
0x27: {  	p1 =	sne.s32 s22, $0x1E00;
	[tilespmem:s21+$0xA870] =	vst v0  }
0x28: {  	[tilespmem:s21+$0xA800] =	vst v0  }
0x29: {  	[tilespmem:s21+$0xA810] =	vst v0  }
.Ltmp2:
0x2a: {  	[tilespmem:s21+$0xA820] =	vst v0;
	(pc) =	sbr.rel @p1 .LBB2_2-.Ltmp2, $4  }
0x2b: {  	[tilespmem:s21+$0xA830] =	vst v0  }
0x2c: {  	[tilespmem:s21+$0xA840] =	vst v0  }
0x2d: {  	[tilespmem:s21+$0xA850] =	vst v0  }
0x2e: {  	[tilespmem:s21+$0xA860] =	vst v0;
	s21 =	sshra.s32 s22, $0x2;
	s22 =	sadd.s32 $0x200, s22  }
0x2f: {  	[tilespmem:s21+$0xA870] =	vst v0  }
0x30: {  	[tilespmem:s21+$0xA800] =	vst v0  }
0x31: {  	[tilespmem:s21+$0xA810] =	vst v0  }
0x32: {  	[tilespmem:s21+$0xA820] =	vst v0  }
0x33: {  	[tilespmem:s21+$0xA830] =	vst v0  }
0x34: {  	[tilespmem:s21+$0xA840] =	vst v0;
	p1 =	sne.s32 s6, $0x1  }
.Ltmp3:
0x35: {  	[tilespmem:s21+$0xA850] =	vst v0;
	(pc) =	sbr.rel @!p1 .LBB2_5-.Ltmp3, $4  }
0x36: {  	[tilespmem:s21+$0xA860] =	vst v0  }
0x37: {  	[tilespmem:s14], [sflag:$0x1] =	stream.indirect.gather [hbm4b:s4+s13], $0x80, s3, s13, $0xb8;
	[tilespmem:$0x1EC80] =	vst v63  }
0x38: {  	s21 =	sadd.s32 $0xFFFFFFFF, s6;
	s22 =	smov.u32 s8  }
0x39: {  	[spmem:s8] =	stream.linear.scatter [tilespmem:s15], [sflag:$0x2], $0x800, $0x38;
	[tilespmem:$0x1EC80] =	vst v63  }
.LBB2_4:
0x3a: {  	p2 =	sne.s32 s21, $0x1  }
.Ltmp4:
0x3b: {  	_ = 	snop;
	(pc) =	sbr.rel @p2 .LBB2_4-.Ltmp4, $3  }
0x3c: {  	_ = 	snop  }
0x3d: {  	s21 =	sadd.s32 $0xFFFFFFFF, s21;
	s22 =	sadd.s32 $0x800, s22;
	_ =	sdelay $0x1  }
0x3e: {  	[spmem:s22] =	stream.linear.scatter [tilespmem:s15], [sflag:$0x2], $0x800, $0x38;
	[tilespmem:$0x1EC80] =	vst v63  }
.LBB2_5:
.Ltmp5:
0x3f: {  	(pc) =	sbr.rel @!p1 .LBB2_7-.Ltmp5, $3  }
0x40: {  	_ =	sdelay $0x1  }
0x41: {  	_ =	swait.ge [sflag:s16], $0x800  }
0x42: {  	s21 =	sadd.s32 $0xFFFFFFFF, s6;
	[sflag:s16] =	ssyncset.done $0x0  }
.LBB2_6:
0x43: {  	p1 =	sne.s32 s21, $0x1;
	s21 =	sadd.s32 $0xFFFFFFFF, s21;
	[sflag:s16] =	ssyncadd.s32 $0xFFFFF800  }
.Ltmp6:
0x44: {  	(pc) =	sbr.rel @p1 .LBB2_6-.Ltmp6, $3  }
0x45: {  	_ =	sdelay $0x1  }
0x46: {  	_ =	swait.ge [sflag:s16], $0x800  }
0x47: {  	[sflag:s16] =	ssyncset.done $0x0  }
.LBB2_7:
.Ltmp7:
0x48: {  	(pc) =	sbr.rel .LBB2_8-.Ltmp7, $4  }
0x49: {  	_ = 	snop  }
0x4a: {  	[sflag:s16] =	ssyncadd.s32 $0xFFFFF800  }
0x4b: {  	[bflag:$0x0] =	sbarrier.arrive $0xFFFF  }
0x4c: {  	s21 =	simm.s32 $0x0  }
.LBB2_10:
0x4d: {  	s23 =	sshll.u32 s21, $0xE;
	p1 =	slt.u32 s22, $0x28  }
.Ltmp8:
0x4e: {  	_ =	swait.ge [sflag:s17], $0x4000;
	s31 =	sshll.u32 s21, $0x7;
	(pc) =	sbr.rel @!p1 .LBB2_11-.Ltmp8, $4  }
0x4f: {  	s23 =	sand.u32 $0x4000, s23;
	[sflag:s17] =	ssyncset.done $0x0;
	s21 =	sand.u32 $0x3FFFFF80, s31  }
0x50: {  	s23 =	sor.u32 $0x2800, s23;
	[sflag:s17] =	ssyncadd.s32 $0xFFFFC000;
	s21 =	sadd.s32 $0x1400, s21  }
0x51: {  	[spmem:s2] =	stream.indirect.scatter.add.f32 [tilespmem:s23], [sflag:$0x2], $0x80, s21, s13, $0xb8;
	[tilespmem:$0x1EC80] =	vst v63  }
0x52: {  	s21 =	smov.u32 s22  }
.LBB2_8:
0x53: {  	p1 =	seq.s32 s21, $0x0  }
0x54: {  	p2 =	seq.s32 @!p1 s21, $0x27  }
0x55: {  	p2 =	por p1, !p2  }
.Ltmp9:
0x56: {  	_ = 	snop;
	(pc) =	sbr.rel @!p2 .LBB2_10-.Ltmp9, $4  }
0x57: {  	s22 =	simm.s32 @!p1 $0x2  }
0x58: {  	_ =	swait.ge @!p1 [sflag:s22], $0x4000  }
0x59: {  	[sflag:s22] =	ssyncset.done @!p1 $0x0  }
0x5a: {  	[sflag:s22] =	ssyncadd.s32 @!p1 $0xFFFFC000;
	s22 =	simm.s32 @!p1 $0x28  }
0x5b: {  	s22 =	sadd.s32 @!p1 $0x1, s21  }
.Ltmp10:
0x5c: {  	s22 =	simm.s32 @p1 $0x1;
	(pc) =	sbr.rel .LBB2_10-.Ltmp10, $4  }
0x5d: {  	s23 =	sshll.u32 s22, $0xE  }
0x5e: {  	s24 =	sshll.u32 s22, $0x7;
	s23 =	sand.u32 $0x4000, s23  }
0x5f: {  	s24 =	sand.u32 $0x3FFFFF80, s24;
	s23 =	sor.u32 $0x2800, s23  }
0x60: {  	[tilespmem:s23], [sflag:$0x1] =	stream.indirect.gather [hbm4b:s4+s13], $0x80, s24, s13, $0xb8;
	[tilespmem:$0x1EC80] =	vst v63  }
.LBB2_12:
0x61: {  	_ =	sfence.sel $0x180000  }
0x62: {  	[bflag:$0x0] =	sbarrier.arrive $0xFFFF  }
0x63: {  	p0 =	sne.s32 s1, $0x0;
	_ =	strace $0x90000050  }
0x64: {  	s0 =	sadd.s32 @!p0 $0x100000, s0;
	[bflag:$0x2] =	sbarrier.arrive $0xFFFF  }
0x65: {  	[sflag:s0] =	ssyncadd.tile.s32 @!p0 $0x1;
	_ =	shalt  }
.Lfunc_end2:
_tile_overlayer_lowered:
.L_overlay_start_2:
0x66: {  	(tag) =	ssettag $0x2  }
0x67: {  	s0 =	rddreg [dreg:$0x0];
	s2 =	stileid.u32  }
0x68: {  	s1 =	rddreg [dreg:$0x1];
	p0 =	sne.s32 s2, $0x0  }
0x69: {  	s3 =	rddreg [dreg:$0x2];
	[bflag:$0x3] =	sbarrier.arrive $0xFFFF;
	s2 =	simm.s32 @!p0 $0x1C03  }
0x6a: {  	[timem:s3], [sflag:s2] =	dma.local @!p0 [hbm:s0], s1  }
0x6b: {  	s0 =	simm.s32 @!p0 $0x3  }
0x6c: {  	_ =	swait.ge @!p0 [sflag:s0], s1  }
0x6d: {  	s1 =	ssub.s32 @!p0 $0x0, s1;
	[sflag:s0] =	ssyncset.done @!p0 $0x0  }
0x6e: {  	[sflag:s0] =	ssyncadd.s32 @!p0 s1  }
0x6f: {  	[bflag:$0x3] =	sbarrier.arrive $0xFFFF  }
0x70: {  	_ =	shalt  }

</sc_bundles>
